<compile_context>
chip_gen: v7x
topology: tpu7x:2x2x1
jax: 0.10.2.dev20260603
libtpu: 0.0.44.dev20260713+nightly
codegen_flags: <defaults>
</compile_context>

<pallas_src>
import functools

import jax
import jax.numpy as jnp
from jax import lax
from jax.experimental import pallas as pl
from jax.experimental.pallas import tpu as pltpu
from jax.experimental.pallas import tpu_sc as plsc

_LANES = 16
_NBUF = 3


def _make_sc_kernel(B, S, D, NC, NS):
    NW = NC * NS
    seq_per_tile = S // NW
    C = min(16, seq_per_tile)
    n_chunks = seq_per_tile // C
    vregs_per_row = D // _LANES

    mesh = plsc.VectorSubcoreMesh(core_axis_name="c", subcore_axis_name="s")

    @functools.partial(
        pl.kernel,
        mesh=mesh,
        out_type=jax.ShapeDtypeStruct((B * S, D), jnp.float32),
        scratch_types=(
            [pltpu.VMEM((C,), jnp.int32) for _ in range(2)]
            + [pltpu.VMEM((C, D), jnp.float32) for _ in range(2)]
            + [pltpu.VMEM((C, D), jnp.float32) for _ in range(_NBUF)]
            + [pltpu.SemaphoreType.DMA for _ in range(2 + 2 * _NBUF)]
        ),
    )
    def sc_kernel(x_hbm, ids_hbm, pos_hbm, out_hbm, *scratch):
        idx_v = scratch[0:2]
        pos_v = scratch[2:4]
        xb = scratch[4:4 + _NBUF]
        sem_p = scratch[4 + _NBUF:6 + _NBUF]
        sem_in = scratch[6 + _NBUF:6 + 2 * _NBUF]
        sem_out = scratch[6 + 2 * _NBUF:6 + 3 * _NBUF]

        wid = lax.axis_index("s") * NC + lax.axis_index("c")
        s0 = wid * seq_per_tile
        steps = [(i, b) for i in range(n_chunks) for b in range(B)]

        def row_base(i, b):
            return b * S + s0 + i * C

        def start_pos_gather(i):
            p = i % 2
            pltpu.sync_copy(ids_hbm.at[pl.ds(s0 + i * C, C)], idx_v[p])
            return pltpu.async_copy(pos_hbm.at[idx_v[p]], pos_v[p], sem_p[p])

        def start_in(k):
            i, b = steps[k]
            buf = k % _NBUF
            return pltpu.async_copy(
                x_hbm.at[pl.ds(row_base(i, b), C)], xb[buf], sem_in[buf])

        in_h = [None] * _NBUF
        out_h = [None] * _NBUF
        pos_h = [None, None]

        pos_h[0] = start_pos_gather(0)
        for k in range(min(_NBUF - 1, len(steps))):
            in_h[k % _NBUF] = start_in(k)

        for k, (i, b) in enumerate(steps):
            cur = k % _NBUF
            if b == 0:
                pos_h[i % 2].wait()
                if i + 1 < n_chunks:
                    pos_h[(i + 1) % 2] = start_pos_gather(i + 1)
            if k + _NBUF - 1 < len(steps):
                nxt = (k + _NBUF - 1) % _NBUF
                if out_h[nxt] is not None:
                    out_h[nxt].wait()
                in_h[nxt] = start_in(k + _NBUF - 1)
            in_h[cur].wait()

            pbuf = pos_v[i % 2]
            xbuf = xb[cur]

            @plsc.parallel_loop(0, C * vregs_per_row, unroll=8)
            def vreg_body(t, pbuf=pbuf, xbuf=xbuf):
                r = t // vregs_per_row
                j = t % vregs_per_row
                v = pbuf[r, pl.ds(j * _LANES, _LANES)]
                plsc.addupdate(xbuf.at[r, pl.ds(j * _LANES, _LANES)], v)

            out_h[cur] = pltpu.async_copy(
                xbuf, out_hbm.at[pl.ds(row_base(i, b), C)], sem_out[cur])

        for h in out_h:
            if h is not None:
                h.wait()

    return sc_kernel


def kernel(x, pos_table):
    B, S, D = x.shape
    info = plsc.get_sparse_core_info()
    sc = _make_sc_kernel(B, S, D, info.num_cores, info.num_subcores)
    positions = jnp.arange(S, dtype=jnp.int32)
    out = sc(x.reshape(B * S, D), positions, pos_table)
    return out.reshape(B, S, D)

# --- scband reference (transcript-rebuilt; emitter-appended) ---
"""Pipeline reference for scband-positional-encoding-layer-74302934221335 (READ-ONLY COPY).

The authoritative reference and input builder live on the scoring server;
editing this copy changes nothing except your own understanding.
"""

import jax, jax.numpy as jnp
import numpy as np

TOKENS = 4096
EMB_DIM = 1024
BATCH = 4
SEQ = 4096

def setup_inputs(seed: int = 0) -> dict:
    key = jax.random.key(seed)
    k1, k2 = jax.random.split(key)
    x = jax.random.normal(k1, (BATCH, SEQ, EMB_DIM), dtype=jnp.float32)
    # learned positional embedding table, sized per init_kwargs (tokens, vocabulary_size)
    pos_table = jax.random.normal(k2, (TOKENS, EMB_DIM), dtype=jnp.float32) * 0.02
    return {"x": x, "pos_table": pos_table}

def reference(x, pos_table):
    # token_emb is Activation('linear') -> identity
    tokens = x.shape[1]
    positions = jnp.arange(0, tokens, 1)
    pos = jnp.take(pos_table, positions, axis=0)  # embedding lookup -> [S, D]
    return x + pos[None, :, :]

if __name__ == "__main__":
    import jax
    _d = setup_inputs()
    print(jax.jit(kernel)(*tuple(_d.values())))

</pallas_src>

<mosaic_0001>
#map = affine_map<(d0, d1) -> (0, 0)>
#map1 = affine_map<(d0, d1) -> (0)>
module attributes {stable_mosaic.version = 14 : i64} {
  func.func @sc_kernel(%arg0: i32, %arg1: i32, %arg2: memref<16384x1024xf32, #tpu.memory_space<hbm>>, %arg3: memref<4096xi32, #tpu.memory_space<hbm>>, %arg4: memref<4096x1024xf32, #tpu.memory_space<hbm>>, %arg5: memref<16384x1024xf32, #tpu.memory_space<hbm>>, %arg6: memref<16xi32, #tpu.memory_space<vmem>>, %arg7: memref<16xi32, #tpu.memory_space<vmem>>, %arg8: memref<16x1024xf32, #tpu.memory_space<vmem>>, %arg9: memref<16x1024xf32, #tpu.memory_space<vmem>>, %arg10: memref<16x1024xf32, #tpu.memory_space<vmem>>, %arg11: memref<16x1024xf32, #tpu.memory_space<vmem>>, %arg12: memref<16x1024xf32, #tpu.memory_space<vmem>>, %arg13: memref<!tpu.dma_semaphore, #tpu.memory_space<semaphore_mem>>, %arg14: memref<!tpu.dma_semaphore, #tpu.memory_space<semaphore_mem>>, %arg15: memref<!tpu.dma_semaphore, #tpu.memory_space<semaphore_mem>>, %arg16: memref<!tpu.dma_semaphore, #tpu.memory_space<semaphore_mem>>, %arg17: memref<!tpu.dma_semaphore, #tpu.memory_space<semaphore_mem>>, %arg18: memref<!tpu.dma_semaphore, #tpu.memory_space<semaphore_mem>>, %arg19: memref<!tpu.dma_semaphore, #tpu.memory_space<semaphore_mem>>, %arg20: memref<!tpu.dma_semaphore, #tpu.memory_space<semaphore_mem>>) attributes {dimension_semantics = [#tpu.dimension_semantics<core_parallel>, #tpu.dimension_semantics<subcore_parallel>], iteration_bounds = array<i64: 2, 16>, scalar_prefetch = 0 : i64, scratch_operands = 15 : i64, tpu.core_type = #tpu.core_type<sc_vector_subcore>, window_params = [{transform_indices = #map}, {transform_indices = #map1}, {transform_indices = #map}, {transform_indices = #map}]} {
    %mul3A = arith.constant 2 : i32
    %mul3A_0 = arith.muli %arg1, %mul3A : i32
    %add3A = arith.addi %mul3A_0, %arg0 : i32
    %mul3A_1 = arith.constant 128 : i32
    %mul3A_2 = arith.muli %add3A, %mul3A_1 : i32
    %add3A_3 = arith.constant 0 : i32
    %add3A_4 = arith.addi %mul3A_2, %add3A_3 : i32
    "tpu.region"() ({
      %run_scoped3A = tpu.sem_alloc : memref<!tpu.dma_semaphore, #tpu.memory_space<semaphore_mem>>
      %dma_start3A_928 = tpu.memref_slice %arg3[%add3A_4] : memref<4096xi32, #tpu.memory_space<hbm>> -> memref<16xi32, #tpu.memory_space<hbm>>
      %dma_start3A_929 = tpu.memref_slice %arg3[%add3A_4] : memref<4096xi32, #tpu.memory_space<hbm>> -> memref<16xi32, #tpu.memory_space<hbm>>
      tpu.enqueue_dma source(%dma_start3A_929 : memref<16xi32, #tpu.memory_space<hbm>>) target(%arg6 : memref<16xi32, #tpu.memory_space<vmem>>) target_semaphore(%run_scoped3A : memref<!tpu.dma_semaphore, #tpu.memory_space<semaphore_mem>>)
      %dma_wait3A_930 = tpu.memref_slice %arg3[%add3A_4] : memref<4096xi32, #tpu.memory_space<hbm>> -> memref<16xi32, #tpu.memory_space<hbm>>
      %dma_wait3A_931 = tpu.memref_slice %arg3[%add3A_4] : memref<4096xi32, #tpu.memory_space<hbm>> -> memref<16xi32, #tpu.memory_space<hbm>>
      tpu.wait_dma2 semaphore(%run_scoped3A : memref<!tpu.dma_semaphore, #tpu.memory_space<semaphore_mem>>) src(%dma_wait3A_931 : memref<16xi32, #tpu.memory_space<hbm>>) dst(%arg6 : memref<16xi32, #tpu.memory_space<vmem>>)
      tpu.yield
    }) : () -> ()
    %dma_start3A = arith.constant 0 : i32
    %dma_start3A_5 = arith.constant 0 : i32
    %dma_start3A_6 = tpu.memref_slice %arg4[%dma_start3A, %dma_start3A_5] : memref<4096x1024xf32, #tpu.memory_space<hbm>> -> memref<4096x1024xf32, #tpu.memory_space<hbm>>
    tpu.enqueue_indirect_dma source(%dma_start3A_6 : memref<4096x1024xf32, #tpu.memory_space<hbm>>) target(%arg8 : memref<16x1024xf32, #tpu.memory_space<vmem>>) offsets(%arg6 : memref<16xi32, #tpu.memory_space<vmem>>) semaphore(%arg13 : memref<!tpu.dma_semaphore, #tpu.memory_space<semaphore_mem>>)
    %add3A_7 = arith.constant 0 : i32
    %add3A_8 = arith.addi %add3A_7, %mul3A_2 : i32
    %add3A_9 = arith.constant 0 : i32
    %add3A_10 = arith.addi %add3A_8, %add3A_9 : i32
    %dma_start3A_11 = arith.constant 0 : i32
    %dma_start3A_12 = tpu.memref_slice %arg2[%add3A_10, %dma_start3A_11] : memref<16384x1024xf32, #tpu.memory_space<hbm>> -> memref<16x1024xf32, #tpu.memory_space<hbm>>
    %dma_start3A_13 = arith.constant 0 : i32
    %dma_start3A_14 = tpu.memref_slice %arg2[%add3A_10, %dma_start3A_13] : memref<16384x1024xf32, #tpu.memory_space<hbm>> -> memref<16x1024xf32, #tpu.memory_space<hbm>>
    tpu.enqueue_dma source(%dma_start3A_14 : memref<16x1024xf32, #tpu.memory_space<hbm>>) target(%arg10 : memref<16x1024xf32, #tpu.memory_space<vmem>>) target_semaphore(%arg15 : memref<!tpu.dma_semaphore, #tpu.memory_space<semaphore_mem>>)
    %add3A_15 = arith.constant 4096 : i32
    %add3A_16 = arith.addi %add3A_15, %mul3A_2 : i32
    %add3A_17 = arith.constant 0 : i32
    %add3A_18 = arith.addi %add3A_16, %add3A_17 : i32
    %dma_start3A_19 = arith.constant 0 : i32
    %dma_start3A_20 = tpu.memref_slice %arg2[%add3A_18, %dma_start3A_19] : memref<16384x1024xf32, #tpu.memory_space<hbm>> -> memref<16x1024xf32, #tpu.memory_space<hbm>>
    %dma_start3A_21 = arith.constant 0 : i32
    %dma_start3A_22 = tpu.memref_slice %arg2[%add3A_18, %dma_start3A_21] : memref<16384x1024xf32, #tpu.memory_space<hbm>> -> memref<16x1024xf32, #tpu.memory_space<hbm>>
    tpu.enqueue_dma source(%dma_start3A_22 : memref<16x1024xf32, #tpu.memory_space<hbm>>) target(%arg11 : memref<16x1024xf32, #tpu.memory_space<vmem>>) target_semaphore(%arg16 : memref<!tpu.dma_semaphore, #tpu.memory_space<semaphore_mem>>)
    %dma_wait3A = arith.constant 0 : i32
    %dma_wait3A_23 = arith.constant 0 : i32
    %dma_wait3A_24 = tpu.memref_slice %arg4[%dma_wait3A, %dma_wait3A_23] : memref<4096x1024xf32, #tpu.memory_space<hbm>> -> memref<4096x1024xf32, #tpu.memory_space<hbm>>
    tpu.wait_indirect_dma semaphore(%arg13 : memref<!tpu.dma_semaphore, #tpu.memory_space<semaphore_mem>>) src(%dma_wait3A_24 : memref<4096x1024xf32, #tpu.memory_space<hbm>>) dst(%arg8 : memref<16x1024xf32, #tpu.memory_space<vmem>>)
    %add3A_25 = arith.constant 16 : i32
    %add3A_26 = arith.addi %mul3A_2, %add3A_25 : i32
    "tpu.region"() ({
      %run_scoped3A = tpu.sem_alloc : memref<!tpu.dma_semaphore, #tpu.memory_space<semaphore_mem>>
      %dma_start3A_928 = tpu.memref_slice %arg3[%add3A_26] : memref<4096xi32, #tpu.memory_space<hbm>> -> memref<16xi32, #tpu.memory_space<hbm>>
      %dma_start3A_929 = tpu.memref_slice %arg3[%add3A_26] : memref<4096xi32, #tpu.memory_space<hbm>> -> memref<16xi32, #tpu.memory_space<hbm>>
      tpu.enqueue_dma source(%dma_start3A_929 : memref<16xi32, #tpu.memory_space<hbm>>) target(%arg7 : memref<16xi32, #tpu.memory_space<vmem>>) target_semaphore(%run_scoped3A : memref<!tpu.dma_semaphore, #tpu.memory_space<semaphore_mem>>)
      %dma_wait3A_930 = tpu.memref_slice %arg3[%add3A_26] : memref<4096xi32, #tpu.memory_space<hbm>> -> memref<16xi32, #tpu.memory_space<hbm>>
      %dma_wait3A_931 = tpu.memref_slice %arg3[%add3A_26] : memref<4096xi32, #tpu.memory_space<hbm>> -> memref<16xi32, #tpu.memory_space<hbm>>
      tpu.wait_dma2 semaphore(%run_scoped3A : memref<!tpu.dma_semaphore, #tpu.memory_space<semaphore_mem>>) src(%dma_wait3A_931 : memref<16xi32, #tpu.memory_space<hbm>>) dst(%arg7 : memref<16xi32, #tpu.memory_space<vmem>>)
      tpu.yield
    }) : () -> ()
    %dma_start3A_27 = arith.constant 0 : i32
    %dma_start3A_28 = arith.constant 0 : i32
    %dma_start3A_29 = tpu.memref_slice %arg4[%dma_start3A_27, %dma_start3A_28] : memref<4096x1024xf32, #tpu.memory_space<hbm>> -> memref<4096x1024xf32, #tpu.memory_space<hbm>>
    tpu.enqueue_indirect_dma source(%dma_start3A_29 : memref<4096x1024xf32, #tpu.memory_space<hbm>>) target(%arg9 : memref<16x1024xf32, #tpu.memory_space<vmem>>) offsets(%arg7 : memref<16xi32, #tpu.memory_space<vmem>>) semaphore(%arg14 : memref<!tpu.dma_semaphore, #tpu.memory_space<semaphore_mem>>)
    %add3A_30 = arith.constant 8192 : i32
    %add3A_31 = arith.addi %add3A_30, %mul3A_2 : i32
    %add3A_32 = arith.constant 0 : i32
    %add3A_33 = arith.addi %add3A_31, %add3A_32 : i32
    %dma_start3A_34 = arith.constant 0 : i32
    %dma_start3A_35 = tpu.memref_slice %arg2[%add3A_33, %dma_start3A_34] : memref<16384x1024xf32, #tpu.memory_space<hbm>> -> memref<16x1024xf32, #tpu.memory_space<hbm>>
    %dma_start3A_36 = arith.constant 0 : i32
    %dma_start3A_37 = tpu.memref_slice %arg2[%add3A_33, %dma_start3A_36] : memref<16384x1024xf32, #tpu.memory_space<hbm>> -> memref<16x1024xf32, #tpu.memory_space<hbm>>
    tpu.enqueue_dma source(%dma_start3A_37 : memref<16x1024xf32, #tpu.memory_space<hbm>>) target(%arg12 : memref<16x1024xf32, #tpu.memory_space<vmem>>) target_semaphore(%arg17 : memref<!tpu.dma_semaphore, #tpu.memory_space<semaphore_mem>>)
    %dma_wait3A_38 = arith.constant 0 : i32
    %dma_wait3A_39 = tpu.memref_slice %arg2[%add3A_10, %dma_wait3A_38] : memref<16384x1024xf32, #tpu.memory_space<hbm>> -> memref<16x1024xf32, #tpu.memory_space<hbm>>
    %dma_wait3A_40 = arith.constant 0 : i32
    %dma_wait3A_41 = tpu.memref_slice %arg2[%add3A_10, %dma_wait3A_40] : memref<16384x1024xf32, #tpu.memory_space<hbm>> -> memref<16x1024xf32, #tpu.memory_space<hbm>>
    tpu.wait_dma2 semaphore(%arg15 : memref<!tpu.dma_semaphore, #tpu.memory_space<semaphore_mem>>) src(%dma_wait3A_41 : memref<16x1024xf32, #tpu.memory_space<hbm>>) dst(%arg10 : memref<16x1024xf32, #tpu.memory_space<vmem>>)
    %parallel_loop3A = arith.constant 0 : i32
    %parallel_loop3A_42 = arith.constant 1024 : i32
    %parallel_loop3A_43 = arith.constant 1 : i32
    scf.for %parallel_loop3A_928 = %parallel_loop3A to %parallel_loop3A_42 step %parallel_loop3A_43  : i32 {
      %parallel_loop3A_929 = arith.constant 64 : i32
      %parallel_loop3A_930 = arith.divsi %parallel_loop3A_928, %parallel_loop3A_929 : i32
      %parallel_loop3A_931 = arith.constant 0 : i32
      %parallel_loop3A_932 = arith.cmpi sgt, %parallel_loop3A_928, %parallel_loop3A_931 : i32
      %parallel_loop3A_933 = arith.extui %parallel_loop3A_932 : i1 to i32
      %parallel_loop3A_934 = arith.constant 0 : i32
      %parallel_loop3A_935 = arith.cmpi slt, %parallel_loop3A_928, %parallel_loop3A_934 : i32
      %parallel_loop3A_936 = arith.extui %parallel_loop3A_935 : i1 to i32
      %parallel_loop3A_937 = arith.subi %parallel_loop3A_933, %parallel_loop3A_936 : i32
      %parallel_loop3A_938 = arith.constant 0 : i32
      %parallel_loop3A_939 = arith.cmpi sgt, %parallel_loop3A_929, %parallel_loop3A_938 : i32
      %parallel_loop3A_940 = arith.extui %parallel_loop3A_939 : i1 to i32
      %parallel_loop3A_941 = arith.constant 0 : i32
      %parallel_loop3A_942 = arith.cmpi slt, %parallel_loop3A_929, %parallel_loop3A_941 : i32
      %parallel_loop3A_943 = arith.extui %parallel_loop3A_942 : i1 to i32
      %parallel_loop3A_944 = arith.subi %parallel_loop3A_940, %parallel_loop3A_943 : i32
      %parallel_loop3A_945 = arith.cmpi ne, %parallel_loop3A_937, %parallel_loop3A_944 : i32
      %parallel_loop3A_946 = arith.remsi %parallel_loop3A_928, %parallel_loop3A_929 : i32
      %parallel_loop3A_947 = arith.constant 0 : i32
      %parallel_loop3A_948 = arith.cmpi ne, %parallel_loop3A_946, %parallel_loop3A_947 : i32
      %parallel_loop3A_949 = arith.andi %parallel_loop3A_945, %parallel_loop3A_948 : i1
      %parallel_loop3A_950 = arith.constant 1 : i32
      %parallel_loop3A_951 = arith.subi %parallel_loop3A_930, %parallel_loop3A_950 : i32
      %parallel_loop3A_952 = arith.select %parallel_loop3A_949, %parallel_loop3A_951, %parallel_loop3A_930 : i32
      %parallel_loop3A_953 = arith.constant 64 : i32
      %parallel_loop3A_954 = arith.constant 0 : i32
      %parallel_loop3A_955 = arith.cmpi eq, %parallel_loop3A_953, %parallel_loop3A_954 : i32
      %parallel_loop3A_956 = arith.constant 1 : i32
      %parallel_loop3A_957 = arith.select %parallel_loop3A_955, %parallel_loop3A_956, %parallel_loop3A_953 : i32
      %parallel_loop3A_958 = arith.remsi %parallel_loop3A_928, %parallel_loop3A_957 : i32
      %parallel_loop3A_959 = arith.constant 0 : i32
      %parallel_loop3A_960 = arith.cmpi ne, %parallel_loop3A_958, %parallel_loop3A_959 : i32
      %parallel_loop3A_961 = arith.constant 0 : i32
      %parallel_loop3A_962 = arith.cmpi slt, %parallel_loop3A_958, %parallel_loop3A_961 : i32
      %parallel_loop3A_963 = arith.constant 0 : i32
      %parallel_loop3A_964 = arith.cmpi slt, %parallel_loop3A_957, %parallel_loop3A_963 : i32
      %parallel_loop3A_965 = arith.xori %parallel_loop3A_962, %parallel_loop3A_964 : i1
      %parallel_loop3A_966 = arith.andi %parallel_loop3A_965, %parallel_loop3A_960 : i1
      %parallel_loop3A_967 = arith.addi %parallel_loop3A_958, %parallel_loop3A_957 : i32
      %parallel_loop3A_968 = arith.select %parallel_loop3A_966, %parallel_loop3A_967, %parallel_loop3A_958 : i32
      %parallel_loop3A_969 = arith.constant 16 : i32
      %parallel_loop3A_970 = arith.muli %parallel_loop3A_968, %parallel_loop3A_969 : i32
      %parallel_loop3A_971 = arith.index_cast %parallel_loop3A_952 : i32 to index
      %parallel_loop3A_972 = arith.index_cast %parallel_loop3A_970 : i32 to index
      %parallel_loop3A_973 = tpu.vector_load %arg8[%parallel_loop3A_971, %parallel_loop3A_972] {strides = array<i32>} : memref<16x1024xf32, #tpu.memory_space<vmem>>, vector<1x16xf32>,
      %parallel_loop3A_974 = vector.shape_cast %parallel_loop3A_973 : vector<1x16xf32> to vector<16xf32>
      %parallel_loop3A_975 = arith.constant 16 : i32
      %parallel_loop3A_976 = arith.muli %parallel_loop3A_968, %parallel_loop3A_975 : i32
      %parallel_loop3A_977 = arith.index_cast %parallel_loop3A_952 : i32 to index
      %parallel_loop3A_978 = arith.index_cast %parallel_loop3A_976 : i32 to index
      %parallel_loop3A_979 = tpu.vector_load %arg10[%parallel_loop3A_977, %parallel_loop3A_978] {strides = array<i32>} : memref<16x1024xf32, #tpu.memory_space<vmem>>, vector<1x16xf32>,
      %parallel_loop3A_980 = vector.shape_cast %parallel_loop3A_979 : vector<1x16xf32> to vector<16xf32>
      %parallel_loop3A_981 = vector.shape_cast %parallel_loop3A_974 : vector<16xf32> to vector<1x16xf32>
      tpu.vector_store %arg10[%parallel_loop3A_977, %parallel_loop3A_978], %parallel_loop3A_981 {add = true, strides = array<i32>} : memref<16x1024xf32, #tpu.memory_space<vmem>>, vector<1x16xf32>,
    } {sc.loop_unroll_factor = 8 : i64, sc.parallel_access}
    %add3A_44 = arith.constant 0 : i32
    %add3A_45 = arith.addi %add3A_44, %mul3A_2 : i32
    %add3A_46 = arith.constant 0 : i32
    %add3A_47 = arith.addi %add3A_45, %add3A_46 : i32
    %dma_start3A_48 = arith.constant 0 : i32
    %dma_start3A_49 = tpu.memref_slice %arg5[%add3A_47, %dma_start3A_48] : memref<16384x1024xf32, #tpu.memory_space<hbm>> -> memref<16x1024xf32, #tpu.memory_space<hbm>>
    %dma_start3A_50 = arith.constant 0 : i32
    %dma_start3A_51 = tpu.memref_slice %arg5[%add3A_47, %dma_start3A_50] : memref<16384x1024xf32, #tpu.memory_space<hbm>> -> memref<16x1024xf32, #tpu.memory_space<hbm>>
    tpu.enqueue_dma source(%arg10 : memref<16x1024xf32, #tpu.memory_space<vmem>>) target(%dma_start3A_51 : memref<16x1024xf32, #tpu.memory_space<hbm>>) target_semaphore(%arg18 : memref<!tpu.dma_semaphore, #tpu.memory_space<semaphore_mem>>)
    %dma_wait3A_52 = arith.constant 0 : i32
    %dma_wait3A_53 = tpu.memref_slice %arg5[%add3A_47, %dma_wait3A_52] : memref<16384x1024xf32, #tpu.memory_space<hbm>> -> memref<16x1024xf32, #tpu.memory_space<hbm>>
    %dma_wait3A_54 = arith.constant 0 : i32
    %dma_wait3A_55 = tpu.memref_slice %arg5[%add3A_47, %dma_wait3A_54] : memref<16384x1024xf32, #tpu.memory_space<hbm>> -> memref<16x1024xf32, #tpu.memory_space<hbm>>
    tpu.wait_dma2 semaphore(%arg18 : memref<!tpu.dma_semaphore, #tpu.memory_space<semaphore_mem>>) src(%arg10 : memref<16x1024xf32, #tpu.memory_space<vmem>>) dst(%dma_wait3A_55 : memref<16x1024xf32, #tpu.memory_space<hbm>>)
    %add3A_56 = arith.constant 12288 : i32
    %add3A_57 = arith.addi %add3A_56, %mul3A_2 : i32
    %add3A_58 = arith.constant 0 : i32
    %add3A_59 = arith.addi %add3A_57, %add3A_58 : i32
    %dma_start3A_60 = arith.constant 0 : i32
    %dma_start3A_61 = tpu.memref_slice %arg2[%add3A_59, %dma_start3A_60] : memref<16384x1024xf32, #tpu.memory_space<hbm>> -> memref<16x1024xf32, #tpu.memory_space<hbm>>
    %dma_start3A_62 = arith.constant 0 : i32
    %dma_start3A_63 = tpu.memref_slice %arg2[%add3A_59, %dma_start3A_62] : memref<16384x1024xf32, #tpu.memory_space<hbm>> -> memref<16x1024xf32, #tpu.memory_space<hbm>>
    tpu.enqueue_dma source(%dma_start3A_63 : memref<16x1024xf32, #tpu.memory_space<hbm>>) target(%arg10 : memref<16x1024xf32, #tpu.memory_space<vmem>>) target_semaphore(%arg15 : memref<!tpu.dma_semaphore, #tpu.memory_space<semaphore_mem>>)
    %dma_wait3A_64 = arith.constant 0 : i32
    %dma_wait3A_65 = tpu.memref_slice %arg2[%add3A_18, %dma_wait3A_64] : memref<16384x1024xf32, #tpu.memory_space<hbm>> -> memref<16x1024xf32, #tpu.memory_space<hbm>>
    %dma_wait3A_66 = arith.constant 0 : i32
    %dma_wait3A_67 = tpu.memref_slice %arg2[%add3A_18, %dma_wait3A_66] : memref<16384x1024xf32, #tpu.memory_space<hbm>> -> memref<16x1024xf32, #tpu.memory_space<hbm>>
    tpu.wait_dma2 semaphore(%arg16 : memref<!tpu.dma_semaphore, #tpu.memory_space<semaphore_mem>>) src(%dma_wait3A_67 : memref<16x1024xf32, #tpu.memory_space<hbm>>) dst(%arg11 : memref<16x1024xf32, #tpu.memory_space<vmem>>)
    %parallel_loop3A_68 = arith.constant 0 : i32
    %parallel_loop3A_69 = arith.constant 1024 : i32
    %parallel_loop3A_70 = arith.constant 1 : i32
    scf.for %parallel_loop3A_928 = %parallel_loop3A_68 to %parallel_loop3A_69 step %parallel_loop3A_70  : i32 {
      %parallel_loop3A_929 = arith.constant 64 : i32
      %parallel_loop3A_930 = arith.divsi %parallel_loop3A_928, %parallel_loop3A_929 : i32
      %parallel_loop3A_931 = arith.constant 0 : i32
      %parallel_loop3A_932 = arith.cmpi sgt, %parallel_loop3A_928, %parallel_loop3A_931 : i32
      %parallel_loop3A_933 = arith.extui %parallel_loop3A_932 : i1 to i32
      %parallel_loop3A_934 = arith.constant 0 : i32
      %parallel_loop3A_935 = arith.cmpi slt, %parallel_loop3A_928, %parallel_loop3A_934 : i32
      %parallel_loop3A_936 = arith.extui %parallel_loop3A_935 : i1 to i32
      %parallel_loop3A_937 = arith.subi %parallel_loop3A_933, %parallel_loop3A_936 : i32
      %parallel_loop3A_938 = arith.constant 0 : i32
      %parallel_loop3A_939 = arith.cmpi sgt, %parallel_loop3A_929, %parallel_loop3A_938 : i32
      %parallel_loop3A_940 = arith.extui %parallel_loop3A_939 : i1 to i32
      %parallel_loop3A_941 = arith.constant 0 : i32
      %parallel_loop3A_942 = arith.cmpi slt, %parallel_loop3A_929, %parallel_loop3A_941 : i32
      %parallel_loop3A_943 = arith.extui %parallel_loop3A_942 : i1 to i32
      %parallel_loop3A_944 = arith.subi %parallel_loop3A_940, %parallel_loop3A_943 : i32
      %parallel_loop3A_945 = arith.cmpi ne, %parallel_loop3A_937, %parallel_loop3A_944 : i32
      %parallel_loop3A_946 = arith.remsi %parallel_loop3A_928, %parallel_loop3A_929 : i32
      %parallel_loop3A_947 = arith.constant 0 : i32
      %parallel_loop3A_948 = arith.cmpi ne, %parallel_loop3A_946, %parallel_loop3A_947 : i32
      %parallel_loop3A_949 = arith.andi %parallel_loop3A_945, %parallel_loop3A_948 : i1
      %parallel_loop3A_950 = arith.constant 1 : i32
      %parallel_loop3A_951 = arith.subi %parallel_loop3A_930, %parallel_loop3A_950 : i32
      %parallel_loop3A_952 = arith.select %parallel_loop3A_949, %parallel_loop3A_951, %parallel_loop3A_930 : i32
      %parallel_loop3A_953 = arith.constant 64 : i32
      %parallel_loop3A_954 = arith.constant 0 : i32
      %parallel_loop3A_955 = arith.cmpi eq, %parallel_loop3A_953, %parallel_loop3A_954 : i32
      %parallel_loop3A_956 = arith.constant 1 : i32
      %parallel_loop3A_957 = arith.select %parallel_loop3A_955, %parallel_loop3A_956, %parallel_loop3A_953 : i32
      %parallel_loop3A_958 = arith.remsi %parallel_loop3A_928, %parallel_loop3A_957 : i32
      %parallel_loop3A_959 = arith.constant 0 : i32
      %parallel_loop3A_960 = arith.cmpi ne, %parallel_loop3A_958, %parallel_loop3A_959 : i32
      %parallel_loop3A_961 = arith.constant 0 : i32
      %parallel_loop3A_962 = arith.cmpi slt, %parallel_loop3A_958, %parallel_loop3A_961 : i32
      %parallel_loop3A_963 = arith.constant 0 : i32
      %parallel_loop3A_964 = arith.cmpi slt, %parallel_loop3A_957, %parallel_loop3A_963 : i32
      %parallel_loop3A_965 = arith.xori %parallel_loop3A_962, %parallel_loop3A_964 : i1
      %parallel_loop3A_966 = arith.andi %parallel_loop3A_965, %parallel_loop3A_960 : i1
      %parallel_loop3A_967 = arith.addi %parallel_loop3A_958, %parallel_loop3A_957 : i32
      %parallel_loop3A_968 = arith.select %parallel_loop3A_966, %parallel_loop3A_967, %parallel_loop3A_958 : i32
      %parallel_loop3A_969 = arith.constant 16 : i32
      %parallel_loop3A_970 = arith.muli %parallel_loop3A_968, %parallel_loop3A_969 : i32
      %parallel_loop3A_971 = arith.index_cast %parallel_loop3A_952 : i32 to index
      %parallel_loop3A_972 = arith.index_cast %parallel_loop3A_970 : i32 to index
      %parallel_loop3A_973 = tpu.vector_load %arg8[%parallel_loop3A_971, %parallel_loop3A_972] {strides = array<i32>} : memref<16x1024xf32, #tpu.memory_space<vmem>>, vector<1x16xf32>,
      %parallel_loop3A_974 = vector.shape_cast %parallel_loop3A_973 : vector<1x16xf32> to vector<16xf32>
      %parallel_loop3A_975 = arith.constant 16 : i32
      %parallel_loop3A_976 = arith.muli %parallel_loop3A_968, %parallel_loop3A_975 : i32
      %parallel_loop3A_977 = arith.index_cast %parallel_loop3A_952 : i32 to index
      %parallel_loop3A_978 = arith.index_cast %parallel_loop3A_976 : i32 to index
      %parallel_loop3A_979 = tpu.vector_load %arg11[%parallel_loop3A_977, %parallel_loop3A_978] {strides = array<i32>} : memref<16x1024xf32, #tpu.memory_space<vmem>>, vector<1x16xf32>,
      %parallel_loop3A_980 = vector.shape_cast %parallel_loop3A_979 : vector<1x16xf32> to vector<16xf32>
      %parallel_loop3A_981 = vector.shape_cast %parallel_loop3A_974 : vector<16xf32> to vector<1x16xf32>
      tpu.vector_store %arg11[%parallel_loop3A_977, %parallel_loop3A_978], %parallel_loop3A_981 {add = true, strides = array<i32>} : memref<16x1024xf32, #tpu.memory_space<vmem>>, vector<1x16xf32>,
    } {sc.loop_unroll_factor = 8 : i64, sc.parallel_access}
    %add3A_71 = arith.constant 4096 : i32
    %add3A_72 = arith.addi %add3A_71, %mul3A_2 : i32
    %add3A_73 = arith.constant 0 : i32
    %add3A_74 = arith.addi %add3A_72, %add3A_73 : i32
    %dma_start3A_75 = arith.constant 0 : i32
    %dma_start3A_76 = tpu.memref_slice %arg5[%add3A_74, %dma_start3A_75] : memref<16384x1024xf32, #tpu.memory_space<hbm>> -> memref<16x1024xf32, #tpu.memory_space<hbm>>
    %dma_start3A_77 = arith.constant 0 : i32
    %dma_start3A_78 = tpu.memref_slice %arg5[%add3A_74, %dma_start3A_77] : memref<16384x1024xf32, #tpu.memory_space<hbm>> -> memref<16x1024xf32, #tpu.memory_space<hbm>>
    tpu.enqueue_dma source(%arg11 : memref<16x1024xf32, #tpu.memory_space<vmem>>) target(%dma_start3A_78 : memref<16x1024xf32, #tpu.memory_space<hbm>>) target_semaphore(%arg19 : memref<!tpu.dma_semaphore, #tpu.memory_space<semaphore_mem>>)
    %dma_wait3A_79 = arith.constant 0 : i32
    %dma_wait3A_80 = tpu.memref_slice %arg5[%add3A_74, %dma_wait3A_79] : memref<16384x1024xf32, #tpu.memory_space<hbm>> -> memref<16x1024xf32, #tpu.memory_space<hbm>>
    %dma_wait3A_81 = arith.constant 0 : i32
    %dma_wait3A_82 = tpu.memref_slice %arg5[%add3A_74, %dma_wait3A_81] : memref<16384x1024xf32, #tpu.memory_space<hbm>> -> memref<16x1024xf32, #tpu.memory_space<hbm>>
    tpu.wait_dma2 semaphore(%arg19 : memref<!tpu.dma_semaphore, #tpu.memory_space<semaphore_mem>>) src(%arg11 : memref<16x1024xf32, #tpu.memory_space<vmem>>) dst(%dma_wait3A_82 : memref<16x1024xf32, #tpu.memory_space<hbm>>)
    %add3A_83 = arith.constant 0 : i32
    %add3A_84 = arith.addi %add3A_83, %mul3A_2 : i32
    %add3A_85 = arith.constant 16 : i32
    %add3A_86 = arith.addi %add3A_84, %add3A_85 : i32
    %dma_start3A_87 = arith.constant 0 : i32
    %dma_start3A_88 = tpu.memref_slice %arg2[%add3A_86, %dma_start3A_87] : memref<16384x1024xf32, #tpu.memory_space<hbm>> -> memref<16x1024xf32, #tpu.memory_space<hbm>>
    %dma_start3A_89 = arith.constant 0 : i32
    %dma_start3A_90 = tpu.memref_slice %arg2[%add3A_86, %dma_start3A_89] : memref<16384x1024xf32, #tpu.memory_space<hbm>> -> memref<16x1024xf32, #tpu.memory_space<hbm>>
    tpu.enqueue_dma source(%dma_start3A_90 : memref<16x1024xf32, #tpu.memory_space<hbm>>) target(%arg11 : memref<16x1024xf32, #tpu.memory_space<vmem>>) target_semaphore(%arg16 : memref<!tpu.dma_semaphore, #tpu.memory_space<semaphore_mem>>)
    %dma_wait3A_91 = arith.constant 0 : i32
    %dma_wait3A_92 = tpu.memref_slice %arg2[%add3A_33, %dma_wait3A_91] : memref<16384x1024xf32, #tpu.memory_space<hbm>> -> memref<16x1024xf32, #tpu.memory_space<hbm>>
    %dma_wait3A_93 = arith.constant 0 : i32
    %dma_wait3A_94 = tpu.memref_slice %arg2[%add3A_33, %dma_wait3A_93] : memref<16384x1024xf32, #tpu.memory_space<hbm>> -> memref<16x1024xf32, #tpu.memory_space<hbm>>
    tpu.wait_dma2 semaphore(%arg17 : memref<!tpu.dma_semaphore, #tpu.memory_space<semaphore_mem>>) src(%dma_wait3A_94 : memref<16x1024xf32, #tpu.memory_space<hbm>>) dst(%arg12 : memref<16x1024xf32, #tpu.memory_space<vmem>>)
    %parallel_loop3A_95 = arith.constant 0 : i32
    %parallel_loop3A_96 = arith.constant 1024 : i32
    %parallel_loop3A_97 = arith.constant 1 : i32
    scf.for %parallel_loop3A_928 = %parallel_loop3A_95 to %parallel_loop3A_96 step %parallel_loop3A_97  : i32 {
      %parallel_loop3A_929 = arith.constant 64 : i32
      %parallel_loop3A_930 = arith.divsi %parallel_loop3A_928, %parallel_loop3A_929 : i32
      %parallel_loop3A_931 = arith.constant 0 : i32
      %parallel_loop3A_932 = arith.cmpi sgt, %parallel_loop3A_928, %parallel_loop3A_931 : i32
      %parallel_loop3A_933 = arith.extui %parallel_loop3A_932 : i1 to i32
      %parallel_loop3A_934 = arith.constant 0 : i32
      %parallel_loop3A_935 = arith.cmpi slt, %parallel_loop3A_928, %parallel_loop3A_934 : i32
      %parallel_loop3A_936 = arith.extui %parallel_loop3A_935 : i1 to i32
      %parallel_loop3A_937 = arith.subi %parallel_loop3A_933, %parallel_loop3A_936 : i32
      %parallel_loop3A_938 = arith.constant 0 : i32
      %parallel_loop3A_939 = arith.cmpi sgt, %parallel_loop3A_929, %parallel_loop3A_938 : i32
      %parallel_loop3A_940 = arith.extui %parallel_loop3A_939 : i1 to i32
      %parallel_loop3A_941 = arith.constant 0 : i32
      %parallel_loop3A_942 = arith.cmpi slt, %parallel_loop3A_929, %parallel_loop3A_941 : i32
      %parallel_loop3A_943 = arith.extui %parallel_loop3A_942 : i1 to i32
      %parallel_loop3A_944 = arith.subi %parallel_loop3A_940, %parallel_loop3A_943 : i32
      %parallel_loop3A_945 = arith.cmpi ne, %parallel_loop3A_937, %parallel_loop3A_944 : i32
      %parallel_loop3A_946 = arith.remsi %parallel_loop3A_928, %parallel_loop3A_929 : i32
      %parallel_loop3A_947 = arith.constant 0 : i32
      %parallel_loop3A_948 = arith.cmpi ne, %parallel_loop3A_946, %parallel_loop3A_947 : i32
      %parallel_loop3A_949 = arith.andi %parallel_loop3A_945, %parallel_loop3A_948 : i1
      %parallel_loop3A_950 = arith.constant 1 : i32
      %parallel_loop3A_951 = arith.subi %parallel_loop3A_930, %parallel_loop3A_950 : i32
      %parallel_loop3A_952 = arith.select %parallel_loop3A_949, %parallel_loop3A_951, %parallel_loop3A_930 : i32
      %parallel_loop3A_953 = arith.constant 64 : i32
      %parallel_loop3A_954 = arith.constant 0 : i32
      %parallel_loop3A_955 = arith.cmpi eq, %parallel_loop3A_953, %parallel_loop3A_954 : i32
      %parallel_loop3A_956 = arith.constant 1 : i32
      %parallel_loop3A_957 = arith.select %parallel_loop3A_955, %parallel_loop3A_956, %parallel_loop3A_953 : i32
      %parallel_loop3A_958 = arith.remsi %parallel_loop3A_928, %parallel_loop3A_957 : i32
      %parallel_loop3A_959 = arith.constant 0 : i32
      %parallel_loop3A_960 = arith.cmpi ne, %parallel_loop3A_958, %parallel_loop3A_959 : i32
      %parallel_loop3A_961 = arith.constant 0 : i32
      %parallel_loop3A_962 = arith.cmpi slt, %parallel_loop3A_958, %parallel_loop3A_961 : i32
      %parallel_loop3A_963 = arith.constant 0 : i32
      %parallel_loop3A_964 = arith.cmpi slt, %parallel_loop3A_957, %parallel_loop3A_963 : i32
      %parallel_loop3A_965 = arith.xori %parallel_loop3A_962, %parallel_loop3A_964 : i1
      %parallel_loop3A_966 = arith.andi %parallel_loop3A_965, %parallel_loop3A_960 : i1
      %parallel_loop3A_967 = arith.addi %parallel_loop3A_958, %parallel_loop3A_957 : i32
      %parallel_loop3A_968 = arith.select %parallel_loop3A_966, %parallel_loop3A_967, %parallel_loop3A_958 : i32
      %parallel_loop3A_969 = arith.constant 16 : i32
      %parallel_loop3A_970 = arith.muli %parallel_loop3A_968, %parallel_loop3A_969 : i32
      %parallel_loop3A_971 = arith.index_cast %parallel_loop3A_952 : i32 to index
      %parallel_loop3A_972 = arith.index_cast %parallel_loop3A_970 : i32 to index
      %parallel_loop3A_973 = tpu.vector_load %arg8[%parallel_loop3A_971, %parallel_loop3A_972] {strides = array<i32>} : memref<16x1024xf32, #tpu.memory_space<vmem>>, vector<1x16xf32>,
      %parallel_loop3A_974 = vector.shape_cast %parallel_loop3A_973 : vector<1x16xf32> to vector<16xf32>
      %parallel_loop3A_975 = arith.constant 16 : i32
      %parallel_loop3A_976 = arith.muli %parallel_loop3A_968, %parallel_loop3A_975 : i32
      %parallel_loop3A_977 = arith.index_cast %parallel_loop3A_952 : i32 to index
      %parallel_loop3A_978 = arith.index_cast %parallel_loop3A_976 : i32 to index
      %parallel_loop3A_979 = tpu.vector_load %arg12[%parallel_loop3A_977, %parallel_loop3A_978] {strides = array<i32>} : memref<16x1024xf32, #tpu.memory_space<vmem>>, vector<1x16xf32>,
      %parallel_loop3A_980 = vector.shape_cast %parallel_loop3A_979 : vector<1x16xf32> to vector<16xf32>
      %parallel_loop3A_981 = vector.shape_cast %parallel_loop3A_974 : vector<16xf32> to vector<1x16xf32>
      tpu.vector_store %arg12[%parallel_loop3A_977, %parallel_loop3A_978], %parallel_loop3A_981 {add = true, strides = array<i32>} : memref<16x1024xf32, #tpu.memory_space<vmem>>, vector<1x16xf32>,
    } {sc.loop_unroll_factor = 8 : i64, sc.parallel_access}
    %add3A_98 = arith.constant 8192 : i32
    %add3A_99 = arith.addi %add3A_98, %mul3A_2 : i32
    %add3A_100 = arith.constant 0 : i32
    %add3A_101 = arith.addi %add3A_99, %add3A_100 : i32
    %dma_start3A_102 = arith.constant 0 : i32
    %dma_start3A_103 = tpu.memref_slice %arg5[%add3A_101, %dma_start3A_102] : memref<16384x1024xf32, #tpu.memory_space<hbm>> -> memref<16x1024xf32, #tpu.memory_space<hbm>>
    %dma_start3A_104 = arith.constant 0 : i32
    %dma_start3A_105 = tpu.memref_slice %arg5[%add3A_101, %dma_start3A_104] : memref<16384x1024xf32, #tpu.memory_space<hbm>> -> memref<16x1024xf32, #tpu.memory_space<hbm>>
    tpu.enqueue_dma source(%arg12 : memref<16x1024xf32, #tpu.memory_space<vmem>>) target(%dma_start3A_105 : memref<16x1024xf32, #tpu.memory_space<hbm>>) target_semaphore(%arg20 : memref<!tpu.dma_semaphore, #tpu.memory_space<semaphore_mem>>)
    %dma_wait3A_106 = arith.constant 0 : i32
    %dma_wait3A_107 = tpu.memref_slice %arg5[%add3A_101, %dma_wait3A_106] : memref<16384x1024xf32, #tpu.memory_space<hbm>> -> memref<16x1024xf32, #tpu.memory_space<hbm>>
    %dma_wait3A_108 = arith.constant 0 : i32
    %dma_wait3A_109 = tpu.memref_slice %arg5[%add3A_101, %dma_wait3A_108] : memref<16384x1024xf32, #tpu.memory_space<hbm>> -> memref<16x1024xf32, #tpu.memory_space<hbm>>
    tpu.wait_dma2 semaphore(%arg20 : memref<!tpu.dma_semaphore, #tpu.memory_space<semaphore_mem>>) src(%arg12 : memref<16x1024xf32, #tpu.memory_space<vmem>>) dst(%dma_wait3A_109 : memref<16x1024xf32, #tpu.memory_space<hbm>>)
    %add3A_110 = arith.constant 4096 : i32
    %add3A_111 = arith.addi %add3A_110, %mul3A_2 : i32
    %add3A_112 = arith.constant 16 : i32
    %add3A_113 = arith.addi %add3A_111, %add3A_112 : i32
    %dma_start3A_114 = arith.constant 0 : i32
    %dma_start3A_115 = tpu.memref_slice %arg2[%add3A_113, %dma_start3A_114] : memref<16384x1024xf32, #tpu.memory_space<hbm>> -> memref<16x1024xf32, #tpu.memory_space<hbm>>
    %dma_start3A_116 = arith.constant 0 : i32
    %dma_start3A_117 = tpu.memref_slice %arg2[%add3A_113, %dma_start3A_116] : memref<16384x1024xf32, #tpu.memory_space<hbm>> -> memref<16x1024xf32, #tpu.memory_space<hbm>>
    tpu.enqueue_dma source(%dma_start3A_117 : memref<16x1024xf32, #tpu.memory_space<hbm>>) target(%arg12 : memref<16x1024xf32, #tpu.memory_space<vmem>>) target_semaphore(%arg17 : memref<!tpu.dma_semaphore, #tpu.memory_space<semaphore_mem>>)
    %dma_wait3A_118 = arith.constant 0 : i32
    %dma_wait3A_119 = tpu.memref_slice %arg2[%add3A_59, %dma_wait3A_118] : memref<16384x1024xf32, #tpu.memory_space<hbm>> -> memref<16x1024xf32, #tpu.memory_space<hbm>>
    %dma_wait3A_120 = arith.constant 0 : i32
    %dma_wait3A_121 = tpu.memref_slice %arg2[%add3A_59, %dma_wait3A_120] : memref<16384x1024xf32, #tpu.memory_space<hbm>> -> memref<16x1024xf32, #tpu.memory_space<hbm>>
    tpu.wait_dma2 semaphore(%arg15 : memref<!tpu.dma_semaphore, #tpu.memory_space<semaphore_mem>>) src(%dma_wait3A_121 : memref<16x1024xf32, #tpu.memory_space<hbm>>) dst(%arg10 : memref<16x1024xf32, #tpu.memory_space<vmem>>)
    %parallel_loop3A_122 = arith.constant 0 : i32
    %parallel_loop3A_123 = arith.constant 1024 : i32
    %parallel_loop3A_124 = arith.constant 1 : i32
    scf.for %parallel_loop3A_928 = %parallel_loop3A_122 to %parallel_loop3A_123 step %parallel_loop3A_124  : i32 {
      %parallel_loop3A_929 = arith.constant 64 : i32
      %parallel_loop3A_930 = arith.divsi %parallel_loop3A_928, %parallel_loop3A_929 : i32
      %parallel_loop3A_931 = arith.constant 0 : i32
      %parallel_loop3A_932 = arith.cmpi sgt, %parallel_loop3A_928, %parallel_loop3A_931 : i32
      %parallel_loop3A_933 = arith.extui %parallel_loop3A_932 : i1 to i32
      %parallel_loop3A_934 = arith.constant 0 : i32
      %parallel_loop3A_935 = arith.cmpi slt, %parallel_loop3A_928, %parallel_loop3A_934 : i32
      %parallel_loop3A_936 = arith.extui %parallel_loop3A_935 : i1 to i32
      %parallel_loop3A_937 = arith.subi %parallel_loop3A_933, %parallel_loop3A_936 : i32
      %parallel_loop3A_938 = arith.constant 0 : i32
      %parallel_loop3A_939 = arith.cmpi sgt, %parallel_loop3A_929, %parallel_loop3A_938 : i32
      %parallel_loop3A_940 = arith.extui %parallel_loop3A_939 : i1 to i32
      %parallel_loop3A_941 = arith.constant 0 : i32
      %parallel_loop3A_942 = arith.cmpi slt, %parallel_loop3A_929, %parallel_loop3A_941 : i32
      %parallel_loop3A_943 = arith.extui %parallel_loop3A_942 : i1 to i32
      %parallel_loop3A_944 = arith.subi %parallel_loop3A_940, %parallel_loop3A_943 : i32
      %parallel_loop3A_945 = arith.cmpi ne, %parallel_loop3A_937, %parallel_loop3A_944 : i32
      %parallel_loop3A_946 = arith.remsi %parallel_loop3A_928, %parallel_loop3A_929 : i32
      %parallel_loop3A_947 = arith.constant 0 : i32
      %parallel_loop3A_948 = arith.cmpi ne, %parallel_loop3A_946, %parallel_loop3A_947 : i32
      %parallel_loop3A_949 = arith.andi %parallel_loop3A_945, %parallel_loop3A_948 : i1
      %parallel_loop3A_950 = arith.constant 1 : i32
      %parallel_loop3A_951 = arith.subi %parallel_loop3A_930, %parallel_loop3A_950 : i32
      %parallel_loop3A_952 = arith.select %parallel_loop3A_949, %parallel_loop3A_951, %parallel_loop3A_930 : i32
      %parallel_loop3A_953 = arith.constant 64 : i32
      %parallel_loop3A_954 = arith.constant 0 : i32
      %parallel_loop3A_955 = arith.cmpi eq, %parallel_loop3A_953, %parallel_loop3A_954 : i32
      %parallel_loop3A_956 = arith.constant 1 : i32
      %parallel_loop3A_957 = arith.select %parallel_loop3A_955, %parallel_loop3A_956, %parallel_loop3A_953 : i32
      %parallel_loop3A_958 = arith.remsi %parallel_loop3A_928, %parallel_loop3A_957 : i32
      %parallel_loop3A_959 = arith.constant 0 : i32
      %parallel_loop3A_960 = arith.cmpi ne, %parallel_loop3A_958, %parallel_loop3A_959 : i32
      %parallel_loop3A_961 = arith.constant 0 : i32
      %parallel_loop3A_962 = arith.cmpi slt, %parallel_loop3A_958, %parallel_loop3A_961 : i32
      %parallel_loop3A_963 = arith.constant 0 : i32
      %parallel_loop3A_964 = arith.cmpi slt, %parallel_loop3A_957, %parallel_loop3A_963 : i32
      %parallel_loop3A_965 = arith.xori %parallel_loop3A_962, %parallel_loop3A_964 : i1
      %parallel_loop3A_966 = arith.andi %parallel_loop3A_965, %parallel_loop3A_960 : i1
      %parallel_loop3A_967 = arith.addi %parallel_loop3A_958, %parallel_loop3A_957 : i32
      %parallel_loop3A_968 = arith.select %parallel_loop3A_966, %parallel_loop3A_967, %parallel_loop3A_958 : i32
      %parallel_loop3A_969 = arith.constant 16 : i32
      %parallel_loop3A_970 = arith.muli %parallel_loop3A_968, %parallel_loop3A_969 : i32
      %parallel_loop3A_971 = arith.index_cast %parallel_loop3A_952 : i32 to index
      %parallel_loop3A_972 = arith.index_cast %parallel_loop3A_970 : i32 to index
      %parallel_loop3A_973 = tpu.vector_load %arg8[%parallel_loop3A_971, %parallel_loop3A_972] {strides = array<i32>} : memref<16x1024xf32, #tpu.memory_space<vmem>>, vector<1x16xf32>,
      %parallel_loop3A_974 = vector.shape_cast %parallel_loop3A_973 : vector<1x16xf32> to vector<16xf32>
      %parallel_loop3A_975 = arith.constant 16 : i32
      %parallel_loop3A_976 = arith.muli %parallel_loop3A_968, %parallel_loop3A_975 : i32
      %parallel_loop3A_977 = arith.index_cast %parallel_loop3A_952 : i32 to index
      %parallel_loop3A_978 = arith.index_cast %parallel_loop3A_976 : i32 to index
      %parallel_loop3A_979 = tpu.vector_load %arg10[%parallel_loop3A_977, %parallel_loop3A_978] {strides = array<i32>} : memref<16x1024xf32, #tpu.memory_space<vmem>>, vector<1x16xf32>,
      %parallel_loop3A_980 = vector.shape_cast %parallel_loop3A_979 : vector<1x16xf32> to vector<16xf32>
      %parallel_loop3A_981 = vector.shape_cast %parallel_loop3A_974 : vector<16xf32> to vector<1x16xf32>
      tpu.vector_store %arg10[%parallel_loop3A_977, %parallel_loop3A_978], %parallel_loop3A_981 {add = true, strides = array<i32>} : memref<16x1024xf32, #tpu.memory_space<vmem>>, vector<1x16xf32>,
    } {sc.loop_unroll_factor = 8 : i64, sc.parallel_access}
    %add3A_125 = arith.constant 12288 : i32
    %add3A_126 = arith.addi %add3A_125, %mul3A_2 : i32
    %add3A_127 = arith.constant 0 : i32
    %add3A_128 = arith.addi %add3A_126, %add3A_127 : i32
    %dma_start3A_129 = arith.constant 0 : i32
    %dma_start3A_130 = tpu.memref_slice %arg5[%add3A_128, %dma_start3A_129] : memref<16384x1024xf32, #tpu.memory_space<hbm>> -> memref<16x1024xf32, #tpu.memory_space<hbm>>
    %dma_start3A_131 = arith.constant 0 : i32
    %dma_start3A_132 = tpu.memref_slice %arg5[%add3A_128, %dma_start3A_131] : memref<16384x1024xf32, #tpu.memory_space<hbm>> -> memref<16x1024xf32, #tpu.memory_space<hbm>>
    tpu.enqueue_dma source(%arg10 : memref<16x1024xf32, #tpu.memory_space<vmem>>) target(%dma_start3A_132 : memref<16x1024xf32, #tpu.memory_space<hbm>>) target_semaphore(%arg18 : memref<!tpu.dma_semaphore, #tpu.memory_space<semaphore_mem>>)
    %dma_wait3A_133 = arith.constant 0 : i32
    %dma_wait3A_134 = arith.constant 0 : i32
    %dma_wait3A_135 = tpu.memref_slice %arg4[%dma_wait3A_133, %dma_wait3A_134] : memref<4096x1024xf32, #tpu.memory_space<hbm>> -> memref<4096x1024xf32, #tpu.memory_space<hbm>>
    tpu.wait_indirect_dma semaphore(%arg14 : memref<!tpu.dma_semaphore, #tpu.memory_space<semaphore_mem>>) src(%dma_wait3A_135 : memref<4096x1024xf32, #tpu.memory_space<hbm>>) dst(%arg9 : memref<16x1024xf32, #tpu.memory_space<vmem>>)
    %add3A_136 = arith.constant 32 : i32
    %add3A_137 = arith.addi %mul3A_2, %add3A_136 : i32
    "tpu.region"() ({
      %run_scoped3A = tpu.sem_alloc : memref<!tpu.dma_semaphore, #tpu.memory_space<semaphore_mem>>
      %dma_start3A_928 = tpu.memref_slice %arg3[%add3A_137] : memref<4096xi32, #tpu.memory_space<hbm>> -> memref<16xi32, #tpu.memory_space<hbm>>
      %dma_start3A_929 = tpu.memref_slice %arg3[%add3A_137] : memref<4096xi32, #tpu.memory_space<hbm>> -> memref<16xi32, #tpu.memory_space<hbm>>
      tpu.enqueue_dma source(%dma_start3A_929 : memref<16xi32, #tpu.memory_space<hbm>>) target(%arg6 : memref<16xi32, #tpu.memory_space<vmem>>) target_semaphore(%run_scoped3A : memref<!tpu.dma_semaphore, #tpu.memory_space<semaphore_mem>>)
      %dma_wait3A_930 = tpu.memref_slice %arg3[%add3A_137] : memref<4096xi32, #tpu.memory_space<hbm>> -> memref<16xi32, #tpu.memory_space<hbm>>
      %dma_wait3A_931 = tpu.memref_slice %arg3[%add3A_137] : memref<4096xi32, #tpu.memory_space<hbm>> -> memref<16xi32, #tpu.memory_space<hbm>>
      tpu.wait_dma2 semaphore(%run_scoped3A : memref<!tpu.dma_semaphore, #tpu.memory_space<semaphore_mem>>) src(%dma_wait3A_931 : memref<16xi32, #tpu.memory_space<hbm>>) dst(%arg6 : memref<16xi32, #tpu.memory_space<vmem>>)
      tpu.yield
    }) : () -> ()
    %dma_start3A_138 = arith.constant 0 : i32
    %dma_start3A_139 = arith.constant 0 : i32
    %dma_start3A_140 = tpu.memref_slice %arg4[%dma_start3A_138, %dma_start3A_139] : memref<4096x1024xf32, #tpu.memory_space<hbm>> -> memref<4096x1024xf32, #tpu.memory_space<hbm>>
    tpu.enqueue_indirect_dma source(%dma_start3A_140 : memref<4096x1024xf32, #tpu.memory_space<hbm>>) target(%arg8 : memref<16x1024xf32, #tpu.memory_space<vmem>>) offsets(%arg6 : memref<16xi32, #tpu.memory_space<vmem>>) semaphore(%arg13 : memref<!tpu.dma_semaphore, #tpu.memory_space<semaphore_mem>>)
    %dma_wait3A_141 = arith.constant 0 : i32
    %dma_wait3A_142 = tpu.memref_slice %arg5[%add3A_128, %dma_wait3A_141] : memref<16384x1024xf32, #tpu.memory_space<hbm>> -> memref<16x1024xf32, #tpu.memory_space<hbm>>
    %dma_wait3A_143 = arith.constant 0 : i32
    %dma_wait3A_144 = tpu.memref_slice %arg5[%add3A_128, %dma_wait3A_143] : memref<16384x1024xf32, #tpu.memory_space<hbm>> -> memref<16x1024xf32, #tpu.memory_space<hbm>>
    tpu.wait_dma2 semaphore(%arg18 : memref<!tpu.dma_semaphore, #tpu.memory_space<semaphore_mem>>) src(%arg10 : memref<16x1024xf32, #tpu.memory_space<vmem>>) dst(%dma_wait3A_144 : memref<16x1024xf32, #tpu.memory_space<hbm>>)
    %add3A_145 = arith.constant 8192 : i32
    %add3A_146 = arith.addi %add3A_145, %mul3A_2 : i32
    %add3A_147 = arith.constant 16 : i32
    %add3A_148 = arith.addi %add3A_146, %add3A_147 : i32
    %dma_start3A_149 = arith.constant 0 : i32
    %dma_start3A_150 = tpu.memref_slice %arg2[%add3A_148, %dma_start3A_149] : memref<16384x1024xf32, #tpu.memory_space<hbm>> -> memref<16x1024xf32, #tpu.memory_space<hbm>>
    %dma_start3A_151 = arith.constant 0 : i32
    %dma_start3A_152 = tpu.memref_slice %arg2[%add3A_148, %dma_start3A_151] : memref<16384x1024xf32, #tpu.memory_space<hbm>> -> memref<16x1024xf32, #tpu.memory_space<hbm>>
    tpu.enqueue_dma source(%dma_start3A_152 : memref<16x1024xf32, #tpu.memory_space<hbm>>) target(%arg10 : memref<16x1024xf32, #tpu.memory_space<vmem>>) target_semaphore(%arg15 : memref<!tpu.dma_semaphore, #tpu.memory_space<semaphore_mem>>)
    %dma_wait3A_153 = arith.constant 0 : i32
    %dma_wait3A_154 = tpu.memref_slice %arg2[%add3A_86, %dma_wait3A_153] : memref<16384x1024xf32, #tpu.memory_space<hbm>> -> memref<16x1024xf32, #tpu.memory_space<hbm>>
    %dma_wait3A_155 = arith.constant 0 : i32
    %dma_wait3A_156 = tpu.memref_slice %arg2[%add3A_86, %dma_wait3A_155] : memref<16384x1024xf32, #tpu.memory_space<hbm>> -> memref<16x1024xf32, #tpu.memory_space<hbm>>
    tpu.wait_dma2 semaphore(%arg16 : memref<!tpu.dma_semaphore, #tpu.memory_space<semaphore_mem>>) src(%dma_wait3A_156 : memref<16x1024xf32, #tpu.memory_space<hbm>>) dst(%arg11 : memref<16x1024xf32, #tpu.memory_space<vmem>>)
    %parallel_loop3A_157 = arith.constant 0 : i32
    %parallel_loop3A_158 = arith.constant 1024 : i32
    %parallel_loop3A_159 = arith.constant 1 : i32
    scf.for %parallel_loop3A_928 = %parallel_loop3A_157 to %parallel_loop3A_158 step %parallel_loop3A_159  : i32 {
      %parallel_loop3A_929 = arith.constant 64 : i32
      %parallel_loop3A_930 = arith.divsi %parallel_loop3A_928, %parallel_loop3A_929 : i32
      %parallel_loop3A_931 = arith.constant 0 : i32
      %parallel_loop3A_932 = arith.cmpi sgt, %parallel_loop3A_928, %parallel_loop3A_931 : i32
      %parallel_loop3A_933 = arith.extui %parallel_loop3A_932 : i1 to i32
      %parallel_loop3A_934 = arith.constant 0 : i32
      %parallel_loop3A_935 = arith.cmpi slt, %parallel_loop3A_928, %parallel_loop3A_934 : i32
      %parallel_loop3A_936 = arith.extui %parallel_loop3A_935 : i1 to i32
      %parallel_loop3A_937 = arith.subi %parallel_loop3A_933, %parallel_loop3A_936 : i32
      %parallel_loop3A_938 = arith.constant 0 : i32
      %parallel_loop3A_939 = arith.cmpi sgt, %parallel_loop3A_929, %parallel_loop3A_938 : i32
      %parallel_loop3A_940 = arith.extui %parallel_loop3A_939 : i1 to i32
      %parallel_loop3A_941 = arith.constant 0 : i32
      %parallel_loop3A_942 = arith.cmpi slt, %parallel_loop3A_929, %parallel_loop3A_941 : i32
      %parallel_loop3A_943 = arith.extui %parallel_loop3A_942 : i1 to i32
      %parallel_loop3A_944 = arith.subi %parallel_loop3A_940, %parallel_loop3A_943 : i32
      %parallel_loop3A_945 = arith.cmpi ne, %parallel_loop3A_937, %parallel_loop3A_944 : i32
      %parallel_loop3A_946 = arith.remsi %parallel_loop3A_928, %parallel_loop3A_929 : i32
      %parallel_loop3A_947 = arith.constant 0 : i32
      %parallel_loop3A_948 = arith.cmpi ne, %parallel_loop3A_946, %parallel_loop3A_947 : i32
      %parallel_loop3A_949 = arith.andi %parallel_loop3A_945, %parallel_loop3A_948 : i1
      %parallel_loop3A_950 = arith.constant 1 : i32
      %parallel_loop3A_951 = arith.subi %parallel_loop3A_930, %parallel_loop3A_950 : i32
      %parallel_loop3A_952 = arith.select %parallel_loop3A_949, %parallel_loop3A_951, %parallel_loop3A_930 : i32
      %parallel_loop3A_953 = arith.constant 64 : i32
      %parallel_loop3A_954 = arith.constant 0 : i32
      %parallel_loop3A_955 = arith.cmpi eq, %parallel_loop3A_953, %parallel_loop3A_954 : i32
      %parallel_loop3A_956 = arith.constant 1 : i32
      %parallel_loop3A_957 = arith.select %parallel_loop3A_955, %parallel_loop3A_956, %parallel_loop3A_953 : i32
      %parallel_loop3A_958 = arith.remsi %parallel_loop3A_928, %parallel_loop3A_957 : i32
      %parallel_loop3A_959 = arith.constant 0 : i32
      %parallel_loop3A_960 = arith.cmpi ne, %parallel_loop3A_958, %parallel_loop3A_959 : i32
      %parallel_loop3A_961 = arith.constant 0 : i32
      %parallel_loop3A_962 = arith.cmpi slt, %parallel_loop3A_958, %parallel_loop3A_961 : i32
      %parallel_loop3A_963 = arith.constant 0 : i32
      %parallel_loop3A_964 = arith.cmpi slt, %parallel_loop3A_957, %parallel_loop3A_963 : i32
      %parallel_loop3A_965 = arith.xori %parallel_loop3A_962, %parallel_loop3A_964 : i1
      %parallel_loop3A_966 = arith.andi %parallel_loop3A_965, %parallel_loop3A_960 : i1
      %parallel_loop3A_967 = arith.addi %parallel_loop3A_958, %parallel_loop3A_957 : i32
      %parallel_loop3A_968 = arith.select %parallel_loop3A_966, %parallel_loop3A_967, %parallel_loop3A_958 : i32
      %parallel_loop3A_969 = arith.constant 16 : i32
      %parallel_loop3A_970 = arith.muli %parallel_loop3A_968, %parallel_loop3A_969 : i32
      %parallel_loop3A_971 = arith.index_cast %parallel_loop3A_952 : i32 to index
      %parallel_loop3A_972 = arith.index_cast %parallel_loop3A_970 : i32 to index
      %parallel_loop3A_973 = tpu.vector_load %arg9[%parallel_loop3A_971, %parallel_loop3A_972] {strides = array<i32>} : memref<16x1024xf32, #tpu.memory_space<vmem>>, vector<1x16xf32>,
      %parallel_loop3A_974 = vector.shape_cast %parallel_loop3A_973 : vector<1x16xf32> to vector<16xf32>
      %parallel_loop3A_975 = arith.constant 16 : i32
      %parallel_loop3A_976 = arith.muli %parallel_loop3A_968, %parallel_loop3A_975 : i32
      %parallel_loop3A_977 = arith.index_cast %parallel_loop3A_952 : i32 to index
      %parallel_loop3A_978 = arith.index_cast %parallel_loop3A_976 : i32 to index
      %parallel_loop3A_979 = tpu.vector_load %arg11[%parallel_loop3A_977, %parallel_loop3A_978] {strides = array<i32>} : memref<16x1024xf32, #tpu.memory_space<vmem>>, vector<1x16xf32>,
      %parallel_loop3A_980 = vector.shape_cast %parallel_loop3A_979 : vector<1x16xf32> to vector<16xf32>
      %parallel_loop3A_981 = vector.shape_cast %parallel_loop3A_974 : vector<16xf32> to vector<1x16xf32>
      tpu.vector_store %arg11[%parallel_loop3A_977, %parallel_loop3A_978], %parallel_loop3A_981 {add = true, strides = array<i32>} : memref<16x1024xf32, #tpu.memory_space<vmem>>, vector<1x16xf32>,
    } {sc.loop_unroll_factor = 8 : i64, sc.parallel_access}
    %add3A_160 = arith.constant 0 : i32
    %add3A_161 = arith.addi %add3A_160, %mul3A_2 : i32
    %add3A_162 = arith.constant 16 : i32
    %add3A_163 = arith.addi %add3A_161, %add3A_162 : i32
    %dma_start3A_164 = arith.constant 0 : i32
    %dma_start3A_165 = tpu.memref_slice %arg5[%add3A_163, %dma_start3A_164] : memref<16384x1024xf32, #tpu.memory_space<hbm>> -> memref<16x1024xf32, #tpu.memory_space<hbm>>
    %dma_start3A_166 = arith.constant 0 : i32
    %dma_start3A_167 = tpu.memref_slice %arg5[%add3A_163, %dma_start3A_166] : memref<16384x1024xf32, #tpu.memory_space<hbm>> -> memref<16x1024xf32, #tpu.memory_space<hbm>>
    tpu.enqueue_dma source(%arg11 : memref<16x1024xf32, #tpu.memory_space<vmem>>) target(%dma_start3A_167 : memref<16x1024xf32, #tpu.memory_space<hbm>>) target_semaphore(%arg19 : memref<!tpu.dma_semaphore, #tpu.memory_space<semaphore_mem>>)
    %dma_wait3A_168 = arith.constant 0 : i32
    %dma_wait3A_169 = tpu.memref_slice %arg5[%add3A_163, %dma_wait3A_168] : memref<16384x1024xf32, #tpu.memory_space<hbm>> -> memref<16x1024xf32, #tpu.memory_space<hbm>>
    %dma_wait3A_170 = arith.constant 0 : i32
    %dma_wait3A_171 = tpu.memref_slice %arg5[%add3A_163, %dma_wait3A_170] : memref<16384x1024xf32, #tpu.memory_space<hbm>> -> memref<16x1024xf32, #tpu.memory_space<hbm>>
    tpu.wait_dma2 semaphore(%arg19 : memref<!tpu.dma_semaphore, #tpu.memory_space<semaphore_mem>>) src(%arg11 : memref<16x1024xf32, #tpu.memory_space<vmem>>) dst(%dma_wait3A_171 : memref<16x1024xf32, #tpu.memory_space<hbm>>)
    %add3A_172 = arith.constant 12288 : i32
    %add3A_173 = arith.addi %add3A_172, %mul3A_2 : i32
    %add3A_174 = arith.constant 16 : i32
    %add3A_175 = arith.addi %add3A_173, %add3A_174 : i32
    %dma_start3A_176 = arith.constant 0 : i32
    %dma_start3A_177 = tpu.memref_slice %arg2[%add3A_175, %dma_start3A_176] : memref<16384x1024xf32, #tpu.memory_space<hbm>> -> memref<16x1024xf32, #tpu.memory_space<hbm>>
    %dma_start3A_178 = arith.constant 0 : i32
    %dma_start3A_179 = tpu.memref_slice %arg2[%add3A_175, %dma_start3A_178] : memref<16384x1024xf32, #tpu.memory_space<hbm>> -> memref<16x1024xf32, #tpu.memory_space<hbm>>
    tpu.enqueue_dma source(%dma_start3A_179 : memref<16x1024xf32, #tpu.memory_space<hbm>>) target(%arg11 : memref<16x1024xf32, #tpu.memory_space<vmem>>) target_semaphore(%arg16 : memref<!tpu.dma_semaphore, #tpu.memory_space<semaphore_mem>>)
    %dma_wait3A_180 = arith.constant 0 : i32
    %dma_wait3A_181 = tpu.memref_slice %arg2[%add3A_113, %dma_wait3A_180] : memref<16384x1024xf32, #tpu.memory_space<hbm>> -> memref<16x1024xf32, #tpu.memory_space<hbm>>
    %dma_wait3A_182 = arith.constant 0 : i32
    %dma_wait3A_183 = tpu.memref_slice %arg2[%add3A_113, %dma_wait3A_182] : memref<16384x1024xf32, #tpu.memory_space<hbm>> -> memref<16x1024xf32, #tpu.memory_space<hbm>>
    tpu.wait_dma2 semaphore(%arg17 : memref<!tpu.dma_semaphore, #tpu.memory_space<semaphore_mem>>) src(%dma_wait3A_183 : memref<16x1024xf32, #tpu.memory_space<hbm>>) dst(%arg12 : memref<16x1024xf32, #tpu.memory_space<vmem>>)
    %parallel_loop3A_184 = arith.constant 0 : i32
    %parallel_loop3A_185 = arith.constant 1024 : i32
    %parallel_loop3A_186 = arith.constant 1 : i32
    scf.for %parallel_loop3A_928 = %parallel_loop3A_184 to %parallel_loop3A_185 step %parallel_loop3A_186  : i32 {
      %parallel_loop3A_929 = arith.constant 64 : i32
      %parallel_loop3A_930 = arith.divsi %parallel_loop3A_928, %parallel_loop3A_929 : i32
      %parallel_loop3A_931 = arith.constant 0 : i32
      %parallel_loop3A_932 = arith.cmpi sgt, %parallel_loop3A_928, %parallel_loop3A_931 : i32
      %parallel_loop3A_933 = arith.extui %parallel_loop3A_932 : i1 to i32
      %parallel_loop3A_934 = arith.constant 0 : i32
      %parallel_loop3A_935 = arith.cmpi slt, %parallel_loop3A_928, %parallel_loop3A_934 : i32
      %parallel_loop3A_936 = arith.extui %parallel_loop3A_935 : i1 to i32
      %parallel_loop3A_937 = arith.subi %parallel_loop3A_933, %parallel_loop3A_936 : i32
      %parallel_loop3A_938 = arith.constant 0 : i32
      %parallel_loop3A_939 = arith.cmpi sgt, %parallel_loop3A_929, %parallel_loop3A_938 : i32
      %parallel_loop3A_940 = arith.extui %parallel_loop3A_939 : i1 to i32
      %parallel_loop3A_941 = arith.constant 0 : i32
      %parallel_loop3A_942 = arith.cmpi slt, %parallel_loop3A_929, %parallel_loop3A_941 : i32
      %parallel_loop3A_943 = arith.extui %parallel_loop3A_942 : i1 to i32
      %parallel_loop3A_944 = arith.subi %parallel_loop3A_940, %parallel_loop3A_943 : i32
      %parallel_loop3A_945 = arith.cmpi ne, %parallel_loop3A_937, %parallel_loop3A_944 : i32
      %parallel_loop3A_946 = arith.remsi %parallel_loop3A_928, %parallel_loop3A_929 : i32
      %parallel_loop3A_947 = arith.constant 0 : i32
      %parallel_loop3A_948 = arith.cmpi ne, %parallel_loop3A_946, %parallel_loop3A_947 : i32
      %parallel_loop3A_949 = arith.andi %parallel_loop3A_945, %parallel_loop3A_948 : i1
      %parallel_loop3A_950 = arith.constant 1 : i32
      %parallel_loop3A_951 = arith.subi %parallel_loop3A_930, %parallel_loop3A_950 : i32
      %parallel_loop3A_952 = arith.select %parallel_loop3A_949, %parallel_loop3A_951, %parallel_loop3A_930 : i32
      %parallel_loop3A_953 = arith.constant 64 : i32
      %parallel_loop3A_954 = arith.constant 0 : i32
      %parallel_loop3A_955 = arith.cmpi eq, %parallel_loop3A_953, %parallel_loop3A_954 : i32
      %parallel_loop3A_956 = arith.constant 1 : i32
      %parallel_loop3A_957 = arith.select %parallel_loop3A_955, %parallel_loop3A_956, %parallel_loop3A_953 : i32
      %parallel_loop3A_958 = arith.remsi %parallel_loop3A_928, %parallel_loop3A_957 : i32
      %parallel_loop3A_959 = arith.constant 0 : i32
      %parallel_loop3A_960 = arith.cmpi ne, %parallel_loop3A_958, %parallel_loop3A_959 : i32
      %parallel_loop3A_961 = arith.constant 0 : i32
      %parallel_loop3A_962 = arith.cmpi slt, %parallel_loop3A_958, %parallel_loop3A_961 : i32
      %parallel_loop3A_963 = arith.constant 0 : i32
      %parallel_loop3A_964 = arith.cmpi slt, %parallel_loop3A_957, %parallel_loop3A_963 : i32
      %parallel_loop3A_965 = arith.xori %parallel_loop3A_962, %parallel_loop3A_964 : i1
      %parallel_loop3A_966 = arith.andi %parallel_loop3A_965, %parallel_loop3A_960 : i1
      %parallel_loop3A_967 = arith.addi %parallel_loop3A_958, %parallel_loop3A_957 : i32
      %parallel_loop3A_968 = arith.select %parallel_loop3A_966, %parallel_loop3A_967, %parallel_loop3A_958 : i32
      %parallel_loop3A_969 = arith.constant 16 : i32
      %parallel_loop3A_970 = arith.muli %parallel_loop3A_968, %parallel_loop3A_969 : i32
      %parallel_loop3A_971 = arith.index_cast %parallel_loop3A_952 : i32 to index
      %parallel_loop3A_972 = arith.index_cast %parallel_loop3A_970 : i32 to index
      %parallel_loop3A_973 = tpu.vector_load %arg9[%parallel_loop3A_971, %parallel_loop3A_972] {strides = array<i32>} : memref<16x1024xf32, #tpu.memory_space<vmem>>, vector<1x16xf32>,
      %parallel_loop3A_974 = vector.shape_cast %parallel_loop3A_973 : vector<1x16xf32> to vector<16xf32>
      %parallel_loop3A_975 = arith.constant 16 : i32
      %parallel_loop3A_976 = arith.muli %parallel_loop3A_968, %parallel_loop3A_975 : i32
      %parallel_loop3A_977 = arith.index_cast %parallel_loop3A_952 : i32 to index
      %parallel_loop3A_978 = arith.index_cast %parallel_loop3A_976 : i32 to index
      %parallel_loop3A_979 = tpu.vector_load %arg12[%parallel_loop3A_977, %parallel_loop3A_978] {strides = array<i32>} : memref<16x1024xf32, #tpu.memory_space<vmem>>, vector<1x16xf32>,
      %parallel_loop3A_980 = vector.shape_cast %parallel_loop3A_979 : vector<1x16xf32> to vector<16xf32>
      %parallel_loop3A_981 = vector.shape_cast %parallel_loop3A_974 : vector<16xf32> to vector<1x16xf32>
      tpu.vector_store %arg12[%parallel_loop3A_977, %parallel_loop3A_978], %parallel_loop3A_981 {add = true, strides = array<i32>} : memref<16x1024xf32, #tpu.memory_space<vmem>>, vector<1x16xf32>,
    } {sc.loop_unroll_factor = 8 : i64, sc.parallel_access}
    %add3A_187 = arith.constant 4096 : i32
    %add3A_188 = arith.addi %add3A_187, %mul3A_2 : i32
    %add3A_189 = arith.constant 16 : i32
    %add3A_190 = arith.addi %add3A_188, %add3A_189 : i32
    %dma_start3A_191 = arith.constant 0 : i32
    %dma_start3A_192 = tpu.memref_slice %arg5[%add3A_190, %dma_start3A_191] : memref<16384x1024xf32, #tpu.memory_space<hbm>> -> memref<16x1024xf32, #tpu.memory_space<hbm>>
    %dma_start3A_193 = arith.constant 0 : i32
    %dma_start3A_194 = tpu.memref_slice %arg5[%add3A_190, %dma_start3A_193] : memref<16384x1024xf32, #tpu.memory_space<hbm>> -> memref<16x1024xf32, #tpu.memory_space<hbm>>
    tpu.enqueue_dma source(%arg12 : memref<16x1024xf32, #tpu.memory_space<vmem>>) target(%dma_start3A_194 : memref<16x1024xf32, #tpu.memory_space<hbm>>) target_semaphore(%arg20 : memref<!tpu.dma_semaphore, #tpu.memory_space<semaphore_mem>>)
    %dma_wait3A_195 = arith.constant 0 : i32
    %dma_wait3A_196 = tpu.memref_slice %arg5[%add3A_190, %dma_wait3A_195] : memref<16384x1024xf32, #tpu.memory_space<hbm>> -> memref<16x1024xf32, #tpu.memory_space<hbm>>
    %dma_wait3A_197 = arith.constant 0 : i32
    %dma_wait3A_198 = tpu.memref_slice %arg5[%add3A_190, %dma_wait3A_197] : memref<16384x1024xf32, #tpu.memory_space<hbm>> -> memref<16x1024xf32, #tpu.memory_space<hbm>>
    tpu.wait_dma2 semaphore(%arg20 : memref<!tpu.dma_semaphore, #tpu.memory_space<semaphore_mem>>) src(%arg12 : memref<16x1024xf32, #tpu.memory_space<vmem>>) dst(%dma_wait3A_198 : memref<16x1024xf32, #tpu.memory_space<hbm>>)
    %add3A_199 = arith.constant 0 : i32
    %add3A_200 = arith.addi %add3A_199, %mul3A_2 : i32
    %add3A_201 = arith.constant 32 : i32
    %add3A_202 = arith.addi %add3A_200, %add3A_201 : i32
    %dma_start3A_203 = arith.constant 0 : i32
    %dma_start3A_204 = tpu.memref_slice %arg2[%add3A_202, %dma_start3A_203] : memref<16384x1024xf32, #tpu.memory_space<hbm>> -> memref<16x1024xf32, #tpu.memory_space<hbm>>
    %dma_start3A_205 = arith.constant 0 : i32
    %dma_start3A_206 = tpu.memref_slice %arg2[%add3A_202, %dma_start3A_205] : memref<16384x1024xf32, #tpu.memory_space<hbm>> -> memref<16x1024xf32, #tpu.memory_space<hbm>>
    tpu.enqueue_dma source(%dma_start3A_206 : memref<16x1024xf32, #tpu.memory_space<hbm>>) target(%arg12 : memref<16x1024xf32, #tpu.memory_space<vmem>>) target_semaphore(%arg17 : memref<!tpu.dma_semaphore, #tpu.memory_space<semaphore_mem>>)
    %dma_wait3A_207 = arith.constant 0 : i32
    %dma_wait3A_208 = tpu.memref_slice %arg2[%add3A_148, %dma_wait3A_207] : memref<16384x1024xf32, #tpu.memory_space<hbm>> -> memref<16x1024xf32, #tpu.memory_space<hbm>>
    %dma_wait3A_209 = arith.constant 0 : i32
    %dma_wait3A_210 = tpu.memref_slice %arg2[%add3A_148, %dma_wait3A_209] : memref<16384x1024xf32, #tpu.memory_space<hbm>> -> memref<16x1024xf32, #tpu.memory_space<hbm>>
    tpu.wait_dma2 semaphore(%arg15 : memref<!tpu.dma_semaphore, #tpu.memory_space<semaphore_mem>>) src(%dma_wait3A_210 : memref<16x1024xf32, #tpu.memory_space<hbm>>) dst(%arg10 : memref<16x1024xf32, #tpu.memory_space<vmem>>)
    %parallel_loop3A_211 = arith.constant 0 : i32
    %parallel_loop3A_212 = arith.constant 1024 : i32
    %parallel_loop3A_213 = arith.constant 1 : i32
    scf.for %parallel_loop3A_928 = %parallel_loop3A_211 to %parallel_loop3A_212 step %parallel_loop3A_213  : i32 {
      %parallel_loop3A_929 = arith.constant 64 : i32
      %parallel_loop3A_930 = arith.divsi %parallel_loop3A_928, %parallel_loop3A_929 : i32
      %parallel_loop3A_931 = arith.constant 0 : i32
      %parallel_loop3A_932 = arith.cmpi sgt, %parallel_loop3A_928, %parallel_loop3A_931 : i32
      %parallel_loop3A_933 = arith.extui %parallel_loop3A_932 : i1 to i32
      %parallel_loop3A_934 = arith.constant 0 : i32
      %parallel_loop3A_935 = arith.cmpi slt, %parallel_loop3A_928, %parallel_loop3A_934 : i32
      %parallel_loop3A_936 = arith.extui %parallel_loop3A_935 : i1 to i32
      %parallel_loop3A_937 = arith.subi %parallel_loop3A_933, %parallel_loop3A_936 : i32
      %parallel_loop3A_938 = arith.constant 0 : i32
      %parallel_loop3A_939 = arith.cmpi sgt, %parallel_loop3A_929, %parallel_loop3A_938 : i32
      %parallel_loop3A_940 = arith.extui %parallel_loop3A_939 : i1 to i32
      %parallel_loop3A_941 = arith.constant 0 : i32
      %parallel_loop3A_942 = arith.cmpi slt, %parallel_loop3A_929, %parallel_loop3A_941 : i32
      %parallel_loop3A_943 = arith.extui %parallel_loop3A_942 : i1 to i32
      %parallel_loop3A_944 = arith.subi %parallel_loop3A_940, %parallel_loop3A_943 : i32
      %parallel_loop3A_945 = arith.cmpi ne, %parallel_loop3A_937, %parallel_loop3A_944 : i32
      %parallel_loop3A_946 = arith.remsi %parallel_loop3A_928, %parallel_loop3A_929 : i32
      %parallel_loop3A_947 = arith.constant 0 : i32
      %parallel_loop3A_948 = arith.cmpi ne, %parallel_loop3A_946, %parallel_loop3A_947 : i32
      %parallel_loop3A_949 = arith.andi %parallel_loop3A_945, %parallel_loop3A_948 : i1
      %parallel_loop3A_950 = arith.constant 1 : i32
      %parallel_loop3A_951 = arith.subi %parallel_loop3A_930, %parallel_loop3A_950 : i32
      %parallel_loop3A_952 = arith.select %parallel_loop3A_949, %parallel_loop3A_951, %parallel_loop3A_930 : i32
      %parallel_loop3A_953 = arith.constant 64 : i32
      %parallel_loop3A_954 = arith.constant 0 : i32
      %parallel_loop3A_955 = arith.cmpi eq, %parallel_loop3A_953, %parallel_loop3A_954 : i32
      %parallel_loop3A_956 = arith.constant 1 : i32
      %parallel_loop3A_957 = arith.select %parallel_loop3A_955, %parallel_loop3A_956, %parallel_loop3A_953 : i32
      %parallel_loop3A_958 = arith.remsi %parallel_loop3A_928, %parallel_loop3A_957 : i32
      %parallel_loop3A_959 = arith.constant 0 : i32
      %parallel_loop3A_960 = arith.cmpi ne, %parallel_loop3A_958, %parallel_loop3A_959 : i32
      %parallel_loop3A_961 = arith.constant 0 : i32
      %parallel_loop3A_962 = arith.cmpi slt, %parallel_loop3A_958, %parallel_loop3A_961 : i32
      %parallel_loop3A_963 = arith.constant 0 : i32
      %parallel_loop3A_964 = arith.cmpi slt, %parallel_loop3A_957, %parallel_loop3A_963 : i32
      %parallel_loop3A_965 = arith.xori %parallel_loop3A_962, %parallel_loop3A_964 : i1
      %parallel_loop3A_966 = arith.andi %parallel_loop3A_965, %parallel_loop3A_960 : i1
      %parallel_loop3A_967 = arith.addi %parallel_loop3A_958, %parallel_loop3A_957 : i32
      %parallel_loop3A_968 = arith.select %parallel_loop3A_966, %parallel_loop3A_967, %parallel_loop3A_958 : i32
      %parallel_loop3A_969 = arith.constant 16 : i32
      %parallel_loop3A_970 = arith.muli %parallel_loop3A_968, %parallel_loop3A_969 : i32
      %parallel_loop3A_971 = arith.index_cast %parallel_loop3A_952 : i32 to index
      %parallel_loop3A_972 = arith.index_cast %parallel_loop3A_970 : i32 to index
      %parallel_loop3A_973 = tpu.vector_load %arg9[%parallel_loop3A_971, %parallel_loop3A_972] {strides = array<i32>} : memref<16x1024xf32, #tpu.memory_space<vmem>>, vector<1x16xf32>,
      %parallel_loop3A_974 = vector.shape_cast %parallel_loop3A_973 : vector<1x16xf32> to vector<16xf32>
      %parallel_loop3A_975 = arith.constant 16 : i32
      %parallel_loop3A_976 = arith.muli %parallel_loop3A_968, %parallel_loop3A_975 : i32
      %parallel_loop3A_977 = arith.index_cast %parallel_loop3A_952 : i32 to index
      %parallel_loop3A_978 = arith.index_cast %parallel_loop3A_976 : i32 to index
      %parallel_loop3A_979 = tpu.vector_load %arg10[%parallel_loop3A_977, %parallel_loop3A_978] {strides = array<i32>} : memref<16x1024xf32, #tpu.memory_space<vmem>>, vector<1x16xf32>,
      %parallel_loop3A_980 = vector.shape_cast %parallel_loop3A_979 : vector<1x16xf32> to vector<16xf32>
      %parallel_loop3A_981 = vector.shape_cast %parallel_loop3A_974 : vector<16xf32> to vector<1x16xf32>
      tpu.vector_store %arg10[%parallel_loop3A_977, %parallel_loop3A_978], %parallel_loop3A_981 {add = true, strides = array<i32>} : memref<16x1024xf32, #tpu.memory_space<vmem>>, vector<1x16xf32>,
    } {sc.loop_unroll_factor = 8 : i64, sc.parallel_access}
    %add3A_214 = arith.constant 8192 : i32
    %add3A_215 = arith.addi %add3A_214, %mul3A_2 : i32
    %add3A_216 = arith.constant 16 : i32
    %add3A_217 = arith.addi %add3A_215, %add3A_216 : i32
    %dma_start3A_218 = arith.constant 0 : i32
    %dma_start3A_219 = tpu.memref_slice %arg5[%add3A_217, %dma_start3A_218] : memref<16384x1024xf32, #tpu.memory_space<hbm>> -> memref<16x1024xf32, #tpu.memory_space<hbm>>
    %dma_start3A_220 = arith.constant 0 : i32
    %dma_start3A_221 = tpu.memref_slice %arg5[%add3A_217, %dma_start3A_220] : memref<16384x1024xf32, #tpu.memory_space<hbm>> -> memref<16x1024xf32, #tpu.memory_space<hbm>>
    tpu.enqueue_dma source(%arg10 : memref<16x1024xf32, #tpu.memory_space<vmem>>) target(%dma_start3A_221 : memref<16x1024xf32, #tpu.memory_space<hbm>>) target_semaphore(%arg18 : memref<!tpu.dma_semaphore, #tpu.memory_space<semaphore_mem>>)
    %dma_wait3A_222 = arith.constant 0 : i32
    %dma_wait3A_223 = tpu.memref_slice %arg5[%add3A_217, %dma_wait3A_222] : memref<16384x1024xf32, #tpu.memory_space<hbm>> -> memref<16x1024xf32, #tpu.memory_space<hbm>>
    %dma_wait3A_224 = arith.constant 0 : i32
    %dma_wait3A_225 = tpu.memref_slice %arg5[%add3A_217, %dma_wait3A_224] : memref<16384x1024xf32, #tpu.memory_space<hbm>> -> memref<16x1024xf32, #tpu.memory_space<hbm>>
    tpu.wait_dma2 semaphore(%arg18 : memref<!tpu.dma_semaphore, #tpu.memory_space<semaphore_mem>>) src(%arg10 : memref<16x1024xf32, #tpu.memory_space<vmem>>) dst(%dma_wait3A_225 : memref<16x1024xf32, #tpu.memory_space<hbm>>)
    %add3A_226 = arith.constant 4096 : i32
    %add3A_227 = arith.addi %add3A_226, %mul3A_2 : i32
    %add3A_228 = arith.constant 32 : i32
    %add3A_229 = arith.addi %add3A_227, %add3A_228 : i32
    %dma_start3A_230 = arith.constant 0 : i32
    %dma_start3A_231 = tpu.memref_slice %arg2[%add3A_229, %dma_start3A_230] : memref<16384x1024xf32, #tpu.memory_space<hbm>> -> memref<16x1024xf32, #tpu.memory_space<hbm>>
    %dma_start3A_232 = arith.constant 0 : i32
    %dma_start3A_233 = tpu.memref_slice %arg2[%add3A_229, %dma_start3A_232] : memref<16384x1024xf32, #tpu.memory_space<hbm>> -> memref<16x1024xf32, #tpu.memory_space<hbm>>
    tpu.enqueue_dma source(%dma_start3A_233 : memref<16x1024xf32, #tpu.memory_space<hbm>>) target(%arg10 : memref<16x1024xf32, #tpu.memory_space<vmem>>) target_semaphore(%arg15 : memref<!tpu.dma_semaphore, #tpu.memory_space<semaphore_mem>>)
    %dma_wait3A_234 = arith.constant 0 : i32
    %dma_wait3A_235 = tpu.memref_slice %arg2[%add3A_175, %dma_wait3A_234] : memref<16384x1024xf32, #tpu.memory_space<hbm>> -> memref<16x1024xf32, #tpu.memory_space<hbm>>
    %dma_wait3A_236 = arith.constant 0 : i32
    %dma_wait3A_237 = tpu.memref_slice %arg2[%add3A_175, %dma_wait3A_236] : memref<16384x1024xf32, #tpu.memory_space<hbm>> -> memref<16x1024xf32, #tpu.memory_space<hbm>>
    tpu.wait_dma2 semaphore(%arg16 : memref<!tpu.dma_semaphore, #tpu.memory_space<semaphore_mem>>) src(%dma_wait3A_237 : memref<16x1024xf32, #tpu.memory_space<hbm>>) dst(%arg11 : memref<16x1024xf32, #tpu.memory_space<vmem>>)
    %parallel_loop3A_238 = arith.constant 0 : i32
    %parallel_loop3A_239 = arith.constant 1024 : i32
    %parallel_loop3A_240 = arith.constant 1 : i32
    scf.for %parallel_loop3A_928 = %parallel_loop3A_238 to %parallel_loop3A_239 step %parallel_loop3A_240  : i32 {
      %parallel_loop3A_929 = arith.constant 64 : i32
      %parallel_loop3A_930 = arith.divsi %parallel_loop3A_928, %parallel_loop3A_929 : i32
      %parallel_loop3A_931 = arith.constant 0 : i32
      %parallel_loop3A_932 = arith.cmpi sgt, %parallel_loop3A_928, %parallel_loop3A_931 : i32
      %parallel_loop3A_933 = arith.extui %parallel_loop3A_932 : i1 to i32
      %parallel_loop3A_934 = arith.constant 0 : i32
      %parallel_loop3A_935 = arith.cmpi slt, %parallel_loop3A_928, %parallel_loop3A_934 : i32
      %parallel_loop3A_936 = arith.extui %parallel_loop3A_935 : i1 to i32
      %parallel_loop3A_937 = arith.subi %parallel_loop3A_933, %parallel_loop3A_936 : i32
      %parallel_loop3A_938 = arith.constant 0 : i32
      %parallel_loop3A_939 = arith.cmpi sgt, %parallel_loop3A_929, %parallel_loop3A_938 : i32
      %parallel_loop3A_940 = arith.extui %parallel_loop3A_939 : i1 to i32
      %parallel_loop3A_941 = arith.constant 0 : i32
      %parallel_loop3A_942 = arith.cmpi slt, %parallel_loop3A_929, %parallel_loop3A_941 : i32
      %parallel_loop3A_943 = arith.extui %parallel_loop3A_942 : i1 to i32
      %parallel_loop3A_944 = arith.subi %parallel_loop3A_940, %parallel_loop3A_943 : i32
      %parallel_loop3A_945 = arith.cmpi ne, %parallel_loop3A_937, %parallel_loop3A_944 : i32
      %parallel_loop3A_946 = arith.remsi %parallel_loop3A_928, %parallel_loop3A_929 : i32
      %parallel_loop3A_947 = arith.constant 0 : i32
      %parallel_loop3A_948 = arith.cmpi ne, %parallel_loop3A_946, %parallel_loop3A_947 : i32
      %parallel_loop3A_949 = arith.andi %parallel_loop3A_945, %parallel_loop3A_948 : i1
      %parallel_loop3A_950 = arith.constant 1 : i32
      %parallel_loop3A_951 = arith.subi %parallel_loop3A_930, %parallel_loop3A_950 : i32
      %parallel_loop3A_952 = arith.select %parallel_loop3A_949, %parallel_loop3A_951, %parallel_loop3A_930 : i32
      %parallel_loop3A_953 = arith.constant 64 : i32
      %parallel_loop3A_954 = arith.constant 0 : i32
      %parallel_loop3A_955 = arith.cmpi eq, %parallel_loop3A_953, %parallel_loop3A_954 : i32
      %parallel_loop3A_956 = arith.constant 1 : i32
      %parallel_loop3A_957 = arith.select %parallel_loop3A_955, %parallel_loop3A_956, %parallel_loop3A_953 : i32
      %parallel_loop3A_958 = arith.remsi %parallel_loop3A_928, %parallel_loop3A_957 : i32
      %parallel_loop3A_959 = arith.constant 0 : i32
      %parallel_loop3A_960 = arith.cmpi ne, %parallel_loop3A_958, %parallel_loop3A_959 : i32
      %parallel_loop3A_961 = arith.constant 0 : i32
      %parallel_loop3A_962 = arith.cmpi slt, %parallel_loop3A_958, %parallel_loop3A_961 : i32
      %parallel_loop3A_963 = arith.constant 0 : i32
      %parallel_loop3A_964 = arith.cmpi slt, %parallel_loop3A_957, %parallel_loop3A_963 : i32
      %parallel_loop3A_965 = arith.xori %parallel_loop3A_962, %parallel_loop3A_964 : i1
      %parallel_loop3A_966 = arith.andi %parallel_loop3A_965, %parallel_loop3A_960 : i1
      %parallel_loop3A_967 = arith.addi %parallel_loop3A_958, %parallel_loop3A_957 : i32
      %parallel_loop3A_968 = arith.select %parallel_loop3A_966, %parallel_loop3A_967, %parallel_loop3A_958 : i32
      %parallel_loop3A_969 = arith.constant 16 : i32
      %parallel_loop3A_970 = arith.muli %parallel_loop3A_968, %parallel_loop3A_969 : i32
      %parallel_loop3A_971 = arith.index_cast %parallel_loop3A_952 : i32 to index
      %parallel_loop3A_972 = arith.index_cast %parallel_loop3A_970 : i32 to index
      %parallel_loop3A_973 = tpu.vector_load %arg9[%parallel_loop3A_971, %parallel_loop3A_972] {strides = array<i32>} : memref<16x1024xf32, #tpu.memory_space<vmem>>, vector<1x16xf32>,
      %parallel_loop3A_974 = vector.shape_cast %parallel_loop3A_973 : vector<1x16xf32> to vector<16xf32>
      %parallel_loop3A_975 = arith.constant 16 : i32
      %parallel_loop3A_976 = arith.muli %parallel_loop3A_968, %parallel_loop3A_975 : i32
      %parallel_loop3A_977 = arith.index_cast %parallel_loop3A_952 : i32 to index
      %parallel_loop3A_978 = arith.index_cast %parallel_loop3A_976 : i32 to index
      %parallel_loop3A_979 = tpu.vector_load %arg11[%parallel_loop3A_977, %parallel_loop3A_978] {strides = array<i32>} : memref<16x1024xf32, #tpu.memory_space<vmem>>, vector<1x16xf32>,
      %parallel_loop3A_980 = vector.shape_cast %parallel_loop3A_979 : vector<1x16xf32> to vector<16xf32>
      %parallel_loop3A_981 = vector.shape_cast %parallel_loop3A_974 : vector<16xf32> to vector<1x16xf32>
      tpu.vector_store %arg11[%parallel_loop3A_977, %parallel_loop3A_978], %parallel_loop3A_981 {add = true, strides = array<i32>} : memref<16x1024xf32, #tpu.memory_space<vmem>>, vector<1x16xf32>,
    } {sc.loop_unroll_factor = 8 : i64, sc.parallel_access}
    %add3A_241 = arith.constant 12288 : i32
    %add3A_242 = arith.addi %add3A_241, %mul3A_2 : i32
    %add3A_243 = arith.constant 16 : i32
    %add3A_244 = arith.addi %add3A_242, %add3A_243 : i32
    %dma_start3A_245 = arith.constant 0 : i32
    %dma_start3A_246 = tpu.memref_slice %arg5[%add3A_244, %dma_start3A_245] : memref<16384x1024xf32, #tpu.memory_space<hbm>> -> memref<16x1024xf32, #tpu.memory_space<hbm>>
    %dma_start3A_247 = arith.constant 0 : i32
    %dma_start3A_248 = tpu.memref_slice %arg5[%add3A_244, %dma_start3A_247] : memref<16384x1024xf32, #tpu.memory_space<hbm>> -> memref<16x1024xf32, #tpu.memory_space<hbm>>
    tpu.enqueue_dma source(%arg11 : memref<16x1024xf32, #tpu.memory_space<vmem>>) target(%dma_start3A_248 : memref<16x1024xf32, #tpu.memory_space<hbm>>) target_semaphore(%arg19 : memref<!tpu.dma_semaphore, #tpu.memory_space<semaphore_mem>>)
    %dma_wait3A_249 = arith.constant 0 : i32
    %dma_wait3A_250 = arith.constant 0 : i32
    %dma_wait3A_251 = tpu.memref_slice %arg4[%dma_wait3A_249, %dma_wait3A_250] : memref<4096x1024xf32, #tpu.memory_space<hbm>> -> memref<4096x1024xf32, #tpu.memory_space<hbm>>
    tpu.wait_indirect_dma semaphore(%arg13 : memref<!tpu.dma_semaphore, #tpu.memory_space<semaphore_mem>>) src(%dma_wait3A_251 : memref<4096x1024xf32, #tpu.memory_space<hbm>>) dst(%arg8 : memref<16x1024xf32, #tpu.memory_space<vmem>>)
    %add3A_252 = arith.constant 48 : i32
    %add3A_253 = arith.addi %mul3A_2, %add3A_252 : i32
    "tpu.region"() ({
      %run_scoped3A = tpu.sem_alloc : memref<!tpu.dma_semaphore, #tpu.memory_space<semaphore_mem>>
      %dma_start3A_928 = tpu.memref_slice %arg3[%add3A_253] : memref<4096xi32, #tpu.memory_space<hbm>> -> memref<16xi32, #tpu.memory_space<hbm>>
      %dma_start3A_929 = tpu.memref_slice %arg3[%add3A_253] : memref<4096xi32, #tpu.memory_space<hbm>> -> memref<16xi32, #tpu.memory_space<hbm>>
      tpu.enqueue_dma source(%dma_start3A_929 : memref<16xi32, #tpu.memory_space<hbm>>) target(%arg7 : memref<16xi32, #tpu.memory_space<vmem>>) target_semaphore(%run_scoped3A : memref<!tpu.dma_semaphore, #tpu.memory_space<semaphore_mem>>)
      %dma_wait3A_930 = tpu.memref_slice %arg3[%add3A_253] : memref<4096xi32, #tpu.memory_space<hbm>> -> memref<16xi32, #tpu.memory_space<hbm>>
      %dma_wait3A_931 = tpu.memref_slice %arg3[%add3A_253] : memref<4096xi32, #tpu.memory_space<hbm>> -> memref<16xi32, #tpu.memory_space<hbm>>
      tpu.wait_dma2 semaphore(%run_scoped3A : memref<!tpu.dma_semaphore, #tpu.memory_space<semaphore_mem>>) src(%dma_wait3A_931 : memref<16xi32, #tpu.memory_space<hbm>>) dst(%arg7 : memref<16xi32, #tpu.memory_space<vmem>>)
      tpu.yield
    }) : () -> ()
    %dma_start3A_254 = arith.constant 0 : i32
    %dma_start3A_255 = arith.constant 0 : i32
    %dma_start3A_256 = tpu.memref_slice %arg4[%dma_start3A_254, %dma_start3A_255] : memref<4096x1024xf32, #tpu.memory_space<hbm>> -> memref<4096x1024xf32, #tpu.memory_space<hbm>>
    tpu.enqueue_indirect_dma source(%dma_start3A_256 : memref<4096x1024xf32, #tpu.memory_space<hbm>>) target(%arg9 : memref<16x1024xf32, #tpu.memory_space<vmem>>) offsets(%arg7 : memref<16xi32, #tpu.memory_space<vmem>>) semaphore(%arg14 : memref<!tpu.dma_semaphore, #tpu.memory_space<semaphore_mem>>)
    %dma_wait3A_257 = arith.constant 0 : i32
    %dma_wait3A_258 = tpu.memref_slice %arg5[%add3A_244, %dma_wait3A_257] : memref<16384x1024xf32, #tpu.memory_space<hbm>> -> memref<16x1024xf32, #tpu.memory_space<hbm>>
    %dma_wait3A_259 = arith.constant 0 : i32
    %dma_wait3A_260 = tpu.memref_slice %arg5[%add3A_244, %dma_wait3A_259] : memref<16384x1024xf32, #tpu.memory_space<hbm>> -> memref<16x1024xf32, #tpu.memory_space<hbm>>
    tpu.wait_dma2 semaphore(%arg19 : memref<!tpu.dma_semaphore, #tpu.memory_space<semaphore_mem>>) src(%arg11 : memref<16x1024xf32, #tpu.memory_space<vmem>>) dst(%dma_wait3A_260 : memref<16x1024xf32, #tpu.memory_space<hbm>>)
    %add3A_261 = arith.constant 8192 : i32
    %add3A_262 = arith.addi %add3A_261, %mul3A_2 : i32
    %add3A_263 = arith.constant 32 : i32
    %add3A_264 = arith.addi %add3A_262, %add3A_263 : i32
    %dma_start3A_265 = arith.constant 0 : i32
    %dma_start3A_266 = tpu.memref_slice %arg2[%add3A_264, %dma_start3A_265] : memref<16384x1024xf32, #tpu.memory_space<hbm>> -> memref<16x1024xf32, #tpu.memory_space<hbm>>
    %dma_start3A_267 = arith.constant 0 : i32
    %dma_start3A_268 = tpu.memref_slice %arg2[%add3A_264, %dma_start3A_267] : memref<16384x1024xf32, #tpu.memory_space<hbm>> -> memref<16x1024xf32, #tpu.memory_space<hbm>>
    tpu.enqueue_dma source(%dma_start3A_268 : memref<16x1024xf32, #tpu.memory_space<hbm>>) target(%arg11 : memref<16x1024xf32, #tpu.memory_space<vmem>>) target_semaphore(%arg16 : memref<!tpu.dma_semaphore, #tpu.memory_space<semaphore_mem>>)
    %dma_wait3A_269 = arith.constant 0 : i32
    %dma_wait3A_270 = tpu.memref_slice %arg2[%add3A_202, %dma_wait3A_269] : memref<16384x1024xf32, #tpu.memory_space<hbm>> -> memref<16x1024xf32, #tpu.memory_space<hbm>>
    %dma_wait3A_271 = arith.constant 0 : i32
    %dma_wait3A_272 = tpu.memref_slice %arg2[%add3A_202, %dma_wait3A_271] : memref<16384x1024xf32, #tpu.memory_space<hbm>> -> memref<16x1024xf32, #tpu.memory_space<hbm>>
    tpu.wait_dma2 semaphore(%arg17 : memref<!tpu.dma_semaphore, #tpu.memory_space<semaphore_mem>>) src(%dma_wait3A_272 : memref<16x1024xf32, #tpu.memory_space<hbm>>) dst(%arg12 : memref<16x1024xf32, #tpu.memory_space<vmem>>)
    %parallel_loop3A_273 = arith.constant 0 : i32
    %parallel_loop3A_274 = arith.constant 1024 : i32
    %parallel_loop3A_275 = arith.constant 1 : i32
    scf.for %parallel_loop3A_928 = %parallel_loop3A_273 to %parallel_loop3A_274 step %parallel_loop3A_275  : i32 {
      %parallel_loop3A_929 = arith.constant 64 : i32
      %parallel_loop3A_930 = arith.divsi %parallel_loop3A_928, %parallel_loop3A_929 : i32
      %parallel_loop3A_931 = arith.constant 0 : i32
      %parallel_loop3A_932 = arith.cmpi sgt, %parallel_loop3A_928, %parallel_loop3A_931 : i32
      %parallel_loop3A_933 = arith.extui %parallel_loop3A_932 : i1 to i32
      %parallel_loop3A_934 = arith.constant 0 : i32
      %parallel_loop3A_935 = arith.cmpi slt, %parallel_loop3A_928, %parallel_loop3A_934 : i32
      %parallel_loop3A_936 = arith.extui %parallel_loop3A_935 : i1 to i32
      %parallel_loop3A_937 = arith.subi %parallel_loop3A_933, %parallel_loop3A_936 : i32
      %parallel_loop3A_938 = arith.constant 0 : i32
      %parallel_loop3A_939 = arith.cmpi sgt, %parallel_loop3A_929, %parallel_loop3A_938 : i32
      %parallel_loop3A_940 = arith.extui %parallel_loop3A_939 : i1 to i32
      %parallel_loop3A_941 = arith.constant 0 : i32
      %parallel_loop3A_942 = arith.cmpi slt, %parallel_loop3A_929, %parallel_loop3A_941 : i32
      %parallel_loop3A_943 = arith.extui %parallel_loop3A_942 : i1 to i32
      %parallel_loop3A_944 = arith.subi %parallel_loop3A_940, %parallel_loop3A_943 : i32
      %parallel_loop3A_945 = arith.cmpi ne, %parallel_loop3A_937, %parallel_loop3A_944 : i32
      %parallel_loop3A_946 = arith.remsi %parallel_loop3A_928, %parallel_loop3A_929 : i32
      %parallel_loop3A_947 = arith.constant 0 : i32
      %parallel_loop3A_948 = arith.cmpi ne, %parallel_loop3A_946, %parallel_loop3A_947 : i32
      %parallel_loop3A_949 = arith.andi %parallel_loop3A_945, %parallel_loop3A_948 : i1
      %parallel_loop3A_950 = arith.constant 1 : i32
      %parallel_loop3A_951 = arith.subi %parallel_loop3A_930, %parallel_loop3A_950 : i32
      %parallel_loop3A_952 = arith.select %parallel_loop3A_949, %parallel_loop3A_951, %parallel_loop3A_930 : i32
      %parallel_loop3A_953 = arith.constant 64 : i32
      %parallel_loop3A_954 = arith.constant 0 : i32
      %parallel_loop3A_955 = arith.cmpi eq, %parallel_loop3A_953, %parallel_loop3A_954 : i32
      %parallel_loop3A_956 = arith.constant 1 : i32
      %parallel_loop3A_957 = arith.select %parallel_loop3A_955, %parallel_loop3A_956, %parallel_loop3A_953 : i32
      %parallel_loop3A_958 = arith.remsi %parallel_loop3A_928, %parallel_loop3A_957 : i32
      %parallel_loop3A_959 = arith.constant 0 : i32
      %parallel_loop3A_960 = arith.cmpi ne, %parallel_loop3A_958, %parallel_loop3A_959 : i32
      %parallel_loop3A_961 = arith.constant 0 : i32
      %parallel_loop3A_962 = arith.cmpi slt, %parallel_loop3A_958, %parallel_loop3A_961 : i32
      %parallel_loop3A_963 = arith.constant 0 : i32
      %parallel_loop3A_964 = arith.cmpi slt, %parallel_loop3A_957, %parallel_loop3A_963 : i32
      %parallel_loop3A_965 = arith.xori %parallel_loop3A_962, %parallel_loop3A_964 : i1
      %parallel_loop3A_966 = arith.andi %parallel_loop3A_965, %parallel_loop3A_960 : i1
      %parallel_loop3A_967 = arith.addi %parallel_loop3A_958, %parallel_loop3A_957 : i32
      %parallel_loop3A_968 = arith.select %parallel_loop3A_966, %parallel_loop3A_967, %parallel_loop3A_958 : i32
      %parallel_loop3A_969 = arith.constant 16 : i32
      %parallel_loop3A_970 = arith.muli %parallel_loop3A_968, %parallel_loop3A_969 : i32
      %parallel_loop3A_971 = arith.index_cast %parallel_loop3A_952 : i32 to index
      %parallel_loop3A_972 = arith.index_cast %parallel_loop3A_970 : i32 to index
      %parallel_loop3A_973 = tpu.vector_load %arg8[%parallel_loop3A_971, %parallel_loop3A_972] {strides = array<i32>} : memref<16x1024xf32, #tpu.memory_space<vmem>>, vector<1x16xf32>,
      %parallel_loop3A_974 = vector.shape_cast %parallel_loop3A_973 : vector<1x16xf32> to vector<16xf32>
      %parallel_loop3A_975 = arith.constant 16 : i32
      %parallel_loop3A_976 = arith.muli %parallel_loop3A_968, %parallel_loop3A_975 : i32
      %parallel_loop3A_977 = arith.index_cast %parallel_loop3A_952 : i32 to index
      %parallel_loop3A_978 = arith.index_cast %parallel_loop3A_976 : i32 to index
      %parallel_loop3A_979 = tpu.vector_load %arg12[%parallel_loop3A_977, %parallel_loop3A_978] {strides = array<i32>} : memref<16x1024xf32, #tpu.memory_space<vmem>>, vector<1x16xf32>,
      %parallel_loop3A_980 = vector.shape_cast %parallel_loop3A_979 : vector<1x16xf32> to vector<16xf32>
      %parallel_loop3A_981 = vector.shape_cast %parallel_loop3A_974 : vector<16xf32> to vector<1x16xf32>
      tpu.vector_store %arg12[%parallel_loop3A_977, %parallel_loop3A_978], %parallel_loop3A_981 {add = true, strides = array<i32>} : memref<16x1024xf32, #tpu.memory_space<vmem>>, vector<1x16xf32>,
    } {sc.loop_unroll_factor = 8 : i64, sc.parallel_access}
    %add3A_276 = arith.constant 0 : i32
    %add3A_277 = arith.addi %add3A_276, %mul3A_2 : i32
    %add3A_278 = arith.constant 32 : i32
    %add3A_279 = arith.addi %add3A_277, %add3A_278 : i32
    %dma_start3A_280 = arith.constant 0 : i32
    %dma_start3A_281 = tpu.memref_slice %arg5[%add3A_279, %dma_start3A_280] : memref<16384x1024xf32, #tpu.memory_space<hbm>> -> memref<16x1024xf32, #tpu.memory_space<hbm>>
    %dma_start3A_282 = arith.constant 0 : i32
    %dma_start3A_283 = tpu.memref_slice %arg5[%add3A_279, %dma_start3A_282] : memref<16384x1024xf32, #tpu.memory_space<hbm>> -> memref<16x1024xf32, #tpu.memory_space<hbm>>
    tpu.enqueue_dma source(%arg12 : memref<16x1024xf32, #tpu.memory_space<vmem>>) target(%dma_start3A_283 : memref<16x1024xf32, #tpu.memory_space<hbm>>) target_semaphore(%arg20 : memref<!tpu.dma_semaphore, #tpu.memory_space<semaphore_mem>>)
    %dma_wait3A_284 = arith.constant 0 : i32
    %dma_wait3A_285 = tpu.memref_slice %arg5[%add3A_279, %dma_wait3A_284] : memref<16384x1024xf32, #tpu.memory_space<hbm>> -> memref<16x1024xf32, #tpu.memory_space<hbm>>
    %dma_wait3A_286 = arith.constant 0 : i32
    %dma_wait3A_287 = tpu.memref_slice %arg5[%add3A_279, %dma_wait3A_286] : memref<16384x1024xf32, #tpu.memory_space<hbm>> -> memref<16x1024xf32, #tpu.memory_space<hbm>>
    tpu.wait_dma2 semaphore(%arg20 : memref<!tpu.dma_semaphore, #tpu.memory_space<semaphore_mem>>) src(%arg12 : memref<16x1024xf32, #tpu.memory_space<vmem>>) dst(%dma_wait3A_287 : memref<16x1024xf32, #tpu.memory_space<hbm>>)
    %add3A_288 = arith.constant 12288 : i32
    %add3A_289 = arith.addi %add3A_288, %mul3A_2 : i32
    %add3A_290 = arith.constant 32 : i32
    %add3A_291 = arith.addi %add3A_289, %add3A_290 : i32
    %dma_start3A_292 = arith.constant 0 : i32
    %dma_start3A_293 = tpu.memref_slice %arg2[%add3A_291, %dma_start3A_292] : memref<16384x1024xf32, #tpu.memory_space<hbm>> -> memref<16x1024xf32, #tpu.memory_space<hbm>>
    %dma_start3A_294 = arith.constant 0 : i32
    %dma_start3A_295 = tpu.memref_slice %arg2[%add3A_291, %dma_start3A_294] : memref<16384x1024xf32, #tpu.memory_space<hbm>> -> memref<16x1024xf32, #tpu.memory_space<hbm>>
    tpu.enqueue_dma source(%dma_start3A_295 : memref<16x1024xf32, #tpu.memory_space<hbm>>) target(%arg12 : memref<16x1024xf32, #tpu.memory_space<vmem>>) target_semaphore(%arg17 : memref<!tpu.dma_semaphore, #tpu.memory_space<semaphore_mem>>)
    %dma_wait3A_296 = arith.constant 0 : i32
    %dma_wait3A_297 = tpu.memref_slice %arg2[%add3A_229, %dma_wait3A_296] : memref<16384x1024xf32, #tpu.memory_space<hbm>> -> memref<16x1024xf32, #tpu.memory_space<hbm>>
    %dma_wait3A_298 = arith.constant 0 : i32
    %dma_wait3A_299 = tpu.memref_slice %arg2[%add3A_229, %dma_wait3A_298] : memref<16384x1024xf32, #tpu.memory_space<hbm>> -> memref<16x1024xf32, #tpu.memory_space<hbm>>
    tpu.wait_dma2 semaphore(%arg15 : memref<!tpu.dma_semaphore, #tpu.memory_space<semaphore_mem>>) src(%dma_wait3A_299 : memref<16x1024xf32, #tpu.memory_space<hbm>>) dst(%arg10 : memref<16x1024xf32, #tpu.memory_space<vmem>>)
    %parallel_loop3A_300 = arith.constant 0 : i32
    %parallel_loop3A_301 = arith.constant 1024 : i32
    %parallel_loop3A_302 = arith.constant 1 : i32
    scf.for %parallel_loop3A_928 = %parallel_loop3A_300 to %parallel_loop3A_301 step %parallel_loop3A_302  : i32 {
      %parallel_loop3A_929 = arith.constant 64 : i32
      %parallel_loop3A_930 = arith.divsi %parallel_loop3A_928, %parallel_loop3A_929 : i32
      %parallel_loop3A_931 = arith.constant 0 : i32
      %parallel_loop3A_932 = arith.cmpi sgt, %parallel_loop3A_928, %parallel_loop3A_931 : i32
      %parallel_loop3A_933 = arith.extui %parallel_loop3A_932 : i1 to i32
      %parallel_loop3A_934 = arith.constant 0 : i32
      %parallel_loop3A_935 = arith.cmpi slt, %parallel_loop3A_928, %parallel_loop3A_934 : i32
      %parallel_loop3A_936 = arith.extui %parallel_loop3A_935 : i1 to i32
      %parallel_loop3A_937 = arith.subi %parallel_loop3A_933, %parallel_loop3A_936 : i32
      %parallel_loop3A_938 = arith.constant 0 : i32
      %parallel_loop3A_939 = arith.cmpi sgt, %parallel_loop3A_929, %parallel_loop3A_938 : i32
      %parallel_loop3A_940 = arith.extui %parallel_loop3A_939 : i1 to i32
      %parallel_loop3A_941 = arith.constant 0 : i32
      %parallel_loop3A_942 = arith.cmpi slt, %parallel_loop3A_929, %parallel_loop3A_941 : i32
      %parallel_loop3A_943 = arith.extui %parallel_loop3A_942 : i1 to i32
      %parallel_loop3A_944 = arith.subi %parallel_loop3A_940, %parallel_loop3A_943 : i32
      %parallel_loop3A_945 = arith.cmpi ne, %parallel_loop3A_937, %parallel_loop3A_944 : i32
      %parallel_loop3A_946 = arith.remsi %parallel_loop3A_928, %parallel_loop3A_929 : i32
      %parallel_loop3A_947 = arith.constant 0 : i32
      %parallel_loop3A_948 = arith.cmpi ne, %parallel_loop3A_946, %parallel_loop3A_947 : i32
      %parallel_loop3A_949 = arith.andi %parallel_loop3A_945, %parallel_loop3A_948 : i1
      %parallel_loop3A_950 = arith.constant 1 : i32
      %parallel_loop3A_951 = arith.subi %parallel_loop3A_930, %parallel_loop3A_950 : i32
      %parallel_loop3A_952 = arith.select %parallel_loop3A_949, %parallel_loop3A_951, %parallel_loop3A_930 : i32
      %parallel_loop3A_953 = arith.constant 64 : i32
      %parallel_loop3A_954 = arith.constant 0 : i32
      %parallel_loop3A_955 = arith.cmpi eq, %parallel_loop3A_953, %parallel_loop3A_954 : i32
      %parallel_loop3A_956 = arith.constant 1 : i32
      %parallel_loop3A_957 = arith.select %parallel_loop3A_955, %parallel_loop3A_956, %parallel_loop3A_953 : i32
      %parallel_loop3A_958 = arith.remsi %parallel_loop3A_928, %parallel_loop3A_957 : i32
      %parallel_loop3A_959 = arith.constant 0 : i32
      %parallel_loop3A_960 = arith.cmpi ne, %parallel_loop3A_958, %parallel_loop3A_959 : i32
      %parallel_loop3A_961 = arith.constant 0 : i32
      %parallel_loop3A_962 = arith.cmpi slt, %parallel_loop3A_958, %parallel_loop3A_961 : i32
      %parallel_loop3A_963 = arith.constant 0 : i32
      %parallel_loop3A_964 = arith.cmpi slt, %parallel_loop3A_957, %parallel_loop3A_963 : i32
      %parallel_loop3A_965 = arith.xori %parallel_loop3A_962, %parallel_loop3A_964 : i1
      %parallel_loop3A_966 = arith.andi %parallel_loop3A_965, %parallel_loop3A_960 : i1
      %parallel_loop3A_967 = arith.addi %parallel_loop3A_958, %parallel_loop3A_957 : i32
      %parallel_loop3A_968 = arith.select %parallel_loop3A_966, %parallel_loop3A_967, %parallel_loop3A_958 : i32
      %parallel_loop3A_969 = arith.constant 16 : i32
      %parallel_loop3A_970 = arith.muli %parallel_loop3A_968, %parallel_loop3A_969 : i32
      %parallel_loop3A_971 = arith.index_cast %parallel_loop3A_952 : i32 to index
      %parallel_loop3A_972 = arith.index_cast %parallel_loop3A_970 : i32 to index
      %parallel_loop3A_973 = tpu.vector_load %arg8[%parallel_loop3A_971, %parallel_loop3A_972] {strides = array<i32>} : memref<16x1024xf32, #tpu.memory_space<vmem>>, vector<1x16xf32>,
      %parallel_loop3A_974 = vector.shape_cast %parallel_loop3A_973 : vector<1x16xf32> to vector<16xf32>
      %parallel_loop3A_975 = arith.constant 16 : i32
      %parallel_loop3A_976 = arith.muli %parallel_loop3A_968, %parallel_loop3A_975 : i32
      %parallel_loop3A_977 = arith.index_cast %parallel_loop3A_952 : i32 to index
      %parallel_loop3A_978 = arith.index_cast %parallel_loop3A_976 : i32 to index
      %parallel_loop3A_979 = tpu.vector_load %arg10[%parallel_loop3A_977, %parallel_loop3A_978] {strides = array<i32>} : memref<16x1024xf32, #tpu.memory_space<vmem>>, vector<1x16xf32>,
      %parallel_loop3A_980 = vector.shape_cast %parallel_loop3A_979 : vector<1x16xf32> to vector<16xf32>
      %parallel_loop3A_981 = vector.shape_cast %parallel_loop3A_974 : vector<16xf32> to vector<1x16xf32>
      tpu.vector_store %arg10[%parallel_loop3A_977, %parallel_loop3A_978], %parallel_loop3A_981 {add = true, strides = array<i32>} : memref<16x1024xf32, #tpu.memory_space<vmem>>, vector<1x16xf32>,
    } {sc.loop_unroll_factor = 8 : i64, sc.parallel_access}
    %add3A_303 = arith.constant 4096 : i32
    %add3A_304 = arith.addi %add3A_303, %mul3A_2 : i32
    %add3A_305 = arith.constant 32 : i32
    %add3A_306 = arith.addi %add3A_304, %add3A_305 : i32
    %dma_start3A_307 = arith.constant 0 : i32
    %dma_start3A_308 = tpu.memref_slice %arg5[%add3A_306, %dma_start3A_307] : memref<16384x1024xf32, #tpu.memory_space<hbm>> -> memref<16x1024xf32, #tpu.memory_space<hbm>>
    %dma_start3A_309 = arith.constant 0 : i32
    %dma_start3A_310 = tpu.memref_slice %arg5[%add3A_306, %dma_start3A_309] : memref<16384x1024xf32, #tpu.memory_space<hbm>> -> memref<16x1024xf32, #tpu.memory_space<hbm>>
    tpu.enqueue_dma source(%arg10 : memref<16x1024xf32, #tpu.memory_space<vmem>>) target(%dma_start3A_310 : memref<16x1024xf32, #tpu.memory_space<hbm>>) target_semaphore(%arg18 : memref<!tpu.dma_semaphore, #tpu.memory_space<semaphore_mem>>)
    %dma_wait3A_311 = arith.constant 0 : i32
    %dma_wait3A_312 = tpu.memref_slice %arg5[%add3A_306, %dma_wait3A_311] : memref<16384x1024xf32, #tpu.memory_space<hbm>> -> memref<16x1024xf32, #tpu.memory_space<hbm>>
    %dma_wait3A_313 = arith.constant 0 : i32
    %dma_wait3A_314 = tpu.memref_slice %arg5[%add3A_306, %dma_wait3A_313] : memref<16384x1024xf32, #tpu.memory_space<hbm>> -> memref<16x1024xf32, #tpu.memory_space<hbm>>
    tpu.wait_dma2 semaphore(%arg18 : memref<!tpu.dma_semaphore, #tpu.memory_space<semaphore_mem>>) src(%arg10 : memref<16x1024xf32, #tpu.memory_space<vmem>>) dst(%dma_wait3A_314 : memref<16x1024xf32, #tpu.memory_space<hbm>>)
    %add3A_315 = arith.constant 0 : i32
    %add3A_316 = arith.addi %add3A_315, %mul3A_2 : i32
    %add3A_317 = arith.constant 48 : i32
    %add3A_318 = arith.addi %add3A_316, %add3A_317 : i32
    %dma_start3A_319 = arith.constant 0 : i32
    %dma_start3A_320 = tpu.memref_slice %arg2[%add3A_318, %dma_start3A_319] : memref<16384x1024xf32, #tpu.memory_space<hbm>> -> memref<16x1024xf32, #tpu.memory_space<hbm>>
    %dma_start3A_321 = arith.constant 0 : i32
    %dma_start3A_322 = tpu.memref_slice %arg2[%add3A_318, %dma_start3A_321] : memref<16384x1024xf32, #tpu.memory_space<hbm>> -> memref<16x1024xf32, #tpu.memory_space<hbm>>
    tpu.enqueue_dma source(%dma_start3A_322 : memref<16x1024xf32, #tpu.memory_space<hbm>>) target(%arg10 : memref<16x1024xf32, #tpu.memory_space<vmem>>) target_semaphore(%arg15 : memref<!tpu.dma_semaphore, #tpu.memory_space<semaphore_mem>>)
    %dma_wait3A_323 = arith.constant 0 : i32
    %dma_wait3A_324 = tpu.memref_slice %arg2[%add3A_264, %dma_wait3A_323] : memref<16384x1024xf32, #tpu.memory_space<hbm>> -> memref<16x1024xf32, #tpu.memory_space<hbm>>
    %dma_wait3A_325 = arith.constant 0 : i32
    %dma_wait3A_326 = tpu.memref_slice %arg2[%add3A_264, %dma_wait3A_325] : memref<16384x1024xf32, #tpu.memory_space<hbm>> -> memref<16x1024xf32, #tpu.memory_space<hbm>>
    tpu.wait_dma2 semaphore(%arg16 : memref<!tpu.dma_semaphore, #tpu.memory_space<semaphore_mem>>) src(%dma_wait3A_326 : memref<16x1024xf32, #tpu.memory_space<hbm>>) dst(%arg11 : memref<16x1024xf32, #tpu.memory_space<vmem>>)
    %parallel_loop3A_327 = arith.constant 0 : i32
    %parallel_loop3A_328 = arith.constant 1024 : i32
    %parallel_loop3A_329 = arith.constant 1 : i32
    scf.for %parallel_loop3A_928 = %parallel_loop3A_327 to %parallel_loop3A_328 step %parallel_loop3A_329  : i32 {
      %parallel_loop3A_929 = arith.constant 64 : i32
      %parallel_loop3A_930 = arith.divsi %parallel_loop3A_928, %parallel_loop3A_929 : i32
      %parallel_loop3A_931 = arith.constant 0 : i32
      %parallel_loop3A_932 = arith.cmpi sgt, %parallel_loop3A_928, %parallel_loop3A_931 : i32
      %parallel_loop3A_933 = arith.extui %parallel_loop3A_932 : i1 to i32
      %parallel_loop3A_934 = arith.constant 0 : i32
      %parallel_loop3A_935 = arith.cmpi slt, %parallel_loop3A_928, %parallel_loop3A_934 : i32
      %parallel_loop3A_936 = arith.extui %parallel_loop3A_935 : i1 to i32
      %parallel_loop3A_937 = arith.subi %parallel_loop3A_933, %parallel_loop3A_936 : i32
      %parallel_loop3A_938 = arith.constant 0 : i32
      %parallel_loop3A_939 = arith.cmpi sgt, %parallel_loop3A_929, %parallel_loop3A_938 : i32
      %parallel_loop3A_940 = arith.extui %parallel_loop3A_939 : i1 to i32
      %parallel_loop3A_941 = arith.constant 0 : i32
      %parallel_loop3A_942 = arith.cmpi slt, %parallel_loop3A_929, %parallel_loop3A_941 : i32
      %parallel_loop3A_943 = arith.extui %parallel_loop3A_942 : i1 to i32
      %parallel_loop3A_944 = arith.subi %parallel_loop3A_940, %parallel_loop3A_943 : i32
      %parallel_loop3A_945 = arith.cmpi ne, %parallel_loop3A_937, %parallel_loop3A_944 : i32
      %parallel_loop3A_946 = arith.remsi %parallel_loop3A_928, %parallel_loop3A_929 : i32
      %parallel_loop3A_947 = arith.constant 0 : i32
      %parallel_loop3A_948 = arith.cmpi ne, %parallel_loop3A_946, %parallel_loop3A_947 : i32
      %parallel_loop3A_949 = arith.andi %parallel_loop3A_945, %parallel_loop3A_948 : i1
      %parallel_loop3A_950 = arith.constant 1 : i32
      %parallel_loop3A_951 = arith.subi %parallel_loop3A_930, %parallel_loop3A_950 : i32
      %parallel_loop3A_952 = arith.select %parallel_loop3A_949, %parallel_loop3A_951, %parallel_loop3A_930 : i32
      %parallel_loop3A_953 = arith.constant 64 : i32
      %parallel_loop3A_954 = arith.constant 0 : i32
      %parallel_loop3A_955 = arith.cmpi eq, %parallel_loop3A_953, %parallel_loop3A_954 : i32
      %parallel_loop3A_956 = arith.constant 1 : i32
      %parallel_loop3A_957 = arith.select %parallel_loop3A_955, %parallel_loop3A_956, %parallel_loop3A_953 : i32
      %parallel_loop3A_958 = arith.remsi %parallel_loop3A_928, %parallel_loop3A_957 : i32
      %parallel_loop3A_959 = arith.constant 0 : i32
      %parallel_loop3A_960 = arith.cmpi ne, %parallel_loop3A_958, %parallel_loop3A_959 : i32
      %parallel_loop3A_961 = arith.constant 0 : i32
      %parallel_loop3A_962 = arith.cmpi slt, %parallel_loop3A_958, %parallel_loop3A_961 : i32
      %parallel_loop3A_963 = arith.constant 0 : i32
      %parallel_loop3A_964 = arith.cmpi slt, %parallel_loop3A_957, %parallel_loop3A_963 : i32
      %parallel_loop3A_965 = arith.xori %parallel_loop3A_962, %parallel_loop3A_964 : i1
      %parallel_loop3A_966 = arith.andi %parallel_loop3A_965, %parallel_loop3A_960 : i1
      %parallel_loop3A_967 = arith.addi %parallel_loop3A_958, %parallel_loop3A_957 : i32
      %parallel_loop3A_968 = arith.select %parallel_loop3A_966, %parallel_loop3A_967, %parallel_loop3A_958 : i32
      %parallel_loop3A_969 = arith.constant 16 : i32
      %parallel_loop3A_970 = arith.muli %parallel_loop3A_968, %parallel_loop3A_969 : i32
      %parallel_loop3A_971 = arith.index_cast %parallel_loop3A_952 : i32 to index
      %parallel_loop3A_972 = arith.index_cast %parallel_loop3A_970 : i32 to index
      %parallel_loop3A_973 = tpu.vector_load %arg8[%parallel_loop3A_971, %parallel_loop3A_972] {strides = array<i32>} : memref<16x1024xf32, #tpu.memory_space<vmem>>, vector<1x16xf32>,
      %parallel_loop3A_974 = vector.shape_cast %parallel_loop3A_973 : vector<1x16xf32> to vector<16xf32>
      %parallel_loop3A_975 = arith.constant 16 : i32
      %parallel_loop3A_976 = arith.muli %parallel_loop3A_968, %parallel_loop3A_975 : i32
      %parallel_loop3A_977 = arith.index_cast %parallel_loop3A_952 : i32 to index
      %parallel_loop3A_978 = arith.index_cast %parallel_loop3A_976 : i32 to index
      %parallel_loop3A_979 = tpu.vector_load %arg11[%parallel_loop3A_977, %parallel_loop3A_978] {strides = array<i32>} : memref<16x1024xf32, #tpu.memory_space<vmem>>, vector<1x16xf32>,
      %parallel_loop3A_980 = vector.shape_cast %parallel_loop3A_979 : vector<1x16xf32> to vector<16xf32>
      %parallel_loop3A_981 = vector.shape_cast %parallel_loop3A_974 : vector<16xf32> to vector<1x16xf32>
      tpu.vector_store %arg11[%parallel_loop3A_977, %parallel_loop3A_978], %parallel_loop3A_981 {add = true, strides = array<i32>} : memref<16x1024xf32, #tpu.memory_space<vmem>>, vector<1x16xf32>,
    } {sc.loop_unroll_factor = 8 : i64, sc.parallel_access}
    %add3A_330 = arith.constant 8192 : i32
    %add3A_331 = arith.addi %add3A_330, %mul3A_2 : i32
    %add3A_332 = arith.constant 32 : i32
    %add3A_333 = arith.addi %add3A_331, %add3A_332 : i32
    %dma_start3A_334 = arith.constant 0 : i32
    %dma_start3A_335 = tpu.memref_slice %arg5[%add3A_333, %dma_start3A_334] : memref<16384x1024xf32, #tpu.memory_space<hbm>> -> memref<16x1024xf32, #tpu.memory_space<hbm>>
    %dma_start3A_336 = arith.constant 0 : i32
    %dma_start3A_337 = tpu.memref_slice %arg5[%add3A_333, %dma_start3A_336] : memref<16384x1024xf32, #tpu.memory_space<hbm>> -> memref<16x1024xf32, #tpu.memory_space<hbm>>
    tpu.enqueue_dma source(%arg11 : memref<16x1024xf32, #tpu.memory_space<vmem>>) target(%dma_start3A_337 : memref<16x1024xf32, #tpu.memory_space<hbm>>) target_semaphore(%arg19 : memref<!tpu.dma_semaphore, #tpu.memory_space<semaphore_mem>>)
    %dma_wait3A_338 = arith.constant 0 : i32
    %dma_wait3A_339 = tpu.memref_slice %arg5[%add3A_333, %dma_wait3A_338] : memref<16384x1024xf32, #tpu.memory_space<hbm>> -> memref<16x1024xf32, #tpu.memory_space<hbm>>
    %dma_wait3A_340 = arith.constant 0 : i32
    %dma_wait3A_341 = tpu.memref_slice %arg5[%add3A_333, %dma_wait3A_340] : memref<16384x1024xf32, #tpu.memory_space<hbm>> -> memref<16x1024xf32, #tpu.memory_space<hbm>>
    tpu.wait_dma2 semaphore(%arg19 : memref<!tpu.dma_semaphore, #tpu.memory_space<semaphore_mem>>) src(%arg11 : memref<16x1024xf32, #tpu.memory_space<vmem>>) dst(%dma_wait3A_341 : memref<16x1024xf32, #tpu.memory_space<hbm>>)
    %add3A_342 = arith.constant 4096 : i32
    %add3A_343 = arith.addi %add3A_342, %mul3A_2 : i32
    %add3A_344 = arith.constant 48 : i32
    %add3A_345 = arith.addi %add3A_343, %add3A_344 : i32
    %dma_start3A_346 = arith.constant 0 : i32
    %dma_start3A_347 = tpu.memref_slice %arg2[%add3A_345, %dma_start3A_346] : memref<16384x1024xf32, #tpu.memory_space<hbm>> -> memref<16x1024xf32, #tpu.memory_space<hbm>>
    %dma_start3A_348 = arith.constant 0 : i32
    %dma_start3A_349 = tpu.memref_slice %arg2[%add3A_345, %dma_start3A_348] : memref<16384x1024xf32, #tpu.memory_space<hbm>> -> memref<16x1024xf32, #tpu.memory_space<hbm>>
    tpu.enqueue_dma source(%dma_start3A_349 : memref<16x1024xf32, #tpu.memory_space<hbm>>) target(%arg11 : memref<16x1024xf32, #tpu.memory_space<vmem>>) target_semaphore(%arg16 : memref<!tpu.dma_semaphore, #tpu.memory_space<semaphore_mem>>)
    %dma_wait3A_350 = arith.constant 0 : i32
    %dma_wait3A_351 = tpu.memref_slice %arg2[%add3A_291, %dma_wait3A_350] : memref<16384x1024xf32, #tpu.memory_space<hbm>> -> memref<16x1024xf32, #tpu.memory_space<hbm>>
    %dma_wait3A_352 = arith.constant 0 : i32
    %dma_wait3A_353 = tpu.memref_slice %arg2[%add3A_291, %dma_wait3A_352] : memref<16384x1024xf32, #tpu.memory_space<hbm>> -> memref<16x1024xf32, #tpu.memory_space<hbm>>
    tpu.wait_dma2 semaphore(%arg17 : memref<!tpu.dma_semaphore, #tpu.memory_space<semaphore_mem>>) src(%dma_wait3A_353 : memref<16x1024xf32, #tpu.memory_space<hbm>>) dst(%arg12 : memref<16x1024xf32, #tpu.memory_space<vmem>>)
    %parallel_loop3A_354 = arith.constant 0 : i32
    %parallel_loop3A_355 = arith.constant 1024 : i32
    %parallel_loop3A_356 = arith.constant 1 : i32
    scf.for %parallel_loop3A_928 = %parallel_loop3A_354 to %parallel_loop3A_355 step %parallel_loop3A_356  : i32 {
      %parallel_loop3A_929 = arith.constant 64 : i32
      %parallel_loop3A_930 = arith.divsi %parallel_loop3A_928, %parallel_loop3A_929 : i32
      %parallel_loop3A_931 = arith.constant 0 : i32
      %parallel_loop3A_932 = arith.cmpi sgt, %parallel_loop3A_928, %parallel_loop3A_931 : i32
      %parallel_loop3A_933 = arith.extui %parallel_loop3A_932 : i1 to i32
      %parallel_loop3A_934 = arith.constant 0 : i32
      %parallel_loop3A_935 = arith.cmpi slt, %parallel_loop3A_928, %parallel_loop3A_934 : i32
      %parallel_loop3A_936 = arith.extui %parallel_loop3A_935 : i1 to i32
      %parallel_loop3A_937 = arith.subi %parallel_loop3A_933, %parallel_loop3A_936 : i32
      %parallel_loop3A_938 = arith.constant 0 : i32
      %parallel_loop3A_939 = arith.cmpi sgt, %parallel_loop3A_929, %parallel_loop3A_938 : i32
      %parallel_loop3A_940 = arith.extui %parallel_loop3A_939 : i1 to i32
      %parallel_loop3A_941 = arith.constant 0 : i32
      %parallel_loop3A_942 = arith.cmpi slt, %parallel_loop3A_929, %parallel_loop3A_941 : i32
      %parallel_loop3A_943 = arith.extui %parallel_loop3A_942 : i1 to i32
      %parallel_loop3A_944 = arith.subi %parallel_loop3A_940, %parallel_loop3A_943 : i32
      %parallel_loop3A_945 = arith.cmpi ne, %parallel_loop3A_937, %parallel_loop3A_944 : i32
      %parallel_loop3A_946 = arith.remsi %parallel_loop3A_928, %parallel_loop3A_929 : i32
      %parallel_loop3A_947 = arith.constant 0 : i32
      %parallel_loop3A_948 = arith.cmpi ne, %parallel_loop3A_946, %parallel_loop3A_947 : i32
      %parallel_loop3A_949 = arith.andi %parallel_loop3A_945, %parallel_loop3A_948 : i1
      %parallel_loop3A_950 = arith.constant 1 : i32
      %parallel_loop3A_951 = arith.subi %parallel_loop3A_930, %parallel_loop3A_950 : i32
      %parallel_loop3A_952 = arith.select %parallel_loop3A_949, %parallel_loop3A_951, %parallel_loop3A_930 : i32
      %parallel_loop3A_953 = arith.constant 64 : i32
      %parallel_loop3A_954 = arith.constant 0 : i32
      %parallel_loop3A_955 = arith.cmpi eq, %parallel_loop3A_953, %parallel_loop3A_954 : i32
      %parallel_loop3A_956 = arith.constant 1 : i32
      %parallel_loop3A_957 = arith.select %parallel_loop3A_955, %parallel_loop3A_956, %parallel_loop3A_953 : i32
      %parallel_loop3A_958 = arith.remsi %parallel_loop3A_928, %parallel_loop3A_957 : i32
      %parallel_loop3A_959 = arith.constant 0 : i32
      %parallel_loop3A_960 = arith.cmpi ne, %parallel_loop3A_958, %parallel_loop3A_959 : i32
      %parallel_loop3A_961 = arith.constant 0 : i32
      %parallel_loop3A_962 = arith.cmpi slt, %parallel_loop3A_958, %parallel_loop3A_961 : i32
      %parallel_loop3A_963 = arith.constant 0 : i32
      %parallel_loop3A_964 = arith.cmpi slt, %parallel_loop3A_957, %parallel_loop3A_963 : i32
      %parallel_loop3A_965 = arith.xori %parallel_loop3A_962, %parallel_loop3A_964 : i1
      %parallel_loop3A_966 = arith.andi %parallel_loop3A_965, %parallel_loop3A_960 : i1
      %parallel_loop3A_967 = arith.addi %parallel_loop3A_958, %parallel_loop3A_957 : i32
      %parallel_loop3A_968 = arith.select %parallel_loop3A_966, %parallel_loop3A_967, %parallel_loop3A_958 : i32
      %parallel_loop3A_969 = arith.constant 16 : i32
      %parallel_loop3A_970 = arith.muli %parallel_loop3A_968, %parallel_loop3A_969 : i32
      %parallel_loop3A_971 = arith.index_cast %parallel_loop3A_952 : i32 to index
      %parallel_loop3A_972 = arith.index_cast %parallel_loop3A_970 : i32 to index
      %parallel_loop3A_973 = tpu.vector_load %arg8[%parallel_loop3A_971, %parallel_loop3A_972] {strides = array<i32>} : memref<16x1024xf32, #tpu.memory_space<vmem>>, vector<1x16xf32>,
      %parallel_loop3A_974 = vector.shape_cast %parallel_loop3A_973 : vector<1x16xf32> to vector<16xf32>
      %parallel_loop3A_975 = arith.constant 16 : i32
      %parallel_loop3A_976 = arith.muli %parallel_loop3A_968, %parallel_loop3A_975 : i32
      %parallel_loop3A_977 = arith.index_cast %parallel_loop3A_952 : i32 to index
      %parallel_loop3A_978 = arith.index_cast %parallel_loop3A_976 : i32 to index
      %parallel_loop3A_979 = tpu.vector_load %arg12[%parallel_loop3A_977, %parallel_loop3A_978] {strides = array<i32>} : memref<16x1024xf32, #tpu.memory_space<vmem>>, vector<1x16xf32>,
      %parallel_loop3A_980 = vector.shape_cast %parallel_loop3A_979 : vector<1x16xf32> to vector<16xf32>
      %parallel_loop3A_981 = vector.shape_cast %parallel_loop3A_974 : vector<16xf32> to vector<1x16xf32>
      tpu.vector_store %arg12[%parallel_loop3A_977, %parallel_loop3A_978], %parallel_loop3A_981 {add = true, strides = array<i32>} : memref<16x1024xf32, #tpu.memory_space<vmem>>, vector<1x16xf32>,
    } {sc.loop_unroll_factor = 8 : i64, sc.parallel_access}
    %add3A_357 = arith.constant 12288 : i32
    %add3A_358 = arith.addi %add3A_357, %mul3A_2 : i32
    %add3A_359 = arith.constant 32 : i32
    %add3A_360 = arith.addi %add3A_358, %add3A_359 : i32
    %dma_start3A_361 = arith.constant 0 : i32
    %dma_start3A_362 = tpu.memref_slice %arg5[%add3A_360, %dma_start3A_361] : memref<16384x1024xf32, #tpu.memory_space<hbm>> -> memref<16x1024xf32, #tpu.memory_space<hbm>>
    %dma_start3A_363 = arith.constant 0 : i32
    %dma_start3A_364 = tpu.memref_slice %arg5[%add3A_360, %dma_start3A_363] : memref<16384x1024xf32, #tpu.memory_space<hbm>> -> memref<16x1024xf32, #tpu.memory_space<hbm>>
    tpu.enqueue_dma source(%arg12 : memref<16x1024xf32, #tpu.memory_space<vmem>>) target(%dma_start3A_364 : memref<16x1024xf32, #tpu.memory_space<hbm>>) target_semaphore(%arg20 : memref<!tpu.dma_semaphore, #tpu.memory_space<semaphore_mem>>)
    %dma_wait3A_365 = arith.constant 0 : i32
    %dma_wait3A_366 = arith.constant 0 : i32
    %dma_wait3A_367 = tpu.memref_slice %arg4[%dma_wait3A_365, %dma_wait3A_366] : memref<4096x1024xf32, #tpu.memory_space<hbm>> -> memref<4096x1024xf32, #tpu.memory_space<hbm>>
    tpu.wait_indirect_dma semaphore(%arg14 : memref<!tpu.dma_semaphore, #tpu.memory_space<semaphore_mem>>) src(%dma_wait3A_367 : memref<4096x1024xf32, #tpu.memory_space<hbm>>) dst(%arg9 : memref<16x1024xf32, #tpu.memory_space<vmem>>)
    %add3A_368 = arith.constant 64 : i32
    %add3A_369 = arith.addi %mul3A_2, %add3A_368 : i32
    "tpu.region"() ({
      %run_scoped3A = tpu.sem_alloc : memref<!tpu.dma_semaphore, #tpu.memory_space<semaphore_mem>>
      %dma_start3A_928 = tpu.memref_slice %arg3[%add3A_369] : memref<4096xi32, #tpu.memory_space<hbm>> -> memref<16xi32, #tpu.memory_space<hbm>>
      %dma_start3A_929 = tpu.memref_slice %arg3[%add3A_369] : memref<4096xi32, #tpu.memory_space<hbm>> -> memref<16xi32, #tpu.memory_space<hbm>>
      tpu.enqueue_dma source(%dma_start3A_929 : memref<16xi32, #tpu.memory_space<hbm>>) target(%arg6 : memref<16xi32, #tpu.memory_space<vmem>>) target_semaphore(%run_scoped3A : memref<!tpu.dma_semaphore, #tpu.memory_space<semaphore_mem>>)
      %dma_wait3A_930 = tpu.memref_slice %arg3[%add3A_369] : memref<4096xi32, #tpu.memory_space<hbm>> -> memref<16xi32, #tpu.memory_space<hbm>>
      %dma_wait3A_931 = tpu.memref_slice %arg3[%add3A_369] : memref<4096xi32, #tpu.memory_space<hbm>> -> memref<16xi32, #tpu.memory_space<hbm>>
      tpu.wait_dma2 semaphore(%run_scoped3A : memref<!tpu.dma_semaphore, #tpu.memory_space<semaphore_mem>>) src(%dma_wait3A_931 : memref<16xi32, #tpu.memory_space<hbm>>) dst(%arg6 : memref<16xi32, #tpu.memory_space<vmem>>)
      tpu.yield
    }) : () -> ()
    %dma_start3A_370 = arith.constant 0 : i32
    %dma_start3A_371 = arith.constant 0 : i32
    %dma_start3A_372 = tpu.memref_slice %arg4[%dma_start3A_370, %dma_start3A_371] : memref<4096x1024xf32, #tpu.memory_space<hbm>> -> memref<4096x1024xf32, #tpu.memory_space<hbm>>
    tpu.enqueue_indirect_dma source(%dma_start3A_372 : memref<4096x1024xf32, #tpu.memory_space<hbm>>) target(%arg8 : memref<16x1024xf32, #tpu.memory_space<vmem>>) offsets(%arg6 : memref<16xi32, #tpu.memory_space<vmem>>) semaphore(%arg13 : memref<!tpu.dma_semaphore, #tpu.memory_space<semaphore_mem>>)
    %dma_wait3A_373 = arith.constant 0 : i32
    %dma_wait3A_374 = tpu.memref_slice %arg5[%add3A_360, %dma_wait3A_373] : memref<16384x1024xf32, #tpu.memory_space<hbm>> -> memref<16x1024xf32, #tpu.memory_space<hbm>>
    %dma_wait3A_375 = arith.constant 0 : i32
    %dma_wait3A_376 = tpu.memref_slice %arg5[%add3A_360, %dma_wait3A_375] : memref<16384x1024xf32, #tpu.memory_space<hbm>> -> memref<16x1024xf32, #tpu.memory_space<hbm>>
    tpu.wait_dma2 semaphore(%arg20 : memref<!tpu.dma_semaphore, #tpu.memory_space<semaphore_mem>>) src(%arg12 : memref<16x1024xf32, #tpu.memory_space<vmem>>) dst(%dma_wait3A_376 : memref<16x1024xf32, #tpu.memory_space<hbm>>)
    %add3A_377 = arith.constant 8192 : i32
    %add3A_378 = arith.addi %add3A_377, %mul3A_2 : i32
    %add3A_379 = arith.constant 48 : i32
    %add3A_380 = arith.addi %add3A_378, %add3A_379 : i32
    %dma_start3A_381 = arith.constant 0 : i32
    %dma_start3A_382 = tpu.memref_slice %arg2[%add3A_380, %dma_start3A_381] : memref<16384x1024xf32, #tpu.memory_space<hbm>> -> memref<16x1024xf32, #tpu.memory_space<hbm>>
    %dma_start3A_383 = arith.constant 0 : i32
    %dma_start3A_384 = tpu.memref_slice %arg2[%add3A_380, %dma_start3A_383] : memref<16384x1024xf32, #tpu.memory_space<hbm>> -> memref<16x1024xf32, #tpu.memory_space<hbm>>
    tpu.enqueue_dma source(%dma_start3A_384 : memref<16x1024xf32, #tpu.memory_space<hbm>>) target(%arg12 : memref<16x1024xf32, #tpu.memory_space<vmem>>) target_semaphore(%arg17 : memref<!tpu.dma_semaphore, #tpu.memory_space<semaphore_mem>>)
    %dma_wait3A_385 = arith.constant 0 : i32
    %dma_wait3A_386 = tpu.memref_slice %arg2[%add3A_318, %dma_wait3A_385] : memref<16384x1024xf32, #tpu.memory_space<hbm>> -> memref<16x1024xf32, #tpu.memory_space<hbm>>
    %dma_wait3A_387 = arith.constant 0 : i32
    %dma_wait3A_388 = tpu.memref_slice %arg2[%add3A_318, %dma_wait3A_387] : memref<16384x1024xf32, #tpu.memory_space<hbm>> -> memref<16x1024xf32, #tpu.memory_space<hbm>>
    tpu.wait_dma2 semaphore(%arg15 : memref<!tpu.dma_semaphore, #tpu.memory_space<semaphore_mem>>) src(%dma_wait3A_388 : memref<16x1024xf32, #tpu.memory_space<hbm>>) dst(%arg10 : memref<16x1024xf32, #tpu.memory_space<vmem>>)
    %parallel_loop3A_389 = arith.constant 0 : i32
    %parallel_loop3A_390 = arith.constant 1024 : i32
    %parallel_loop3A_391 = arith.constant 1 : i32
    scf.for %parallel_loop3A_928 = %parallel_loop3A_389 to %parallel_loop3A_390 step %parallel_loop3A_391  : i32 {
      %parallel_loop3A_929 = arith.constant 64 : i32
      %parallel_loop3A_930 = arith.divsi %parallel_loop3A_928, %parallel_loop3A_929 : i32
      %parallel_loop3A_931 = arith.constant 0 : i32
      %parallel_loop3A_932 = arith.cmpi sgt, %parallel_loop3A_928, %parallel_loop3A_931 : i32
      %parallel_loop3A_933 = arith.extui %parallel_loop3A_932 : i1 to i32
      %parallel_loop3A_934 = arith.constant 0 : i32
      %parallel_loop3A_935 = arith.cmpi slt, %parallel_loop3A_928, %parallel_loop3A_934 : i32
      %parallel_loop3A_936 = arith.extui %parallel_loop3A_935 : i1 to i32
      %parallel_loop3A_937 = arith.subi %parallel_loop3A_933, %parallel_loop3A_936 : i32
      %parallel_loop3A_938 = arith.constant 0 : i32
      %parallel_loop3A_939 = arith.cmpi sgt, %parallel_loop3A_929, %parallel_loop3A_938 : i32
      %parallel_loop3A_940 = arith.extui %parallel_loop3A_939 : i1 to i32
      %parallel_loop3A_941 = arith.constant 0 : i32
      %parallel_loop3A_942 = arith.cmpi slt, %parallel_loop3A_929, %parallel_loop3A_941 : i32
      %parallel_loop3A_943 = arith.extui %parallel_loop3A_942 : i1 to i32
      %parallel_loop3A_944 = arith.subi %parallel_loop3A_940, %parallel_loop3A_943 : i32
      %parallel_loop3A_945 = arith.cmpi ne, %parallel_loop3A_937, %parallel_loop3A_944 : i32
      %parallel_loop3A_946 = arith.remsi %parallel_loop3A_928, %parallel_loop3A_929 : i32
      %parallel_loop3A_947 = arith.constant 0 : i32
      %parallel_loop3A_948 = arith.cmpi ne, %parallel_loop3A_946, %parallel_loop3A_947 : i32
      %parallel_loop3A_949 = arith.andi %parallel_loop3A_945, %parallel_loop3A_948 : i1
      %parallel_loop3A_950 = arith.constant 1 : i32
      %parallel_loop3A_951 = arith.subi %parallel_loop3A_930, %parallel_loop3A_950 : i32
      %parallel_loop3A_952 = arith.select %parallel_loop3A_949, %parallel_loop3A_951, %parallel_loop3A_930 : i32
      %parallel_loop3A_953 = arith.constant 64 : i32
      %parallel_loop3A_954 = arith.constant 0 : i32
      %parallel_loop3A_955 = arith.cmpi eq, %parallel_loop3A_953, %parallel_loop3A_954 : i32
      %parallel_loop3A_956 = arith.constant 1 : i32
      %parallel_loop3A_957 = arith.select %parallel_loop3A_955, %parallel_loop3A_956, %parallel_loop3A_953 : i32
      %parallel_loop3A_958 = arith.remsi %parallel_loop3A_928, %parallel_loop3A_957 : i32
      %parallel_loop3A_959 = arith.constant 0 : i32
      %parallel_loop3A_960 = arith.cmpi ne, %parallel_loop3A_958, %parallel_loop3A_959 : i32
      %parallel_loop3A_961 = arith.constant 0 : i32
      %parallel_loop3A_962 = arith.cmpi slt, %parallel_loop3A_958, %parallel_loop3A_961 : i32
      %parallel_loop3A_963 = arith.constant 0 : i32
      %parallel_loop3A_964 = arith.cmpi slt, %parallel_loop3A_957, %parallel_loop3A_963 : i32
      %parallel_loop3A_965 = arith.xori %parallel_loop3A_962, %parallel_loop3A_964 : i1
      %parallel_loop3A_966 = arith.andi %parallel_loop3A_965, %parallel_loop3A_960 : i1
      %parallel_loop3A_967 = arith.addi %parallel_loop3A_958, %parallel_loop3A_957 : i32
      %parallel_loop3A_968 = arith.select %parallel_loop3A_966, %parallel_loop3A_967, %parallel_loop3A_958 : i32
      %parallel_loop3A_969 = arith.constant 16 : i32
      %parallel_loop3A_970 = arith.muli %parallel_loop3A_968, %parallel_loop3A_969 : i32
      %parallel_loop3A_971 = arith.index_cast %parallel_loop3A_952 : i32 to index
      %parallel_loop3A_972 = arith.index_cast %parallel_loop3A_970 : i32 to index
      %parallel_loop3A_973 = tpu.vector_load %arg9[%parallel_loop3A_971, %parallel_loop3A_972] {strides = array<i32>} : memref<16x1024xf32, #tpu.memory_space<vmem>>, vector<1x16xf32>,
      %parallel_loop3A_974 = vector.shape_cast %parallel_loop3A_973 : vector<1x16xf32> to vector<16xf32>
      %parallel_loop3A_975 = arith.constant 16 : i32
      %parallel_loop3A_976 = arith.muli %parallel_loop3A_968, %parallel_loop3A_975 : i32
      %parallel_loop3A_977 = arith.index_cast %parallel_loop3A_952 : i32 to index
      %parallel_loop3A_978 = arith.index_cast %parallel_loop3A_976 : i32 to index
      %parallel_loop3A_979 = tpu.vector_load %arg10[%parallel_loop3A_977, %parallel_loop3A_978] {strides = array<i32>} : memref<16x1024xf32, #tpu.memory_space<vmem>>, vector<1x16xf32>,
      %parallel_loop3A_980 = vector.shape_cast %parallel_loop3A_979 : vector<1x16xf32> to vector<16xf32>
      %parallel_loop3A_981 = vector.shape_cast %parallel_loop3A_974 : vector<16xf32> to vector<1x16xf32>
      tpu.vector_store %arg10[%parallel_loop3A_977, %parallel_loop3A_978], %parallel_loop3A_981 {add = true, strides = array<i32>} : memref<16x1024xf32, #tpu.memory_space<vmem>>, vector<1x16xf32>,
    } {sc.loop_unroll_factor = 8 : i64, sc.parallel_access}
    %add3A_392 = arith.constant 0 : i32
    %add3A_393 = arith.addi %add3A_392, %mul3A_2 : i32
    %add3A_394 = arith.constant 48 : i32
    %add3A_395 = arith.addi %add3A_393, %add3A_394 : i32
    %dma_start3A_396 = arith.constant 0 : i32
    %dma_start3A_397 = tpu.memref_slice %arg5[%add3A_395, %dma_start3A_396] : memref<16384x1024xf32, #tpu.memory_space<hbm>> -> memref<16x1024xf32, #tpu.memory_space<hbm>>
    %dma_start3A_398 = arith.constant 0 : i32
    %dma_start3A_399 = tpu.memref_slice %arg5[%add3A_395, %dma_start3A_398] : memref<16384x1024xf32, #tpu.memory_space<hbm>> -> memref<16x1024xf32, #tpu.memory_space<hbm>>
    tpu.enqueue_dma source(%arg10 : memref<16x1024xf32, #tpu.memory_space<vmem>>) target(%dma_start3A_399 : memref<16x1024xf32, #tpu.memory_space<hbm>>) target_semaphore(%arg18 : memref<!tpu.dma_semaphore, #tpu.memory_space<semaphore_mem>>)
    %dma_wait3A_400 = arith.constant 0 : i32
    %dma_wait3A_401 = tpu.memref_slice %arg5[%add3A_395, %dma_wait3A_400] : memref<16384x1024xf32, #tpu.memory_space<hbm>> -> memref<16x1024xf32, #tpu.memory_space<hbm>>
    %dma_wait3A_402 = arith.constant 0 : i32
    %dma_wait3A_403 = tpu.memref_slice %arg5[%add3A_395, %dma_wait3A_402] : memref<16384x1024xf32, #tpu.memory_space<hbm>> -> memref<16x1024xf32, #tpu.memory_space<hbm>>
    tpu.wait_dma2 semaphore(%arg18 : memref<!tpu.dma_semaphore, #tpu.memory_space<semaphore_mem>>) src(%arg10 : memref<16x1024xf32, #tpu.memory_space<vmem>>) dst(%dma_wait3A_403 : memref<16x1024xf32, #tpu.memory_space<hbm>>)
    %add3A_404 = arith.constant 12288 : i32
    %add3A_405 = arith.addi %add3A_404, %mul3A_2 : i32
    %add3A_406 = arith.constant 48 : i32
    %add3A_407 = arith.addi %add3A_405, %add3A_406 : i32
    %dma_start3A_408 = arith.constant 0 : i32
    %dma_start3A_409 = tpu.memref_slice %arg2[%add3A_407, %dma_start3A_408] : memref<16384x1024xf32, #tpu.memory_space<hbm>> -> memref<16x1024xf32, #tpu.memory_space<hbm>>
    %dma_start3A_410 = arith.constant 0 : i32
    %dma_start3A_411 = tpu.memref_slice %arg2[%add3A_407, %dma_start3A_410] : memref<16384x1024xf32, #tpu.memory_space<hbm>> -> memref<16x1024xf32, #tpu.memory_space<hbm>>
    tpu.enqueue_dma source(%dma_start3A_411 : memref<16x1024xf32, #tpu.memory_space<hbm>>) target(%arg10 : memref<16x1024xf32, #tpu.memory_space<vmem>>) target_semaphore(%arg15 : memref<!tpu.dma_semaphore, #tpu.memory_space<semaphore_mem>>)
    %dma_wait3A_412 = arith.constant 0 : i32
    %dma_wait3A_413 = tpu.memref_slice %arg2[%add3A_345, %dma_wait3A_412] : memref<16384x1024xf32, #tpu.memory_space<hbm>> -> memref<16x1024xf32, #tpu.memory_space<hbm>>
    %dma_wait3A_414 = arith.constant 0 : i32
    %dma_wait3A_415 = tpu.memref_slice %arg2[%add3A_345, %dma_wait3A_414] : memref<16384x1024xf32, #tpu.memory_space<hbm>> -> memref<16x1024xf32, #tpu.memory_space<hbm>>
    tpu.wait_dma2 semaphore(%arg16 : memref<!tpu.dma_semaphore, #tpu.memory_space<semaphore_mem>>) src(%dma_wait3A_415 : memref<16x1024xf32, #tpu.memory_space<hbm>>) dst(%arg11 : memref<16x1024xf32, #tpu.memory_space<vmem>>)
    %parallel_loop3A_416 = arith.constant 0 : i32
    %parallel_loop3A_417 = arith.constant 1024 : i32
    %parallel_loop3A_418 = arith.constant 1 : i32
    scf.for %parallel_loop3A_928 = %parallel_loop3A_416 to %parallel_loop3A_417 step %parallel_loop3A_418  : i32 {
      %parallel_loop3A_929 = arith.constant 64 : i32
      %parallel_loop3A_930 = arith.divsi %parallel_loop3A_928, %parallel_loop3A_929 : i32
      %parallel_loop3A_931 = arith.constant 0 : i32
      %parallel_loop3A_932 = arith.cmpi sgt, %parallel_loop3A_928, %parallel_loop3A_931 : i32
      %parallel_loop3A_933 = arith.extui %parallel_loop3A_932 : i1 to i32
      %parallel_loop3A_934 = arith.constant 0 : i32
      %parallel_loop3A_935 = arith.cmpi slt, %parallel_loop3A_928, %parallel_loop3A_934 : i32
      %parallel_loop3A_936 = arith.extui %parallel_loop3A_935 : i1 to i32
      %parallel_loop3A_937 = arith.subi %parallel_loop3A_933, %parallel_loop3A_936 : i32
      %parallel_loop3A_938 = arith.constant 0 : i32
      %parallel_loop3A_939 = arith.cmpi sgt, %parallel_loop3A_929, %parallel_loop3A_938 : i32
      %parallel_loop3A_940 = arith.extui %parallel_loop3A_939 : i1 to i32
      %parallel_loop3A_941 = arith.constant 0 : i32
      %parallel_loop3A_942 = arith.cmpi slt, %parallel_loop3A_929, %parallel_loop3A_941 : i32
      %parallel_loop3A_943 = arith.extui %parallel_loop3A_942 : i1 to i32
      %parallel_loop3A_944 = arith.subi %parallel_loop3A_940, %parallel_loop3A_943 : i32
      %parallel_loop3A_945 = arith.cmpi ne, %parallel_loop3A_937, %parallel_loop3A_944 : i32
      %parallel_loop3A_946 = arith.remsi %parallel_loop3A_928, %parallel_loop3A_929 : i32
      %parallel_loop3A_947 = arith.constant 0 : i32
      %parallel_loop3A_948 = arith.cmpi ne, %parallel_loop3A_946, %parallel_loop3A_947 : i32
      %parallel_loop3A_949 = arith.andi %parallel_loop3A_945, %parallel_loop3A_948 : i1
      %parallel_loop3A_950 = arith.constant 1 : i32
      %parallel_loop3A_951 = arith.subi %parallel_loop3A_930, %parallel_loop3A_950 : i32
      %parallel_loop3A_952 = arith.select %parallel_loop3A_949, %parallel_loop3A_951, %parallel_loop3A_930 : i32
      %parallel_loop3A_953 = arith.constant 64 : i32
      %parallel_loop3A_954 = arith.constant 0 : i32
      %parallel_loop3A_955 = arith.cmpi eq, %parallel_loop3A_953, %parallel_loop3A_954 : i32
      %parallel_loop3A_956 = arith.constant 1 : i32
      %parallel_loop3A_957 = arith.select %parallel_loop3A_955, %parallel_loop3A_956, %parallel_loop3A_953 : i32
      %parallel_loop3A_958 = arith.remsi %parallel_loop3A_928, %parallel_loop3A_957 : i32
      %parallel_loop3A_959 = arith.constant 0 : i32
      %parallel_loop3A_960 = arith.cmpi ne, %parallel_loop3A_958, %parallel_loop3A_959 : i32
      %parallel_loop3A_961 = arith.constant 0 : i32
      %parallel_loop3A_962 = arith.cmpi slt, %parallel_loop3A_958, %parallel_loop3A_961 : i32
      %parallel_loop3A_963 = arith.constant 0 : i32
      %parallel_loop3A_964 = arith.cmpi slt, %parallel_loop3A_957, %parallel_loop3A_963 : i32
      %parallel_loop3A_965 = arith.xori %parallel_loop3A_962, %parallel_loop3A_964 : i1
      %parallel_loop3A_966 = arith.andi %parallel_loop3A_965, %parallel_loop3A_960 : i1
      %parallel_loop3A_967 = arith.addi %parallel_loop3A_958, %parallel_loop3A_957 : i32
      %parallel_loop3A_968 = arith.select %parallel_loop3A_966, %parallel_loop3A_967, %parallel_loop3A_958 : i32
      %parallel_loop3A_969 = arith.constant 16 : i32
      %parallel_loop3A_970 = arith.muli %parallel_loop3A_968, %parallel_loop3A_969 : i32
      %parallel_loop3A_971 = arith.index_cast %parallel_loop3A_952 : i32 to index
      %parallel_loop3A_972 = arith.index_cast %parallel_loop3A_970 : i32 to index
      %parallel_loop3A_973 = tpu.vector_load %arg9[%parallel_loop3A_971, %parallel_loop3A_972] {strides = array<i32>} : memref<16x1024xf32, #tpu.memory_space<vmem>>, vector<1x16xf32>,
      %parallel_loop3A_974 = vector.shape_cast %parallel_loop3A_973 : vector<1x16xf32> to vector<16xf32>
      %parallel_loop3A_975 = arith.constant 16 : i32
      %parallel_loop3A_976 = arith.muli %parallel_loop3A_968, %parallel_loop3A_975 : i32
      %parallel_loop3A_977 = arith.index_cast %parallel_loop3A_952 : i32 to index
      %parallel_loop3A_978 = arith.index_cast %parallel_loop3A_976 : i32 to index
      %parallel_loop3A_979 = tpu.vector_load %arg11[%parallel_loop3A_977, %parallel_loop3A_978] {strides = array<i32>} : memref<16x1024xf32, #tpu.memory_space<vmem>>, vector<1x16xf32>,
      %parallel_loop3A_980 = vector.shape_cast %parallel_loop3A_979 : vector<1x16xf32> to vector<16xf32>
      %parallel_loop3A_981 = vector.shape_cast %parallel_loop3A_974 : vector<16xf32> to vector<1x16xf32>
      tpu.vector_store %arg11[%parallel_loop3A_977, %parallel_loop3A_978], %parallel_loop3A_981 {add = true, strides = array<i32>} : memref<16x1024xf32, #tpu.memory_space<vmem>>, vector<1x16xf32>,
    } {sc.loop_unroll_factor = 8 : i64, sc.parallel_access}
    %add3A_419 = arith.constant 4096 : i32
    %add3A_420 = arith.addi %add3A_419, %mul3A_2 : i32
    %add3A_421 = arith.constant 48 : i32
    %add3A_422 = arith.addi %add3A_420, %add3A_421 : i32
    %dma_start3A_423 = arith.constant 0 : i32
    %dma_start3A_424 = tpu.memref_slice %arg5[%add3A_422, %dma_start3A_423] : memref<16384x1024xf32, #tpu.memory_space<hbm>> -> memref<16x1024xf32, #tpu.memory_space<hbm>>
    %dma_start3A_425 = arith.constant 0 : i32
    %dma_start3A_426 = tpu.memref_slice %arg5[%add3A_422, %dma_start3A_425] : memref<16384x1024xf32, #tpu.memory_space<hbm>> -> memref<16x1024xf32, #tpu.memory_space<hbm>>
    tpu.enqueue_dma source(%arg11 : memref<16x1024xf32, #tpu.memory_space<vmem>>) target(%dma_start3A_426 : memref<16x1024xf32, #tpu.memory_space<hbm>>) target_semaphore(%arg19 : memref<!tpu.dma_semaphore, #tpu.memory_space<semaphore_mem>>)
    %dma_wait3A_427 = arith.constant 0 : i32
    %dma_wait3A_428 = tpu.memref_slice %arg5[%add3A_422, %dma_wait3A_427] : memref<16384x1024xf32, #tpu.memory_space<hbm>> -> memref<16x1024xf32, #tpu.memory_space<hbm>>
    %dma_wait3A_429 = arith.constant 0 : i32
    %dma_wait3A_430 = tpu.memref_slice %arg5[%add3A_422, %dma_wait3A_429] : memref<16384x1024xf32, #tpu.memory_space<hbm>> -> memref<16x1024xf32, #tpu.memory_space<hbm>>
    tpu.wait_dma2 semaphore(%arg19 : memref<!tpu.dma_semaphore, #tpu.memory_space<semaphore_mem>>) src(%arg11 : memref<16x1024xf32, #tpu.memory_space<vmem>>) dst(%dma_wait3A_430 : memref<16x1024xf32, #tpu.memory_space<hbm>>)
    %add3A_431 = arith.constant 0 : i32
    %add3A_432 = arith.addi %add3A_431, %mul3A_2 : i32
    %add3A_433 = arith.constant 64 : i32
    %add3A_434 = arith.addi %add3A_432, %add3A_433 : i32
    %dma_start3A_435 = arith.constant 0 : i32
    %dma_start3A_436 = tpu.memref_slice %arg2[%add3A_434, %dma_start3A_435] : memref<16384x1024xf32, #tpu.memory_space<hbm>> -> memref<16x1024xf32, #tpu.memory_space<hbm>>
    %dma_start3A_437 = arith.constant 0 : i32
    %dma_start3A_438 = tpu.memref_slice %arg2[%add3A_434, %dma_start3A_437] : memref<16384x1024xf32, #tpu.memory_space<hbm>> -> memref<16x1024xf32, #tpu.memory_space<hbm>>
    tpu.enqueue_dma source(%dma_start3A_438 : memref<16x1024xf32, #tpu.memory_space<hbm>>) target(%arg11 : memref<16x1024xf32, #tpu.memory_space<vmem>>) target_semaphore(%arg16 : memref<!tpu.dma_semaphore, #tpu.memory_space<semaphore_mem>>)
    %dma_wait3A_439 = arith.constant 0 : i32
    %dma_wait3A_440 = tpu.memref_slice %arg2[%add3A_380, %dma_wait3A_439] : memref<16384x1024xf32, #tpu.memory_space<hbm>> -> memref<16x1024xf32, #tpu.memory_space<hbm>>
    %dma_wait3A_441 = arith.constant 0 : i32
    %dma_wait3A_442 = tpu.memref_slice %arg2[%add3A_380, %dma_wait3A_441] : memref<16384x1024xf32, #tpu.memory_space<hbm>> -> memref<16x1024xf32, #tpu.memory_space<hbm>>
    tpu.wait_dma2 semaphore(%arg17 : memref<!tpu.dma_semaphore, #tpu.memory_space<semaphore_mem>>) src(%dma_wait3A_442 : memref<16x1024xf32, #tpu.memory_space<hbm>>) dst(%arg12 : memref<16x1024xf32, #tpu.memory_space<vmem>>)
    %parallel_loop3A_443 = arith.constant 0 : i32
    %parallel_loop3A_444 = arith.constant 1024 : i32
    %parallel_loop3A_445 = arith.constant 1 : i32
    scf.for %parallel_loop3A_928 = %parallel_loop3A_443 to %parallel_loop3A_444 step %parallel_loop3A_445  : i32 {
      %parallel_loop3A_929 = arith.constant 64 : i32
      %parallel_loop3A_930 = arith.divsi %parallel_loop3A_928, %parallel_loop3A_929 : i32
      %parallel_loop3A_931 = arith.constant 0 : i32
      %parallel_loop3A_932 = arith.cmpi sgt, %parallel_loop3A_928, %parallel_loop3A_931 : i32
      %parallel_loop3A_933 = arith.extui %parallel_loop3A_932 : i1 to i32
      %parallel_loop3A_934 = arith.constant 0 : i32
      %parallel_loop3A_935 = arith.cmpi slt, %parallel_loop3A_928, %parallel_loop3A_934 : i32
      %parallel_loop3A_936 = arith.extui %parallel_loop3A_935 : i1 to i32
      %parallel_loop3A_937 = arith.subi %parallel_loop3A_933, %parallel_loop3A_936 : i32
      %parallel_loop3A_938 = arith.constant 0 : i32
      %parallel_loop3A_939 = arith.cmpi sgt, %parallel_loop3A_929, %parallel_loop3A_938 : i32
      %parallel_loop3A_940 = arith.extui %parallel_loop3A_939 : i1 to i32
      %parallel_loop3A_941 = arith.constant 0 : i32
      %parallel_loop3A_942 = arith.cmpi slt, %parallel_loop3A_929, %parallel_loop3A_941 : i32
      %parallel_loop3A_943 = arith.extui %parallel_loop3A_942 : i1 to i32
      %parallel_loop3A_944 = arith.subi %parallel_loop3A_940, %parallel_loop3A_943 : i32
      %parallel_loop3A_945 = arith.cmpi ne, %parallel_loop3A_937, %parallel_loop3A_944 : i32
      %parallel_loop3A_946 = arith.remsi %parallel_loop3A_928, %parallel_loop3A_929 : i32
      %parallel_loop3A_947 = arith.constant 0 : i32
      %parallel_loop3A_948 = arith.cmpi ne, %parallel_loop3A_946, %parallel_loop3A_947 : i32
      %parallel_loop3A_949 = arith.andi %parallel_loop3A_945, %parallel_loop3A_948 : i1
      %parallel_loop3A_950 = arith.constant 1 : i32
      %parallel_loop3A_951 = arith.subi %parallel_loop3A_930, %parallel_loop3A_950 : i32
      %parallel_loop3A_952 = arith.select %parallel_loop3A_949, %parallel_loop3A_951, %parallel_loop3A_930 : i32
      %parallel_loop3A_953 = arith.constant 64 : i32
      %parallel_loop3A_954 = arith.constant 0 : i32
      %parallel_loop3A_955 = arith.cmpi eq, %parallel_loop3A_953, %parallel_loop3A_954 : i32
      %parallel_loop3A_956 = arith.constant 1 : i32
      %parallel_loop3A_957 = arith.select %parallel_loop3A_955, %parallel_loop3A_956, %parallel_loop3A_953 : i32
      %parallel_loop3A_958 = arith.remsi %parallel_loop3A_928, %parallel_loop3A_957 : i32
      %parallel_loop3A_959 = arith.constant 0 : i32
      %parallel_loop3A_960 = arith.cmpi ne, %parallel_loop3A_958, %parallel_loop3A_959 : i32
      %parallel_loop3A_961 = arith.constant 0 : i32
      %parallel_loop3A_962 = arith.cmpi slt, %parallel_loop3A_958, %parallel_loop3A_961 : i32
      %parallel_loop3A_963 = arith.constant 0 : i32
      %parallel_loop3A_964 = arith.cmpi slt, %parallel_loop3A_957, %parallel_loop3A_963 : i32
      %parallel_loop3A_965 = arith.xori %parallel_loop3A_962, %parallel_loop3A_964 : i1
      %parallel_loop3A_966 = arith.andi %parallel_loop3A_965, %parallel_loop3A_960 : i1
      %parallel_loop3A_967 = arith.addi %parallel_loop3A_958, %parallel_loop3A_957 : i32
      %parallel_loop3A_968 = arith.select %parallel_loop3A_966, %parallel_loop3A_967, %parallel_loop3A_958 : i32
      %parallel_loop3A_969 = arith.constant 16 : i32
      %parallel_loop3A_970 = arith.muli %parallel_loop3A_968, %parallel_loop3A_969 : i32
      %parallel_loop3A_971 = arith.index_cast %parallel_loop3A_952 : i32 to index
      %parallel_loop3A_972 = arith.index_cast %parallel_loop3A_970 : i32 to index
      %parallel_loop3A_973 = tpu.vector_load %arg9[%parallel_loop3A_971, %parallel_loop3A_972] {strides = array<i32>} : memref<16x1024xf32, #tpu.memory_space<vmem>>, vector<1x16xf32>,
      %parallel_loop3A_974 = vector.shape_cast %parallel_loop3A_973 : vector<1x16xf32> to vector<16xf32>
      %parallel_loop3A_975 = arith.constant 16 : i32
      %parallel_loop3A_976 = arith.muli %parallel_loop3A_968, %parallel_loop3A_975 : i32
      %parallel_loop3A_977 = arith.index_cast %parallel_loop3A_952 : i32 to index
      %parallel_loop3A_978 = arith.index_cast %parallel_loop3A_976 : i32 to index
      %parallel_loop3A_979 = tpu.vector_load %arg12[%parallel_loop3A_977, %parallel_loop3A_978] {strides = array<i32>} : memref<16x1024xf32, #tpu.memory_space<vmem>>, vector<1x16xf32>,
      %parallel_loop3A_980 = vector.shape_cast %parallel_loop3A_979 : vector<1x16xf32> to vector<16xf32>
      %parallel_loop3A_981 = vector.shape_cast %parallel_loop3A_974 : vector<16xf32> to vector<1x16xf32>
      tpu.vector_store %arg12[%parallel_loop3A_977, %parallel_loop3A_978], %parallel_loop3A_981 {add = true, strides = array<i32>} : memref<16x1024xf32, #tpu.memory_space<vmem>>, vector<1x16xf32>,
    } {sc.loop_unroll_factor = 8 : i64, sc.parallel_access}
    %add3A_446 = arith.constant 8192 : i32
    %add3A_447 = arith.addi %add3A_446, %mul3A_2 : i32
    %add3A_448 = arith.constant 48 : i32
    %add3A_449 = arith.addi %add3A_447, %add3A_448 : i32
    %dma_start3A_450 = arith.constant 0 : i32
    %dma_start3A_451 = tpu.memref_slice %arg5[%add3A_449, %dma_start3A_450] : memref<16384x1024xf32, #tpu.memory_space<hbm>> -> memref<16x1024xf32, #tpu.memory_space<hbm>>
    %dma_start3A_452 = arith.constant 0 : i32
    %dma_start3A_453 = tpu.memref_slice %arg5[%add3A_449, %dma_start3A_452] : memref<16384x1024xf32, #tpu.memory_space<hbm>> -> memref<16x1024xf32, #tpu.memory_space<hbm>>
    tpu.enqueue_dma source(%arg12 : memref<16x1024xf32, #tpu.memory_space<vmem>>) target(%dma_start3A_453 : memref<16x1024xf32, #tpu.memory_space<hbm>>) target_semaphore(%arg20 : memref<!tpu.dma_semaphore, #tpu.memory_space<semaphore_mem>>)
    %dma_wait3A_454 = arith.constant 0 : i32
    %dma_wait3A_455 = tpu.memref_slice %arg5[%add3A_449, %dma_wait3A_454] : memref<16384x1024xf32, #tpu.memory_space<hbm>> -> memref<16x1024xf32, #tpu.memory_space<hbm>>
    %dma_wait3A_456 = arith.constant 0 : i32
    %dma_wait3A_457 = tpu.memref_slice %arg5[%add3A_449, %dma_wait3A_456] : memref<16384x1024xf32, #tpu.memory_space<hbm>> -> memref<16x1024xf32, #tpu.memory_space<hbm>>
    tpu.wait_dma2 semaphore(%arg20 : memref<!tpu.dma_semaphore, #tpu.memory_space<semaphore_mem>>) src(%arg12 : memref<16x1024xf32, #tpu.memory_space<vmem>>) dst(%dma_wait3A_457 : memref<16x1024xf32, #tpu.memory_space<hbm>>)
    %add3A_458 = arith.constant 4096 : i32
    %add3A_459 = arith.addi %add3A_458, %mul3A_2 : i32
    %add3A_460 = arith.constant 64 : i32
    %add3A_461 = arith.addi %add3A_459, %add3A_460 : i32
    %dma_start3A_462 = arith.constant 0 : i32
    %dma_start3A_463 = tpu.memref_slice %arg2[%add3A_461, %dma_start3A_462] : memref<16384x1024xf32, #tpu.memory_space<hbm>> -> memref<16x1024xf32, #tpu.memory_space<hbm>>
    %dma_start3A_464 = arith.constant 0 : i32
    %dma_start3A_465 = tpu.memref_slice %arg2[%add3A_461, %dma_start3A_464] : memref<16384x1024xf32, #tpu.memory_space<hbm>> -> memref<16x1024xf32, #tpu.memory_space<hbm>>
    tpu.enqueue_dma source(%dma_start3A_465 : memref<16x1024xf32, #tpu.memory_space<hbm>>) target(%arg12 : memref<16x1024xf32, #tpu.memory_space<vmem>>) target_semaphore(%arg17 : memref<!tpu.dma_semaphore, #tpu.memory_space<semaphore_mem>>)
    %dma_wait3A_466 = arith.constant 0 : i32
    %dma_wait3A_467 = tpu.memref_slice %arg2[%add3A_407, %dma_wait3A_466] : memref<16384x1024xf32, #tpu.memory_space<hbm>> -> memref<16x1024xf32, #tpu.memory_space<hbm>>
    %dma_wait3A_468 = arith.constant 0 : i32
    %dma_wait3A_469 = tpu.memref_slice %arg2[%add3A_407, %dma_wait3A_468] : memref<16384x1024xf32, #tpu.memory_space<hbm>> -> memref<16x1024xf32, #tpu.memory_space<hbm>>
    tpu.wait_dma2 semaphore(%arg15 : memref<!tpu.dma_semaphore, #tpu.memory_space<semaphore_mem>>) src(%dma_wait3A_469 : memref<16x1024xf32, #tpu.memory_space<hbm>>) dst(%arg10 : memref<16x1024xf32, #tpu.memory_space<vmem>>)
    %parallel_loop3A_470 = arith.constant 0 : i32
    %parallel_loop3A_471 = arith.constant 1024 : i32
    %parallel_loop3A_472 = arith.constant 1 : i32
    scf.for %parallel_loop3A_928 = %parallel_loop3A_470 to %parallel_loop3A_471 step %parallel_loop3A_472  : i32 {
      %parallel_loop3A_929 = arith.constant 64 : i32
      %parallel_loop3A_930 = arith.divsi %parallel_loop3A_928, %parallel_loop3A_929 : i32
      %parallel_loop3A_931 = arith.constant 0 : i32
      %parallel_loop3A_932 = arith.cmpi sgt, %parallel_loop3A_928, %parallel_loop3A_931 : i32
      %parallel_loop3A_933 = arith.extui %parallel_loop3A_932 : i1 to i32
      %parallel_loop3A_934 = arith.constant 0 : i32
      %parallel_loop3A_935 = arith.cmpi slt, %parallel_loop3A_928, %parallel_loop3A_934 : i32
      %parallel_loop3A_936 = arith.extui %parallel_loop3A_935 : i1 to i32
      %parallel_loop3A_937 = arith.subi %parallel_loop3A_933, %parallel_loop3A_936 : i32
      %parallel_loop3A_938 = arith.constant 0 : i32
      %parallel_loop3A_939 = arith.cmpi sgt, %parallel_loop3A_929, %parallel_loop3A_938 : i32
      %parallel_loop3A_940 = arith.extui %parallel_loop3A_939 : i1 to i32
      %parallel_loop3A_941 = arith.constant 0 : i32
      %parallel_loop3A_942 = arith.cmpi slt, %parallel_loop3A_929, %parallel_loop3A_941 : i32
      %parallel_loop3A_943 = arith.extui %parallel_loop3A_942 : i1 to i32
      %parallel_loop3A_944 = arith.subi %parallel_loop3A_940, %parallel_loop3A_943 : i32
      %parallel_loop3A_945 = arith.cmpi ne, %parallel_loop3A_937, %parallel_loop3A_944 : i32
      %parallel_loop3A_946 = arith.remsi %parallel_loop3A_928, %parallel_loop3A_929 : i32
      %parallel_loop3A_947 = arith.constant 0 : i32
      %parallel_loop3A_948 = arith.cmpi ne, %parallel_loop3A_946, %parallel_loop3A_947 : i32
      %parallel_loop3A_949 = arith.andi %parallel_loop3A_945, %parallel_loop3A_948 : i1
      %parallel_loop3A_950 = arith.constant 1 : i32
      %parallel_loop3A_951 = arith.subi %parallel_loop3A_930, %parallel_loop3A_950 : i32
      %parallel_loop3A_952 = arith.select %parallel_loop3A_949, %parallel_loop3A_951, %parallel_loop3A_930 : i32
      %parallel_loop3A_953 = arith.constant 64 : i32
      %parallel_loop3A_954 = arith.constant 0 : i32
      %parallel_loop3A_955 = arith.cmpi eq, %parallel_loop3A_953, %parallel_loop3A_954 : i32
      %parallel_loop3A_956 = arith.constant 1 : i32
      %parallel_loop3A_957 = arith.select %parallel_loop3A_955, %parallel_loop3A_956, %parallel_loop3A_953 : i32
      %parallel_loop3A_958 = arith.remsi %parallel_loop3A_928, %parallel_loop3A_957 : i32
      %parallel_loop3A_959 = arith.constant 0 : i32
      %parallel_loop3A_960 = arith.cmpi ne, %parallel_loop3A_958, %parallel_loop3A_959 : i32
      %parallel_loop3A_961 = arith.constant 0 : i32
      %parallel_loop3A_962 = arith.cmpi slt, %parallel_loop3A_958, %parallel_loop3A_961 : i32
      %parallel_loop3A_963 = arith.constant 0 : i32
      %parallel_loop3A_964 = arith.cmpi slt, %parallel_loop3A_957, %parallel_loop3A_963 : i32
      %parallel_loop3A_965 = arith.xori %parallel_loop3A_962, %parallel_loop3A_964 : i1
      %parallel_loop3A_966 = arith.andi %parallel_loop3A_965, %parallel_loop3A_960 : i1
      %parallel_loop3A_967 = arith.addi %parallel_loop3A_958, %parallel_loop3A_957 : i32
      %parallel_loop3A_968 = arith.select %parallel_loop3A_966, %parallel_loop3A_967, %parallel_loop3A_958 : i32
      %parallel_loop3A_969 = arith.constant 16 : i32
      %parallel_loop3A_970 = arith.muli %parallel_loop3A_968, %parallel_loop3A_969 : i32
      %parallel_loop3A_971 = arith.index_cast %parallel_loop3A_952 : i32 to index
      %parallel_loop3A_972 = arith.index_cast %parallel_loop3A_970 : i32 to index
      %parallel_loop3A_973 = tpu.vector_load %arg9[%parallel_loop3A_971, %parallel_loop3A_972] {strides = array<i32>} : memref<16x1024xf32, #tpu.memory_space<vmem>>, vector<1x16xf32>,
      %parallel_loop3A_974 = vector.shape_cast %parallel_loop3A_973 : vector<1x16xf32> to vector<16xf32>
      %parallel_loop3A_975 = arith.constant 16 : i32
      %parallel_loop3A_976 = arith.muli %parallel_loop3A_968, %parallel_loop3A_975 : i32
      %parallel_loop3A_977 = arith.index_cast %parallel_loop3A_952 : i32 to index
      %parallel_loop3A_978 = arith.index_cast %parallel_loop3A_976 : i32 to index
      %parallel_loop3A_979 = tpu.vector_load %arg10[%parallel_loop3A_977, %parallel_loop3A_978] {strides = array<i32>} : memref<16x1024xf32, #tpu.memory_space<vmem>>, vector<1x16xf32>,
      %parallel_loop3A_980 = vector.shape_cast %parallel_loop3A_979 : vector<1x16xf32> to vector<16xf32>
      %parallel_loop3A_981 = vector.shape_cast %parallel_loop3A_974 : vector<16xf32> to vector<1x16xf32>
      tpu.vector_store %arg10[%parallel_loop3A_977, %parallel_loop3A_978], %parallel_loop3A_981 {add = true, strides = array<i32>} : memref<16x1024xf32, #tpu.memory_space<vmem>>, vector<1x16xf32>,
    } {sc.loop_unroll_factor = 8 : i64, sc.parallel_access}
    %add3A_473 = arith.constant 12288 : i32
    %add3A_474 = arith.addi %add3A_473, %mul3A_2 : i32
    %add3A_475 = arith.constant 48 : i32
    %add3A_476 = arith.addi %add3A_474, %add3A_475 : i32
    %dma_start3A_477 = arith.constant 0 : i32
    %dma_start3A_478 = tpu.memref_slice %arg5[%add3A_476, %dma_start3A_477] : memref<16384x1024xf32, #tpu.memory_space<hbm>> -> memref<16x1024xf32, #tpu.memory_space<hbm>>
    %dma_start3A_479 = arith.constant 0 : i32
    %dma_start3A_480 = tpu.memref_slice %arg5[%add3A_476, %dma_start3A_479] : memref<16384x1024xf32, #tpu.memory_space<hbm>> -> memref<16x1024xf32, #tpu.memory_space<hbm>>
    tpu.enqueue_dma source(%arg10 : memref<16x1024xf32, #tpu.memory_space<vmem>>) target(%dma_start3A_480 : memref<16x1024xf32, #tpu.memory_space<hbm>>) target_semaphore(%arg18 : memref<!tpu.dma_semaphore, #tpu.memory_space<semaphore_mem>>)
    %dma_wait3A_481 = arith.constant 0 : i32
    %dma_wait3A_482 = arith.constant 0 : i32
    %dma_wait3A_483 = tpu.memref_slice %arg4[%dma_wait3A_481, %dma_wait3A_482] : memref<4096x1024xf32, #tpu.memory_space<hbm>> -> memref<4096x1024xf32, #tpu.memory_space<hbm>>
    tpu.wait_indirect_dma semaphore(%arg13 : memref<!tpu.dma_semaphore, #tpu.memory_space<semaphore_mem>>) src(%dma_wait3A_483 : memref<4096x1024xf32, #tpu.memory_space<hbm>>) dst(%arg8 : memref<16x1024xf32, #tpu.memory_space<vmem>>)
    %add3A_484 = arith.constant 80 : i32
    %add3A_485 = arith.addi %mul3A_2, %add3A_484 : i32
    "tpu.region"() ({
      %run_scoped3A = tpu.sem_alloc : memref<!tpu.dma_semaphore, #tpu.memory_space<semaphore_mem>>
      %dma_start3A_928 = tpu.memref_slice %arg3[%add3A_485] : memref<4096xi32, #tpu.memory_space<hbm>> -> memref<16xi32, #tpu.memory_space<hbm>>
      %dma_start3A_929 = tpu.memref_slice %arg3[%add3A_485] : memref<4096xi32, #tpu.memory_space<hbm>> -> memref<16xi32, #tpu.memory_space<hbm>>
      tpu.enqueue_dma source(%dma_start3A_929 : memref<16xi32, #tpu.memory_space<hbm>>) target(%arg7 : memref<16xi32, #tpu.memory_space<vmem>>) target_semaphore(%run_scoped3A : memref<!tpu.dma_semaphore, #tpu.memory_space<semaphore_mem>>)
      %dma_wait3A_930 = tpu.memref_slice %arg3[%add3A_485] : memref<4096xi32, #tpu.memory_space<hbm>> -> memref<16xi32, #tpu.memory_space<hbm>>
      %dma_wait3A_931 = tpu.memref_slice %arg3[%add3A_485] : memref<4096xi32, #tpu.memory_space<hbm>> -> memref<16xi32, #tpu.memory_space<hbm>>
      tpu.wait_dma2 semaphore(%run_scoped3A : memref<!tpu.dma_semaphore, #tpu.memory_space<semaphore_mem>>) src(%dma_wait3A_931 : memref<16xi32, #tpu.memory_space<hbm>>) dst(%arg7 : memref<16xi32, #tpu.memory_space<vmem>>)
      tpu.yield
    }) : () -> ()
    %dma_start3A_486 = arith.constant 0 : i32
    %dma_start3A_487 = arith.constant 0 : i32
    %dma_start3A_488 = tpu.memref_slice %arg4[%dma_start3A_486, %dma_start3A_487] : memref<4096x1024xf32, #tpu.memory_space<hbm>> -> memref<4096x1024xf32, #tpu.memory_space<hbm>>
    tpu.enqueue_indirect_dma source(%dma_start3A_488 : memref<4096x1024xf32, #tpu.memory_space<hbm>>) target(%arg9 : memref<16x1024xf32, #tpu.memory_space<vmem>>) offsets(%arg7 : memref<16xi32, #tpu.memory_space<vmem>>) semaphore(%arg14 : memref<!tpu.dma_semaphore, #tpu.memory_space<semaphore_mem>>)
    %dma_wait3A_489 = arith.constant 0 : i32
    %dma_wait3A_490 = tpu.memref_slice %arg5[%add3A_476, %dma_wait3A_489] : memref<16384x1024xf32, #tpu.memory_space<hbm>> -> memref<16x1024xf32, #tpu.memory_space<hbm>>
    %dma_wait3A_491 = arith.constant 0 : i32
    %dma_wait3A_492 = tpu.memref_slice %arg5[%add3A_476, %dma_wait3A_491] : memref<16384x1024xf32, #tpu.memory_space<hbm>> -> memref<16x1024xf32, #tpu.memory_space<hbm>>
    tpu.wait_dma2 semaphore(%arg18 : memref<!tpu.dma_semaphore, #tpu.memory_space<semaphore_mem>>) src(%arg10 : memref<16x1024xf32, #tpu.memory_space<vmem>>) dst(%dma_wait3A_492 : memref<16x1024xf32, #tpu.memory_space<hbm>>)
    %add3A_493 = arith.constant 8192 : i32
    %add3A_494 = arith.addi %add3A_493, %mul3A_2 : i32
    %add3A_495 = arith.constant 64 : i32
    %add3A_496 = arith.addi %add3A_494, %add3A_495 : i32
    %dma_start3A_497 = arith.constant 0 : i32
    %dma_start3A_498 = tpu.memref_slice %arg2[%add3A_496, %dma_start3A_497] : memref<16384x1024xf32, #tpu.memory_space<hbm>> -> memref<16x1024xf32, #tpu.memory_space<hbm>>
    %dma_start3A_499 = arith.constant 0 : i32
    %dma_start3A_500 = tpu.memref_slice %arg2[%add3A_496, %dma_start3A_499] : memref<16384x1024xf32, #tpu.memory_space<hbm>> -> memref<16x1024xf32, #tpu.memory_space<hbm>>
    tpu.enqueue_dma source(%dma_start3A_500 : memref<16x1024xf32, #tpu.memory_space<hbm>>) target(%arg10 : memref<16x1024xf32, #tpu.memory_space<vmem>>) target_semaphore(%arg15 : memref<!tpu.dma_semaphore, #tpu.memory_space<semaphore_mem>>)
    %dma_wait3A_501 = arith.constant 0 : i32
    %dma_wait3A_502 = tpu.memref_slice %arg2[%add3A_434, %dma_wait3A_501] : memref<16384x1024xf32, #tpu.memory_space<hbm>> -> memref<16x1024xf32, #tpu.memory_space<hbm>>
    %dma_wait3A_503 = arith.constant 0 : i32
    %dma_wait3A_504 = tpu.memref_slice %arg2[%add3A_434, %dma_wait3A_503] : memref<16384x1024xf32, #tpu.memory_space<hbm>> -> memref<16x1024xf32, #tpu.memory_space<hbm>>
    tpu.wait_dma2 semaphore(%arg16 : memref<!tpu.dma_semaphore, #tpu.memory_space<semaphore_mem>>) src(%dma_wait3A_504 : memref<16x1024xf32, #tpu.memory_space<hbm>>) dst(%arg11 : memref<16x1024xf32, #tpu.memory_space<vmem>>)
    %parallel_loop3A_505 = arith.constant 0 : i32
    %parallel_loop3A_506 = arith.constant 1024 : i32
    %parallel_loop3A_507 = arith.constant 1 : i32
    scf.for %parallel_loop3A_928 = %parallel_loop3A_505 to %parallel_loop3A_506 step %parallel_loop3A_507  : i32 {
      %parallel_loop3A_929 = arith.constant 64 : i32
      %parallel_loop3A_930 = arith.divsi %parallel_loop3A_928, %parallel_loop3A_929 : i32
      %parallel_loop3A_931 = arith.constant 0 : i32
      %parallel_loop3A_932 = arith.cmpi sgt, %parallel_loop3A_928, %parallel_loop3A_931 : i32
      %parallel_loop3A_933 = arith.extui %parallel_loop3A_932 : i1 to i32
      %parallel_loop3A_934 = arith.constant 0 : i32
      %parallel_loop3A_935 = arith.cmpi slt, %parallel_loop3A_928, %parallel_loop3A_934 : i32
      %parallel_loop3A_936 = arith.extui %parallel_loop3A_935 : i1 to i32
      %parallel_loop3A_937 = arith.subi %parallel_loop3A_933, %parallel_loop3A_936 : i32
      %parallel_loop3A_938 = arith.constant 0 : i32
      %parallel_loop3A_939 = arith.cmpi sgt, %parallel_loop3A_929, %parallel_loop3A_938 : i32
      %parallel_loop3A_940 = arith.extui %parallel_loop3A_939 : i1 to i32
      %parallel_loop3A_941 = arith.constant 0 : i32
      %parallel_loop3A_942 = arith.cmpi slt, %parallel_loop3A_929, %parallel_loop3A_941 : i32
      %parallel_loop3A_943 = arith.extui %parallel_loop3A_942 : i1 to i32
      %parallel_loop3A_944 = arith.subi %parallel_loop3A_940, %parallel_loop3A_943 : i32
      %parallel_loop3A_945 = arith.cmpi ne, %parallel_loop3A_937, %parallel_loop3A_944 : i32
      %parallel_loop3A_946 = arith.remsi %parallel_loop3A_928, %parallel_loop3A_929 : i32
      %parallel_loop3A_947 = arith.constant 0 : i32
      %parallel_loop3A_948 = arith.cmpi ne, %parallel_loop3A_946, %parallel_loop3A_947 : i32
      %parallel_loop3A_949 = arith.andi %parallel_loop3A_945, %parallel_loop3A_948 : i1
      %parallel_loop3A_950 = arith.constant 1 : i32
      %parallel_loop3A_951 = arith.subi %parallel_loop3A_930, %parallel_loop3A_950 : i32
      %parallel_loop3A_952 = arith.select %parallel_loop3A_949, %parallel_loop3A_951, %parallel_loop3A_930 : i32
      %parallel_loop3A_953 = arith.constant 64 : i32
      %parallel_loop3A_954 = arith.constant 0 : i32
      %parallel_loop3A_955 = arith.cmpi eq, %parallel_loop3A_953, %parallel_loop3A_954 : i32
      %parallel_loop3A_956 = arith.constant 1 : i32
      %parallel_loop3A_957 = arith.select %parallel_loop3A_955, %parallel_loop3A_956, %parallel_loop3A_953 : i32
      %parallel_loop3A_958 = arith.remsi %parallel_loop3A_928, %parallel_loop3A_957 : i32
      %parallel_loop3A_959 = arith.constant 0 : i32
      %parallel_loop3A_960 = arith.cmpi ne, %parallel_loop3A_958, %parallel_loop3A_959 : i32
      %parallel_loop3A_961 = arith.constant 0 : i32
      %parallel_loop3A_962 = arith.cmpi slt, %parallel_loop3A_958, %parallel_loop3A_961 : i32
      %parallel_loop3A_963 = arith.constant 0 : i32
      %parallel_loop3A_964 = arith.cmpi slt, %parallel_loop3A_957, %parallel_loop3A_963 : i32
      %parallel_loop3A_965 = arith.xori %parallel_loop3A_962, %parallel_loop3A_964 : i1
      %parallel_loop3A_966 = arith.andi %parallel_loop3A_965, %parallel_loop3A_960 : i1
      %parallel_loop3A_967 = arith.addi %parallel_loop3A_958, %parallel_loop3A_957 : i32
      %parallel_loop3A_968 = arith.select %parallel_loop3A_966, %parallel_loop3A_967, %parallel_loop3A_958 : i32
      %parallel_loop3A_969 = arith.constant 16 : i32
      %parallel_loop3A_970 = arith.muli %parallel_loop3A_968, %parallel_loop3A_969 : i32
      %parallel_loop3A_971 = arith.index_cast %parallel_loop3A_952 : i32 to index
      %parallel_loop3A_972 = arith.index_cast %parallel_loop3A_970 : i32 to index
      %parallel_loop3A_973 = tpu.vector_load %arg8[%parallel_loop3A_971, %parallel_loop3A_972] {strides = array<i32>} : memref<16x1024xf32, #tpu.memory_space<vmem>>, vector<1x16xf32>,
      %parallel_loop3A_974 = vector.shape_cast %parallel_loop3A_973 : vector<1x16xf32> to vector<16xf32>
      %parallel_loop3A_975 = arith.constant 16 : i32
      %parallel_loop3A_976 = arith.muli %parallel_loop3A_968, %parallel_loop3A_975 : i32
      %parallel_loop3A_977 = arith.index_cast %parallel_loop3A_952 : i32 to index
      %parallel_loop3A_978 = arith.index_cast %parallel_loop3A_976 : i32 to index
      %parallel_loop3A_979 = tpu.vector_load %arg11[%parallel_loop3A_977, %parallel_loop3A_978] {strides = array<i32>} : memref<16x1024xf32, #tpu.memory_space<vmem>>, vector<1x16xf32>,
      %parallel_loop3A_980 = vector.shape_cast %parallel_loop3A_979 : vector<1x16xf32> to vector<16xf32>
      %parallel_loop3A_981 = vector.shape_cast %parallel_loop3A_974 : vector<16xf32> to vector<1x16xf32>
      tpu.vector_store %arg11[%parallel_loop3A_977, %parallel_loop3A_978], %parallel_loop3A_981 {add = true, strides = array<i32>} : memref<16x1024xf32, #tpu.memory_space<vmem>>, vector<1x16xf32>,
    } {sc.loop_unroll_factor = 8 : i64, sc.parallel_access}
    %add3A_508 = arith.constant 0 : i32
    %add3A_509 = arith.addi %add3A_508, %mul3A_2 : i32
    %add3A_510 = arith.constant 64 : i32
    %add3A_511 = arith.addi %add3A_509, %add3A_510 : i32
    %dma_start3A_512 = arith.constant 0 : i32
    %dma_start3A_513 = tpu.memref_slice %arg5[%add3A_511, %dma_start3A_512] : memref<16384x1024xf32, #tpu.memory_space<hbm>> -> memref<16x1024xf32, #tpu.memory_space<hbm>>
    %dma_start3A_514 = arith.constant 0 : i32
    %dma_start3A_515 = tpu.memref_slice %arg5[%add3A_511, %dma_start3A_514] : memref<16384x1024xf32, #tpu.memory_space<hbm>> -> memref<16x1024xf32, #tpu.memory_space<hbm>>
    tpu.enqueue_dma source(%arg11 : memref<16x1024xf32, #tpu.memory_space<vmem>>) target(%dma_start3A_515 : memref<16x1024xf32, #tpu.memory_space<hbm>>) target_semaphore(%arg19 : memref<!tpu.dma_semaphore, #tpu.memory_space<semaphore_mem>>)
    %dma_wait3A_516 = arith.constant 0 : i32
    %dma_wait3A_517 = tpu.memref_slice %arg5[%add3A_511, %dma_wait3A_516] : memref<16384x1024xf32, #tpu.memory_space<hbm>> -> memref<16x1024xf32, #tpu.memory_space<hbm>>
    %dma_wait3A_518 = arith.constant 0 : i32
    %dma_wait3A_519 = tpu.memref_slice %arg5[%add3A_511, %dma_wait3A_518] : memref<16384x1024xf32, #tpu.memory_space<hbm>> -> memref<16x1024xf32, #tpu.memory_space<hbm>>
    tpu.wait_dma2 semaphore(%arg19 : memref<!tpu.dma_semaphore, #tpu.memory_space<semaphore_mem>>) src(%arg11 : memref<16x1024xf32, #tpu.memory_space<vmem>>) dst(%dma_wait3A_519 : memref<16x1024xf32, #tpu.memory_space<hbm>>)
    %add3A_520 = arith.constant 12288 : i32
    %add3A_521 = arith.addi %add3A_520, %mul3A_2 : i32
    %add3A_522 = arith.constant 64 : i32
    %add3A_523 = arith.addi %add3A_521, %add3A_522 : i32
    %dma_start3A_524 = arith.constant 0 : i32
    %dma_start3A_525 = tpu.memref_slice %arg2[%add3A_523, %dma_start3A_524] : memref<16384x1024xf32, #tpu.memory_space<hbm>> -> memref<16x1024xf32, #tpu.memory_space<hbm>>
    %dma_start3A_526 = arith.constant 0 : i32
    %dma_start3A_527 = tpu.memref_slice %arg2[%add3A_523, %dma_start3A_526] : memref<16384x1024xf32, #tpu.memory_space<hbm>> -> memref<16x1024xf32, #tpu.memory_space<hbm>>
    tpu.enqueue_dma source(%dma_start3A_527 : memref<16x1024xf32, #tpu.memory_space<hbm>>) target(%arg11 : memref<16x1024xf32, #tpu.memory_space<vmem>>) target_semaphore(%arg16 : memref<!tpu.dma_semaphore, #tpu.memory_space<semaphore_mem>>)
    %dma_wait3A_528 = arith.constant 0 : i32
    %dma_wait3A_529 = tpu.memref_slice %arg2[%add3A_461, %dma_wait3A_528] : memref<16384x1024xf32, #tpu.memory_space<hbm>> -> memref<16x1024xf32, #tpu.memory_space<hbm>>
    %dma_wait3A_530 = arith.constant 0 : i32
    %dma_wait3A_531 = tpu.memref_slice %arg2[%add3A_461, %dma_wait3A_530] : memref<16384x1024xf32, #tpu.memory_space<hbm>> -> memref<16x1024xf32, #tpu.memory_space<hbm>>
    tpu.wait_dma2 semaphore(%arg17 : memref<!tpu.dma_semaphore, #tpu.memory_space<semaphore_mem>>) src(%dma_wait3A_531 : memref<16x1024xf32, #tpu.memory_space<hbm>>) dst(%arg12 : memref<16x1024xf32, #tpu.memory_space<vmem>>)
    %parallel_loop3A_532 = arith.constant 0 : i32
    %parallel_loop3A_533 = arith.constant 1024 : i32
    %parallel_loop3A_534 = arith.constant 1 : i32
    scf.for %parallel_loop3A_928 = %parallel_loop3A_532 to %parallel_loop3A_533 step %parallel_loop3A_534  : i32 {
      %parallel_loop3A_929 = arith.constant 64 : i32
      %parallel_loop3A_930 = arith.divsi %parallel_loop3A_928, %parallel_loop3A_929 : i32
      %parallel_loop3A_931 = arith.constant 0 : i32
      %parallel_loop3A_932 = arith.cmpi sgt, %parallel_loop3A_928, %parallel_loop3A_931 : i32
      %parallel_loop3A_933 = arith.extui %parallel_loop3A_932 : i1 to i32
      %parallel_loop3A_934 = arith.constant 0 : i32
      %parallel_loop3A_935 = arith.cmpi slt, %parallel_loop3A_928, %parallel_loop3A_934 : i32
      %parallel_loop3A_936 = arith.extui %parallel_loop3A_935 : i1 to i32
      %parallel_loop3A_937 = arith.subi %parallel_loop3A_933, %parallel_loop3A_936 : i32
      %parallel_loop3A_938 = arith.constant 0 : i32
      %parallel_loop3A_939 = arith.cmpi sgt, %parallel_loop3A_929, %parallel_loop3A_938 : i32
      %parallel_loop3A_940 = arith.extui %parallel_loop3A_939 : i1 to i32
      %parallel_loop3A_941 = arith.constant 0 : i32
      %parallel_loop3A_942 = arith.cmpi slt, %parallel_loop3A_929, %parallel_loop3A_941 : i32
      %parallel_loop3A_943 = arith.extui %parallel_loop3A_942 : i1 to i32
      %parallel_loop3A_944 = arith.subi %parallel_loop3A_940, %parallel_loop3A_943 : i32
      %parallel_loop3A_945 = arith.cmpi ne, %parallel_loop3A_937, %parallel_loop3A_944 : i32
      %parallel_loop3A_946 = arith.remsi %parallel_loop3A_928, %parallel_loop3A_929 : i32
      %parallel_loop3A_947 = arith.constant 0 : i32
      %parallel_loop3A_948 = arith.cmpi ne, %parallel_loop3A_946, %parallel_loop3A_947 : i32
      %parallel_loop3A_949 = arith.andi %parallel_loop3A_945, %parallel_loop3A_948 : i1
      %parallel_loop3A_950 = arith.constant 1 : i32
      %parallel_loop3A_951 = arith.subi %parallel_loop3A_930, %parallel_loop3A_950 : i32
      %parallel_loop3A_952 = arith.select %parallel_loop3A_949, %parallel_loop3A_951, %parallel_loop3A_930 : i32
      %parallel_loop3A_953 = arith.constant 64 : i32
      %parallel_loop3A_954 = arith.constant 0 : i32
      %parallel_loop3A_955 = arith.cmpi eq, %parallel_loop3A_953, %parallel_loop3A_954 : i32
      %parallel_loop3A_956 = arith.constant 1 : i32
      %parallel_loop3A_957 = arith.select %parallel_loop3A_955, %parallel_loop3A_956, %parallel_loop3A_953 : i32
      %parallel_loop3A_958 = arith.remsi %parallel_loop3A_928, %parallel_loop3A_957 : i32
      %parallel_loop3A_959 = arith.constant 0 : i32
      %parallel_loop3A_960 = arith.cmpi ne, %parallel_loop3A_958, %parallel_loop3A_959 : i32
      %parallel_loop3A_961 = arith.constant 0 : i32
      %parallel_loop3A_962 = arith.cmpi slt, %parallel_loop3A_958, %parallel_loop3A_961 : i32
      %parallel_loop3A_963 = arith.constant 0 : i32
      %parallel_loop3A_964 = arith.cmpi slt, %parallel_loop3A_957, %parallel_loop3A_963 : i32
      %parallel_loop3A_965 = arith.xori %parallel_loop3A_962, %parallel_loop3A_964 : i1
      %parallel_loop3A_966 = arith.andi %parallel_loop3A_965, %parallel_loop3A_960 : i1
      %parallel_loop3A_967 = arith.addi %parallel_loop3A_958, %parallel_loop3A_957 : i32
      %parallel_loop3A_968 = arith.select %parallel_loop3A_966, %parallel_loop3A_967, %parallel_loop3A_958 : i32
      %parallel_loop3A_969 = arith.constant 16 : i32
      %parallel_loop3A_970 = arith.muli %parallel_loop3A_968, %parallel_loop3A_969 : i32
      %parallel_loop3A_971 = arith.index_cast %parallel_loop3A_952 : i32 to index
      %parallel_loop3A_972 = arith.index_cast %parallel_loop3A_970 : i32 to index
      %parallel_loop3A_973 = tpu.vector_load %arg8[%parallel_loop3A_971, %parallel_loop3A_972] {strides = array<i32>} : memref<16x1024xf32, #tpu.memory_space<vmem>>, vector<1x16xf32>,
      %parallel_loop3A_974 = vector.shape_cast %parallel_loop3A_973 : vector<1x16xf32> to vector<16xf32>
      %parallel_loop3A_975 = arith.constant 16 : i32
      %parallel_loop3A_976 = arith.muli %parallel_loop3A_968, %parallel_loop3A_975 : i32
      %parallel_loop3A_977 = arith.index_cast %parallel_loop3A_952 : i32 to index
      %parallel_loop3A_978 = arith.index_cast %parallel_loop3A_976 : i32 to index
      %parallel_loop3A_979 = tpu.vector_load %arg12[%parallel_loop3A_977, %parallel_loop3A_978] {strides = array<i32>} : memref<16x1024xf32, #tpu.memory_space<vmem>>, vector<1x16xf32>,
      %parallel_loop3A_980 = vector.shape_cast %parallel_loop3A_979 : vector<1x16xf32> to vector<16xf32>
      %parallel_loop3A_981 = vector.shape_cast %parallel_loop3A_974 : vector<16xf32> to vector<1x16xf32>
      tpu.vector_store %arg12[%parallel_loop3A_977, %parallel_loop3A_978], %parallel_loop3A_981 {add = true, strides = array<i32>} : memref<16x1024xf32, #tpu.memory_space<vmem>>, vector<1x16xf32>,
    } {sc.loop_unroll_factor = 8 : i64, sc.parallel_access}
    %add3A_535 = arith.constant 4096 : i32
    %add3A_536 = arith.addi %add3A_535, %mul3A_2 : i32
    %add3A_537 = arith.constant 64 : i32
    %add3A_538 = arith.addi %add3A_536, %add3A_537 : i32
    %dma_start3A_539 = arith.constant 0 : i32
    %dma_start3A_540 = tpu.memref_slice %arg5[%add3A_538, %dma_start3A_539] : memref<16384x1024xf32, #tpu.memory_space<hbm>> -> memref<16x1024xf32, #tpu.memory_space<hbm>>
    %dma_start3A_541 = arith.constant 0 : i32
    %dma_start3A_542 = tpu.memref_slice %arg5[%add3A_538, %dma_start3A_541] : memref<16384x1024xf32, #tpu.memory_space<hbm>> -> memref<16x1024xf32, #tpu.memory_space<hbm>>
    tpu.enqueue_dma source(%arg12 : memref<16x1024xf32, #tpu.memory_space<vmem>>) target(%dma_start3A_542 : memref<16x1024xf32, #tpu.memory_space<hbm>>) target_semaphore(%arg20 : memref<!tpu.dma_semaphore, #tpu.memory_space<semaphore_mem>>)
    %dma_wait3A_543 = arith.constant 0 : i32
    %dma_wait3A_544 = tpu.memref_slice %arg5[%add3A_538, %dma_wait3A_543] : memref<16384x1024xf32, #tpu.memory_space<hbm>> -> memref<16x1024xf32, #tpu.memory_space<hbm>>
    %dma_wait3A_545 = arith.constant 0 : i32
    %dma_wait3A_546 = tpu.memref_slice %arg5[%add3A_538, %dma_wait3A_545] : memref<16384x1024xf32, #tpu.memory_space<hbm>> -> memref<16x1024xf32, #tpu.memory_space<hbm>>
    tpu.wait_dma2 semaphore(%arg20 : memref<!tpu.dma_semaphore, #tpu.memory_space<semaphore_mem>>) src(%arg12 : memref<16x1024xf32, #tpu.memory_space<vmem>>) dst(%dma_wait3A_546 : memref<16x1024xf32, #tpu.memory_space<hbm>>)
    %add3A_547 = arith.constant 0 : i32
    %add3A_548 = arith.addi %add3A_547, %mul3A_2 : i32
    %add3A_549 = arith.constant 80 : i32
    %add3A_550 = arith.addi %add3A_548, %add3A_549 : i32
    %dma_start3A_551 = arith.constant 0 : i32
    %dma_start3A_552 = tpu.memref_slice %arg2[%add3A_550, %dma_start3A_551] : memref<16384x1024xf32, #tpu.memory_space<hbm>> -> memref<16x1024xf32, #tpu.memory_space<hbm>>
    %dma_start3A_553 = arith.constant 0 : i32
    %dma_start3A_554 = tpu.memref_slice %arg2[%add3A_550, %dma_start3A_553] : memref<16384x1024xf32, #tpu.memory_space<hbm>> -> memref<16x1024xf32, #tpu.memory_space<hbm>>
    tpu.enqueue_dma source(%dma_start3A_554 : memref<16x1024xf32, #tpu.memory_space<hbm>>) target(%arg12 : memref<16x1024xf32, #tpu.memory_space<vmem>>) target_semaphore(%arg17 : memref<!tpu.dma_semaphore, #tpu.memory_space<semaphore_mem>>)
    %dma_wait3A_555 = arith.constant 0 : i32
    %dma_wait3A_556 = tpu.memref_slice %arg2[%add3A_496, %dma_wait3A_555] : memref<16384x1024xf32, #tpu.memory_space<hbm>> -> memref<16x1024xf32, #tpu.memory_space<hbm>>
    %dma_wait3A_557 = arith.constant 0 : i32
    %dma_wait3A_558 = tpu.memref_slice %arg2[%add3A_496, %dma_wait3A_557] : memref<16384x1024xf32, #tpu.memory_space<hbm>> -> memref<16x1024xf32, #tpu.memory_space<hbm>>
    tpu.wait_dma2 semaphore(%arg15 : memref<!tpu.dma_semaphore, #tpu.memory_space<semaphore_mem>>) src(%dma_wait3A_558 : memref<16x1024xf32, #tpu.memory_space<hbm>>) dst(%arg10 : memref<16x1024xf32, #tpu.memory_space<vmem>>)
    %parallel_loop3A_559 = arith.constant 0 : i32
    %parallel_loop3A_560 = arith.constant 1024 : i32
    %parallel_loop3A_561 = arith.constant 1 : i32
    scf.for %parallel_loop3A_928 = %parallel_loop3A_559 to %parallel_loop3A_560 step %parallel_loop3A_561  : i32 {
      %parallel_loop3A_929 = arith.constant 64 : i32
      %parallel_loop3A_930 = arith.divsi %parallel_loop3A_928, %parallel_loop3A_929 : i32
      %parallel_loop3A_931 = arith.constant 0 : i32
      %parallel_loop3A_932 = arith.cmpi sgt, %parallel_loop3A_928, %parallel_loop3A_931 : i32
      %parallel_loop3A_933 = arith.extui %parallel_loop3A_932 : i1 to i32
      %parallel_loop3A_934 = arith.constant 0 : i32
      %parallel_loop3A_935 = arith.cmpi slt, %parallel_loop3A_928, %parallel_loop3A_934 : i32
      %parallel_loop3A_936 = arith.extui %parallel_loop3A_935 : i1 to i32
      %parallel_loop3A_937 = arith.subi %parallel_loop3A_933, %parallel_loop3A_936 : i32
      %parallel_loop3A_938 = arith.constant 0 : i32
      %parallel_loop3A_939 = arith.cmpi sgt, %parallel_loop3A_929, %parallel_loop3A_938 : i32
      %parallel_loop3A_940 = arith.extui %parallel_loop3A_939 : i1 to i32
      %parallel_loop3A_941 = arith.constant 0 : i32
      %parallel_loop3A_942 = arith.cmpi slt, %parallel_loop3A_929, %parallel_loop3A_941 : i32
      %parallel_loop3A_943 = arith.extui %parallel_loop3A_942 : i1 to i32
      %parallel_loop3A_944 = arith.subi %parallel_loop3A_940, %parallel_loop3A_943 : i32
      %parallel_loop3A_945 = arith.cmpi ne, %parallel_loop3A_937, %parallel_loop3A_944 : i32
      %parallel_loop3A_946 = arith.remsi %parallel_loop3A_928, %parallel_loop3A_929 : i32
      %parallel_loop3A_947 = arith.constant 0 : i32
      %parallel_loop3A_948 = arith.cmpi ne, %parallel_loop3A_946, %parallel_loop3A_947 : i32
      %parallel_loop3A_949 = arith.andi %parallel_loop3A_945, %parallel_loop3A_948 : i1
      %parallel_loop3A_950 = arith.constant 1 : i32
      %parallel_loop3A_951 = arith.subi %parallel_loop3A_930, %parallel_loop3A_950 : i32
      %parallel_loop3A_952 = arith.select %parallel_loop3A_949, %parallel_loop3A_951, %parallel_loop3A_930 : i32
      %parallel_loop3A_953 = arith.constant 64 : i32
      %parallel_loop3A_954 = arith.constant 0 : i32
      %parallel_loop3A_955 = arith.cmpi eq, %parallel_loop3A_953, %parallel_loop3A_954 : i32
      %parallel_loop3A_956 = arith.constant 1 : i32
      %parallel_loop3A_957 = arith.select %parallel_loop3A_955, %parallel_loop3A_956, %parallel_loop3A_953 : i32
      %parallel_loop3A_958 = arith.remsi %parallel_loop3A_928, %parallel_loop3A_957 : i32
      %parallel_loop3A_959 = arith.constant 0 : i32
      %parallel_loop3A_960 = arith.cmpi ne, %parallel_loop3A_958, %parallel_loop3A_959 : i32
      %parallel_loop3A_961 = arith.constant 0 : i32
      %parallel_loop3A_962 = arith.cmpi slt, %parallel_loop3A_958, %parallel_loop3A_961 : i32
      %parallel_loop3A_963 = arith.constant 0 : i32
      %parallel_loop3A_964 = arith.cmpi slt, %parallel_loop3A_957, %parallel_loop3A_963 : i32
      %parallel_loop3A_965 = arith.xori %parallel_loop3A_962, %parallel_loop3A_964 : i1
      %parallel_loop3A_966 = arith.andi %parallel_loop3A_965, %parallel_loop3A_960 : i1
      %parallel_loop3A_967 = arith.addi %parallel_loop3A_958, %parallel_loop3A_957 : i32
      %parallel_loop3A_968 = arith.select %parallel_loop3A_966, %parallel_loop3A_967, %parallel_loop3A_958 : i32
      %parallel_loop3A_969 = arith.constant 16 : i32
      %parallel_loop3A_970 = arith.muli %parallel_loop3A_968, %parallel_loop3A_969 : i32
      %parallel_loop3A_971 = arith.index_cast %parallel_loop3A_952 : i32 to index
      %parallel_loop3A_972 = arith.index_cast %parallel_loop3A_970 : i32 to index
      %parallel_loop3A_973 = tpu.vector_load %arg8[%parallel_loop3A_971, %parallel_loop3A_972] {strides = array<i32>} : memref<16x1024xf32, #tpu.memory_space<vmem>>, vector<1x16xf32>,
      %parallel_loop3A_974 = vector.shape_cast %parallel_loop3A_973 : vector<1x16xf32> to vector<16xf32>
      %parallel_loop3A_975 = arith.constant 16 : i32
      %parallel_loop3A_976 = arith.muli %parallel_loop3A_968, %parallel_loop3A_975 : i32
      %parallel_loop3A_977 = arith.index_cast %parallel_loop3A_952 : i32 to index
      %parallel_loop3A_978 = arith.index_cast %parallel_loop3A_976 : i32 to index
      %parallel_loop3A_979 = tpu.vector_load %arg10[%parallel_loop3A_977, %parallel_loop3A_978] {strides = array<i32>} : memref<16x1024xf32, #tpu.memory_space<vmem>>, vector<1x16xf32>,
      %parallel_loop3A_980 = vector.shape_cast %parallel_loop3A_979 : vector<1x16xf32> to vector<16xf32>
      %parallel_loop3A_981 = vector.shape_cast %parallel_loop3A_974 : vector<16xf32> to vector<1x16xf32>
      tpu.vector_store %arg10[%parallel_loop3A_977, %parallel_loop3A_978], %parallel_loop3A_981 {add = true, strides = array<i32>} : memref<16x1024xf32, #tpu.memory_space<vmem>>, vector<1x16xf32>,
    } {sc.loop_unroll_factor = 8 : i64, sc.parallel_access}
    %add3A_562 = arith.constant 8192 : i32
    %add3A_563 = arith.addi %add3A_562, %mul3A_2 : i32
    %add3A_564 = arith.constant 64 : i32
    %add3A_565 = arith.addi %add3A_563, %add3A_564 : i32
    %dma_start3A_566 = arith.constant 0 : i32
    %dma_start3A_567 = tpu.memref_slice %arg5[%add3A_565, %dma_start3A_566] : memref<16384x1024xf32, #tpu.memory_space<hbm>> -> memref<16x1024xf32, #tpu.memory_space<hbm>>
    %dma_start3A_568 = arith.constant 0 : i32
    %dma_start3A_569 = tpu.memref_slice %arg5[%add3A_565, %dma_start3A_568] : memref<16384x1024xf32, #tpu.memory_space<hbm>> -> memref<16x1024xf32, #tpu.memory_space<hbm>>
    tpu.enqueue_dma source(%arg10 : memref<16x1024xf32, #tpu.memory_space<vmem>>) target(%dma_start3A_569 : memref<16x1024xf32, #tpu.memory_space<hbm>>) target_semaphore(%arg18 : memref<!tpu.dma_semaphore, #tpu.memory_space<semaphore_mem>>)
    %dma_wait3A_570 = arith.constant 0 : i32
    %dma_wait3A_571 = tpu.memref_slice %arg5[%add3A_565, %dma_wait3A_570] : memref<16384x1024xf32, #tpu.memory_space<hbm>> -> memref<16x1024xf32, #tpu.memory_space<hbm>>
    %dma_wait3A_572 = arith.constant 0 : i32
    %dma_wait3A_573 = tpu.memref_slice %arg5[%add3A_565, %dma_wait3A_572] : memref<16384x1024xf32, #tpu.memory_space<hbm>> -> memref<16x1024xf32, #tpu.memory_space<hbm>>
    tpu.wait_dma2 semaphore(%arg18 : memref<!tpu.dma_semaphore, #tpu.memory_space<semaphore_mem>>) src(%arg10 : memref<16x1024xf32, #tpu.memory_space<vmem>>) dst(%dma_wait3A_573 : memref<16x1024xf32, #tpu.memory_space<hbm>>)
    %add3A_574 = arith.constant 4096 : i32
    %add3A_575 = arith.addi %add3A_574, %mul3A_2 : i32
    %add3A_576 = arith.constant 80 : i32
    %add3A_577 = arith.addi %add3A_575, %add3A_576 : i32
    %dma_start3A_578 = arith.constant 0 : i32
    %dma_start3A_579 = tpu.memref_slice %arg2[%add3A_577, %dma_start3A_578] : memref<16384x1024xf32, #tpu.memory_space<hbm>> -> memref<16x1024xf32, #tpu.memory_space<hbm>>
    %dma_start3A_580 = arith.constant 0 : i32
    %dma_start3A_581 = tpu.memref_slice %arg2[%add3A_577, %dma_start3A_580] : memref<16384x1024xf32, #tpu.memory_space<hbm>> -> memref<16x1024xf32, #tpu.memory_space<hbm>>
    tpu.enqueue_dma source(%dma_start3A_581 : memref<16x1024xf32, #tpu.memory_space<hbm>>) target(%arg10 : memref<16x1024xf32, #tpu.memory_space<vmem>>) target_semaphore(%arg15 : memref<!tpu.dma_semaphore, #tpu.memory_space<semaphore_mem>>)
    %dma_wait3A_582 = arith.constant 0 : i32
    %dma_wait3A_583 = tpu.memref_slice %arg2[%add3A_523, %dma_wait3A_582] : memref<16384x1024xf32, #tpu.memory_space<hbm>> -> memref<16x1024xf32, #tpu.memory_space<hbm>>
    %dma_wait3A_584 = arith.constant 0 : i32
    %dma_wait3A_585 = tpu.memref_slice %arg2[%add3A_523, %dma_wait3A_584] : memref<16384x1024xf32, #tpu.memory_space<hbm>> -> memref<16x1024xf32, #tpu.memory_space<hbm>>
    tpu.wait_dma2 semaphore(%arg16 : memref<!tpu.dma_semaphore, #tpu.memory_space<semaphore_mem>>) src(%dma_wait3A_585 : memref<16x1024xf32, #tpu.memory_space<hbm>>) dst(%arg11 : memref<16x1024xf32, #tpu.memory_space<vmem>>)
    %parallel_loop3A_586 = arith.constant 0 : i32
    %parallel_loop3A_587 = arith.constant 1024 : i32
    %parallel_loop3A_588 = arith.constant 1 : i32
    scf.for %parallel_loop3A_928 = %parallel_loop3A_586 to %parallel_loop3A_587 step %parallel_loop3A_588  : i32 {
      %parallel_loop3A_929 = arith.constant 64 : i32
      %parallel_loop3A_930 = arith.divsi %parallel_loop3A_928, %parallel_loop3A_929 : i32
      %parallel_loop3A_931 = arith.constant 0 : i32
      %parallel_loop3A_932 = arith.cmpi sgt, %parallel_loop3A_928, %parallel_loop3A_931 : i32
      %parallel_loop3A_933 = arith.extui %parallel_loop3A_932 : i1 to i32
      %parallel_loop3A_934 = arith.constant 0 : i32
      %parallel_loop3A_935 = arith.cmpi slt, %parallel_loop3A_928, %parallel_loop3A_934 : i32
      %parallel_loop3A_936 = arith.extui %parallel_loop3A_935 : i1 to i32
      %parallel_loop3A_937 = arith.subi %parallel_loop3A_933, %parallel_loop3A_936 : i32
      %parallel_loop3A_938 = arith.constant 0 : i32
      %parallel_loop3A_939 = arith.cmpi sgt, %parallel_loop3A_929, %parallel_loop3A_938 : i32
      %parallel_loop3A_940 = arith.extui %parallel_loop3A_939 : i1 to i32
      %parallel_loop3A_941 = arith.constant 0 : i32
      %parallel_loop3A_942 = arith.cmpi slt, %parallel_loop3A_929, %parallel_loop3A_941 : i32
      %parallel_loop3A_943 = arith.extui %parallel_loop3A_942 : i1 to i32
      %parallel_loop3A_944 = arith.subi %parallel_loop3A_940, %parallel_loop3A_943 : i32
      %parallel_loop3A_945 = arith.cmpi ne, %parallel_loop3A_937, %parallel_loop3A_944 : i32
      %parallel_loop3A_946 = arith.remsi %parallel_loop3A_928, %parallel_loop3A_929 : i32
      %parallel_loop3A_947 = arith.constant 0 : i32
      %parallel_loop3A_948 = arith.cmpi ne, %parallel_loop3A_946, %parallel_loop3A_947 : i32
      %parallel_loop3A_949 = arith.andi %parallel_loop3A_945, %parallel_loop3A_948 : i1
      %parallel_loop3A_950 = arith.constant 1 : i32
      %parallel_loop3A_951 = arith.subi %parallel_loop3A_930, %parallel_loop3A_950 : i32
      %parallel_loop3A_952 = arith.select %parallel_loop3A_949, %parallel_loop3A_951, %parallel_loop3A_930 : i32
      %parallel_loop3A_953 = arith.constant 64 : i32
      %parallel_loop3A_954 = arith.constant 0 : i32
      %parallel_loop3A_955 = arith.cmpi eq, %parallel_loop3A_953, %parallel_loop3A_954 : i32
      %parallel_loop3A_956 = arith.constant 1 : i32
      %parallel_loop3A_957 = arith.select %parallel_loop3A_955, %parallel_loop3A_956, %parallel_loop3A_953 : i32
      %parallel_loop3A_958 = arith.remsi %parallel_loop3A_928, %parallel_loop3A_957 : i32
      %parallel_loop3A_959 = arith.constant 0 : i32
      %parallel_loop3A_960 = arith.cmpi ne, %parallel_loop3A_958, %parallel_loop3A_959 : i32
      %parallel_loop3A_961 = arith.constant 0 : i32
      %parallel_loop3A_962 = arith.cmpi slt, %parallel_loop3A_958, %parallel_loop3A_961 : i32
      %parallel_loop3A_963 = arith.constant 0 : i32
      %parallel_loop3A_964 = arith.cmpi slt, %parallel_loop3A_957, %parallel_loop3A_963 : i32
      %parallel_loop3A_965 = arith.xori %parallel_loop3A_962, %parallel_loop3A_964 : i1
      %parallel_loop3A_966 = arith.andi %parallel_loop3A_965, %parallel_loop3A_960 : i1
      %parallel_loop3A_967 = arith.addi %parallel_loop3A_958, %parallel_loop3A_957 : i32
      %parallel_loop3A_968 = arith.select %parallel_loop3A_966, %parallel_loop3A_967, %parallel_loop3A_958 : i32
      %parallel_loop3A_969 = arith.constant 16 : i32
      %parallel_loop3A_970 = arith.muli %parallel_loop3A_968, %parallel_loop3A_969 : i32
      %parallel_loop3A_971 = arith.index_cast %parallel_loop3A_952 : i32 to index
      %parallel_loop3A_972 = arith.index_cast %parallel_loop3A_970 : i32 to index
      %parallel_loop3A_973 = tpu.vector_load %arg8[%parallel_loop3A_971, %parallel_loop3A_972] {strides = array<i32>} : memref<16x1024xf32, #tpu.memory_space<vmem>>, vector<1x16xf32>,
      %parallel_loop3A_974 = vector.shape_cast %parallel_loop3A_973 : vector<1x16xf32> to vector<16xf32>
      %parallel_loop3A_975 = arith.constant 16 : i32
      %parallel_loop3A_976 = arith.muli %parallel_loop3A_968, %parallel_loop3A_975 : i32
      %parallel_loop3A_977 = arith.index_cast %parallel_loop3A_952 : i32 to index
      %parallel_loop3A_978 = arith.index_cast %parallel_loop3A_976 : i32 to index
      %parallel_loop3A_979 = tpu.vector_load %arg11[%parallel_loop3A_977, %parallel_loop3A_978] {strides = array<i32>} : memref<16x1024xf32, #tpu.memory_space<vmem>>, vector<1x16xf32>,
      %parallel_loop3A_980 = vector.shape_cast %parallel_loop3A_979 : vector<1x16xf32> to vector<16xf32>
      %parallel_loop3A_981 = vector.shape_cast %parallel_loop3A_974 : vector<16xf32> to vector<1x16xf32>
      tpu.vector_store %arg11[%parallel_loop3A_977, %parallel_loop3A_978], %parallel_loop3A_981 {add = true, strides = array<i32>} : memref<16x1024xf32, #tpu.memory_space<vmem>>, vector<1x16xf32>,
    } {sc.loop_unroll_factor = 8 : i64, sc.parallel_access}
    %add3A_589 = arith.constant 12288 : i32
    %add3A_590 = arith.addi %add3A_589, %mul3A_2 : i32
    %add3A_591 = arith.constant 64 : i32
    %add3A_592 = arith.addi %add3A_590, %add3A_591 : i32
    %dma_start3A_593 = arith.constant 0 : i32
    %dma_start3A_594 = tpu.memref_slice %arg5[%add3A_592, %dma_start3A_593] : memref<16384x1024xf32, #tpu.memory_space<hbm>> -> memref<16x1024xf32, #tpu.memory_space<hbm>>
    %dma_start3A_595 = arith.constant 0 : i32
    %dma_start3A_596 = tpu.memref_slice %arg5[%add3A_592, %dma_start3A_595] : memref<16384x1024xf32, #tpu.memory_space<hbm>> -> memref<16x1024xf32, #tpu.memory_space<hbm>>
    tpu.enqueue_dma source(%arg11 : memref<16x1024xf32, #tpu.memory_space<vmem>>) target(%dma_start3A_596 : memref<16x1024xf32, #tpu.memory_space<hbm>>) target_semaphore(%arg19 : memref<!tpu.dma_semaphore, #tpu.memory_space<semaphore_mem>>)
    %dma_wait3A_597 = arith.constant 0 : i32
    %dma_wait3A_598 = arith.constant 0 : i32
    %dma_wait3A_599 = tpu.memref_slice %arg4[%dma_wait3A_597, %dma_wait3A_598] : memref<4096x1024xf32, #tpu.memory_space<hbm>> -> memref<4096x1024xf32, #tpu.memory_space<hbm>>
    tpu.wait_indirect_dma semaphore(%arg14 : memref<!tpu.dma_semaphore, #tpu.memory_space<semaphore_mem>>) src(%dma_wait3A_599 : memref<4096x1024xf32, #tpu.memory_space<hbm>>) dst(%arg9 : memref<16x1024xf32, #tpu.memory_space<vmem>>)
    %add3A_600 = arith.constant 96 : i32
    %add3A_601 = arith.addi %mul3A_2, %add3A_600 : i32
    "tpu.region"() ({
      %run_scoped3A = tpu.sem_alloc : memref<!tpu.dma_semaphore, #tpu.memory_space<semaphore_mem>>
      %dma_start3A_928 = tpu.memref_slice %arg3[%add3A_601] : memref<4096xi32, #tpu.memory_space<hbm>> -> memref<16xi32, #tpu.memory_space<hbm>>
      %dma_start3A_929 = tpu.memref_slice %arg3[%add3A_601] : memref<4096xi32, #tpu.memory_space<hbm>> -> memref<16xi32, #tpu.memory_space<hbm>>
      tpu.enqueue_dma source(%dma_start3A_929 : memref<16xi32, #tpu.memory_space<hbm>>) target(%arg6 : memref<16xi32, #tpu.memory_space<vmem>>) target_semaphore(%run_scoped3A : memref<!tpu.dma_semaphore, #tpu.memory_space<semaphore_mem>>)
      %dma_wait3A_930 = tpu.memref_slice %arg3[%add3A_601] : memref<4096xi32, #tpu.memory_space<hbm>> -> memref<16xi32, #tpu.memory_space<hbm>>
      %dma_wait3A_931 = tpu.memref_slice %arg3[%add3A_601] : memref<4096xi32, #tpu.memory_space<hbm>> -> memref<16xi32, #tpu.memory_space<hbm>>
      tpu.wait_dma2 semaphore(%run_scoped3A : memref<!tpu.dma_semaphore, #tpu.memory_space<semaphore_mem>>) src(%dma_wait3A_931 : memref<16xi32, #tpu.memory_space<hbm>>) dst(%arg6 : memref<16xi32, #tpu.memory_space<vmem>>)
      tpu.yield
    }) : () -> ()
    %dma_start3A_602 = arith.constant 0 : i32
    %dma_start3A_603 = arith.constant 0 : i32
    %dma_start3A_604 = tpu.memref_slice %arg4[%dma_start3A_602, %dma_start3A_603] : memref<4096x1024xf32, #tpu.memory_space<hbm>> -> memref<4096x1024xf32, #tpu.memory_space<hbm>>
    tpu.enqueue_indirect_dma source(%dma_start3A_604 : memref<4096x1024xf32, #tpu.memory_space<hbm>>) target(%arg8 : memref<16x1024xf32, #tpu.memory_space<vmem>>) offsets(%arg6 : memref<16xi32, #tpu.memory_space<vmem>>) semaphore(%arg13 : memref<!tpu.dma_semaphore, #tpu.memory_space<semaphore_mem>>)
    %dma_wait3A_605 = arith.constant 0 : i32
    %dma_wait3A_606 = tpu.memref_slice %arg5[%add3A_592, %dma_wait3A_605] : memref<16384x1024xf32, #tpu.memory_space<hbm>> -> memref<16x1024xf32, #tpu.memory_space<hbm>>
    %dma_wait3A_607 = arith.constant 0 : i32
    %dma_wait3A_608 = tpu.memref_slice %arg5[%add3A_592, %dma_wait3A_607] : memref<16384x1024xf32, #tpu.memory_space<hbm>> -> memref<16x1024xf32, #tpu.memory_space<hbm>>
    tpu.wait_dma2 semaphore(%arg19 : memref<!tpu.dma_semaphore, #tpu.memory_space<semaphore_mem>>) src(%arg11 : memref<16x1024xf32, #tpu.memory_space<vmem>>) dst(%dma_wait3A_608 : memref<16x1024xf32, #tpu.memory_space<hbm>>)
    %add3A_609 = arith.constant 8192 : i32
    %add3A_610 = arith.addi %add3A_609, %mul3A_2 : i32
    %add3A_611 = arith.constant 80 : i32
    %add3A_612 = arith.addi %add3A_610, %add3A_611 : i32
    %dma_start3A_613 = arith.constant 0 : i32
    %dma_start3A_614 = tpu.memref_slice %arg2[%add3A_612, %dma_start3A_613] : memref<16384x1024xf32, #tpu.memory_space<hbm>> -> memref<16x1024xf32, #tpu.memory_space<hbm>>
    %dma_start3A_615 = arith.constant 0 : i32
    %dma_start3A_616 = tpu.memref_slice %arg2[%add3A_612, %dma_start3A_615] : memref<16384x1024xf32, #tpu.memory_space<hbm>> -> memref<16x1024xf32, #tpu.memory_space<hbm>>
    tpu.enqueue_dma source(%dma_start3A_616 : memref<16x1024xf32, #tpu.memory_space<hbm>>) target(%arg11 : memref<16x1024xf32, #tpu.memory_space<vmem>>) target_semaphore(%arg16 : memref<!tpu.dma_semaphore, #tpu.memory_space<semaphore_mem>>)
    %dma_wait3A_617 = arith.constant 0 : i32
    %dma_wait3A_618 = tpu.memref_slice %arg2[%add3A_550, %dma_wait3A_617] : memref<16384x1024xf32, #tpu.memory_space<hbm>> -> memref<16x1024xf32, #tpu.memory_space<hbm>>
    %dma_wait3A_619 = arith.constant 0 : i32
    %dma_wait3A_620 = tpu.memref_slice %arg2[%add3A_550, %dma_wait3A_619] : memref<16384x1024xf32, #tpu.memory_space<hbm>> -> memref<16x1024xf32, #tpu.memory_space<hbm>>
    tpu.wait_dma2 semaphore(%arg17 : memref<!tpu.dma_semaphore, #tpu.memory_space<semaphore_mem>>) src(%dma_wait3A_620 : memref<16x1024xf32, #tpu.memory_space<hbm>>) dst(%arg12 : memref<16x1024xf32, #tpu.memory_space<vmem>>)
    %parallel_loop3A_621 = arith.constant 0 : i32
    %parallel_loop3A_622 = arith.constant 1024 : i32
    %parallel_loop3A_623 = arith.constant 1 : i32
    scf.for %parallel_loop3A_928 = %parallel_loop3A_621 to %parallel_loop3A_622 step %parallel_loop3A_623  : i32 {
      %parallel_loop3A_929 = arith.constant 64 : i32
      %parallel_loop3A_930 = arith.divsi %parallel_loop3A_928, %parallel_loop3A_929 : i32
      %parallel_loop3A_931 = arith.constant 0 : i32
      %parallel_loop3A_932 = arith.cmpi sgt, %parallel_loop3A_928, %parallel_loop3A_931 : i32
      %parallel_loop3A_933 = arith.extui %parallel_loop3A_932 : i1 to i32
      %parallel_loop3A_934 = arith.constant 0 : i32
      %parallel_loop3A_935 = arith.cmpi slt, %parallel_loop3A_928, %parallel_loop3A_934 : i32
      %parallel_loop3A_936 = arith.extui %parallel_loop3A_935 : i1 to i32
      %parallel_loop3A_937 = arith.subi %parallel_loop3A_933, %parallel_loop3A_936 : i32
      %parallel_loop3A_938 = arith.constant 0 : i32
      %parallel_loop3A_939 = arith.cmpi sgt, %parallel_loop3A_929, %parallel_loop3A_938 : i32
      %parallel_loop3A_940 = arith.extui %parallel_loop3A_939 : i1 to i32
      %parallel_loop3A_941 = arith.constant 0 : i32
      %parallel_loop3A_942 = arith.cmpi slt, %parallel_loop3A_929, %parallel_loop3A_941 : i32
      %parallel_loop3A_943 = arith.extui %parallel_loop3A_942 : i1 to i32
      %parallel_loop3A_944 = arith.subi %parallel_loop3A_940, %parallel_loop3A_943 : i32
      %parallel_loop3A_945 = arith.cmpi ne, %parallel_loop3A_937, %parallel_loop3A_944 : i32
      %parallel_loop3A_946 = arith.remsi %parallel_loop3A_928, %parallel_loop3A_929 : i32
      %parallel_loop3A_947 = arith.constant 0 : i32
      %parallel_loop3A_948 = arith.cmpi ne, %parallel_loop3A_946, %parallel_loop3A_947 : i32
      %parallel_loop3A_949 = arith.andi %parallel_loop3A_945, %parallel_loop3A_948 : i1
      %parallel_loop3A_950 = arith.constant 1 : i32
      %parallel_loop3A_951 = arith.subi %parallel_loop3A_930, %parallel_loop3A_950 : i32
      %parallel_loop3A_952 = arith.select %parallel_loop3A_949, %parallel_loop3A_951, %parallel_loop3A_930 : i32
      %parallel_loop3A_953 = arith.constant 64 : i32
      %parallel_loop3A_954 = arith.constant 0 : i32
      %parallel_loop3A_955 = arith.cmpi eq, %parallel_loop3A_953, %parallel_loop3A_954 : i32
      %parallel_loop3A_956 = arith.constant 1 : i32
      %parallel_loop3A_957 = arith.select %parallel_loop3A_955, %parallel_loop3A_956, %parallel_loop3A_953 : i32
      %parallel_loop3A_958 = arith.remsi %parallel_loop3A_928, %parallel_loop3A_957 : i32
      %parallel_loop3A_959 = arith.constant 0 : i32
      %parallel_loop3A_960 = arith.cmpi ne, %parallel_loop3A_958, %parallel_loop3A_959 : i32
      %parallel_loop3A_961 = arith.constant 0 : i32
      %parallel_loop3A_962 = arith.cmpi slt, %parallel_loop3A_958, %parallel_loop3A_961 : i32
      %parallel_loop3A_963 = arith.constant 0 : i32
      %parallel_loop3A_964 = arith.cmpi slt, %parallel_loop3A_957, %parallel_loop3A_963 : i32
      %parallel_loop3A_965 = arith.xori %parallel_loop3A_962, %parallel_loop3A_964 : i1
      %parallel_loop3A_966 = arith.andi %parallel_loop3A_965, %parallel_loop3A_960 : i1
      %parallel_loop3A_967 = arith.addi %parallel_loop3A_958, %parallel_loop3A_957 : i32
      %parallel_loop3A_968 = arith.select %parallel_loop3A_966, %parallel_loop3A_967, %parallel_loop3A_958 : i32
      %parallel_loop3A_969 = arith.constant 16 : i32
      %parallel_loop3A_970 = arith.muli %parallel_loop3A_968, %parallel_loop3A_969 : i32
      %parallel_loop3A_971 = arith.index_cast %parallel_loop3A_952 : i32 to index
      %parallel_loop3A_972 = arith.index_cast %parallel_loop3A_970 : i32 to index
      %parallel_loop3A_973 = tpu.vector_load %arg9[%parallel_loop3A_971, %parallel_loop3A_972] {strides = array<i32>} : memref<16x1024xf32, #tpu.memory_space<vmem>>, vector<1x16xf32>,
      %parallel_loop3A_974 = vector.shape_cast %parallel_loop3A_973 : vector<1x16xf32> to vector<16xf32>
      %parallel_loop3A_975 = arith.constant 16 : i32
      %parallel_loop3A_976 = arith.muli %parallel_loop3A_968, %parallel_loop3A_975 : i32
      %parallel_loop3A_977 = arith.index_cast %parallel_loop3A_952 : i32 to index
      %parallel_loop3A_978 = arith.index_cast %parallel_loop3A_976 : i32 to index
      %parallel_loop3A_979 = tpu.vector_load %arg12[%parallel_loop3A_977, %parallel_loop3A_978] {strides = array<i32>} : memref<16x1024xf32, #tpu.memory_space<vmem>>, vector<1x16xf32>,
      %parallel_loop3A_980 = vector.shape_cast %parallel_loop3A_979 : vector<1x16xf32> to vector<16xf32>
      %parallel_loop3A_981 = vector.shape_cast %parallel_loop3A_974 : vector<16xf32> to vector<1x16xf32>
      tpu.vector_store %arg12[%parallel_loop3A_977, %parallel_loop3A_978], %parallel_loop3A_981 {add = true, strides = array<i32>} : memref<16x1024xf32, #tpu.memory_space<vmem>>, vector<1x16xf32>,
    } {sc.loop_unroll_factor = 8 : i64, sc.parallel_access}
    %add3A_624 = arith.constant 0 : i32
    %add3A_625 = arith.addi %add3A_624, %mul3A_2 : i32
    %add3A_626 = arith.constant 80 : i32
    %add3A_627 = arith.addi %add3A_625, %add3A_626 : i32
    %dma_start3A_628 = arith.constant 0 : i32
    %dma_start3A_629 = tpu.memref_slice %arg5[%add3A_627, %dma_start3A_628] : memref<16384x1024xf32, #tpu.memory_space<hbm>> -> memref<16x1024xf32, #tpu.memory_space<hbm>>
    %dma_start3A_630 = arith.constant 0 : i32
    %dma_start3A_631 = tpu.memref_slice %arg5[%add3A_627, %dma_start3A_630] : memref<16384x1024xf32, #tpu.memory_space<hbm>> -> memref<16x1024xf32, #tpu.memory_space<hbm>>
    tpu.enqueue_dma source(%arg12 : memref<16x1024xf32, #tpu.memory_space<vmem>>) target(%dma_start3A_631 : memref<16x1024xf32, #tpu.memory_space<hbm>>) target_semaphore(%arg20 : memref<!tpu.dma_semaphore, #tpu.memory_space<semaphore_mem>>)
    %dma_wait3A_632 = arith.constant 0 : i32
    %dma_wait3A_633 = tpu.memref_slice %arg5[%add3A_627, %dma_wait3A_632] : memref<16384x1024xf32, #tpu.memory_space<hbm>> -> memref<16x1024xf32, #tpu.memory_space<hbm>>
    %dma_wait3A_634 = arith.constant 0 : i32
    %dma_wait3A_635 = tpu.memref_slice %arg5[%add3A_627, %dma_wait3A_634] : memref<16384x1024xf32, #tpu.memory_space<hbm>> -> memref<16x1024xf32, #tpu.memory_space<hbm>>
    tpu.wait_dma2 semaphore(%arg20 : memref<!tpu.dma_semaphore, #tpu.memory_space<semaphore_mem>>) src(%arg12 : memref<16x1024xf32, #tpu.memory_space<vmem>>) dst(%dma_wait3A_635 : memref<16x1024xf32, #tpu.memory_space<hbm>>)
    %add3A_636 = arith.constant 12288 : i32
    %add3A_637 = arith.addi %add3A_636, %mul3A_2 : i32
    %add3A_638 = arith.constant 80 : i32
    %add3A_639 = arith.addi %add3A_637, %add3A_638 : i32
    %dma_start3A_640 = arith.constant 0 : i32
    %dma_start3A_641 = tpu.memref_slice %arg2[%add3A_639, %dma_start3A_640] : memref<16384x1024xf32, #tpu.memory_space<hbm>> -> memref<16x1024xf32, #tpu.memory_space<hbm>>
    %dma_start3A_642 = arith.constant 0 : i32
    %dma_start3A_643 = tpu.memref_slice %arg2[%add3A_639, %dma_start3A_642] : memref<16384x1024xf32, #tpu.memory_space<hbm>> -> memref<16x1024xf32, #tpu.memory_space<hbm>>
    tpu.enqueue_dma source(%dma_start3A_643 : memref<16x1024xf32, #tpu.memory_space<hbm>>) target(%arg12 : memref<16x1024xf32, #tpu.memory_space<vmem>>) target_semaphore(%arg17 : memref<!tpu.dma_semaphore, #tpu.memory_space<semaphore_mem>>)
    %dma_wait3A_644 = arith.constant 0 : i32
    %dma_wait3A_645 = tpu.memref_slice %arg2[%add3A_577, %dma_wait3A_644] : memref<16384x1024xf32, #tpu.memory_space<hbm>> -> memref<16x1024xf32, #tpu.memory_space<hbm>>
    %dma_wait3A_646 = arith.constant 0 : i32
    %dma_wait3A_647 = tpu.memref_slice %arg2[%add3A_577, %dma_wait3A_646] : memref<16384x1024xf32, #tpu.memory_space<hbm>> -> memref<16x1024xf32, #tpu.memory_space<hbm>>
    tpu.wait_dma2 semaphore(%arg15 : memref<!tpu.dma_semaphore, #tpu.memory_space<semaphore_mem>>) src(%dma_wait3A_647 : memref<16x1024xf32, #tpu.memory_space<hbm>>) dst(%arg10 : memref<16x1024xf32, #tpu.memory_space<vmem>>)
    %parallel_loop3A_648 = arith.constant 0 : i32
    %parallel_loop3A_649 = arith.constant 1024 : i32
    %parallel_loop3A_650 = arith.constant 1 : i32
    scf.for %parallel_loop3A_928 = %parallel_loop3A_648 to %parallel_loop3A_649 step %parallel_loop3A_650  : i32 {
      %parallel_loop3A_929 = arith.constant 64 : i32
      %parallel_loop3A_930 = arith.divsi %parallel_loop3A_928, %parallel_loop3A_929 : i32
      %parallel_loop3A_931 = arith.constant 0 : i32
      %parallel_loop3A_932 = arith.cmpi sgt, %parallel_loop3A_928, %parallel_loop3A_931 : i32
      %parallel_loop3A_933 = arith.extui %parallel_loop3A_932 : i1 to i32
      %parallel_loop3A_934 = arith.constant 0 : i32
      %parallel_loop3A_935 = arith.cmpi slt, %parallel_loop3A_928, %parallel_loop3A_934 : i32
      %parallel_loop3A_936 = arith.extui %parallel_loop3A_935 : i1 to i32
      %parallel_loop3A_937 = arith.subi %parallel_loop3A_933, %parallel_loop3A_936 : i32
      %parallel_loop3A_938 = arith.constant 0 : i32
      %parallel_loop3A_939 = arith.cmpi sgt, %parallel_loop3A_929, %parallel_loop3A_938 : i32
      %parallel_loop3A_940 = arith.extui %parallel_loop3A_939 : i1 to i32
      %parallel_loop3A_941 = arith.constant 0 : i32
      %parallel_loop3A_942 = arith.cmpi slt, %parallel_loop3A_929, %parallel_loop3A_941 : i32
      %parallel_loop3A_943 = arith.extui %parallel_loop3A_942 : i1 to i32
      %parallel_loop3A_944 = arith.subi %parallel_loop3A_940, %parallel_loop3A_943 : i32
      %parallel_loop3A_945 = arith.cmpi ne, %parallel_loop3A_937, %parallel_loop3A_944 : i32
      %parallel_loop3A_946 = arith.remsi %parallel_loop3A_928, %parallel_loop3A_929 : i32
      %parallel_loop3A_947 = arith.constant 0 : i32
      %parallel_loop3A_948 = arith.cmpi ne, %parallel_loop3A_946, %parallel_loop3A_947 : i32
      %parallel_loop3A_949 = arith.andi %parallel_loop3A_945, %parallel_loop3A_948 : i1
      %parallel_loop3A_950 = arith.constant 1 : i32
      %parallel_loop3A_951 = arith.subi %parallel_loop3A_930, %parallel_loop3A_950 : i32
      %parallel_loop3A_952 = arith.select %parallel_loop3A_949, %parallel_loop3A_951, %parallel_loop3A_930 : i32
      %parallel_loop3A_953 = arith.constant 64 : i32
      %parallel_loop3A_954 = arith.constant 0 : i32
      %parallel_loop3A_955 = arith.cmpi eq, %parallel_loop3A_953, %parallel_loop3A_954 : i32
      %parallel_loop3A_956 = arith.constant 1 : i32
      %parallel_loop3A_957 = arith.select %parallel_loop3A_955, %parallel_loop3A_956, %parallel_loop3A_953 : i32
      %parallel_loop3A_958 = arith.remsi %parallel_loop3A_928, %parallel_loop3A_957 : i32
      %parallel_loop3A_959 = arith.constant 0 : i32
      %parallel_loop3A_960 = arith.cmpi ne, %parallel_loop3A_958, %parallel_loop3A_959 : i32
      %parallel_loop3A_961 = arith.constant 0 : i32
      %parallel_loop3A_962 = arith.cmpi slt, %parallel_loop3A_958, %parallel_loop3A_961 : i32
      %parallel_loop3A_963 = arith.constant 0 : i32
      %parallel_loop3A_964 = arith.cmpi slt, %parallel_loop3A_957, %parallel_loop3A_963 : i32
      %parallel_loop3A_965 = arith.xori %parallel_loop3A_962, %parallel_loop3A_964 : i1
      %parallel_loop3A_966 = arith.andi %parallel_loop3A_965, %parallel_loop3A_960 : i1
      %parallel_loop3A_967 = arith.addi %parallel_loop3A_958, %parallel_loop3A_957 : i32
      %parallel_loop3A_968 = arith.select %parallel_loop3A_966, %parallel_loop3A_967, %parallel_loop3A_958 : i32
      %parallel_loop3A_969 = arith.constant 16 : i32
      %parallel_loop3A_970 = arith.muli %parallel_loop3A_968, %parallel_loop3A_969 : i32
      %parallel_loop3A_971 = arith.index_cast %parallel_loop3A_952 : i32 to index
      %parallel_loop3A_972 = arith.index_cast %parallel_loop3A_970 : i32 to index
      %parallel_loop3A_973 = tpu.vector_load %arg9[%parallel_loop3A_971, %parallel_loop3A_972] {strides = array<i32>} : memref<16x1024xf32, #tpu.memory_space<vmem>>, vector<1x16xf32>,
      %parallel_loop3A_974 = vector.shape_cast %parallel_loop3A_973 : vector<1x16xf32> to vector<16xf32>
      %parallel_loop3A_975 = arith.constant 16 : i32
      %parallel_loop3A_976 = arith.muli %parallel_loop3A_968, %parallel_loop3A_975 : i32
      %parallel_loop3A_977 = arith.index_cast %parallel_loop3A_952 : i32 to index
      %parallel_loop3A_978 = arith.index_cast %parallel_loop3A_976 : i32 to index
      %parallel_loop3A_979 = tpu.vector_load %arg10[%parallel_loop3A_977, %parallel_loop3A_978] {strides = array<i32>} : memref<16x1024xf32, #tpu.memory_space<vmem>>, vector<1x16xf32>,
      %parallel_loop3A_980 = vector.shape_cast %parallel_loop3A_979 : vector<1x16xf32> to vector<16xf32>
      %parallel_loop3A_981 = vector.shape_cast %parallel_loop3A_974 : vector<16xf32> to vector<1x16xf32>
      tpu.vector_store %arg10[%parallel_loop3A_977, %parallel_loop3A_978], %parallel_loop3A_981 {add = true, strides = array<i32>} : memref<16x1024xf32, #tpu.memory_space<vmem>>, vector<1x16xf32>,
    } {sc.loop_unroll_factor = 8 : i64, sc.parallel_access}
    %add3A_651 = arith.constant 4096 : i32
    %add3A_652 = arith.addi %add3A_651, %mul3A_2 : i32
    %add3A_653 = arith.constant 80 : i32
    %add3A_654 = arith.addi %add3A_652, %add3A_653 : i32
    %dma_start3A_655 = arith.constant 0 : i32
    %dma_start3A_656 = tpu.memref_slice %arg5[%add3A_654, %dma_start3A_655] : memref<16384x1024xf32, #tpu.memory_space<hbm>> -> memref<16x1024xf32, #tpu.memory_space<hbm>>
    %dma_start3A_657 = arith.constant 0 : i32
    %dma_start3A_658 = tpu.memref_slice %arg5[%add3A_654, %dma_start3A_657] : memref<16384x1024xf32, #tpu.memory_space<hbm>> -> memref<16x1024xf32, #tpu.memory_space<hbm>>
    tpu.enqueue_dma source(%arg10 : memref<16x1024xf32, #tpu.memory_space<vmem>>) target(%dma_start3A_658 : memref<16x1024xf32, #tpu.memory_space<hbm>>) target_semaphore(%arg18 : memref<!tpu.dma_semaphore, #tpu.memory_space<semaphore_mem>>)
    %dma_wait3A_659 = arith.constant 0 : i32
    %dma_wait3A_660 = tpu.memref_slice %arg5[%add3A_654, %dma_wait3A_659] : memref<16384x1024xf32, #tpu.memory_space<hbm>> -> memref<16x1024xf32, #tpu.memory_space<hbm>>
    %dma_wait3A_661 = arith.constant 0 : i32
    %dma_wait3A_662 = tpu.memref_slice %arg5[%add3A_654, %dma_wait3A_661] : memref<16384x1024xf32, #tpu.memory_space<hbm>> -> memref<16x1024xf32, #tpu.memory_space<hbm>>
    tpu.wait_dma2 semaphore(%arg18 : memref<!tpu.dma_semaphore, #tpu.memory_space<semaphore_mem>>) src(%arg10 : memref<16x1024xf32, #tpu.memory_space<vmem>>) dst(%dma_wait3A_662 : memref<16x1024xf32, #tpu.memory_space<hbm>>)
    %add3A_663 = arith.constant 0 : i32
    %add3A_664 = arith.addi %add3A_663, %mul3A_2 : i32
    %add3A_665 = arith.constant 96 : i32
    %add3A_666 = arith.addi %add3A_664, %add3A_665 : i32
    %dma_start3A_667 = arith.constant 0 : i32
    %dma_start3A_668 = tpu.memref_slice %arg2[%add3A_666, %dma_start3A_667] : memref<16384x1024xf32, #tpu.memory_space<hbm>> -> memref<16x1024xf32, #tpu.memory_space<hbm>>
    %dma_start3A_669 = arith.constant 0 : i32
    %dma_start3A_670 = tpu.memref_slice %arg2[%add3A_666, %dma_start3A_669] : memref<16384x1024xf32, #tpu.memory_space<hbm>> -> memref<16x1024xf32, #tpu.memory_space<hbm>>
    tpu.enqueue_dma source(%dma_start3A_670 : memref<16x1024xf32, #tpu.memory_space<hbm>>) target(%arg10 : memref<16x1024xf32, #tpu.memory_space<vmem>>) target_semaphore(%arg15 : memref<!tpu.dma_semaphore, #tpu.memory_space<semaphore_mem>>)
    %dma_wait3A_671 = arith.constant 0 : i32
    %dma_wait3A_672 = tpu.memref_slice %arg2[%add3A_612, %dma_wait3A_671] : memref<16384x1024xf32, #tpu.memory_space<hbm>> -> memref<16x1024xf32, #tpu.memory_space<hbm>>
    %dma_wait3A_673 = arith.constant 0 : i32
    %dma_wait3A_674 = tpu.memref_slice %arg2[%add3A_612, %dma_wait3A_673] : memref<16384x1024xf32, #tpu.memory_space<hbm>> -> memref<16x1024xf32, #tpu.memory_space<hbm>>
    tpu.wait_dma2 semaphore(%arg16 : memref<!tpu.dma_semaphore, #tpu.memory_space<semaphore_mem>>) src(%dma_wait3A_674 : memref<16x1024xf32, #tpu.memory_space<hbm>>) dst(%arg11 : memref<16x1024xf32, #tpu.memory_space<vmem>>)
    %parallel_loop3A_675 = arith.constant 0 : i32
    %parallel_loop3A_676 = arith.constant 1024 : i32
    %parallel_loop3A_677 = arith.constant 1 : i32
    scf.for %parallel_loop3A_928 = %parallel_loop3A_675 to %parallel_loop3A_676 step %parallel_loop3A_677  : i32 {
      %parallel_loop3A_929 = arith.constant 64 : i32
      %parallel_loop3A_930 = arith.divsi %parallel_loop3A_928, %parallel_loop3A_929 : i32
      %parallel_loop3A_931 = arith.constant 0 : i32
      %parallel_loop3A_932 = arith.cmpi sgt, %parallel_loop3A_928, %parallel_loop3A_931 : i32
      %parallel_loop3A_933 = arith.extui %parallel_loop3A_932 : i1 to i32
      %parallel_loop3A_934 = arith.constant 0 : i32
      %parallel_loop3A_935 = arith.cmpi slt, %parallel_loop3A_928, %parallel_loop3A_934 : i32
      %parallel_loop3A_936 = arith.extui %parallel_loop3A_935 : i1 to i32
      %parallel_loop3A_937 = arith.subi %parallel_loop3A_933, %parallel_loop3A_936 : i32
      %parallel_loop3A_938 = arith.constant 0 : i32
      %parallel_loop3A_939 = arith.cmpi sgt, %parallel_loop3A_929, %parallel_loop3A_938 : i32
      %parallel_loop3A_940 = arith.extui %parallel_loop3A_939 : i1 to i32
      %parallel_loop3A_941 = arith.constant 0 : i32
      %parallel_loop3A_942 = arith.cmpi slt, %parallel_loop3A_929, %parallel_loop3A_941 : i32
      %parallel_loop3A_943 = arith.extui %parallel_loop3A_942 : i1 to i32
      %parallel_loop3A_944 = arith.subi %parallel_loop3A_940, %parallel_loop3A_943 : i32
      %parallel_loop3A_945 = arith.cmpi ne, %parallel_loop3A_937, %parallel_loop3A_944 : i32
      %parallel_loop3A_946 = arith.remsi %parallel_loop3A_928, %parallel_loop3A_929 : i32
      %parallel_loop3A_947 = arith.constant 0 : i32
      %parallel_loop3A_948 = arith.cmpi ne, %parallel_loop3A_946, %parallel_loop3A_947 : i32
      %parallel_loop3A_949 = arith.andi %parallel_loop3A_945, %parallel_loop3A_948 : i1
      %parallel_loop3A_950 = arith.constant 1 : i32
      %parallel_loop3A_951 = arith.subi %parallel_loop3A_930, %parallel_loop3A_950 : i32
      %parallel_loop3A_952 = arith.select %parallel_loop3A_949, %parallel_loop3A_951, %parallel_loop3A_930 : i32
      %parallel_loop3A_953 = arith.constant 64 : i32
      %parallel_loop3A_954 = arith.constant 0 : i32
      %parallel_loop3A_955 = arith.cmpi eq, %parallel_loop3A_953, %parallel_loop3A_954 : i32
      %parallel_loop3A_956 = arith.constant 1 : i32
      %parallel_loop3A_957 = arith.select %parallel_loop3A_955, %parallel_loop3A_956, %parallel_loop3A_953 : i32
      %parallel_loop3A_958 = arith.remsi %parallel_loop3A_928, %parallel_loop3A_957 : i32
      %parallel_loop3A_959 = arith.constant 0 : i32
      %parallel_loop3A_960 = arith.cmpi ne, %parallel_loop3A_958, %parallel_loop3A_959 : i32
      %parallel_loop3A_961 = arith.constant 0 : i32
      %parallel_loop3A_962 = arith.cmpi slt, %parallel_loop3A_958, %parallel_loop3A_961 : i32
      %parallel_loop3A_963 = arith.constant 0 : i32
      %parallel_loop3A_964 = arith.cmpi slt, %parallel_loop3A_957, %parallel_loop3A_963 : i32
      %parallel_loop3A_965 = arith.xori %parallel_loop3A_962, %parallel_loop3A_964 : i1
      %parallel_loop3A_966 = arith.andi %parallel_loop3A_965, %parallel_loop3A_960 : i1
      %parallel_loop3A_967 = arith.addi %parallel_loop3A_958, %parallel_loop3A_957 : i32
      %parallel_loop3A_968 = arith.select %parallel_loop3A_966, %parallel_loop3A_967, %parallel_loop3A_958 : i32
      %parallel_loop3A_969 = arith.constant 16 : i32
      %parallel_loop3A_970 = arith.muli %parallel_loop3A_968, %parallel_loop3A_969 : i32
      %parallel_loop3A_971 = arith.index_cast %parallel_loop3A_952 : i32 to index
      %parallel_loop3A_972 = arith.index_cast %parallel_loop3A_970 : i32 to index
      %parallel_loop3A_973 = tpu.vector_load %arg9[%parallel_loop3A_971, %parallel_loop3A_972] {strides = array<i32>} : memref<16x1024xf32, #tpu.memory_space<vmem>>, vector<1x16xf32>,
      %parallel_loop3A_974 = vector.shape_cast %parallel_loop3A_973 : vector<1x16xf32> to vector<16xf32>
      %parallel_loop3A_975 = arith.constant 16 : i32
      %parallel_loop3A_976 = arith.muli %parallel_loop3A_968, %parallel_loop3A_975 : i32
      %parallel_loop3A_977 = arith.index_cast %parallel_loop3A_952 : i32 to index
      %parallel_loop3A_978 = arith.index_cast %parallel_loop3A_976 : i32 to index
      %parallel_loop3A_979 = tpu.vector_load %arg11[%parallel_loop3A_977, %parallel_loop3A_978] {strides = array<i32>} : memref<16x1024xf32, #tpu.memory_space<vmem>>, vector<1x16xf32>,
      %parallel_loop3A_980 = vector.shape_cast %parallel_loop3A_979 : vector<1x16xf32> to vector<16xf32>
      %parallel_loop3A_981 = vector.shape_cast %parallel_loop3A_974 : vector<16xf32> to vector<1x16xf32>
      tpu.vector_store %arg11[%parallel_loop3A_977, %parallel_loop3A_978], %parallel_loop3A_981 {add = true, strides = array<i32>} : memref<16x1024xf32, #tpu.memory_space<vmem>>, vector<1x16xf32>,
    } {sc.loop_unroll_factor = 8 : i64, sc.parallel_access}
    %add3A_678 = arith.constant 8192 : i32
    %add3A_679 = arith.addi %add3A_678, %mul3A_2 : i32
    %add3A_680 = arith.constant 80 : i32
    %add3A_681 = arith.addi %add3A_679, %add3A_680 : i32
    %dma_start3A_682 = arith.constant 0 : i32
    %dma_start3A_683 = tpu.memref_slice %arg5[%add3A_681, %dma_start3A_682] : memref<16384x1024xf32, #tpu.memory_space<hbm>> -> memref<16x1024xf32, #tpu.memory_space<hbm>>
    %dma_start3A_684 = arith.constant 0 : i32
    %dma_start3A_685 = tpu.memref_slice %arg5[%add3A_681, %dma_start3A_684] : memref<16384x1024xf32, #tpu.memory_space<hbm>> -> memref<16x1024xf32, #tpu.memory_space<hbm>>
    tpu.enqueue_dma source(%arg11 : memref<16x1024xf32, #tpu.memory_space<vmem>>) target(%dma_start3A_685 : memref<16x1024xf32, #tpu.memory_space<hbm>>) target_semaphore(%arg19 : memref<!tpu.dma_semaphore, #tpu.memory_space<semaphore_mem>>)
    %dma_wait3A_686 = arith.constant 0 : i32
    %dma_wait3A_687 = tpu.memref_slice %arg5[%add3A_681, %dma_wait3A_686] : memref<16384x1024xf32, #tpu.memory_space<hbm>> -> memref<16x1024xf32, #tpu.memory_space<hbm>>
    %dma_wait3A_688 = arith.constant 0 : i32
    %dma_wait3A_689 = tpu.memref_slice %arg5[%add3A_681, %dma_wait3A_688] : memref<16384x1024xf32, #tpu.memory_space<hbm>> -> memref<16x1024xf32, #tpu.memory_space<hbm>>
    tpu.wait_dma2 semaphore(%arg19 : memref<!tpu.dma_semaphore, #tpu.memory_space<semaphore_mem>>) src(%arg11 : memref<16x1024xf32, #tpu.memory_space<vmem>>) dst(%dma_wait3A_689 : memref<16x1024xf32, #tpu.memory_space<hbm>>)
    %add3A_690 = arith.constant 4096 : i32
    %add3A_691 = arith.addi %add3A_690, %mul3A_2 : i32
    %add3A_692 = arith.constant 96 : i32
    %add3A_693 = arith.addi %add3A_691, %add3A_692 : i32
    %dma_start3A_694 = arith.constant 0 : i32
    %dma_start3A_695 = tpu.memref_slice %arg2[%add3A_693, %dma_start3A_694] : memref<16384x1024xf32, #tpu.memory_space<hbm>> -> memref<16x1024xf32, #tpu.memory_space<hbm>>
    %dma_start3A_696 = arith.constant 0 : i32
    %dma_start3A_697 = tpu.memref_slice %arg2[%add3A_693, %dma_start3A_696] : memref<16384x1024xf32, #tpu.memory_space<hbm>> -> memref<16x1024xf32, #tpu.memory_space<hbm>>
    tpu.enqueue_dma source(%dma_start3A_697 : memref<16x1024xf32, #tpu.memory_space<hbm>>) target(%arg11 : memref<16x1024xf32, #tpu.memory_space<vmem>>) target_semaphore(%arg16 : memref<!tpu.dma_semaphore, #tpu.memory_space<semaphore_mem>>)
    %dma_wait3A_698 = arith.constant 0 : i32
    %dma_wait3A_699 = tpu.memref_slice %arg2[%add3A_639, %dma_wait3A_698] : memref<16384x1024xf32, #tpu.memory_space<hbm>> -> memref<16x1024xf32, #tpu.memory_space<hbm>>
    %dma_wait3A_700 = arith.constant 0 : i32
    %dma_wait3A_701 = tpu.memref_slice %arg2[%add3A_639, %dma_wait3A_700] : memref<16384x1024xf32, #tpu.memory_space<hbm>> -> memref<16x1024xf32, #tpu.memory_space<hbm>>
    tpu.wait_dma2 semaphore(%arg17 : memref<!tpu.dma_semaphore, #tpu.memory_space<semaphore_mem>>) src(%dma_wait3A_701 : memref<16x1024xf32, #tpu.memory_space<hbm>>) dst(%arg12 : memref<16x1024xf32, #tpu.memory_space<vmem>>)
    %parallel_loop3A_702 = arith.constant 0 : i32
    %parallel_loop3A_703 = arith.constant 1024 : i32
    %parallel_loop3A_704 = arith.constant 1 : i32
    scf.for %parallel_loop3A_928 = %parallel_loop3A_702 to %parallel_loop3A_703 step %parallel_loop3A_704  : i32 {
      %parallel_loop3A_929 = arith.constant 64 : i32
      %parallel_loop3A_930 = arith.divsi %parallel_loop3A_928, %parallel_loop3A_929 : i32
      %parallel_loop3A_931 = arith.constant 0 : i32
      %parallel_loop3A_932 = arith.cmpi sgt, %parallel_loop3A_928, %parallel_loop3A_931 : i32
      %parallel_loop3A_933 = arith.extui %parallel_loop3A_932 : i1 to i32
      %parallel_loop3A_934 = arith.constant 0 : i32
      %parallel_loop3A_935 = arith.cmpi slt, %parallel_loop3A_928, %parallel_loop3A_934 : i32
      %parallel_loop3A_936 = arith.extui %parallel_loop3A_935 : i1 to i32
      %parallel_loop3A_937 = arith.subi %parallel_loop3A_933, %parallel_loop3A_936 : i32
      %parallel_loop3A_938 = arith.constant 0 : i32
      %parallel_loop3A_939 = arith.cmpi sgt, %parallel_loop3A_929, %parallel_loop3A_938 : i32
      %parallel_loop3A_940 = arith.extui %parallel_loop3A_939 : i1 to i32
      %parallel_loop3A_941 = arith.constant 0 : i32
      %parallel_loop3A_942 = arith.cmpi slt, %parallel_loop3A_929, %parallel_loop3A_941 : i32
      %parallel_loop3A_943 = arith.extui %parallel_loop3A_942 : i1 to i32
      %parallel_loop3A_944 = arith.subi %parallel_loop3A_940, %parallel_loop3A_943 : i32
      %parallel_loop3A_945 = arith.cmpi ne, %parallel_loop3A_937, %parallel_loop3A_944 : i32
      %parallel_loop3A_946 = arith.remsi %parallel_loop3A_928, %parallel_loop3A_929 : i32
      %parallel_loop3A_947 = arith.constant 0 : i32
      %parallel_loop3A_948 = arith.cmpi ne, %parallel_loop3A_946, %parallel_loop3A_947 : i32
      %parallel_loop3A_949 = arith.andi %parallel_loop3A_945, %parallel_loop3A_948 : i1
      %parallel_loop3A_950 = arith.constant 1 : i32
      %parallel_loop3A_951 = arith.subi %parallel_loop3A_930, %parallel_loop3A_950 : i32
      %parallel_loop3A_952 = arith.select %parallel_loop3A_949, %parallel_loop3A_951, %parallel_loop3A_930 : i32
      %parallel_loop3A_953 = arith.constant 64 : i32
      %parallel_loop3A_954 = arith.constant 0 : i32
      %parallel_loop3A_955 = arith.cmpi eq, %parallel_loop3A_953, %parallel_loop3A_954 : i32
      %parallel_loop3A_956 = arith.constant 1 : i32
      %parallel_loop3A_957 = arith.select %parallel_loop3A_955, %parallel_loop3A_956, %parallel_loop3A_953 : i32
      %parallel_loop3A_958 = arith.remsi %parallel_loop3A_928, %parallel_loop3A_957 : i32
      %parallel_loop3A_959 = arith.constant 0 : i32
      %parallel_loop3A_960 = arith.cmpi ne, %parallel_loop3A_958, %parallel_loop3A_959 : i32
      %parallel_loop3A_961 = arith.constant 0 : i32
      %parallel_loop3A_962 = arith.cmpi slt, %parallel_loop3A_958, %parallel_loop3A_961 : i32
      %parallel_loop3A_963 = arith.constant 0 : i32
      %parallel_loop3A_964 = arith.cmpi slt, %parallel_loop3A_957, %parallel_loop3A_963 : i32
      %parallel_loop3A_965 = arith.xori %parallel_loop3A_962, %parallel_loop3A_964 : i1
      %parallel_loop3A_966 = arith.andi %parallel_loop3A_965, %parallel_loop3A_960 : i1
      %parallel_loop3A_967 = arith.addi %parallel_loop3A_958, %parallel_loop3A_957 : i32
      %parallel_loop3A_968 = arith.select %parallel_loop3A_966, %parallel_loop3A_967, %parallel_loop3A_958 : i32
      %parallel_loop3A_969 = arith.constant 16 : i32
      %parallel_loop3A_970 = arith.muli %parallel_loop3A_968, %parallel_loop3A_969 : i32
      %parallel_loop3A_971 = arith.index_cast %parallel_loop3A_952 : i32 to index
      %parallel_loop3A_972 = arith.index_cast %parallel_loop3A_970 : i32 to index
      %parallel_loop3A_973 = tpu.vector_load %arg9[%parallel_loop3A_971, %parallel_loop3A_972] {strides = array<i32>} : memref<16x1024xf32, #tpu.memory_space<vmem>>, vector<1x16xf32>,
      %parallel_loop3A_974 = vector.shape_cast %parallel_loop3A_973 : vector<1x16xf32> to vector<16xf32>
      %parallel_loop3A_975 = arith.constant 16 : i32
      %parallel_loop3A_976 = arith.muli %parallel_loop3A_968, %parallel_loop3A_975 : i32
      %parallel_loop3A_977 = arith.index_cast %parallel_loop3A_952 : i32 to index
      %parallel_loop3A_978 = arith.index_cast %parallel_loop3A_976 : i32 to index
      %parallel_loop3A_979 = tpu.vector_load %arg12[%parallel_loop3A_977, %parallel_loop3A_978] {strides = array<i32>} : memref<16x1024xf32, #tpu.memory_space<vmem>>, vector<1x16xf32>,
      %parallel_loop3A_980 = vector.shape_cast %parallel_loop3A_979 : vector<1x16xf32> to vector<16xf32>
      %parallel_loop3A_981 = vector.shape_cast %parallel_loop3A_974 : vector<16xf32> to vector<1x16xf32>
      tpu.vector_store %arg12[%parallel_loop3A_977, %parallel_loop3A_978], %parallel_loop3A_981 {add = true, strides = array<i32>} : memref<16x1024xf32, #tpu.memory_space<vmem>>, vector<1x16xf32>,
    } {sc.loop_unroll_factor = 8 : i64, sc.parallel_access}
    %add3A_705 = arith.constant 12288 : i32
    %add3A_706 = arith.addi %add3A_705, %mul3A_2 : i32
    %add3A_707 = arith.constant 80 : i32
    %add3A_708 = arith.addi %add3A_706, %add3A_707 : i32
    %dma_start3A_709 = arith.constant 0 : i32
    %dma_start3A_710 = tpu.memref_slice %arg5[%add3A_708, %dma_start3A_709] : memref<16384x1024xf32, #tpu.memory_space<hbm>> -> memref<16x1024xf32, #tpu.memory_space<hbm>>
    %dma_start3A_711 = arith.constant 0 : i32
    %dma_start3A_712 = tpu.memref_slice %arg5[%add3A_708, %dma_start3A_711] : memref<16384x1024xf32, #tpu.memory_space<hbm>> -> memref<16x1024xf32, #tpu.memory_space<hbm>>
    tpu.enqueue_dma source(%arg12 : memref<16x1024xf32, #tpu.memory_space<vmem>>) target(%dma_start3A_712 : memref<16x1024xf32, #tpu.memory_space<hbm>>) target_semaphore(%arg20 : memref<!tpu.dma_semaphore, #tpu.memory_space<semaphore_mem>>)
    %dma_wait3A_713 = arith.constant 0 : i32
    %dma_wait3A_714 = arith.constant 0 : i32
    %dma_wait3A_715 = tpu.memref_slice %arg4[%dma_wait3A_713, %dma_wait3A_714] : memref<4096x1024xf32, #tpu.memory_space<hbm>> -> memref<4096x1024xf32, #tpu.memory_space<hbm>>
    tpu.wait_indirect_dma semaphore(%arg13 : memref<!tpu.dma_semaphore, #tpu.memory_space<semaphore_mem>>) src(%dma_wait3A_715 : memref<4096x1024xf32, #tpu.memory_space<hbm>>) dst(%arg8 : memref<16x1024xf32, #tpu.memory_space<vmem>>)
    %add3A_716 = arith.constant 112 : i32
    %add3A_717 = arith.addi %mul3A_2, %add3A_716 : i32
    "tpu.region"() ({
      %run_scoped3A = tpu.sem_alloc : memref<!tpu.dma_semaphore, #tpu.memory_space<semaphore_mem>>
      %dma_start3A_928 = tpu.memref_slice %arg3[%add3A_717] : memref<4096xi32, #tpu.memory_space<hbm>> -> memref<16xi32, #tpu.memory_space<hbm>>
      %dma_start3A_929 = tpu.memref_slice %arg3[%add3A_717] : memref<4096xi32, #tpu.memory_space<hbm>> -> memref<16xi32, #tpu.memory_space<hbm>>
      tpu.enqueue_dma source(%dma_start3A_929 : memref<16xi32, #tpu.memory_space<hbm>>) target(%arg7 : memref<16xi32, #tpu.memory_space<vmem>>) target_semaphore(%run_scoped3A : memref<!tpu.dma_semaphore, #tpu.memory_space<semaphore_mem>>)
      %dma_wait3A_930 = tpu.memref_slice %arg3[%add3A_717] : memref<4096xi32, #tpu.memory_space<hbm>> -> memref<16xi32, #tpu.memory_space<hbm>>
      %dma_wait3A_931 = tpu.memref_slice %arg3[%add3A_717] : memref<4096xi32, #tpu.memory_space<hbm>> -> memref<16xi32, #tpu.memory_space<hbm>>
      tpu.wait_dma2 semaphore(%run_scoped3A : memref<!tpu.dma_semaphore, #tpu.memory_space<semaphore_mem>>) src(%dma_wait3A_931 : memref<16xi32, #tpu.memory_space<hbm>>) dst(%arg7 : memref<16xi32, #tpu.memory_space<vmem>>)
      tpu.yield
    }) : () -> ()
    %dma_start3A_718 = arith.constant 0 : i32
    %dma_start3A_719 = arith.constant 0 : i32
    %dma_start3A_720 = tpu.memref_slice %arg4[%dma_start3A_718, %dma_start3A_719] : memref<4096x1024xf32, #tpu.memory_space<hbm>> -> memref<4096x1024xf32, #tpu.memory_space<hbm>>
    tpu.enqueue_indirect_dma source(%dma_start3A_720 : memref<4096x1024xf32, #tpu.memory_space<hbm>>) target(%arg9 : memref<16x1024xf32, #tpu.memory_space<vmem>>) offsets(%arg7 : memref<16xi32, #tpu.memory_space<vmem>>) semaphore(%arg14 : memref<!tpu.dma_semaphore, #tpu.memory_space<semaphore_mem>>)
    %dma_wait3A_721 = arith.constant 0 : i32
    %dma_wait3A_722 = tpu.memref_slice %arg5[%add3A_708, %dma_wait3A_721] : memref<16384x1024xf32, #tpu.memory_space<hbm>> -> memref<16x1024xf32, #tpu.memory_space<hbm>>
    %dma_wait3A_723 = arith.constant 0 : i32
    %dma_wait3A_724 = tpu.memref_slice %arg5[%add3A_708, %dma_wait3A_723] : memref<16384x1024xf32, #tpu.memory_space<hbm>> -> memref<16x1024xf32, #tpu.memory_space<hbm>>
    tpu.wait_dma2 semaphore(%arg20 : memref<!tpu.dma_semaphore, #tpu.memory_space<semaphore_mem>>) src(%arg12 : memref<16x1024xf32, #tpu.memory_space<vmem>>) dst(%dma_wait3A_724 : memref<16x1024xf32, #tpu.memory_space<hbm>>)
    %add3A_725 = arith.constant 8192 : i32
    %add3A_726 = arith.addi %add3A_725, %mul3A_2 : i32
    %add3A_727 = arith.constant 96 : i32
    %add3A_728 = arith.addi %add3A_726, %add3A_727 : i32
    %dma_start3A_729 = arith.constant 0 : i32
    %dma_start3A_730 = tpu.memref_slice %arg2[%add3A_728, %dma_start3A_729] : memref<16384x1024xf32, #tpu.memory_space<hbm>> -> memref<16x1024xf32, #tpu.memory_space<hbm>>
    %dma_start3A_731 = arith.constant 0 : i32
    %dma_start3A_732 = tpu.memref_slice %arg2[%add3A_728, %dma_start3A_731] : memref<16384x1024xf32, #tpu.memory_space<hbm>> -> memref<16x1024xf32, #tpu.memory_space<hbm>>
    tpu.enqueue_dma source(%dma_start3A_732 : memref<16x1024xf32, #tpu.memory_space<hbm>>) target(%arg12 : memref<16x1024xf32, #tpu.memory_space<vmem>>) target_semaphore(%arg17 : memref<!tpu.dma_semaphore, #tpu.memory_space<semaphore_mem>>)
    %dma_wait3A_733 = arith.constant 0 : i32
    %dma_wait3A_734 = tpu.memref_slice %arg2[%add3A_666, %dma_wait3A_733] : memref<16384x1024xf32, #tpu.memory_space<hbm>> -> memref<16x1024xf32, #tpu.memory_space<hbm>>
    %dma_wait3A_735 = arith.constant 0 : i32
    %dma_wait3A_736 = tpu.memref_slice %arg2[%add3A_666, %dma_wait3A_735] : memref<16384x1024xf32, #tpu.memory_space<hbm>> -> memref<16x1024xf32, #tpu.memory_space<hbm>>
    tpu.wait_dma2 semaphore(%arg15 : memref<!tpu.dma_semaphore, #tpu.memory_space<semaphore_mem>>) src(%dma_wait3A_736 : memref<16x1024xf32, #tpu.memory_space<hbm>>) dst(%arg10 : memref<16x1024xf32, #tpu.memory_space<vmem>>)
    %parallel_loop3A_737 = arith.constant 0 : i32
    %parallel_loop3A_738 = arith.constant 1024 : i32
    %parallel_loop3A_739 = arith.constant 1 : i32
    scf.for %parallel_loop3A_928 = %parallel_loop3A_737 to %parallel_loop3A_738 step %parallel_loop3A_739  : i32 {
      %parallel_loop3A_929 = arith.constant 64 : i32
      %parallel_loop3A_930 = arith.divsi %parallel_loop3A_928, %parallel_loop3A_929 : i32
      %parallel_loop3A_931 = arith.constant 0 : i32
      %parallel_loop3A_932 = arith.cmpi sgt, %parallel_loop3A_928, %parallel_loop3A_931 : i32
      %parallel_loop3A_933 = arith.extui %parallel_loop3A_932 : i1 to i32
      %parallel_loop3A_934 = arith.constant 0 : i32
      %parallel_loop3A_935 = arith.cmpi slt, %parallel_loop3A_928, %parallel_loop3A_934 : i32
      %parallel_loop3A_936 = arith.extui %parallel_loop3A_935 : i1 to i32
      %parallel_loop3A_937 = arith.subi %parallel_loop3A_933, %parallel_loop3A_936 : i32
      %parallel_loop3A_938 = arith.constant 0 : i32
      %parallel_loop3A_939 = arith.cmpi sgt, %parallel_loop3A_929, %parallel_loop3A_938 : i32
      %parallel_loop3A_940 = arith.extui %parallel_loop3A_939 : i1 to i32
      %parallel_loop3A_941 = arith.constant 0 : i32
      %parallel_loop3A_942 = arith.cmpi slt, %parallel_loop3A_929, %parallel_loop3A_941 : i32
      %parallel_loop3A_943 = arith.extui %parallel_loop3A_942 : i1 to i32
      %parallel_loop3A_944 = arith.subi %parallel_loop3A_940, %parallel_loop3A_943 : i32
      %parallel_loop3A_945 = arith.cmpi ne, %parallel_loop3A_937, %parallel_loop3A_944 : i32
      %parallel_loop3A_946 = arith.remsi %parallel_loop3A_928, %parallel_loop3A_929 : i32
      %parallel_loop3A_947 = arith.constant 0 : i32
      %parallel_loop3A_948 = arith.cmpi ne, %parallel_loop3A_946, %parallel_loop3A_947 : i32
      %parallel_loop3A_949 = arith.andi %parallel_loop3A_945, %parallel_loop3A_948 : i1
      %parallel_loop3A_950 = arith.constant 1 : i32
      %parallel_loop3A_951 = arith.subi %parallel_loop3A_930, %parallel_loop3A_950 : i32
      %parallel_loop3A_952 = arith.select %parallel_loop3A_949, %parallel_loop3A_951, %parallel_loop3A_930 : i32
      %parallel_loop3A_953 = arith.constant 64 : i32
      %parallel_loop3A_954 = arith.constant 0 : i32
      %parallel_loop3A_955 = arith.cmpi eq, %parallel_loop3A_953, %parallel_loop3A_954 : i32
      %parallel_loop3A_956 = arith.constant 1 : i32
      %parallel_loop3A_957 = arith.select %parallel_loop3A_955, %parallel_loop3A_956, %parallel_loop3A_953 : i32
      %parallel_loop3A_958 = arith.remsi %parallel_loop3A_928, %parallel_loop3A_957 : i32
      %parallel_loop3A_959 = arith.constant 0 : i32
      %parallel_loop3A_960 = arith.cmpi ne, %parallel_loop3A_958, %parallel_loop3A_959 : i32
      %parallel_loop3A_961 = arith.constant 0 : i32
      %parallel_loop3A_962 = arith.cmpi slt, %parallel_loop3A_958, %parallel_loop3A_961 : i32
      %parallel_loop3A_963 = arith.constant 0 : i32
      %parallel_loop3A_964 = arith.cmpi slt, %parallel_loop3A_957, %parallel_loop3A_963 : i32
      %parallel_loop3A_965 = arith.xori %parallel_loop3A_962, %parallel_loop3A_964 : i1
      %parallel_loop3A_966 = arith.andi %parallel_loop3A_965, %parallel_loop3A_960 : i1
      %parallel_loop3A_967 = arith.addi %parallel_loop3A_958, %parallel_loop3A_957 : i32
      %parallel_loop3A_968 = arith.select %parallel_loop3A_966, %parallel_loop3A_967, %parallel_loop3A_958 : i32
      %parallel_loop3A_969 = arith.constant 16 : i32
      %parallel_loop3A_970 = arith.muli %parallel_loop3A_968, %parallel_loop3A_969 : i32
      %parallel_loop3A_971 = arith.index_cast %parallel_loop3A_952 : i32 to index
      %parallel_loop3A_972 = arith.index_cast %parallel_loop3A_970 : i32 to index
      %parallel_loop3A_973 = tpu.vector_load %arg8[%parallel_loop3A_971, %parallel_loop3A_972] {strides = array<i32>} : memref<16x1024xf32, #tpu.memory_space<vmem>>, vector<1x16xf32>,
      %parallel_loop3A_974 = vector.shape_cast %parallel_loop3A_973 : vector<1x16xf32> to vector<16xf32>
      %parallel_loop3A_975 = arith.constant 16 : i32
      %parallel_loop3A_976 = arith.muli %parallel_loop3A_968, %parallel_loop3A_975 : i32
      %parallel_loop3A_977 = arith.index_cast %parallel_loop3A_952 : i32 to index
      %parallel_loop3A_978 = arith.index_cast %parallel_loop3A_976 : i32 to index
      %parallel_loop3A_979 = tpu.vector_load %arg10[%parallel_loop3A_977, %parallel_loop3A_978] {strides = array<i32>} : memref<16x1024xf32, #tpu.memory_space<vmem>>, vector<1x16xf32>,
      %parallel_loop3A_980 = vector.shape_cast %parallel_loop3A_979 : vector<1x16xf32> to vector<16xf32>
      %parallel_loop3A_981 = vector.shape_cast %parallel_loop3A_974 : vector<16xf32> to vector<1x16xf32>
      tpu.vector_store %arg10[%parallel_loop3A_977, %parallel_loop3A_978], %parallel_loop3A_981 {add = true, strides = array<i32>} : memref<16x1024xf32, #tpu.memory_space<vmem>>, vector<1x16xf32>,
    } {sc.loop_unroll_factor = 8 : i64, sc.parallel_access}
    %add3A_740 = arith.constant 0 : i32
    %add3A_741 = arith.addi %add3A_740, %mul3A_2 : i32
    %add3A_742 = arith.constant 96 : i32
    %add3A_743 = arith.addi %add3A_741, %add3A_742 : i32
    %dma_start3A_744 = arith.constant 0 : i32
    %dma_start3A_745 = tpu.memref_slice %arg5[%add3A_743, %dma_start3A_744] : memref<16384x1024xf32, #tpu.memory_space<hbm>> -> memref<16x1024xf32, #tpu.memory_space<hbm>>
    %dma_start3A_746 = arith.constant 0 : i32
    %dma_start3A_747 = tpu.memref_slice %arg5[%add3A_743, %dma_start3A_746] : memref<16384x1024xf32, #tpu.memory_space<hbm>> -> memref<16x1024xf32, #tpu.memory_space<hbm>>
    tpu.enqueue_dma source(%arg10 : memref<16x1024xf32, #tpu.memory_space<vmem>>) target(%dma_start3A_747 : memref<16x1024xf32, #tpu.memory_space<hbm>>) target_semaphore(%arg18 : memref<!tpu.dma_semaphore, #tpu.memory_space<semaphore_mem>>)
    %dma_wait3A_748 = arith.constant 0 : i32
    %dma_wait3A_749 = tpu.memref_slice %arg5[%add3A_743, %dma_wait3A_748] : memref<16384x1024xf32, #tpu.memory_space<hbm>> -> memref<16x1024xf32, #tpu.memory_space<hbm>>
    %dma_wait3A_750 = arith.constant 0 : i32
    %dma_wait3A_751 = tpu.memref_slice %arg5[%add3A_743, %dma_wait3A_750] : memref<16384x1024xf32, #tpu.memory_space<hbm>> -> memref<16x1024xf32, #tpu.memory_space<hbm>>
    tpu.wait_dma2 semaphore(%arg18 : memref<!tpu.dma_semaphore, #tpu.memory_space<semaphore_mem>>) src(%arg10 : memref<16x1024xf32, #tpu.memory_space<vmem>>) dst(%dma_wait3A_751 : memref<16x1024xf32, #tpu.memory_space<hbm>>)
    %add3A_752 = arith.constant 12288 : i32
    %add3A_753 = arith.addi %add3A_752, %mul3A_2 : i32
    %add3A_754 = arith.constant 96 : i32
    %add3A_755 = arith.addi %add3A_753, %add3A_754 : i32
    %dma_start3A_756 = arith.constant 0 : i32
    %dma_start3A_757 = tpu.memref_slice %arg2[%add3A_755, %dma_start3A_756] : memref<16384x1024xf32, #tpu.memory_space<hbm>> -> memref<16x1024xf32, #tpu.memory_space<hbm>>
    %dma_start3A_758 = arith.constant 0 : i32
    %dma_start3A_759 = tpu.memref_slice %arg2[%add3A_755, %dma_start3A_758] : memref<16384x1024xf32, #tpu.memory_space<hbm>> -> memref<16x1024xf32, #tpu.memory_space<hbm>>
    tpu.enqueue_dma source(%dma_start3A_759 : memref<16x1024xf32, #tpu.memory_space<hbm>>) target(%arg10 : memref<16x1024xf32, #tpu.memory_space<vmem>>) target_semaphore(%arg15 : memref<!tpu.dma_semaphore, #tpu.memory_space<semaphore_mem>>)
    %dma_wait3A_760 = arith.constant 0 : i32
    %dma_wait3A_761 = tpu.memref_slice %arg2[%add3A_693, %dma_wait3A_760] : memref<16384x1024xf32, #tpu.memory_space<hbm>> -> memref<16x1024xf32, #tpu.memory_space<hbm>>
    %dma_wait3A_762 = arith.constant 0 : i32
    %dma_wait3A_763 = tpu.memref_slice %arg2[%add3A_693, %dma_wait3A_762] : memref<16384x1024xf32, #tpu.memory_space<hbm>> -> memref<16x1024xf32, #tpu.memory_space<hbm>>
    tpu.wait_dma2 semaphore(%arg16 : memref<!tpu.dma_semaphore, #tpu.memory_space<semaphore_mem>>) src(%dma_wait3A_763 : memref<16x1024xf32, #tpu.memory_space<hbm>>) dst(%arg11 : memref<16x1024xf32, #tpu.memory_space<vmem>>)
    %parallel_loop3A_764 = arith.constant 0 : i32
    %parallel_loop3A_765 = arith.constant 1024 : i32
    %parallel_loop3A_766 = arith.constant 1 : i32
    scf.for %parallel_loop3A_928 = %parallel_loop3A_764 to %parallel_loop3A_765 step %parallel_loop3A_766  : i32 {
      %parallel_loop3A_929 = arith.constant 64 : i32
      %parallel_loop3A_930 = arith.divsi %parallel_loop3A_928, %parallel_loop3A_929 : i32
      %parallel_loop3A_931 = arith.constant 0 : i32
      %parallel_loop3A_932 = arith.cmpi sgt, %parallel_loop3A_928, %parallel_loop3A_931 : i32
      %parallel_loop3A_933 = arith.extui %parallel_loop3A_932 : i1 to i32
      %parallel_loop3A_934 = arith.constant 0 : i32
      %parallel_loop3A_935 = arith.cmpi slt, %parallel_loop3A_928, %parallel_loop3A_934 : i32
      %parallel_loop3A_936 = arith.extui %parallel_loop3A_935 : i1 to i32
      %parallel_loop3A_937 = arith.subi %parallel_loop3A_933, %parallel_loop3A_936 : i32
      %parallel_loop3A_938 = arith.constant 0 : i32
      %parallel_loop3A_939 = arith.cmpi sgt, %parallel_loop3A_929, %parallel_loop3A_938 : i32
      %parallel_loop3A_940 = arith.extui %parallel_loop3A_939 : i1 to i32
      %parallel_loop3A_941 = arith.constant 0 : i32
      %parallel_loop3A_942 = arith.cmpi slt, %parallel_loop3A_929, %parallel_loop3A_941 : i32
      %parallel_loop3A_943 = arith.extui %parallel_loop3A_942 : i1 to i32
      %parallel_loop3A_944 = arith.subi %parallel_loop3A_940, %parallel_loop3A_943 : i32
      %parallel_loop3A_945 = arith.cmpi ne, %parallel_loop3A_937, %parallel_loop3A_944 : i32
      %parallel_loop3A_946 = arith.remsi %parallel_loop3A_928, %parallel_loop3A_929 : i32
      %parallel_loop3A_947 = arith.constant 0 : i32
      %parallel_loop3A_948 = arith.cmpi ne, %parallel_loop3A_946, %parallel_loop3A_947 : i32
      %parallel_loop3A_949 = arith.andi %parallel_loop3A_945, %parallel_loop3A_948 : i1
      %parallel_loop3A_950 = arith.constant 1 : i32
      %parallel_loop3A_951 = arith.subi %parallel_loop3A_930, %parallel_loop3A_950 : i32
      %parallel_loop3A_952 = arith.select %parallel_loop3A_949, %parallel_loop3A_951, %parallel_loop3A_930 : i32
      %parallel_loop3A_953 = arith.constant 64 : i32
      %parallel_loop3A_954 = arith.constant 0 : i32
      %parallel_loop3A_955 = arith.cmpi eq, %parallel_loop3A_953, %parallel_loop3A_954 : i32
      %parallel_loop3A_956 = arith.constant 1 : i32
      %parallel_loop3A_957 = arith.select %parallel_loop3A_955, %parallel_loop3A_956, %parallel_loop3A_953 : i32
      %parallel_loop3A_958 = arith.remsi %parallel_loop3A_928, %parallel_loop3A_957 : i32
      %parallel_loop3A_959 = arith.constant 0 : i32
      %parallel_loop3A_960 = arith.cmpi ne, %parallel_loop3A_958, %parallel_loop3A_959 : i32
      %parallel_loop3A_961 = arith.constant 0 : i32
      %parallel_loop3A_962 = arith.cmpi slt, %parallel_loop3A_958, %parallel_loop3A_961 : i32
      %parallel_loop3A_963 = arith.constant 0 : i32
      %parallel_loop3A_964 = arith.cmpi slt, %parallel_loop3A_957, %parallel_loop3A_963 : i32
      %parallel_loop3A_965 = arith.xori %parallel_loop3A_962, %parallel_loop3A_964 : i1
      %parallel_loop3A_966 = arith.andi %parallel_loop3A_965, %parallel_loop3A_960 : i1
      %parallel_loop3A_967 = arith.addi %parallel_loop3A_958, %parallel_loop3A_957 : i32
      %parallel_loop3A_968 = arith.select %parallel_loop3A_966, %parallel_loop3A_967, %parallel_loop3A_958 : i32
      %parallel_loop3A_969 = arith.constant 16 : i32
      %parallel_loop3A_970 = arith.muli %parallel_loop3A_968, %parallel_loop3A_969 : i32
      %parallel_loop3A_971 = arith.index_cast %parallel_loop3A_952 : i32 to index
      %parallel_loop3A_972 = arith.index_cast %parallel_loop3A_970 : i32 to index
      %parallel_loop3A_973 = tpu.vector_load %arg8[%parallel_loop3A_971, %parallel_loop3A_972] {strides = array<i32>} : memref<16x1024xf32, #tpu.memory_space<vmem>>, vector<1x16xf32>,
      %parallel_loop3A_974 = vector.shape_cast %parallel_loop3A_973 : vector<1x16xf32> to vector<16xf32>
      %parallel_loop3A_975 = arith.constant 16 : i32
      %parallel_loop3A_976 = arith.muli %parallel_loop3A_968, %parallel_loop3A_975 : i32
      %parallel_loop3A_977 = arith.index_cast %parallel_loop3A_952 : i32 to index
      %parallel_loop3A_978 = arith.index_cast %parallel_loop3A_976 : i32 to index
      %parallel_loop3A_979 = tpu.vector_load %arg11[%parallel_loop3A_977, %parallel_loop3A_978] {strides = array<i32>} : memref<16x1024xf32, #tpu.memory_space<vmem>>, vector<1x16xf32>,
      %parallel_loop3A_980 = vector.shape_cast %parallel_loop3A_979 : vector<1x16xf32> to vector<16xf32>
      %parallel_loop3A_981 = vector.shape_cast %parallel_loop3A_974 : vector<16xf32> to vector<1x16xf32>
      tpu.vector_store %arg11[%parallel_loop3A_977, %parallel_loop3A_978], %parallel_loop3A_981 {add = true, strides = array<i32>} : memref<16x1024xf32, #tpu.memory_space<vmem>>, vector<1x16xf32>,
    } {sc.loop_unroll_factor = 8 : i64, sc.parallel_access}
    %add3A_767 = arith.constant 4096 : i32
    %add3A_768 = arith.addi %add3A_767, %mul3A_2 : i32
    %add3A_769 = arith.constant 96 : i32
    %add3A_770 = arith.addi %add3A_768, %add3A_769 : i32
    %dma_start3A_771 = arith.constant 0 : i32
    %dma_start3A_772 = tpu.memref_slice %arg5[%add3A_770, %dma_start3A_771] : memref<16384x1024xf32, #tpu.memory_space<hbm>> -> memref<16x1024xf32, #tpu.memory_space<hbm>>
    %dma_start3A_773 = arith.constant 0 : i32
    %dma_start3A_774 = tpu.memref_slice %arg5[%add3A_770, %dma_start3A_773] : memref<16384x1024xf32, #tpu.memory_space<hbm>> -> memref<16x1024xf32, #tpu.memory_space<hbm>>
    tpu.enqueue_dma source(%arg11 : memref<16x1024xf32, #tpu.memory_space<vmem>>) target(%dma_start3A_774 : memref<16x1024xf32, #tpu.memory_space<hbm>>) target_semaphore(%arg19 : memref<!tpu.dma_semaphore, #tpu.memory_space<semaphore_mem>>)
    %dma_wait3A_775 = arith.constant 0 : i32
    %dma_wait3A_776 = tpu.memref_slice %arg5[%add3A_770, %dma_wait3A_775] : memref<16384x1024xf32, #tpu.memory_space<hbm>> -> memref<16x1024xf32, #tpu.memory_space<hbm>>
    %dma_wait3A_777 = arith.constant 0 : i32
    %dma_wait3A_778 = tpu.memref_slice %arg5[%add3A_770, %dma_wait3A_777] : memref<16384x1024xf32, #tpu.memory_space<hbm>> -> memref<16x1024xf32, #tpu.memory_space<hbm>>
    tpu.wait_dma2 semaphore(%arg19 : memref<!tpu.dma_semaphore, #tpu.memory_space<semaphore_mem>>) src(%arg11 : memref<16x1024xf32, #tpu.memory_space<vmem>>) dst(%dma_wait3A_778 : memref<16x1024xf32, #tpu.memory_space<hbm>>)
    %add3A_779 = arith.constant 0 : i32
    %add3A_780 = arith.addi %add3A_779, %mul3A_2 : i32
    %add3A_781 = arith.constant 112 : i32
    %add3A_782 = arith.addi %add3A_780, %add3A_781 : i32
    %dma_start3A_783 = arith.constant 0 : i32
    %dma_start3A_784 = tpu.memref_slice %arg2[%add3A_782, %dma_start3A_783] : memref<16384x1024xf32, #tpu.memory_space<hbm>> -> memref<16x1024xf32, #tpu.memory_space<hbm>>
    %dma_start3A_785 = arith.constant 0 : i32
    %dma_start3A_786 = tpu.memref_slice %arg2[%add3A_782, %dma_start3A_785] : memref<16384x1024xf32, #tpu.memory_space<hbm>> -> memref<16x1024xf32, #tpu.memory_space<hbm>>
    tpu.enqueue_dma source(%dma_start3A_786 : memref<16x1024xf32, #tpu.memory_space<hbm>>) target(%arg11 : memref<16x1024xf32, #tpu.memory_space<vmem>>) target_semaphore(%arg16 : memref<!tpu.dma_semaphore, #tpu.memory_space<semaphore_mem>>)
    %dma_wait3A_787 = arith.constant 0 : i32
    %dma_wait3A_788 = tpu.memref_slice %arg2[%add3A_728, %dma_wait3A_787] : memref<16384x1024xf32, #tpu.memory_space<hbm>> -> memref<16x1024xf32, #tpu.memory_space<hbm>>
    %dma_wait3A_789 = arith.constant 0 : i32
    %dma_wait3A_790 = tpu.memref_slice %arg2[%add3A_728, %dma_wait3A_789] : memref<16384x1024xf32, #tpu.memory_space<hbm>> -> memref<16x1024xf32, #tpu.memory_space<hbm>>
    tpu.wait_dma2 semaphore(%arg17 : memref<!tpu.dma_semaphore, #tpu.memory_space<semaphore_mem>>) src(%dma_wait3A_790 : memref<16x1024xf32, #tpu.memory_space<hbm>>) dst(%arg12 : memref<16x1024xf32, #tpu.memory_space<vmem>>)
    %parallel_loop3A_791 = arith.constant 0 : i32
    %parallel_loop3A_792 = arith.constant 1024 : i32
    %parallel_loop3A_793 = arith.constant 1 : i32
    scf.for %parallel_loop3A_928 = %parallel_loop3A_791 to %parallel_loop3A_792 step %parallel_loop3A_793  : i32 {
      %parallel_loop3A_929 = arith.constant 64 : i32
      %parallel_loop3A_930 = arith.divsi %parallel_loop3A_928, %parallel_loop3A_929 : i32
      %parallel_loop3A_931 = arith.constant 0 : i32
      %parallel_loop3A_932 = arith.cmpi sgt, %parallel_loop3A_928, %parallel_loop3A_931 : i32
      %parallel_loop3A_933 = arith.extui %parallel_loop3A_932 : i1 to i32
      %parallel_loop3A_934 = arith.constant 0 : i32
      %parallel_loop3A_935 = arith.cmpi slt, %parallel_loop3A_928, %parallel_loop3A_934 : i32
      %parallel_loop3A_936 = arith.extui %parallel_loop3A_935 : i1 to i32
      %parallel_loop3A_937 = arith.subi %parallel_loop3A_933, %parallel_loop3A_936 : i32
      %parallel_loop3A_938 = arith.constant 0 : i32
      %parallel_loop3A_939 = arith.cmpi sgt, %parallel_loop3A_929, %parallel_loop3A_938 : i32
      %parallel_loop3A_940 = arith.extui %parallel_loop3A_939 : i1 to i32
      %parallel_loop3A_941 = arith.constant 0 : i32
      %parallel_loop3A_942 = arith.cmpi slt, %parallel_loop3A_929, %parallel_loop3A_941 : i32
      %parallel_loop3A_943 = arith.extui %parallel_loop3A_942 : i1 to i32
      %parallel_loop3A_944 = arith.subi %parallel_loop3A_940, %parallel_loop3A_943 : i32
      %parallel_loop3A_945 = arith.cmpi ne, %parallel_loop3A_937, %parallel_loop3A_944 : i32
      %parallel_loop3A_946 = arith.remsi %parallel_loop3A_928, %parallel_loop3A_929 : i32
      %parallel_loop3A_947 = arith.constant 0 : i32
      %parallel_loop3A_948 = arith.cmpi ne, %parallel_loop3A_946, %parallel_loop3A_947 : i32
      %parallel_loop3A_949 = arith.andi %parallel_loop3A_945, %parallel_loop3A_948 : i1
      %parallel_loop3A_950 = arith.constant 1 : i32
      %parallel_loop3A_951 = arith.subi %parallel_loop3A_930, %parallel_loop3A_950 : i32
      %parallel_loop3A_952 = arith.select %parallel_loop3A_949, %parallel_loop3A_951, %parallel_loop3A_930 : i32
      %parallel_loop3A_953 = arith.constant 64 : i32
      %parallel_loop3A_954 = arith.constant 0 : i32
      %parallel_loop3A_955 = arith.cmpi eq, %parallel_loop3A_953, %parallel_loop3A_954 : i32
      %parallel_loop3A_956 = arith.constant 1 : i32
      %parallel_loop3A_957 = arith.select %parallel_loop3A_955, %parallel_loop3A_956, %parallel_loop3A_953 : i32
      %parallel_loop3A_958 = arith.remsi %parallel_loop3A_928, %parallel_loop3A_957 : i32
      %parallel_loop3A_959 = arith.constant 0 : i32
      %parallel_loop3A_960 = arith.cmpi ne, %parallel_loop3A_958, %parallel_loop3A_959 : i32
      %parallel_loop3A_961 = arith.constant 0 : i32
      %parallel_loop3A_962 = arith.cmpi slt, %parallel_loop3A_958, %parallel_loop3A_961 : i32
      %parallel_loop3A_963 = arith.constant 0 : i32
      %parallel_loop3A_964 = arith.cmpi slt, %parallel_loop3A_957, %parallel_loop3A_963 : i32
      %parallel_loop3A_965 = arith.xori %parallel_loop3A_962, %parallel_loop3A_964 : i1
      %parallel_loop3A_966 = arith.andi %parallel_loop3A_965, %parallel_loop3A_960 : i1
      %parallel_loop3A_967 = arith.addi %parallel_loop3A_958, %parallel_loop3A_957 : i32
      %parallel_loop3A_968 = arith.select %parallel_loop3A_966, %parallel_loop3A_967, %parallel_loop3A_958 : i32
      %parallel_loop3A_969 = arith.constant 16 : i32
      %parallel_loop3A_970 = arith.muli %parallel_loop3A_968, %parallel_loop3A_969 : i32
      %parallel_loop3A_971 = arith.index_cast %parallel_loop3A_952 : i32 to index
      %parallel_loop3A_972 = arith.index_cast %parallel_loop3A_970 : i32 to index
      %parallel_loop3A_973 = tpu.vector_load %arg8[%parallel_loop3A_971, %parallel_loop3A_972] {strides = array<i32>} : memref<16x1024xf32, #tpu.memory_space<vmem>>, vector<1x16xf32>,
      %parallel_loop3A_974 = vector.shape_cast %parallel_loop3A_973 : vector<1x16xf32> to vector<16xf32>
      %parallel_loop3A_975 = arith.constant 16 : i32
      %parallel_loop3A_976 = arith.muli %parallel_loop3A_968, %parallel_loop3A_975 : i32
      %parallel_loop3A_977 = arith.index_cast %parallel_loop3A_952 : i32 to index
      %parallel_loop3A_978 = arith.index_cast %parallel_loop3A_976 : i32 to index
      %parallel_loop3A_979 = tpu.vector_load %arg12[%parallel_loop3A_977, %parallel_loop3A_978] {strides = array<i32>} : memref<16x1024xf32, #tpu.memory_space<vmem>>, vector<1x16xf32>,
      %parallel_loop3A_980 = vector.shape_cast %parallel_loop3A_979 : vector<1x16xf32> to vector<16xf32>
      %parallel_loop3A_981 = vector.shape_cast %parallel_loop3A_974 : vector<16xf32> to vector<1x16xf32>
      tpu.vector_store %arg12[%parallel_loop3A_977, %parallel_loop3A_978], %parallel_loop3A_981 {add = true, strides = array<i32>} : memref<16x1024xf32, #tpu.memory_space<vmem>>, vector<1x16xf32>,
    } {sc.loop_unroll_factor = 8 : i64, sc.parallel_access}
    %add3A_794 = arith.constant 8192 : i32
    %add3A_795 = arith.addi %add3A_794, %mul3A_2 : i32
    %add3A_796 = arith.constant 96 : i32
    %add3A_797 = arith.addi %add3A_795, %add3A_796 : i32
    %dma_start3A_798 = arith.constant 0 : i32
    %dma_start3A_799 = tpu.memref_slice %arg5[%add3A_797, %dma_start3A_798] : memref<16384x1024xf32, #tpu.memory_space<hbm>> -> memref<16x1024xf32, #tpu.memory_space<hbm>>
    %dma_start3A_800 = arith.constant 0 : i32
    %dma_start3A_801 = tpu.memref_slice %arg5[%add3A_797, %dma_start3A_800] : memref<16384x1024xf32, #tpu.memory_space<hbm>> -> memref<16x1024xf32, #tpu.memory_space<hbm>>
    tpu.enqueue_dma source(%arg12 : memref<16x1024xf32, #tpu.memory_space<vmem>>) target(%dma_start3A_801 : memref<16x1024xf32, #tpu.memory_space<hbm>>) target_semaphore(%arg20 : memref<!tpu.dma_semaphore, #tpu.memory_space<semaphore_mem>>)
    %dma_wait3A_802 = arith.constant 0 : i32
    %dma_wait3A_803 = tpu.memref_slice %arg5[%add3A_797, %dma_wait3A_802] : memref<16384x1024xf32, #tpu.memory_space<hbm>> -> memref<16x1024xf32, #tpu.memory_space<hbm>>
    %dma_wait3A_804 = arith.constant 0 : i32
    %dma_wait3A_805 = tpu.memref_slice %arg5[%add3A_797, %dma_wait3A_804] : memref<16384x1024xf32, #tpu.memory_space<hbm>> -> memref<16x1024xf32, #tpu.memory_space<hbm>>
    tpu.wait_dma2 semaphore(%arg20 : memref<!tpu.dma_semaphore, #tpu.memory_space<semaphore_mem>>) src(%arg12 : memref<16x1024xf32, #tpu.memory_space<vmem>>) dst(%dma_wait3A_805 : memref<16x1024xf32, #tpu.memory_space<hbm>>)
    %add3A_806 = arith.constant 4096 : i32
    %add3A_807 = arith.addi %add3A_806, %mul3A_2 : i32
    %add3A_808 = arith.constant 112 : i32
    %add3A_809 = arith.addi %add3A_807, %add3A_808 : i32
    %dma_start3A_810 = arith.constant 0 : i32
    %dma_start3A_811 = tpu.memref_slice %arg2[%add3A_809, %dma_start3A_810] : memref<16384x1024xf32, #tpu.memory_space<hbm>> -> memref<16x1024xf32, #tpu.memory_space<hbm>>
    %dma_start3A_812 = arith.constant 0 : i32
    %dma_start3A_813 = tpu.memref_slice %arg2[%add3A_809, %dma_start3A_812] : memref<16384x1024xf32, #tpu.memory_space<hbm>> -> memref<16x1024xf32, #tpu.memory_space<hbm>>
    tpu.enqueue_dma source(%dma_start3A_813 : memref<16x1024xf32, #tpu.memory_space<hbm>>) target(%arg12 : memref<16x1024xf32, #tpu.memory_space<vmem>>) target_semaphore(%arg17 : memref<!tpu.dma_semaphore, #tpu.memory_space<semaphore_mem>>)
    %dma_wait3A_814 = arith.constant 0 : i32
    %dma_wait3A_815 = tpu.memref_slice %arg2[%add3A_755, %dma_wait3A_814] : memref<16384x1024xf32, #tpu.memory_space<hbm>> -> memref<16x1024xf32, #tpu.memory_space<hbm>>
    %dma_wait3A_816 = arith.constant 0 : i32
    %dma_wait3A_817 = tpu.memref_slice %arg2[%add3A_755, %dma_wait3A_816] : memref<16384x1024xf32, #tpu.memory_space<hbm>> -> memref<16x1024xf32, #tpu.memory_space<hbm>>
    tpu.wait_dma2 semaphore(%arg15 : memref<!tpu.dma_semaphore, #tpu.memory_space<semaphore_mem>>) src(%dma_wait3A_817 : memref<16x1024xf32, #tpu.memory_space<hbm>>) dst(%arg10 : memref<16x1024xf32, #tpu.memory_space<vmem>>)
    %parallel_loop3A_818 = arith.constant 0 : i32
    %parallel_loop3A_819 = arith.constant 1024 : i32
    %parallel_loop3A_820 = arith.constant 1 : i32
    scf.for %parallel_loop3A_928 = %parallel_loop3A_818 to %parallel_loop3A_819 step %parallel_loop3A_820  : i32 {
      %parallel_loop3A_929 = arith.constant 64 : i32
      %parallel_loop3A_930 = arith.divsi %parallel_loop3A_928, %parallel_loop3A_929 : i32
      %parallel_loop3A_931 = arith.constant 0 : i32
      %parallel_loop3A_932 = arith.cmpi sgt, %parallel_loop3A_928, %parallel_loop3A_931 : i32
      %parallel_loop3A_933 = arith.extui %parallel_loop3A_932 : i1 to i32
      %parallel_loop3A_934 = arith.constant 0 : i32
      %parallel_loop3A_935 = arith.cmpi slt, %parallel_loop3A_928, %parallel_loop3A_934 : i32
      %parallel_loop3A_936 = arith.extui %parallel_loop3A_935 : i1 to i32
      %parallel_loop3A_937 = arith.subi %parallel_loop3A_933, %parallel_loop3A_936 : i32
      %parallel_loop3A_938 = arith.constant 0 : i32
      %parallel_loop3A_939 = arith.cmpi sgt, %parallel_loop3A_929, %parallel_loop3A_938 : i32
      %parallel_loop3A_940 = arith.extui %parallel_loop3A_939 : i1 to i32
      %parallel_loop3A_941 = arith.constant 0 : i32
      %parallel_loop3A_942 = arith.cmpi slt, %parallel_loop3A_929, %parallel_loop3A_941 : i32
      %parallel_loop3A_943 = arith.extui %parallel_loop3A_942 : i1 to i32
      %parallel_loop3A_944 = arith.subi %parallel_loop3A_940, %parallel_loop3A_943 : i32
      %parallel_loop3A_945 = arith.cmpi ne, %parallel_loop3A_937, %parallel_loop3A_944 : i32
      %parallel_loop3A_946 = arith.remsi %parallel_loop3A_928, %parallel_loop3A_929 : i32
      %parallel_loop3A_947 = arith.constant 0 : i32
      %parallel_loop3A_948 = arith.cmpi ne, %parallel_loop3A_946, %parallel_loop3A_947 : i32
      %parallel_loop3A_949 = arith.andi %parallel_loop3A_945, %parallel_loop3A_948 : i1
      %parallel_loop3A_950 = arith.constant 1 : i32
      %parallel_loop3A_951 = arith.subi %parallel_loop3A_930, %parallel_loop3A_950 : i32
      %parallel_loop3A_952 = arith.select %parallel_loop3A_949, %parallel_loop3A_951, %parallel_loop3A_930 : i32
      %parallel_loop3A_953 = arith.constant 64 : i32
      %parallel_loop3A_954 = arith.constant 0 : i32
      %parallel_loop3A_955 = arith.cmpi eq, %parallel_loop3A_953, %parallel_loop3A_954 : i32
      %parallel_loop3A_956 = arith.constant 1 : i32
      %parallel_loop3A_957 = arith.select %parallel_loop3A_955, %parallel_loop3A_956, %parallel_loop3A_953 : i32
      %parallel_loop3A_958 = arith.remsi %parallel_loop3A_928, %parallel_loop3A_957 : i32
      %parallel_loop3A_959 = arith.constant 0 : i32
      %parallel_loop3A_960 = arith.cmpi ne, %parallel_loop3A_958, %parallel_loop3A_959 : i32
      %parallel_loop3A_961 = arith.constant 0 : i32
      %parallel_loop3A_962 = arith.cmpi slt, %parallel_loop3A_958, %parallel_loop3A_961 : i32
      %parallel_loop3A_963 = arith.constant 0 : i32
      %parallel_loop3A_964 = arith.cmpi slt, %parallel_loop3A_957, %parallel_loop3A_963 : i32
      %parallel_loop3A_965 = arith.xori %parallel_loop3A_962, %parallel_loop3A_964 : i1
      %parallel_loop3A_966 = arith.andi %parallel_loop3A_965, %parallel_loop3A_960 : i1
      %parallel_loop3A_967 = arith.addi %parallel_loop3A_958, %parallel_loop3A_957 : i32
      %parallel_loop3A_968 = arith.select %parallel_loop3A_966, %parallel_loop3A_967, %parallel_loop3A_958 : i32
      %parallel_loop3A_969 = arith.constant 16 : i32
      %parallel_loop3A_970 = arith.muli %parallel_loop3A_968, %parallel_loop3A_969 : i32
      %parallel_loop3A_971 = arith.index_cast %parallel_loop3A_952 : i32 to index
      %parallel_loop3A_972 = arith.index_cast %parallel_loop3A_970 : i32 to index
      %parallel_loop3A_973 = tpu.vector_load %arg8[%parallel_loop3A_971, %parallel_loop3A_972] {strides = array<i32>} : memref<16x1024xf32, #tpu.memory_space<vmem>>, vector<1x16xf32>,
      %parallel_loop3A_974 = vector.shape_cast %parallel_loop3A_973 : vector<1x16xf32> to vector<16xf32>
      %parallel_loop3A_975 = arith.constant 16 : i32
      %parallel_loop3A_976 = arith.muli %parallel_loop3A_968, %parallel_loop3A_975 : i32
      %parallel_loop3A_977 = arith.index_cast %parallel_loop3A_952 : i32 to index
      %parallel_loop3A_978 = arith.index_cast %parallel_loop3A_976 : i32 to index
      %parallel_loop3A_979 = tpu.vector_load %arg10[%parallel_loop3A_977, %parallel_loop3A_978] {strides = array<i32>} : memref<16x1024xf32, #tpu.memory_space<vmem>>, vector<1x16xf32>,
      %parallel_loop3A_980 = vector.shape_cast %parallel_loop3A_979 : vector<1x16xf32> to vector<16xf32>
      %parallel_loop3A_981 = vector.shape_cast %parallel_loop3A_974 : vector<16xf32> to vector<1x16xf32>
      tpu.vector_store %arg10[%parallel_loop3A_977, %parallel_loop3A_978], %parallel_loop3A_981 {add = true, strides = array<i32>} : memref<16x1024xf32, #tpu.memory_space<vmem>>, vector<1x16xf32>,
    } {sc.loop_unroll_factor = 8 : i64, sc.parallel_access}
    %add3A_821 = arith.constant 12288 : i32
    %add3A_822 = arith.addi %add3A_821, %mul3A_2 : i32
    %add3A_823 = arith.constant 96 : i32
    %add3A_824 = arith.addi %add3A_822, %add3A_823 : i32
    %dma_start3A_825 = arith.constant 0 : i32
    %dma_start3A_826 = tpu.memref_slice %arg5[%add3A_824, %dma_start3A_825] : memref<16384x1024xf32, #tpu.memory_space<hbm>> -> memref<16x1024xf32, #tpu.memory_space<hbm>>
    %dma_start3A_827 = arith.constant 0 : i32
    %dma_start3A_828 = tpu.memref_slice %arg5[%add3A_824, %dma_start3A_827] : memref<16384x1024xf32, #tpu.memory_space<hbm>> -> memref<16x1024xf32, #tpu.memory_space<hbm>>
    tpu.enqueue_dma source(%arg10 : memref<16x1024xf32, #tpu.memory_space<vmem>>) target(%dma_start3A_828 : memref<16x1024xf32, #tpu.memory_space<hbm>>) target_semaphore(%arg18 : memref<!tpu.dma_semaphore, #tpu.memory_space<semaphore_mem>>)
    %dma_wait3A_829 = arith.constant 0 : i32
    %dma_wait3A_830 = arith.constant 0 : i32
    %dma_wait3A_831 = tpu.memref_slice %arg4[%dma_wait3A_829, %dma_wait3A_830] : memref<4096x1024xf32, #tpu.memory_space<hbm>> -> memref<4096x1024xf32, #tpu.memory_space<hbm>>
    tpu.wait_indirect_dma semaphore(%arg14 : memref<!tpu.dma_semaphore, #tpu.memory_space<semaphore_mem>>) src(%dma_wait3A_831 : memref<4096x1024xf32, #tpu.memory_space<hbm>>) dst(%arg9 : memref<16x1024xf32, #tpu.memory_space<vmem>>)
    %dma_wait3A_832 = arith.constant 0 : i32
    %dma_wait3A_833 = tpu.memref_slice %arg5[%add3A_824, %dma_wait3A_832] : memref<16384x1024xf32, #tpu.memory_space<hbm>> -> memref<16x1024xf32, #tpu.memory_space<hbm>>
    %dma_wait3A_834 = arith.constant 0 : i32
    %dma_wait3A_835 = tpu.memref_slice %arg5[%add3A_824, %dma_wait3A_834] : memref<16384x1024xf32, #tpu.memory_space<hbm>> -> memref<16x1024xf32, #tpu.memory_space<hbm>>
    tpu.wait_dma2 semaphore(%arg18 : memref<!tpu.dma_semaphore, #tpu.memory_space<semaphore_mem>>) src(%arg10 : memref<16x1024xf32, #tpu.memory_space<vmem>>) dst(%dma_wait3A_835 : memref<16x1024xf32, #tpu.memory_space<hbm>>)
    %add3A_836 = arith.constant 8192 : i32
    %add3A_837 = arith.addi %add3A_836, %mul3A_2 : i32
    %add3A_838 = arith.constant 112 : i32
    %add3A_839 = arith.addi %add3A_837, %add3A_838 : i32
    %dma_start3A_840 = arith.constant 0 : i32
    %dma_start3A_841 = tpu.memref_slice %arg2[%add3A_839, %dma_start3A_840] : memref<16384x1024xf32, #tpu.memory_space<hbm>> -> memref<16x1024xf32, #tpu.memory_space<hbm>>
    %dma_start3A_842 = arith.constant 0 : i32
    %dma_start3A_843 = tpu.memref_slice %arg2[%add3A_839, %dma_start3A_842] : memref<16384x1024xf32, #tpu.memory_space<hbm>> -> memref<16x1024xf32, #tpu.memory_space<hbm>>
    tpu.enqueue_dma source(%dma_start3A_843 : memref<16x1024xf32, #tpu.memory_space<hbm>>) target(%arg10 : memref<16x1024xf32, #tpu.memory_space<vmem>>) target_semaphore(%arg15 : memref<!tpu.dma_semaphore, #tpu.memory_space<semaphore_mem>>)
    %dma_wait3A_844 = arith.constant 0 : i32
    %dma_wait3A_845 = tpu.memref_slice %arg2[%add3A_782, %dma_wait3A_844] : memref<16384x1024xf32, #tpu.memory_space<hbm>> -> memref<16x1024xf32, #tpu.memory_space<hbm>>
    %dma_wait3A_846 = arith.constant 0 : i32
    %dma_wait3A_847 = tpu.memref_slice %arg2[%add3A_782, %dma_wait3A_846] : memref<16384x1024xf32, #tpu.memory_space<hbm>> -> memref<16x1024xf32, #tpu.memory_space<hbm>>
    tpu.wait_dma2 semaphore(%arg16 : memref<!tpu.dma_semaphore, #tpu.memory_space<semaphore_mem>>) src(%dma_wait3A_847 : memref<16x1024xf32, #tpu.memory_space<hbm>>) dst(%arg11 : memref<16x1024xf32, #tpu.memory_space<vmem>>)
    %parallel_loop3A_848 = arith.constant 0 : i32
    %parallel_loop3A_849 = arith.constant 1024 : i32
    %parallel_loop3A_850 = arith.constant 1 : i32
    scf.for %parallel_loop3A_928 = %parallel_loop3A_848 to %parallel_loop3A_849 step %parallel_loop3A_850  : i32 {
      %parallel_loop3A_929 = arith.constant 64 : i32
      %parallel_loop3A_930 = arith.divsi %parallel_loop3A_928, %parallel_loop3A_929 : i32
      %parallel_loop3A_931 = arith.constant 0 : i32
      %parallel_loop3A_932 = arith.cmpi sgt, %parallel_loop3A_928, %parallel_loop3A_931 : i32
      %parallel_loop3A_933 = arith.extui %parallel_loop3A_932 : i1 to i32
      %parallel_loop3A_934 = arith.constant 0 : i32
      %parallel_loop3A_935 = arith.cmpi slt, %parallel_loop3A_928, %parallel_loop3A_934 : i32
      %parallel_loop3A_936 = arith.extui %parallel_loop3A_935 : i1 to i32
      %parallel_loop3A_937 = arith.subi %parallel_loop3A_933, %parallel_loop3A_936 : i32
      %parallel_loop3A_938 = arith.constant 0 : i32
      %parallel_loop3A_939 = arith.cmpi sgt, %parallel_loop3A_929, %parallel_loop3A_938 : i32
      %parallel_loop3A_940 = arith.extui %parallel_loop3A_939 : i1 to i32
      %parallel_loop3A_941 = arith.constant 0 : i32
      %parallel_loop3A_942 = arith.cmpi slt, %parallel_loop3A_929, %parallel_loop3A_941 : i32
      %parallel_loop3A_943 = arith.extui %parallel_loop3A_942 : i1 to i32
      %parallel_loop3A_944 = arith.subi %parallel_loop3A_940, %parallel_loop3A_943 : i32
      %parallel_loop3A_945 = arith.cmpi ne, %parallel_loop3A_937, %parallel_loop3A_944 : i32
      %parallel_loop3A_946 = arith.remsi %parallel_loop3A_928, %parallel_loop3A_929 : i32
      %parallel_loop3A_947 = arith.constant 0 : i32
      %parallel_loop3A_948 = arith.cmpi ne, %parallel_loop3A_946, %parallel_loop3A_947 : i32
      %parallel_loop3A_949 = arith.andi %parallel_loop3A_945, %parallel_loop3A_948 : i1
      %parallel_loop3A_950 = arith.constant 1 : i32
      %parallel_loop3A_951 = arith.subi %parallel_loop3A_930, %parallel_loop3A_950 : i32
      %parallel_loop3A_952 = arith.select %parallel_loop3A_949, %parallel_loop3A_951, %parallel_loop3A_930 : i32
      %parallel_loop3A_953 = arith.constant 64 : i32
      %parallel_loop3A_954 = arith.constant 0 : i32
      %parallel_loop3A_955 = arith.cmpi eq, %parallel_loop3A_953, %parallel_loop3A_954 : i32
      %parallel_loop3A_956 = arith.constant 1 : i32
      %parallel_loop3A_957 = arith.select %parallel_loop3A_955, %parallel_loop3A_956, %parallel_loop3A_953 : i32
      %parallel_loop3A_958 = arith.remsi %parallel_loop3A_928, %parallel_loop3A_957 : i32
      %parallel_loop3A_959 = arith.constant 0 : i32
      %parallel_loop3A_960 = arith.cmpi ne, %parallel_loop3A_958, %parallel_loop3A_959 : i32
      %parallel_loop3A_961 = arith.constant 0 : i32
      %parallel_loop3A_962 = arith.cmpi slt, %parallel_loop3A_958, %parallel_loop3A_961 : i32
      %parallel_loop3A_963 = arith.constant 0 : i32
      %parallel_loop3A_964 = arith.cmpi slt, %parallel_loop3A_957, %parallel_loop3A_963 : i32
      %parallel_loop3A_965 = arith.xori %parallel_loop3A_962, %parallel_loop3A_964 : i1
      %parallel_loop3A_966 = arith.andi %parallel_loop3A_965, %parallel_loop3A_960 : i1
      %parallel_loop3A_967 = arith.addi %parallel_loop3A_958, %parallel_loop3A_957 : i32
      %parallel_loop3A_968 = arith.select %parallel_loop3A_966, %parallel_loop3A_967, %parallel_loop3A_958 : i32
      %parallel_loop3A_969 = arith.constant 16 : i32
      %parallel_loop3A_970 = arith.muli %parallel_loop3A_968, %parallel_loop3A_969 : i32
      %parallel_loop3A_971 = arith.index_cast %parallel_loop3A_952 : i32 to index
      %parallel_loop3A_972 = arith.index_cast %parallel_loop3A_970 : i32 to index
      %parallel_loop3A_973 = tpu.vector_load %arg9[%parallel_loop3A_971, %parallel_loop3A_972] {strides = array<i32>} : memref<16x1024xf32, #tpu.memory_space<vmem>>, vector<1x16xf32>,
      %parallel_loop3A_974 = vector.shape_cast %parallel_loop3A_973 : vector<1x16xf32> to vector<16xf32>
      %parallel_loop3A_975 = arith.constant 16 : i32
      %parallel_loop3A_976 = arith.muli %parallel_loop3A_968, %parallel_loop3A_975 : i32
      %parallel_loop3A_977 = arith.index_cast %parallel_loop3A_952 : i32 to index
      %parallel_loop3A_978 = arith.index_cast %parallel_loop3A_976 : i32 to index
      %parallel_loop3A_979 = tpu.vector_load %arg11[%parallel_loop3A_977, %parallel_loop3A_978] {strides = array<i32>} : memref<16x1024xf32, #tpu.memory_space<vmem>>, vector<1x16xf32>,
      %parallel_loop3A_980 = vector.shape_cast %parallel_loop3A_979 : vector<1x16xf32> to vector<16xf32>
      %parallel_loop3A_981 = vector.shape_cast %parallel_loop3A_974 : vector<16xf32> to vector<1x16xf32>
      tpu.vector_store %arg11[%parallel_loop3A_977, %parallel_loop3A_978], %parallel_loop3A_981 {add = true, strides = array<i32>} : memref<16x1024xf32, #tpu.memory_space<vmem>>, vector<1x16xf32>,
    } {sc.loop_unroll_factor = 8 : i64, sc.parallel_access}
    %add3A_851 = arith.constant 0 : i32
    %add3A_852 = arith.addi %add3A_851, %mul3A_2 : i32
    %add3A_853 = arith.constant 112 : i32
    %add3A_854 = arith.addi %add3A_852, %add3A_853 : i32
    %dma_start3A_855 = arith.constant 0 : i32
    %dma_start3A_856 = tpu.memref_slice %arg5[%add3A_854, %dma_start3A_855] : memref<16384x1024xf32, #tpu.memory_space<hbm>> -> memref<16x1024xf32, #tpu.memory_space<hbm>>
    %dma_start3A_857 = arith.constant 0 : i32
    %dma_start3A_858 = tpu.memref_slice %arg5[%add3A_854, %dma_start3A_857] : memref<16384x1024xf32, #tpu.memory_space<hbm>> -> memref<16x1024xf32, #tpu.memory_space<hbm>>
    tpu.enqueue_dma source(%arg11 : memref<16x1024xf32, #tpu.memory_space<vmem>>) target(%dma_start3A_858 : memref<16x1024xf32, #tpu.memory_space<hbm>>) target_semaphore(%arg19 : memref<!tpu.dma_semaphore, #tpu.memory_space<semaphore_mem>>)
    %dma_wait3A_859 = arith.constant 0 : i32
    %dma_wait3A_860 = tpu.memref_slice %arg5[%add3A_854, %dma_wait3A_859] : memref<16384x1024xf32, #tpu.memory_space<hbm>> -> memref<16x1024xf32, #tpu.memory_space<hbm>>
    %dma_wait3A_861 = arith.constant 0 : i32
    %dma_wait3A_862 = tpu.memref_slice %arg5[%add3A_854, %dma_wait3A_861] : memref<16384x1024xf32, #tpu.memory_space<hbm>> -> memref<16x1024xf32, #tpu.memory_space<hbm>>
    tpu.wait_dma2 semaphore(%arg19 : memref<!tpu.dma_semaphore, #tpu.memory_space<semaphore_mem>>) src(%arg11 : memref<16x1024xf32, #tpu.memory_space<vmem>>) dst(%dma_wait3A_862 : memref<16x1024xf32, #tpu.memory_space<hbm>>)
    %add3A_863 = arith.constant 12288 : i32
    %add3A_864 = arith.addi %add3A_863, %mul3A_2 : i32
    %add3A_865 = arith.constant 112 : i32
    %add3A_866 = arith.addi %add3A_864, %add3A_865 : i32
    %dma_start3A_867 = arith.constant 0 : i32
    %dma_start3A_868 = tpu.memref_slice %arg2[%add3A_866, %dma_start3A_867] : memref<16384x1024xf32, #tpu.memory_space<hbm>> -> memref<16x1024xf32, #tpu.memory_space<hbm>>
    %dma_start3A_869 = arith.constant 0 : i32
    %dma_start3A_870 = tpu.memref_slice %arg2[%add3A_866, %dma_start3A_869] : memref<16384x1024xf32, #tpu.memory_space<hbm>> -> memref<16x1024xf32, #tpu.memory_space<hbm>>
    tpu.enqueue_dma source(%dma_start3A_870 : memref<16x1024xf32, #tpu.memory_space<hbm>>) target(%arg11 : memref<16x1024xf32, #tpu.memory_space<vmem>>) target_semaphore(%arg16 : memref<!tpu.dma_semaphore, #tpu.memory_space<semaphore_mem>>)
    %dma_wait3A_871 = arith.constant 0 : i32
    %dma_wait3A_872 = tpu.memref_slice %arg2[%add3A_809, %dma_wait3A_871] : memref<16384x1024xf32, #tpu.memory_space<hbm>> -> memref<16x1024xf32, #tpu.memory_space<hbm>>
    %dma_wait3A_873 = arith.constant 0 : i32
    %dma_wait3A_874 = tpu.memref_slice %arg2[%add3A_809, %dma_wait3A_873] : memref<16384x1024xf32, #tpu.memory_space<hbm>> -> memref<16x1024xf32, #tpu.memory_space<hbm>>
    tpu.wait_dma2 semaphore(%arg17 : memref<!tpu.dma_semaphore, #tpu.memory_space<semaphore_mem>>) src(%dma_wait3A_874 : memref<16x1024xf32, #tpu.memory_space<hbm>>) dst(%arg12 : memref<16x1024xf32, #tpu.memory_space<vmem>>)
    %parallel_loop3A_875 = arith.constant 0 : i32
    %parallel_loop3A_876 = arith.constant 1024 : i32
    %parallel_loop3A_877 = arith.constant 1 : i32
    scf.for %parallel_loop3A_928 = %parallel_loop3A_875 to %parallel_loop3A_876 step %parallel_loop3A_877  : i32 {
      %parallel_loop3A_929 = arith.constant 64 : i32
      %parallel_loop3A_930 = arith.divsi %parallel_loop3A_928, %parallel_loop3A_929 : i32
      %parallel_loop3A_931 = arith.constant 0 : i32
      %parallel_loop3A_932 = arith.cmpi sgt, %parallel_loop3A_928, %parallel_loop3A_931 : i32
      %parallel_loop3A_933 = arith.extui %parallel_loop3A_932 : i1 to i32
      %parallel_loop3A_934 = arith.constant 0 : i32
      %parallel_loop3A_935 = arith.cmpi slt, %parallel_loop3A_928, %parallel_loop3A_934 : i32
      %parallel_loop3A_936 = arith.extui %parallel_loop3A_935 : i1 to i32
      %parallel_loop3A_937 = arith.subi %parallel_loop3A_933, %parallel_loop3A_936 : i32
      %parallel_loop3A_938 = arith.constant 0 : i32
      %parallel_loop3A_939 = arith.cmpi sgt, %parallel_loop3A_929, %parallel_loop3A_938 : i32
      %parallel_loop3A_940 = arith.extui %parallel_loop3A_939 : i1 to i32
      %parallel_loop3A_941 = arith.constant 0 : i32
      %parallel_loop3A_942 = arith.cmpi slt, %parallel_loop3A_929, %parallel_loop3A_941 : i32
      %parallel_loop3A_943 = arith.extui %parallel_loop3A_942 : i1 to i32
      %parallel_loop3A_944 = arith.subi %parallel_loop3A_940, %parallel_loop3A_943 : i32
      %parallel_loop3A_945 = arith.cmpi ne, %parallel_loop3A_937, %parallel_loop3A_944 : i32
      %parallel_loop3A_946 = arith.remsi %parallel_loop3A_928, %parallel_loop3A_929 : i32
      %parallel_loop3A_947 = arith.constant 0 : i32
      %parallel_loop3A_948 = arith.cmpi ne, %parallel_loop3A_946, %parallel_loop3A_947 : i32
      %parallel_loop3A_949 = arith.andi %parallel_loop3A_945, %parallel_loop3A_948 : i1
      %parallel_loop3A_950 = arith.constant 1 : i32
      %parallel_loop3A_951 = arith.subi %parallel_loop3A_930, %parallel_loop3A_950 : i32
      %parallel_loop3A_952 = arith.select %parallel_loop3A_949, %parallel_loop3A_951, %parallel_loop3A_930 : i32
      %parallel_loop3A_953 = arith.constant 64 : i32
      %parallel_loop3A_954 = arith.constant 0 : i32
      %parallel_loop3A_955 = arith.cmpi eq, %parallel_loop3A_953, %parallel_loop3A_954 : i32
      %parallel_loop3A_956 = arith.constant 1 : i32
      %parallel_loop3A_957 = arith.select %parallel_loop3A_955, %parallel_loop3A_956, %parallel_loop3A_953 : i32
      %parallel_loop3A_958 = arith.remsi %parallel_loop3A_928, %parallel_loop3A_957 : i32
      %parallel_loop3A_959 = arith.constant 0 : i32
      %parallel_loop3A_960 = arith.cmpi ne, %parallel_loop3A_958, %parallel_loop3A_959 : i32
      %parallel_loop3A_961 = arith.constant 0 : i32
      %parallel_loop3A_962 = arith.cmpi slt, %parallel_loop3A_958, %parallel_loop3A_961 : i32
      %parallel_loop3A_963 = arith.constant 0 : i32
      %parallel_loop3A_964 = arith.cmpi slt, %parallel_loop3A_957, %parallel_loop3A_963 : i32
      %parallel_loop3A_965 = arith.xori %parallel_loop3A_962, %parallel_loop3A_964 : i1
      %parallel_loop3A_966 = arith.andi %parallel_loop3A_965, %parallel_loop3A_960 : i1
      %parallel_loop3A_967 = arith.addi %parallel_loop3A_958, %parallel_loop3A_957 : i32
      %parallel_loop3A_968 = arith.select %parallel_loop3A_966, %parallel_loop3A_967, %parallel_loop3A_958 : i32
      %parallel_loop3A_969 = arith.constant 16 : i32
      %parallel_loop3A_970 = arith.muli %parallel_loop3A_968, %parallel_loop3A_969 : i32
      %parallel_loop3A_971 = arith.index_cast %parallel_loop3A_952 : i32 to index
      %parallel_loop3A_972 = arith.index_cast %parallel_loop3A_970 : i32 to index
      %parallel_loop3A_973 = tpu.vector_load %arg9[%parallel_loop3A_971, %parallel_loop3A_972] {strides = array<i32>} : memref<16x1024xf32, #tpu.memory_space<vmem>>, vector<1x16xf32>,
      %parallel_loop3A_974 = vector.shape_cast %parallel_loop3A_973 : vector<1x16xf32> to vector<16xf32>
      %parallel_loop3A_975 = arith.constant 16 : i32
      %parallel_loop3A_976 = arith.muli %parallel_loop3A_968, %parallel_loop3A_975 : i32
      %parallel_loop3A_977 = arith.index_cast %parallel_loop3A_952 : i32 to index
      %parallel_loop3A_978 = arith.index_cast %parallel_loop3A_976 : i32 to index
      %parallel_loop3A_979 = tpu.vector_load %arg12[%parallel_loop3A_977, %parallel_loop3A_978] {strides = array<i32>} : memref<16x1024xf32, #tpu.memory_space<vmem>>, vector<1x16xf32>,
      %parallel_loop3A_980 = vector.shape_cast %parallel_loop3A_979 : vector<1x16xf32> to vector<16xf32>
      %parallel_loop3A_981 = vector.shape_cast %parallel_loop3A_974 : vector<16xf32> to vector<1x16xf32>
      tpu.vector_store %arg12[%parallel_loop3A_977, %parallel_loop3A_978], %parallel_loop3A_981 {add = true, strides = array<i32>} : memref<16x1024xf32, #tpu.memory_space<vmem>>, vector<1x16xf32>,
    } {sc.loop_unroll_factor = 8 : i64, sc.parallel_access}
    %add3A_878 = arith.constant 4096 : i32
    %add3A_879 = arith.addi %add3A_878, %mul3A_2 : i32
    %add3A_880 = arith.constant 112 : i32
    %add3A_881 = arith.addi %add3A_879, %add3A_880 : i32
    %dma_start3A_882 = arith.constant 0 : i32
    %dma_start3A_883 = tpu.memref_slice %arg5[%add3A_881, %dma_start3A_882] : memref<16384x1024xf32, #tpu.memory_space<hbm>> -> memref<16x1024xf32, #tpu.memory_space<hbm>>
    %dma_start3A_884 = arith.constant 0 : i32
    %dma_start3A_885 = tpu.memref_slice %arg5[%add3A_881, %dma_start3A_884] : memref<16384x1024xf32, #tpu.memory_space<hbm>> -> memref<16x1024xf32, #tpu.memory_space<hbm>>
    tpu.enqueue_dma source(%arg12 : memref<16x1024xf32, #tpu.memory_space<vmem>>) target(%dma_start3A_885 : memref<16x1024xf32, #tpu.memory_space<hbm>>) target_semaphore(%arg20 : memref<!tpu.dma_semaphore, #tpu.memory_space<semaphore_mem>>)
    %dma_wait3A_886 = arith.constant 0 : i32
    %dma_wait3A_887 = tpu.memref_slice %arg2[%add3A_839, %dma_wait3A_886] : memref<16384x1024xf32, #tpu.memory_space<hbm>> -> memref<16x1024xf32, #tpu.memory_space<hbm>>
    %dma_wait3A_888 = arith.constant 0 : i32
    %dma_wait3A_889 = tpu.memref_slice %arg2[%add3A_839, %dma_wait3A_888] : memref<16384x1024xf32, #tpu.memory_space<hbm>> -> memref<16x1024xf32, #tpu.memory_space<hbm>>
    tpu.wait_dma2 semaphore(%arg15 : memref<!tpu.dma_semaphore, #tpu.memory_space<semaphore_mem>>) src(%dma_wait3A_889 : memref<16x1024xf32, #tpu.memory_space<hbm>>) dst(%arg10 : memref<16x1024xf32, #tpu.memory_space<vmem>>)
    %parallel_loop3A_890 = arith.constant 0 : i32
    %parallel_loop3A_891 = arith.constant 1024 : i32
    %parallel_loop3A_892 = arith.constant 1 : i32
    scf.for %parallel_loop3A_928 = %parallel_loop3A_890 to %parallel_loop3A_891 step %parallel_loop3A_892  : i32 {
      %parallel_loop3A_929 = arith.constant 64 : i32
      %parallel_loop3A_930 = arith.divsi %parallel_loop3A_928, %parallel_loop3A_929 : i32
      %parallel_loop3A_931 = arith.constant 0 : i32
      %parallel_loop3A_932 = arith.cmpi sgt, %parallel_loop3A_928, %parallel_loop3A_931 : i32
      %parallel_loop3A_933 = arith.extui %parallel_loop3A_932 : i1 to i32
      %parallel_loop3A_934 = arith.constant 0 : i32
      %parallel_loop3A_935 = arith.cmpi slt, %parallel_loop3A_928, %parallel_loop3A_934 : i32
      %parallel_loop3A_936 = arith.extui %parallel_loop3A_935 : i1 to i32
      %parallel_loop3A_937 = arith.subi %parallel_loop3A_933, %parallel_loop3A_936 : i32
      %parallel_loop3A_938 = arith.constant 0 : i32
      %parallel_loop3A_939 = arith.cmpi sgt, %parallel_loop3A_929, %parallel_loop3A_938 : i32
      %parallel_loop3A_940 = arith.extui %parallel_loop3A_939 : i1 to i32
      %parallel_loop3A_941 = arith.constant 0 : i32
      %parallel_loop3A_942 = arith.cmpi slt, %parallel_loop3A_929, %parallel_loop3A_941 : i32
      %parallel_loop3A_943 = arith.extui %parallel_loop3A_942 : i1 to i32
      %parallel_loop3A_944 = arith.subi %parallel_loop3A_940, %parallel_loop3A_943 : i32
      %parallel_loop3A_945 = arith.cmpi ne, %parallel_loop3A_937, %parallel_loop3A_944 : i32
      %parallel_loop3A_946 = arith.remsi %parallel_loop3A_928, %parallel_loop3A_929 : i32
      %parallel_loop3A_947 = arith.constant 0 : i32
      %parallel_loop3A_948 = arith.cmpi ne, %parallel_loop3A_946, %parallel_loop3A_947 : i32
      %parallel_loop3A_949 = arith.andi %parallel_loop3A_945, %parallel_loop3A_948 : i1
      %parallel_loop3A_950 = arith.constant 1 : i32
      %parallel_loop3A_951 = arith.subi %parallel_loop3A_930, %parallel_loop3A_950 : i32
      %parallel_loop3A_952 = arith.select %parallel_loop3A_949, %parallel_loop3A_951, %parallel_loop3A_930 : i32
      %parallel_loop3A_953 = arith.constant 64 : i32
      %parallel_loop3A_954 = arith.constant 0 : i32
      %parallel_loop3A_955 = arith.cmpi eq, %parallel_loop3A_953, %parallel_loop3A_954 : i32
      %parallel_loop3A_956 = arith.constant 1 : i32
      %parallel_loop3A_957 = arith.select %parallel_loop3A_955, %parallel_loop3A_956, %parallel_loop3A_953 : i32
      %parallel_loop3A_958 = arith.remsi %parallel_loop3A_928, %parallel_loop3A_957 : i32
      %parallel_loop3A_959 = arith.constant 0 : i32
      %parallel_loop3A_960 = arith.cmpi ne, %parallel_loop3A_958, %parallel_loop3A_959 : i32
      %parallel_loop3A_961 = arith.constant 0 : i32
      %parallel_loop3A_962 = arith.cmpi slt, %parallel_loop3A_958, %parallel_loop3A_961 : i32
      %parallel_loop3A_963 = arith.constant 0 : i32
      %parallel_loop3A_964 = arith.cmpi slt, %parallel_loop3A_957, %parallel_loop3A_963 : i32
      %parallel_loop3A_965 = arith.xori %parallel_loop3A_962, %parallel_loop3A_964 : i1
      %parallel_loop3A_966 = arith.andi %parallel_loop3A_965, %parallel_loop3A_960 : i1
      %parallel_loop3A_967 = arith.addi %parallel_loop3A_958, %parallel_loop3A_957 : i32
      %parallel_loop3A_968 = arith.select %parallel_loop3A_966, %parallel_loop3A_967, %parallel_loop3A_958 : i32
      %parallel_loop3A_969 = arith.constant 16 : i32
      %parallel_loop3A_970 = arith.muli %parallel_loop3A_968, %parallel_loop3A_969 : i32
      %parallel_loop3A_971 = arith.index_cast %parallel_loop3A_952 : i32 to index
      %parallel_loop3A_972 = arith.index_cast %parallel_loop3A_970 : i32 to index
      %parallel_loop3A_973 = tpu.vector_load %arg9[%parallel_loop3A_971, %parallel_loop3A_972] {strides = array<i32>} : memref<16x1024xf32, #tpu.memory_space<vmem>>, vector<1x16xf32>,
      %parallel_loop3A_974 = vector.shape_cast %parallel_loop3A_973 : vector<1x16xf32> to vector<16xf32>
      %parallel_loop3A_975 = arith.constant 16 : i32
      %parallel_loop3A_976 = arith.muli %parallel_loop3A_968, %parallel_loop3A_975 : i32
      %parallel_loop3A_977 = arith.index_cast %parallel_loop3A_952 : i32 to index
      %parallel_loop3A_978 = arith.index_cast %parallel_loop3A_976 : i32 to index
      %parallel_loop3A_979 = tpu.vector_load %arg10[%parallel_loop3A_977, %parallel_loop3A_978] {strides = array<i32>} : memref<16x1024xf32, #tpu.memory_space<vmem>>, vector<1x16xf32>,
      %parallel_loop3A_980 = vector.shape_cast %parallel_loop3A_979 : vector<1x16xf32> to vector<16xf32>
      %parallel_loop3A_981 = vector.shape_cast %parallel_loop3A_974 : vector<16xf32> to vector<1x16xf32>
      tpu.vector_store %arg10[%parallel_loop3A_977, %parallel_loop3A_978], %parallel_loop3A_981 {add = true, strides = array<i32>} : memref<16x1024xf32, #tpu.memory_space<vmem>>, vector<1x16xf32>,
    } {sc.loop_unroll_factor = 8 : i64, sc.parallel_access}
    %add3A_893 = arith.constant 8192 : i32
    %add3A_894 = arith.addi %add3A_893, %mul3A_2 : i32
    %add3A_895 = arith.constant 112 : i32
    %add3A_896 = arith.addi %add3A_894, %add3A_895 : i32
    %dma_start3A_897 = arith.constant 0 : i32
    %dma_start3A_898 = tpu.memref_slice %arg5[%add3A_896, %dma_start3A_897] : memref<16384x1024xf32, #tpu.memory_space<hbm>> -> memref<16x1024xf32, #tpu.memory_space<hbm>>
    %dma_start3A_899 = arith.constant 0 : i32
    %dma_start3A_900 = tpu.memref_slice %arg5[%add3A_896, %dma_start3A_899] : memref<16384x1024xf32, #tpu.memory_space<hbm>> -> memref<16x1024xf32, #tpu.memory_space<hbm>>
    tpu.enqueue_dma source(%arg10 : memref<16x1024xf32, #tpu.memory_space<vmem>>) target(%dma_start3A_900 : memref<16x1024xf32, #tpu.memory_space<hbm>>) target_semaphore(%arg18 : memref<!tpu.dma_semaphore, #tpu.memory_space<semaphore_mem>>)
    %dma_wait3A_901 = arith.constant 0 : i32
    %dma_wait3A_902 = tpu.memref_slice %arg2[%add3A_866, %dma_wait3A_901] : memref<16384x1024xf32, #tpu.memory_space<hbm>> -> memref<16x1024xf32, #tpu.memory_space<hbm>>
    %dma_wait3A_903 = arith.constant 0 : i32
    %dma_wait3A_904 = tpu.memref_slice %arg2[%add3A_866, %dma_wait3A_903] : memref<16384x1024xf32, #tpu.memory_space<hbm>> -> memref<16x1024xf32, #tpu.memory_space<hbm>>
    tpu.wait_dma2 semaphore(%arg16 : memref<!tpu.dma_semaphore, #tpu.memory_space<semaphore_mem>>) src(%dma_wait3A_904 : memref<16x1024xf32, #tpu.memory_space<hbm>>) dst(%arg11 : memref<16x1024xf32, #tpu.memory_space<vmem>>)
    %parallel_loop3A_905 = arith.constant 0 : i32
    %parallel_loop3A_906 = arith.constant 1024 : i32
    %parallel_loop3A_907 = arith.constant 1 : i32
    scf.for %parallel_loop3A_928 = %parallel_loop3A_905 to %parallel_loop3A_906 step %parallel_loop3A_907  : i32 {
      %parallel_loop3A_929 = arith.constant 64 : i32
      %parallel_loop3A_930 = arith.divsi %parallel_loop3A_928, %parallel_loop3A_929 : i32
      %parallel_loop3A_931 = arith.constant 0 : i32
      %parallel_loop3A_932 = arith.cmpi sgt, %parallel_loop3A_928, %parallel_loop3A_931 : i32
      %parallel_loop3A_933 = arith.extui %parallel_loop3A_932 : i1 to i32
      %parallel_loop3A_934 = arith.constant 0 : i32
      %parallel_loop3A_935 = arith.cmpi slt, %parallel_loop3A_928, %parallel_loop3A_934 : i32
      %parallel_loop3A_936 = arith.extui %parallel_loop3A_935 : i1 to i32
      %parallel_loop3A_937 = arith.subi %parallel_loop3A_933, %parallel_loop3A_936 : i32
      %parallel_loop3A_938 = arith.constant 0 : i32
      %parallel_loop3A_939 = arith.cmpi sgt, %parallel_loop3A_929, %parallel_loop3A_938 : i32
      %parallel_loop3A_940 = arith.extui %parallel_loop3A_939 : i1 to i32
      %parallel_loop3A_941 = arith.constant 0 : i32
      %parallel_loop3A_942 = arith.cmpi slt, %parallel_loop3A_929, %parallel_loop3A_941 : i32
      %parallel_loop3A_943 = arith.extui %parallel_loop3A_942 : i1 to i32
      %parallel_loop3A_944 = arith.subi %parallel_loop3A_940, %parallel_loop3A_943 : i32
      %parallel_loop3A_945 = arith.cmpi ne, %parallel_loop3A_937, %parallel_loop3A_944 : i32
      %parallel_loop3A_946 = arith.remsi %parallel_loop3A_928, %parallel_loop3A_929 : i32
      %parallel_loop3A_947 = arith.constant 0 : i32
      %parallel_loop3A_948 = arith.cmpi ne, %parallel_loop3A_946, %parallel_loop3A_947 : i32
      %parallel_loop3A_949 = arith.andi %parallel_loop3A_945, %parallel_loop3A_948 : i1
      %parallel_loop3A_950 = arith.constant 1 : i32
      %parallel_loop3A_951 = arith.subi %parallel_loop3A_930, %parallel_loop3A_950 : i32
      %parallel_loop3A_952 = arith.select %parallel_loop3A_949, %parallel_loop3A_951, %parallel_loop3A_930 : i32
      %parallel_loop3A_953 = arith.constant 64 : i32
      %parallel_loop3A_954 = arith.constant 0 : i32
      %parallel_loop3A_955 = arith.cmpi eq, %parallel_loop3A_953, %parallel_loop3A_954 : i32
      %parallel_loop3A_956 = arith.constant 1 : i32
      %parallel_loop3A_957 = arith.select %parallel_loop3A_955, %parallel_loop3A_956, %parallel_loop3A_953 : i32
      %parallel_loop3A_958 = arith.remsi %parallel_loop3A_928, %parallel_loop3A_957 : i32
      %parallel_loop3A_959 = arith.constant 0 : i32
      %parallel_loop3A_960 = arith.cmpi ne, %parallel_loop3A_958, %parallel_loop3A_959 : i32
      %parallel_loop3A_961 = arith.constant 0 : i32
      %parallel_loop3A_962 = arith.cmpi slt, %parallel_loop3A_958, %parallel_loop3A_961 : i32
      %parallel_loop3A_963 = arith.constant 0 : i32
      %parallel_loop3A_964 = arith.cmpi slt, %parallel_loop3A_957, %parallel_loop3A_963 : i32
      %parallel_loop3A_965 = arith.xori %parallel_loop3A_962, %parallel_loop3A_964 : i1
      %parallel_loop3A_966 = arith.andi %parallel_loop3A_965, %parallel_loop3A_960 : i1
      %parallel_loop3A_967 = arith.addi %parallel_loop3A_958, %parallel_loop3A_957 : i32
      %parallel_loop3A_968 = arith.select %parallel_loop3A_966, %parallel_loop3A_967, %parallel_loop3A_958 : i32
      %parallel_loop3A_969 = arith.constant 16 : i32
      %parallel_loop3A_970 = arith.muli %parallel_loop3A_968, %parallel_loop3A_969 : i32
      %parallel_loop3A_971 = arith.index_cast %parallel_loop3A_952 : i32 to index
      %parallel_loop3A_972 = arith.index_cast %parallel_loop3A_970 : i32 to index
      %parallel_loop3A_973 = tpu.vector_load %arg9[%parallel_loop3A_971, %parallel_loop3A_972] {strides = array<i32>} : memref<16x1024xf32, #tpu.memory_space<vmem>>, vector<1x16xf32>,
      %parallel_loop3A_974 = vector.shape_cast %parallel_loop3A_973 : vector<1x16xf32> to vector<16xf32>
      %parallel_loop3A_975 = arith.constant 16 : i32
      %parallel_loop3A_976 = arith.muli %parallel_loop3A_968, %parallel_loop3A_975 : i32
      %parallel_loop3A_977 = arith.index_cast %parallel_loop3A_952 : i32 to index
      %parallel_loop3A_978 = arith.index_cast %parallel_loop3A_976 : i32 to index
      %parallel_loop3A_979 = tpu.vector_load %arg11[%parallel_loop3A_977, %parallel_loop3A_978] {strides = array<i32>} : memref<16x1024xf32, #tpu.memory_space<vmem>>, vector<1x16xf32>,
      %parallel_loop3A_980 = vector.shape_cast %parallel_loop3A_979 : vector<1x16xf32> to vector<16xf32>
      %parallel_loop3A_981 = vector.shape_cast %parallel_loop3A_974 : vector<16xf32> to vector<1x16xf32>
      tpu.vector_store %arg11[%parallel_loop3A_977, %parallel_loop3A_978], %parallel_loop3A_981 {add = true, strides = array<i32>} : memref<16x1024xf32, #tpu.memory_space<vmem>>, vector<1x16xf32>,
    } {sc.loop_unroll_factor = 8 : i64, sc.parallel_access}
    %add3A_908 = arith.constant 12288 : i32
    %add3A_909 = arith.addi %add3A_908, %mul3A_2 : i32
    %add3A_910 = arith.constant 112 : i32
    %add3A_911 = arith.addi %add3A_909, %add3A_910 : i32
    %dma_start3A_912 = arith.constant 0 : i32
    %dma_start3A_913 = tpu.memref_slice %arg5[%add3A_911, %dma_start3A_912] : memref<16384x1024xf32, #tpu.memory_space<hbm>> -> memref<16x1024xf32, #tpu.memory_space<hbm>>
    %dma_start3A_914 = arith.constant 0 : i32
    %dma_start3A_915 = tpu.memref_slice %arg5[%add3A_911, %dma_start3A_914] : memref<16384x1024xf32, #tpu.memory_space<hbm>> -> memref<16x1024xf32, #tpu.memory_space<hbm>>
    tpu.enqueue_dma source(%arg11 : memref<16x1024xf32, #tpu.memory_space<vmem>>) target(%dma_start3A_915 : memref<16x1024xf32, #tpu.memory_space<hbm>>) target_semaphore(%arg19 : memref<!tpu.dma_semaphore, #tpu.memory_space<semaphore_mem>>)
    %dma_wait3A_916 = arith.constant 0 : i32
    %dma_wait3A_917 = tpu.memref_slice %arg5[%add3A_896, %dma_wait3A_916] : memref<16384x1024xf32, #tpu.memory_space<hbm>> -> memref<16x1024xf32, #tpu.memory_space<hbm>>
    %dma_wait3A_918 = arith.constant 0 : i32
    %dma_wait3A_919 = tpu.memref_slice %arg5[%add3A_896, %dma_wait3A_918] : memref<16384x1024xf32, #tpu.memory_space<hbm>> -> memref<16x1024xf32, #tpu.memory_space<hbm>>
    tpu.wait_dma2 semaphore(%arg18 : memref<!tpu.dma_semaphore, #tpu.memory_space<semaphore_mem>>) src(%arg10 : memref<16x1024xf32, #tpu.memory_space<vmem>>) dst(%dma_wait3A_919 : memref<16x1024xf32, #tpu.memory_space<hbm>>)
    %dma_wait3A_920 = arith.constant 0 : i32
    %dma_wait3A_921 = tpu.memref_slice %arg5[%add3A_911, %dma_wait3A_920] : memref<16384x1024xf32, #tpu.memory_space<hbm>> -> memref<16x1024xf32, #tpu.memory_space<hbm>>
    %dma_wait3A_922 = arith.constant 0 : i32
    %dma_wait3A_923 = tpu.memref_slice %arg5[%add3A_911, %dma_wait3A_922] : memref<16384x1024xf32, #tpu.memory_space<hbm>> -> memref<16x1024xf32, #tpu.memory_space<hbm>>
    tpu.wait_dma2 semaphore(%arg19 : memref<!tpu.dma_semaphore, #tpu.memory_space<semaphore_mem>>) src(%arg11 : memref<16x1024xf32, #tpu.memory_space<vmem>>) dst(%dma_wait3A_923 : memref<16x1024xf32, #tpu.memory_space<hbm>>)
    %dma_wait3A_924 = arith.constant 0 : i32
    %dma_wait3A_925 = tpu.memref_slice %arg5[%add3A_881, %dma_wait3A_924] : memref<16384x1024xf32, #tpu.memory_space<hbm>> -> memref<16x1024xf32, #tpu.memory_space<hbm>>
    %dma_wait3A_926 = arith.constant 0 : i32
    %dma_wait3A_927 = tpu.memref_slice %arg5[%add3A_881, %dma_wait3A_926] : memref<16384x1024xf32, #tpu.memory_space<hbm>> -> memref<16x1024xf32, #tpu.memory_space<hbm>>
    tpu.wait_dma2 semaphore(%arg20 : memref<!tpu.dma_semaphore, #tpu.memory_space<semaphore_mem>>) src(%arg12 : memref<16x1024xf32, #tpu.memory_space<vmem>>) dst(%dma_wait3A_927 : memref<16x1024xf32, #tpu.memory_space<hbm>>)
    return
  }
}

</mosaic_0001>

<sc_bundles>
// kernel: kernel.3.cloned.1.call-start
scs
__scs_entry_jumppad:
0x0: {  	(pc) =	sbr.rel $0x88, $3  }
0x1: {  	(tag) =	ssettag $0x0;
	lr =	simm.s32 $0x1  }
0x2: {  	[smem:$0x3F9F] =	sst lr;
	_ =	strace $0xD0000000  }
0x3: {  	_ = 	snop  }
0x4: {  	_ = 	snop  }
0x5: {  	_ = 	snop  }
0x6: {  	_ = 	snop  }
0x7: {  	_ = 	snop  }
__scs_overlays_trampoline_lowered:
0x8: {  	[smem:$0x3FAE] =	sst s0  }
0x9: {  	[smem:$0x3FAF] =	sst s1  }
0xa: {  	[smem:$0x3FB0] =	sst s2  }
0xb: {  	[smem:$0x3FB1] =	sst s3  }
0xc: {  	[smem:$0x3FB2] =	sst s4  }
0xd: {  	[smem:$0x3FB3] =	sst s5  }
0xe: {  	[smem:$0x3FB4] =	sst s6  }
0xf: {  	[smem:$0x3FB5] =	sst s7  }
0x10: {  	[smem:$0x3FB6] =	sst s8  }
0x11: {  	[smem:$0x3FB7] =	sst s9;
	s0 =	simm.s32 @!p0 $0x0  }
0x12: {  	s1 =	sld [smem:$0x3F9D];
	s0 =	simm.s32 @p0 $0x1  }
0x13: {  	[smem:$0x3FB8] =	sst s0;
	s0 =	simm.s32 @!p1 $0x0  }
0x14: {  	s2 =	sld [smem:$0x3F9C];
	s0 =	simm.s32 @p1 $0x1  }
0x15: {  	[smem:$0x3FB9] =	sst s0;
	s0 =	simm.s32 @!p2 $0x0  }
0x16: {  	s3 =	sld [smem:$0x3FDB];
	s0 =	simm.s32 @p2 $0x1  }
0x17: {  	s4 =	simm.s32 $0x1BF5;
	[smem:$0x3FBB] =	sst s0  }
0x18: {  	s0 =	sld [smem:$0x3F9E];
	_ =	swait.ge [sflag:s4], $0x0  }
0x19: {  	s7 =	sld [smem:$0x3F9F]  }
0x1a: {  	s8 =	sadd.s32 $0xFFFFE003, lr  }
0x1b: {  	s9 =	sadd.s32 $0xFFFFFEF7, lr;
	s5 =	simm.s32 $0xFFFFFFFF;
	p2 =	slt.u32 s8, $0xFFFFF086  }
0x1c: {  	p1 =	slt.u32 s9, $0xF7A;
	s5 =	simm.s32 @!p2 $0x0  }
0x1d: {  	s5 =	simm.s32 @p1 $0x1;
	p0 =	seq.s32 s7, s2  }
0x1e: {  	s7 =	smul.u32 @!p0 $0xF7A, s2;
	p2 =	seq.s32 @!p0 s5, $0x0  }
0x1f: {  	s9 =	smul.u32 $0xF7A, s1;
	s8 =	simm.s32 @!p0 $0x1BF5;
	p2 =	por !p2, p0  }
0x20: {  	[sflag:s8] =	ssyncset.s32 @!p0 $0xFFFFF086;
	s6 =	sadd.s32 @!p0 s3, s7;
	s7 =	simm.s32 @!p0 $0x108  }
0x21: {  	s3 =	sadd.s32 s3, s9;
	s6 =	sadd.s32 @!p0 $0x88, s6;
	s7 =	simm.s32 @p2 $0x1082  }
0x22: {  	[simem:s7], [sflag:s8] =	dma.local @!p0 [hbm:s6], $0xF7A  }
0x23: {  	s9 =	sor.u32 $0xD0000000, s2;
	s6 =	simm.s32 $0x108;
	_ =	swait.ge @!p0 [sflag:s8], $0x0  }
0x24: {  	s3 =	sadd.s32 $0x88, s3;
	s6 =	simm.s32 @!p1 $0x1082;
	[sflag:s4] =	ssyncset.s32 $0xFFFFF086  }
0x25: {  	[simem:s6], [sflag:s4] =	dma.local [hbm:s3], $0xF7A  }
0x26: {  	[smem:$0x3F9F] =	sst s1;
	(tag) =	ssettag s2;
	_ =	strace s9  }
0x27: {  	s1 =	sld [smem:$0x3FAF]  }
0x28: {  	s2 =	sld [smem:$0x3FB0]  }
0x29: {  	s4 =	sld [smem:$0x3FB2]  }
0x2a: {  	p0 =	seq.s32 s5, $0x0;
	s5 =	sld [smem:$0x3FB3]  }
0x2b: {  	s6 =	sld [smem:$0x3FB4]  }
0x2c: {  	s7 =	sld [smem:$0x3FB5]  }
0x2d: {  	s3 =	simm.s32 $0x108;
	s8 =	sld [smem:$0x3FB6]  }
0x2e: {  	s3 =	simm.s32 @!p0 $0x1082;
	s9 =	sld [smem:$0x3FB7]  }
0x2f: {  	lr =	sadd.s32 s0, s3;
	s0 =	sld [smem:$0x3FAE]  }
0x30: {  	s3 =	sld [smem:$0x3FB1]  }
0x31: {  	[smem:$0x3FBA] =	sst s10  }
0x32: {  	s10 =	sld [smem:$0x3FB8];
	_ =	sdelay $0x3  }
0x33: {  	p0 =	seq.s32 s10, $0x1;
	s10 =	sld [smem:$0x3FBA];
	_ =	sdelay $0x3  }
0x34: {  	[smem:$0x3FBA] =	sst s10  }
0x35: {  	s10 =	sld [smem:$0x3FB9];
	_ =	sdelay $0x3  }
0x36: {  	p1 =	seq.s32 s10, $0x1;
	s10 =	sld [smem:$0x3FBA];
	_ =	sdelay $0x3  }
0x37: {  	[smem:$0x3FBA] =	sst s10  }
0x38: {  	s10 =	sld [smem:$0x3FBB]  }
0x39: {  	_ = 	snop;
	(pc) =	sbr.ind lr, $3  }
0x3a: {  	_ = 	snop  }
0x3b: {  	_ = 	snop  }
0x3c: {  	p2 =	seq.s32 s10, $0x1;
	s10 =	sld [smem:$0x3FBA]  }
0x3d: {  	_ =	shalt  }
0x3e: {  	_ =	shalt  }
0x3f: {  	_ =	shalt  }
0x40: {  	_ =	shalt  }
0x41: {  	_ =	shalt  }
0x42: {  	_ =	shalt  }
0x43: {  	_ =	shalt  }
0x44: {  	_ =	shalt  }
0x45: {  	_ =	shalt  }
0x46: {  	_ =	shalt  }
0x47: {  	_ =	shalt  }
0x48: {  	_ =	shalt  }
0x49: {  	_ =	shalt  }
0x4a: {  	_ =	shalt  }
0x4b: {  	_ =	shalt  }
0x4c: {  	_ =	shalt  }
0x4d: {  	_ =	shalt  }
0x4e: {  	_ =	shalt  }
0x4f: {  	_ =	shalt  }
0x50: {  	_ =	shalt  }
0x51: {  	_ =	shalt  }
0x52: {  	_ =	shalt  }
0x53: {  	_ =	shalt  }
0x54: {  	_ =	shalt  }
0x55: {  	_ =	shalt  }
0x56: {  	_ =	shalt  }
0x57: {  	_ =	shalt  }
0x58: {  	_ =	shalt  }
0x59: {  	_ =	shalt  }
0x5a: {  	_ =	shalt  }
0x5b: {  	_ =	shalt  }
0x5c: {  	_ =	shalt  }
0x5d: {  	_ =	shalt  }
0x5e: {  	_ =	shalt  }
0x5f: {  	_ =	shalt  }
0x60: {  	_ =	shalt  }
0x61: {  	_ =	shalt  }
0x62: {  	_ =	shalt  }
0x63: {  	_ =	shalt  }
0x64: {  	_ =	shalt  }
0x65: {  	_ =	shalt  }
0x66: {  	_ =	shalt  }
0x67: {  	_ =	shalt  }
0x68: {  	_ =	shalt  }
0x69: {  	_ =	shalt  }
0x6a: {  	_ =	shalt  }
0x6b: {  	_ =	shalt  }
0x6c: {  	_ =	shalt  }
0x6d: {  	_ =	shalt  }
0x6e: {  	_ =	shalt  }
0x6f: {  	_ =	shalt  }
0x70: {  	_ =	shalt  }
0x71: {  	_ =	shalt  }
0x72: {  	_ =	shalt  }
0x73: {  	_ =	shalt  }
0x74: {  	_ =	shalt  }
0x75: {  	_ =	shalt  }
0x76: {  	_ =	shalt  }
0x77: {  	_ =	shalt  }
0x78: {  	_ =	shalt  }
0x79: {  	_ =	shalt  }
0x7a: {  	_ =	shalt  }
0x7b: {  	_ =	shalt  }
0x7c: {  	_ =	shalt  }
0x7d: {  	_ =	shalt  }
0x7e: {  	_ =	shalt  }
0x7f: {  	_ =	shalt  }
0x80: {  	_ =	shalt  }
0x81: {  	_ =	shalt  }
0x82: {  	_ =	shalt  }
0x83: {  	_ =	shalt  }
0x84: {  	_ =	shalt  }
0x85: {  	_ =	shalt  }
0x86: {  	_ =	shalt  }
0x87: {  	_ =	shalt  }
.Lfunc_end0:
.L_simem_size_0:
called_computation_lowered:
.L_overlay_start_0:
0x88: {  	s2 =	sld [smem:$0x3FD9]  }
0x89: {  	s3 =	sld [smem:$0x3FFE];
	_ =	sdelay $0x1  }
0x8a: {  	s1 =	srdreg.scid  }
0x8b: {  	s0 =	sand.u32 $0x1, s1  }
0x8c: {  	s17 =	sshll.u32 s0, $0xA;
	s2 =	sadd.s32 s3, s2  }
0x8d: {  	s2 =	sadd.s32 s2, s17  }
0x8e: {  	[smem:$0x3FC6] =	sst s2  }
0x8f: {  	_ = 	snop  }
0x90: {  	s2 =	sld [smem:$0x3FC9]  }
0x91: {  	s18 =	sld [smem:$0x3FC8]  }
0x92: {  	s4 =	sld [smem:$0x3FD0];
	(tm) =	ssettm $0x1  }
0x93: {  	s5 =	sld [smem:$0x3FFB];
	_ =	sdelay $0x3  }
0x94: {  	_ =	strace s5  }
0x95: {  	s5 =	sld [smem:$0x3FFC];
	_ =	sdelay $0x3  }
0x96: {  	_ =	strace s5  }
0x97: {  	s5 =	sld [smem:$0x3FFD];
	_ =	sdelay $0x3  }
0x98: {  	_ =	strace s5  }
0x99: {  	_ =	strace $0x8FFFFFFF  }
0x9a: {  	s19 =	sld [smem:$0x3FDB];
	_ =	sdelay $0x1  }
0x9b: {  	s6 =	simm.s32 $_scs_section_size  }
0x9c: {  	s7 =	simm.s32 $_size__tile_overlayer_lowered;
	s8 =	simm.s32 $_tile_overlayer_lowered  }
0x9d: {  	s22 =	simm.s32 $0x1BFF;
	s21 =	sshll.u32 s8, $0x1;
	s5 =	sadd.s32 s6, s19  }
0x9e: {  	s9 =	simm.s32 $0x0;
	s20 =	sshll.u32 s7, $0x1;
	s7 =	sadd.s32 s21, s5  }
0x9f: {  	[timem:s9], [sflag:s22] =	dma.local [hbm:s7], s20  }
0xa0: {  	_ =	swait.ge [sflag:s22], s20  }
0xa1: {  	s6 =	ssub.s32 $0x0, s20;
	[sflag:s22] =	ssyncset.done $0x0  }
0xa2: {  	[sflag:s22] =	ssyncadd.s32 s6;
	_ =	sdelay $0x1  }
0xa3: {  	s23 =	simm.s32 $0x1B8B  }
0xa4: {  	_ =	swait.ge [sflag:s23], $0x1  }
0xa5: {  	[sflag:s23] =	ssyncset.done $0x0  }
0xa6: {  	s25 =	simm.s32 $0x1B8E;
	s24 =	sld [smem:$0x3FFE];
	[sflag:s23] =	ssyncadd.s32 $0xFFFFFFFF  }
0xa7: {  	s26 =	simm.s32 $execute0_lowered;
	[smem:$0x3FD2] =	sst s25  }
0xa8: {  	s7 =	sshll.u32 s26, $0x1;
	_ =	strace $0x80000046;
	[dreg:$0x1] =	wrdreg $0xFFFFFFFF  }
0xa9: {  	s28 =	simm.s32 $_size_execute0_lowered;
	s5 =	sadd.s32 s5, s7;
	[dreg:$0x0] =	wrdreg $0x0  }
0xaa: {  	s7 =	sshll.u32 s28, $0x1;
	[dreg:$0x2] =	wrdreg s5  }
0xab: {  	[dreg:$0x3] =	wrdreg s7  }
0xac: {  	[dreg:$0x4] =	wrdreg $0xC0  }
0xad: {  	_ =	task [dreg:s9], $0x5FFFF  }
0xae: {  	[dreg:$0x1] =	wrdreg $0xFFFFFFFF  }
0xaf: {  	[dreg:$0x0] =	wrdreg $0x60  }
0xb0: {  	[dreg:$0x2] =	wrdreg s2  }
0xb1: {  	[dreg:$0x3] =	wrdreg s24  }
0xb2: {  	[dreg:$0x4] =	wrdreg s18  }
0xb3: {  	[dreg:$0x5] =	wrdreg s4  }
0xb4: {  	[dreg:$0x6] =	wrdreg $0x9  }
0xb5: {  	_ =	task.clear_ibuf [dreg:s9], $0x7FFFF;
	_ =	strace $0x90000046  }
0xb6: {  	s29 =	simm.s32 $0x9;
	_ =	strace $0x80000048  }
0xb7: {  	_ =	swait.ge [sflag:s29], $0x1  }
0xb8: {  	[sflag:s29] =	ssyncadd.s32 $0xFFFFFFFF  }
0xb9: {  	_ =	strace $0x90000048  }
0xba: {  	_ =	sfence  }
0xbb: {  	s30 =	sld [smem:$0x0];
	_ =	sdelay $0x2  }
0xbc: {  	s31 =	sshll.u32 s1, $0xD;
	s1 =	sshrl.u32 s1, $0x2  }
0xbd: {  	s3 =	sand.u32 $0x4000, s31;
	s1 =	sadd.s32 s1, s30  }
0xbe: {  	s0 =	sor.u32 s3, s0;
	s1 =	sshll.u32 s1, $0x11  }
0xbf: {  	s0 =	sor.u32 s1, s0  }
0xc0: {  	s0 =	sadd.s32 $0x8F2B, s0  }
0xc1: {  	[sflag:s0] =	ssyncadd.remote.s32 $0x1  }
0xc2: {  	_ =	sfence.sel $0xFFFF  }
0xc3: {  	[dreg:$0x0] =	wrdreg $0xFFFFFFFF;
	(pc) =	sbr.abs _section_cstart, $3  }
0xc4: {  	[dreg:$0x1] =	wrdreg $0xFFFFFFFF  }
0xc5: {  	_ =	task.clear_ibuf [dreg:s9], $0x2FFFF;
	_ =	strace $0x9FFFFFFF  }
0xc6: {  	(tm) =	ssettm $0x7FFFFFFF  }
0xc7: {  	_ =	shalt  }
tec
execute0_lowered:
.L_overlay_start_1:
0x0: {  	(tag) =	ssettag $0x1  }
0x1: {  	s2 =	rddreg [dreg:$0x0]  }
0x2: {  	s3 =	rddreg [dreg:$0x1]  }
0x3: {  	s4 =	srdreg.scid;
	s0 =	rddreg [dreg:$0x3]  }
0x4: {  	s1 =	simm.s32 $0x0;
	s7 =	stileid.u32;
	s4 =	sand.u32 $0x1, s4  }
0x5: {  	s7 =	sshll.u32 s7, $0x8;
	s5 =	ssub.s32 $0x2, s4;
	s4 =	sshll.u32 s4, $0x7  }
0x6: {  	[smem:$0x7FF] =	sst s1;
	s6 =	sshrl.u32 s5, $0x1;
	s28 =	sor.u32 s4, s7  }
0x7: {  	s8 =	sadd.s32 $0x400, s3;
	s3 =	ssub.s32 s5, s6;
	s16 =	sshrl.u32 s28, $0x3  }
0x8: {  	s4 =	sshll.u32 s28, $0x7;
	s7 =	sor.u32 $0x10, s28;
	s11 =	sor.u32 $0x20, s28  }
0x9: {  	s12 =	sor.u32 $0x30, s28;
	s6 =	sadd.s32 s8, s16;
	s9 =	sor.u32 $0x80000, s4  }
0xa: {  	s17 =	sshrl.u32 s7, $0x3;
	[dreg:$0x5] =	wrdreg s6;
	s10 =	sadd.s32 s2, s9  }
0xb: {  	s18 =	sor.u32 $0x100000, s4;
	s6 =	sadd.s32 s8, s17;
	[dreg:$0x6] =	wrdreg s10  }
0xc: {  	s13 =	sshrl.u32 s12, $0x3;
	s19 =	sadd.s32 s2, s18;
	[dreg:$0x7] =	wrdreg s6  }
0xd: {  	s14 =	sor.u32 $0x40, s28;
	s21 =	sadd.s32 s8, s13;
	[dreg:$0x8] =	wrdreg s19  }
0xe: {  	s5 =	sor.u32 $0x70, s28;
	s9 =	sadd.s32 s0, s9;
	[dreg:$0xa] =	wrdreg s21  }
0xf: {  	s20 =	sshrl.u32 s11, $0x3;
	s26 =	sadd.s32 s0, s18;
	[dreg:$0xf] =	wrdreg s9  }
0x10: {  	s7 =	sshll.u32 s7, $0x7;
	s6 =	sadd.s32 s8, s20;
	[dreg:$0x10] =	wrdreg s26  }
0x11: {  	s22 =	sshrl.u32 s14, $0x3;
	s9 =	sadd.s32 s2, s7;
	[dreg:$0x9] =	wrdreg s6  }
0x12: {  	s18 =	sor.u32 $0x100800, s4;
	s7 =	sadd.s32 s0, s7;
	[dreg:$0x13] =	wrdreg s9  }
0x13: {  	s13 =	sor.u32 $0x50, s28;
	s20 =	sadd.s32 s2, s18;
	[dreg:$0x14] =	wrdreg s7  }
0x14: {  	s15 =	sshrl.u32 s13, $0x3;
	s6 =	sadd.s32 s8, s22;
	[dreg:$0x17] =	wrdreg s20  }
0x15: {  	s19 =	sor.u32 $0x180800, s4;
	s15 =	sadd.s32 s8, s15;
	[dreg:$0xb] =	wrdreg s6  }
0x16: {  	s25 =	sor.u32 $0x180000, s4;
	s21 =	sadd.s32 s2, s19;
	[dreg:$0xc] =	wrdreg s15  }
0x17: {  	s17 =	sshll.u32 s11, $0x7;
	s22 =	sadd.s32 s0, s19;
	[dreg:$0x19] =	wrdreg s21  }
0x18: {  	s10 =	sor.u32 $0x80800, s4;
	s7 =	sadd.s32 s0, s17;
	[dreg:$0x1a] =	wrdreg s22  }
0x19: {  	s6 =	sor.u32 $0x60, s28;
	s28 =	sadd.s32 s2, s25;
	[dreg:$0x1c] =	wrdreg s7  }
0x1a: {  	s19 =	sor.u32 $0x81800, s4;
	s15 =	sadd.s32 s2, s10;
	[dreg:$0x11] =	wrdreg s28  }
0x1b: {  	s20 =	sadd.s32 s2, s19;
	[dreg:$0x15] =	wrdreg s15  }
0x1c: {  	s11 =	sor.u32 $0x101000, s4;
	s21 =	sadd.s32 s0, s19;
	[smem:$0x7D5] =	sst s20  }
0x1d: {  	s22 =	sshll.u32 s14, $0x7;
	s15 =	sadd.s32 s2, s11;
	[smem:$0x7D6] =	sst s21  }
0x1e: {  	s14 =	sshll.u32 s13, $0x7;
	s9 =	sadd.s32 s2, s22;
	[dreg:$0x1f] =	wrdreg s15  }
0x1f: {  	s16 =	sshrl.u32 s6, $0x3;
	s20 =	sadd.s32 s2, s14;
	[smem:$0x7DB] =	sst s9  }
0x20: {  	s24 =	sshrl.u32 s5, $0x3;
	s23 =	sadd.s32 s8, s16;
	[smem:$0x7E3] =	sst s20  }
0x21: {  	s8 =	sadd.s32 s8, s24;
	[dreg:$0xd] =	wrdreg s23  }
0x22: {  	s28 =	sshll.u32 s12, $0x7;
	s16 =	sadd.s32 s0, s10;
	[dreg:$0xe] =	wrdreg s8  }
0x23: {  	s6 =	sshll.u32 s6, $0x7;
	s7 =	sadd.s32 s0, s28;
	[dreg:$0x16] =	wrdreg s16  }
0x24: {  	s9 =	sadd.s32 s2, s6;
	[smem:$0x7D4] =	sst s7  }
0x25: {  	s6 =	sadd.s32 s0, s6;
	[smem:$0x7EB] =	sst s9  }
0x26: {  	s20 =	sadd.s32 s0, s4;
	[smem:$0x7EC] =	sst s6  }
0x27: {  	s8 =	sadd.s32 s0, s25;
	[smem:$0x7F6] =	sst s20  }
0x28: {  	s24 =	sor.u32 $0x81000, s4;
	s23 =	sadd.s32 s2, s17;
	[dreg:$0x12] =	wrdreg s8  }
0x29: {  	s25 =	sadd.s32 s2, s24;
	[dreg:$0x1b] =	wrdreg s23  }
0x2a: {  	s12 =	sor.u32 $0x181000, s4;
	s26 =	sadd.s32 s0, s24;
	[dreg:$0x1d] =	wrdreg s25  }
0x2b: {  	s16 =	sadd.s32 s2, s12;
	[dreg:$0x1e] =	wrdreg s26  }
0x2c: {  	s17 =	sadd.s32 s0, s12;
	[smem:$0x7D1] =	sst s16  }
0x2d: {  	s10 =	sor.u32 $0x82000, s4;
	s7 =	sadd.s32 s0, s22;
	[smem:$0x7D2] =	sst s17  }
0x2e: {  	s21 =	sor.u32 $0x82800, s4;
	s12 =	sadd.s32 s0, s10;
	[smem:$0x7DC] =	sst s7  }
0x2f: {  	s13 =	sor.u32 $0x103000, s4;
	s22 =	sadd.s32 s2, s21;
	[smem:$0x7DE] =	sst s12  }
0x30: {  	s6 =	sadd.s32 s0, s13;
	[smem:$0x7E5] =	sst s22  }
0x31: {  	s8 =	sadd.s32 s0, s18;
	[smem:$0x7F0] =	sst s6  }
0x32: {  	s24 =	sor.u32 $0x181800, s4;
	s18 =	sadd.s32 s2, s28;
	[dreg:$0x18] =	wrdreg s8  }
0x33: {  	s26 =	sadd.s32 s2, s24;
	[smem:$0x7D3] =	sst s18  }
0x34: {  	s15 =	sor.u32 $0x102000, s4;
	s28 =	sadd.s32 s0, s24;
	[smem:$0x7D9] =	sst s26  }
0x35: {  	s17 =	sadd.s32 s2, s15;
	[smem:$0x7DA] =	sst s28  }
0x36: {  	s7 =	sadd.s32 s0, s14;
	[smem:$0x7DF] =	sst s17  }
0x37: {  	s23 =	sor.u32 $0x101800, s4;
	s8 =	sadd.s32 s0, s11;
	[smem:$0x7E4] =	sst s7  }
0x38: {  	s29 =	simm.s32 $0x8100;
	s25 =	sadd.s32 s2, s23;
	[smem:$0x7D0] =	sst s8  }
0x39: {  	s16 =	sor.u32 $0x182000, s4;
	s11 =	sadd.s32 s2, s10;
	[smem:$0x7D7] =	sst s25  }
0x3a: {  	s30 =	simm.s32 $0xC100;
	s18 =	sadd.s32 s2, s16;
	[smem:$0x7DD] =	sst s11  }
0x3b: {  	s24 =	sor.u32 $0x102800, s4;
	s19 =	sadd.s32 s0, s16;
	[smem:$0x7E1] =	sst s18  }
0x3c: {  	s31 =	simm.s32 $0x1;
	s26 =	sadd.s32 s2, s24;
	[smem:$0x7E2] =	sst s19  }
0x3d: {  	s14 =	sor.u32 $0x183000, s4;
	s7 =	sadd.s32 s0, s24;
	[smem:$0x7E7] =	sst s26  }
0x3e: {  	s5 =	sshll.u32 s5, $0x7;
	s16 =	sadd.s32 s2, s14;
	[smem:$0x7E8] =	sst s7  }
0x3f: {  	s22 =	sor.u32 $0x103800, s4;
	s17 =	sadd.s32 s0, s14;
	[smem:$0x7F1] =	sst s16  }
0x40: {  	s9 =	simm.s32 $0x7900;
	s24 =	sadd.s32 s2, s22;
	[smem:$0x7F2] =	sst s17  }
0x41: {  	s20 =	simm.s32 $0x5;
	s8 =	sadd.s32 s0, s23;
	[smem:$0x7F8] =	sst s24  }
0x42: {  	s10 =	sor.u32 $0x83000, s4;
	s23 =	sadd.s32 s0, s21;
	[smem:$0x7D8] =	sst s8  }
0x43: {  	s6 =	simm.s32 $0x6100;
	s11 =	sadd.s32 s2, s10;
	[smem:$0x7E6] =	sst s23  }
0x44: {  	s14 =	simm.s32 $0x4;
	s12 =	sadd.s32 s0, s10;
	[smem:$0x7ED] =	sst s11  }
0x45: {  	s25 =	sor.u32 $0x182800, s4;
	s18 =	sadd.s32 s2, s5;
	[smem:$0x7EE] =	sst s12  }
0x46: {  	s5 =	sadd.s32 s0, s5;
	s19 =	sadd.s32 s2, s4;
	[smem:$0x7F3] =	sst s18  }
0x47: {  	s21 =	sor.u32 $0x83800, s4;
	s4 =	sor.u32 $0x183800, s4;
	[smem:$0x7F4] =	sst s5  }
0x48: {  	s26 =	sadd.s32 s0, s22;
	s7 =	simm.s32 $0x6900;
	[smem:$0x7F5] =	sst s19  }
0x49: {  	s10 =	simm.s32 $0x10100;
	s22 =	simm.s32 $0x2;
	s11 =	rddreg [dreg:$0x2]  }
0x4a: {  	s8 =	sadd.s32 s0, s15;
	s28 =	sadd.s32 s2, s25;
	[smem:$0x7FB] =	sst s26  }
0x4b: {  	s15 =	sadd.s32 s2, s13;
	s23 =	sadd.s32 s2, s21;
	[smem:$0x7E0] =	sst s8  }
0x4c: {  	s2 =	sadd.s32 s2, s4;
	s19 =	simm.s32 $0x9;
	[smem:$0x7E9] =	sst s28  }
0x4d: {  	s5 =	simm.s32 $0x5900;
	s12 =	simm.s32 $0x3;
	[smem:$0x7EF] =	sst s15  }
0x4e: {  	s13 =	simm.s32 $0x6;
	s8 =	sadd.s32 s0, s25;
	[smem:$0x7F7] =	sst s23  }
0x4f: {  	[smem:$0x7F9] =	sst s2;
	s25 =	sadd.s32 s0, s21;
	s0 =	sadd.s32 s0, s4  }
0x50: {  	s28 =	smax.u32 s3, $0x1;
	s16 =	sadd.s32 $0x100, s11;
	s17 =	sadd.s32 $0x200, s11  }
0x51: {  	s18 =	sadd.s32 $0x300, s11;
	s3 =	simm.s32 $0x4900;
	[smem:$0x7EA] =	sst s8  }
0x52: {  	v2 =	vlaneseq.u32;
	s4 =	simm.s32 $0x5100;
	s15 =	simm.s32 $0x7;
	[smem:$0x7FA] =	sst s25  }
0x53: {  	vm0 =	vmmov $0xffff;
	v1 =	vshrl.u32 v2, $0x3;
	s21 =	simm.s32 $0x8;
	s23 =	simm.s32 $0x0;
	[smem:$0x7FC] =	sst s0  }
0x54: {  	v0 =	vand.u32 $0x7, v2;
	v2 =	vor.u32 $0x8, v2;
	v1 =	vmul.u32 $0x8, v1;
	s8 =	simm.s32 $0x7100;
	_ =	strace $0x80000047;
	[smem:$0x7FD] =	sst s28  }
.LBB2_1:
0x55: {  	s0 =	rddreg [dreg:$0x5]  }
0x56: {  	[tilespmem:s1], [sflag:$0x9] =	stream.linear.gather [hbm4b:s0+s1], $0x10, $0x38;
	[tilespmem:$0x14100] =	vst v63  }
0x57: {  	_ =	swait.ge [sflag:s19], $0x10  }
0x58: {  	[sflag:s19] =	ssyncset.done $0x0  }
0x59: {  	[sflag:s19] =	ssyncadd.s32 $0xFFFFFFF0  }
0x5a: {  	v3 =	vld [tilespmem:$0x0];
	_ =	sdelay $0x4  }
0x5b: {  	v4 =	vshll.u32 v3, $0x3  }
0x5c: {  	v3 =	vand.u32 $0x7, v3;
	v4 =	vand.u32 $0xFFFFFFC0, v4  }
0x5d: {  	v3 =	vor.u32 v3, v4  }
0x5e: {  	v4 =	vperm.xlane v3, v0;
	_ =	sdelay $0x1  }
0x5f: {  	v4 =	vadd.s32 v1, v4;
	_ =	sdelay $0x3  }
0x60: {  	s24 =	simm.s32 $0x100  }
0x61: {  	[tilespmem:s24], [sflag:$0x1] =	stream.indirect_vreg.gather [hbm4b:s11+s1], $0x80, v4, vm0, $0xb8;
	[tilespmem:$0x14100] =	vst v63  }
0x62: {  	s25 =	simm.s32 $0x900;
	v3 =	vperm.xlane v3, v2  }
0x63: {  	[tilespmem:s25], [sflag:$0x1] =	stream.indirect_vreg.gather [hbm4b:s16+s1], $0x80, v4, vm0, $0xb8;
	[tilespmem:$0x14100] =	vst v63  }
0x64: {  	s26 =	simm.s32 $0x1100;
	v3 =	vadd.s32 v1, v3  }
0x65: {  	[tilespmem:s26], [sflag:$0x1] =	stream.indirect_vreg.gather [hbm4b:s17+s1], $0x80, v4, vm0, $0xb8;
	[tilespmem:$0x14100] =	vst v63  }
0x66: {  	s28 =	simm.s32 $0x1900  }
0x67: {  	[tilespmem:s28], [sflag:$0x1] =	stream.indirect_vreg.gather [hbm4b:s18+s1], $0x80, v4, vm0, $0xb8;
	[tilespmem:$0x14100] =	vst v63  }
0x68: {  	s2 =	simm.s32 $0x2100  }
0x69: {  	[tilespmem:s2], [sflag:$0x1] =	stream.indirect_vreg.gather [hbm4b:s11+s1], $0x80, v3, vm0, $0xb8;
	[tilespmem:$0x14100] =	vst v63  }
0x6a: {  	s24 =	simm.s32 $0x2900  }
0x6b: {  	[tilespmem:s24], [sflag:$0x1] =	stream.indirect_vreg.gather [hbm4b:s16+s1], $0x80, v3, vm0, $0xb8;
	[tilespmem:$0x14100] =	vst v63  }
0x6c: {  	s25 =	simm.s32 $0x3100  }
0x6d: {  	[tilespmem:s25], [sflag:$0x1] =	stream.indirect_vreg.gather [hbm4b:s17+s1], $0x80, v3, vm0, $0xb8;
	[tilespmem:$0x14100] =	vst v63  }
0x6e: {  	s26 =	simm.s32 $0x3900;
	s28 =	sld [smem:$0x7F5]  }
0x6f: {  	[tilespmem:s26], [sflag:$0x1] =	stream.indirect_vreg.gather [hbm4b:s18+s1], $0x80, v3, vm0, $0xb8;
	[tilespmem:$0x14100] =	vst v63  }
0x70: {  	_ = 	snop  }
0x71: {  	[tilespmem:s29], [sflag:$0x3] =	stream.linear.gather [hbm4b:s28+s1], $0x4000, $0x38;
	[tilespmem:$0x14100] =	vst v63  }
0x72: {  	s2 =	rddreg [dreg:$0x6]  }
0x73: {  	[tilespmem:s30], [sflag:$0x4] =	stream.linear.gather [hbm4b:s2+s1], $0x4000, $0x38;
	[tilespmem:$0x14100] =	vst v63  }
0x74: {  	_ =	swait.ge [sflag:s31], $0x4000  }
0x75: {  	[sflag:s31] =	ssyncset.done $0x0  }
0x76: {  	s2 =	simm.s32 $0x80;
	s24 =	rddreg [dreg:$0x7];
	[sflag:s31] =	ssyncadd.s32 $0xFFFFC000  }
0x77: {  	[tilespmem:s2], [sflag:$0x9] =	stream.linear.gather [hbm4b:s24+s1], $0x10, $0x38;
	[tilespmem:$0x14100] =	vst v63  }
0x78: {  	_ =	swait.ge [sflag:s19], $0x10  }
0x79: {  	[sflag:s19] =	ssyncset.done $0x0  }
0x7a: {  	[sflag:s19] =	ssyncadd.s32 $0xFFFFFFF0  }
0x7b: {  	v3 =	vld [tilespmem:$0x80];
	_ =	sdelay $0x4  }
0x7c: {  	v4 =	vshll.u32 v3, $0x3  }
0x7d: {  	v3 =	vand.u32 $0x7, v3;
	v4 =	vand.u32 $0xFFFFFFC0, v4  }
0x7e: {  	v3 =	vor.u32 v3, v4  }
0x7f: {  	v4 =	vperm.xlane v3, v0;
	_ =	sdelay $0x1  }
0x80: {  	v4 =	vadd.s32 v1, v4;
	_ =	sdelay $0x3  }
0x81: {  	s25 =	simm.s32 $0x4100  }
0x82: {  	[tilespmem:s25], [sflag:$0x2] =	stream.indirect_vreg.gather [hbm4b:s11+s1], $0x80, v4, vm0, $0xb8;
	[tilespmem:$0x14100] =	vst v63  }
0x83: {  	v3 =	vperm.xlane v3, v2  }
0x84: {  	[tilespmem:s3], [sflag:$0x2] =	stream.indirect_vreg.gather [hbm4b:s16+s1], $0x80, v4, vm0, $0xb8;
	[tilespmem:$0x14100] =	vst v63  }
0x85: {  	v3 =	vadd.s32 v1, v3  }
0x86: {  	[tilespmem:s4], [sflag:$0x2] =	stream.indirect_vreg.gather [hbm4b:s17+s1], $0x80, v4, vm0, $0xb8;
	[tilespmem:$0x14100] =	vst v63  }
0x87: {  	_ = 	snop  }
0x88: {  	[tilespmem:s5], [sflag:$0x2] =	stream.indirect_vreg.gather [hbm4b:s18+s1], $0x80, v4, vm0, $0xb8;
	[tilespmem:$0x14100] =	vst v63  }
0x89: {  	_ = 	snop  }
0x8a: {  	[tilespmem:s6], [sflag:$0x2] =	stream.indirect_vreg.gather [hbm4b:s11+s1], $0x80, v3, vm0, $0xb8;
	[tilespmem:$0x14100] =	vst v63  }
0x8b: {  	_ = 	snop  }
0x8c: {  	[tilespmem:s7], [sflag:$0x2] =	stream.indirect_vreg.gather [hbm4b:s16+s1], $0x80, v3, vm0, $0xb8;
	[tilespmem:$0x14100] =	vst v63  }
0x8d: {  	_ = 	snop  }
0x8e: {  	[tilespmem:s8], [sflag:$0x2] =	stream.indirect_vreg.gather [hbm4b:s17+s1], $0x80, v3, vm0, $0xb8;
	[tilespmem:$0x14100] =	vst v63  }
0x8f: {  	s24 =	simm.s32 $0x0  }
0x90: {  	[tilespmem:s9], [sflag:$0x2] =	stream.indirect_vreg.gather [hbm4b:s18+s1], $0x80, v3, vm0, $0xb8;
	[tilespmem:$0x14100] =	vst v63  }
0x91: {  	s24 =	sand.u32 $0x2000, s24;
	s26 =	rddreg [dreg:$0x8]  }
0x92: {  	[tilespmem:s10], [sflag:$0x5] =	stream.linear.gather [hbm4b:s26+s1], $0x4000, $0x38;
	[tilespmem:$0x14100] =	vst v63  }
0x93: {  	s25 =	sand.u32 $0x1C00, s1;
	s26 =	simm.s32 $0x0;
	_ =	swait.ge [sflag:s12], $0x4000  }
0x94: {  	s24 =	sor.u32 s25, s24;
	s28 =	sand.u32 $0x380, s26;
	[sflag:s12] =	ssyncset.done $0x0  }
0x95: {  	s24 =	sor.u32 s28, s24;
	[sflag:s12] =	ssyncadd.s32 $0xFFFFC000  }
0x96: {  	v3 =	vld [tilespmem:s24+$0x170]  }
0x97: {  	v8 =	vld [tilespmem:s24+$0x100]  }
0x98: {  	v9 =	vld [tilespmem:s24+$0x110]  }
0x99: {  	v7 =	vld [tilespmem:s24+$0x120]  }
0x9a: {  	v6 =	vld [tilespmem:s24+$0x130]  }
0x9b: {  	v5 =	vld [tilespmem:s24+$0x140]  }
0x9c: {  	v4 =	vld [tilespmem:s24+$0x160]  }
0x9d: {  	[tilespmem:s24+$0x8170] =	vst.add.f32.msk $0xffff, v3  }
0x9e: {  	v3 =	vld [tilespmem:s24+$0x150]  }
0x9f: {  	[tilespmem:s24+$0x8100] =	vst.add.f32.msk $0xffff, v8  }
0xa0: {  	s25 =	simm.s32 $0x0;
	s26 =	simm.s32 $0x0;
	[tilespmem:s24+$0x8110] =	vst.add.f32.msk $0xffff, v9  }
.LBB2_2:
0xa1: {  	s25 =	sadd.s32 $0x8, s25;
	[tilespmem:s24+$0x8120] =	vst.add.f32.msk $0xffff, v7  }
0xa2: {  	s26 =	sadd.s32 $0x400, s26;
	s28 =	sshll.u32 s25, $0x4;
	p0 =	slt.u32 s25, $0x3F8;
	[tilespmem:s24+$0x8130] =	vst.add.f32.msk $0xffff, v6  }
0xa3: {  	s0 =	sand.u32 $0x1C00, s26;
	s2 =	sshll.u32 s25, $0x1;
	s28 =	sand.u32 $0x2000, s28;
	[tilespmem:s24+$0x8140] =	vst.add.f32.msk $0xffff, v5  }
0xa4: {  	s2 =	sand.u32 $0x380, s2;
	s0 =	sor.u32 s0, s28;
	[tilespmem:s24+$0x8150] =	vst.add.f32.msk $0xffff, v3  }
0xa5: {  	[tilespmem:s24+$0x8160] =	vst.add.f32.msk $0xffff, v4;
	s24 =	sor.u32 s2, s0  }
0xa6: {  	v3 =	vld [tilespmem:s24+$0x170]  }
0xa7: {  	v8 =	vld [tilespmem:s24+$0x100]  }
0xa8: {  	v9 =	vld [tilespmem:s24+$0x110]  }
0xa9: {  	v7 =	vld [tilespmem:s24+$0x120]  }
0xaa: {  	v6 =	vld [tilespmem:s24+$0x130]  }
0xab: {  	[tilespmem:s24+$0x8170] =	vst.add.f32.msk $0xffff, v3  }
.Ltmp0:
0xac: {  	v5 =	vld [tilespmem:s24+$0x140];
	(pc) =	sbr.rel @p0 .LBB2_2-.Ltmp0, $4  }
0xad: {  	v3 =	vld [tilespmem:s24+$0x150]  }
0xae: {  	v4 =	vld [tilespmem:s24+$0x160]  }
0xaf: {  	[tilespmem:s24+$0x8100] =	vst.add.f32.msk $0xffff, v8  }
0xb0: {  	[tilespmem:s24+$0x8110] =	vst.add.f32.msk $0xffff, v9  }
0xb1: {  	[tilespmem:s24+$0x8120] =	vst.add.f32.msk $0xffff, v7  }
0xb2: {  	[tilespmem:s24+$0x8130] =	vst.add.f32.msk $0xffff, v6  }
0xb3: {  	[tilespmem:s24+$0x8140] =	vst.add.f32.msk $0xffff, v5  }
0xb4: {  	[tilespmem:s24+$0x8150] =	vst.add.f32.msk $0xffff, v3  }
0xb5: {  	[tilespmem:s24+$0x8160] =	vst.add.f32.msk $0xffff, v4  }
0xb6: {  	s0 =	sld [smem:$0x7F6];
	_ =	sdelay $0x1  }
0xb7: {  	s24 =	simm.s32 $0x0  }
0xb8: {  	[hbm4b:s0+s24] =	stream.linear.scatter [tilespmem:s29], [sflag:$0x6], $0x4000, $0x38;
	[tilespmem:$0x14100] =	vst v63  }
0xb9: {  	_ =	swait.ge [sflag:s13], $0x4000  }
0xba: {  	s26 =	simm.s32 $0x0;
	[sflag:s13] =	ssyncset.done $0x0  }
0xbb: {  	s2 =	sand.u32 $0x1C00, s24;
	s25 =	rddreg [dreg:$0x11];
	[sflag:s13] =	ssyncadd.s32 $0xFFFFC000  }
0xbc: {  	[tilespmem:s29], [sflag:$0x3] =	stream.linear.gather [hbm4b:s25+s24], $0x4000, $0x38;
	[tilespmem:$0x14100] =	vst v63  }
0xbd: {  	s0 =	sand.u32 $0x2000, s26;
	s25 =	simm.s32 $0x0;
	_ =	swait.ge [sflag:s14], $0x4000  }
0xbe: {  	s0 =	sor.u32 s2, s0;
	s28 =	sand.u32 $0x380, s25;
	[sflag:s14] =	ssyncset.done $0x0  }
0xbf: {  	s25 =	sor.u32 s28, s0;
	[sflag:s14] =	ssyncadd.s32 $0xFFFFC000  }
0xc0: {  	v3 =	vld [tilespmem:s25+$0x170]  }
0xc1: {  	v8 =	vld [tilespmem:s25+$0x100]  }
0xc2: {  	v9 =	vld [tilespmem:s25+$0x110]  }
0xc3: {  	v7 =	vld [tilespmem:s25+$0x120]  }
0xc4: {  	v6 =	vld [tilespmem:s25+$0x130]  }
0xc5: {  	v5 =	vld [tilespmem:s25+$0x140]  }
0xc6: {  	v4 =	vld [tilespmem:s25+$0x160]  }
0xc7: {  	[tilespmem:s25+$0xC170] =	vst.add.f32.msk $0xffff, v3  }
0xc8: {  	v3 =	vld [tilespmem:s25+$0x150]  }
0xc9: {  	[tilespmem:s25+$0xC100] =	vst.add.f32.msk $0xffff, v8  }
0xca: {  	s26 =	simm.s32 $0x0;
	[tilespmem:s25+$0xC110] =	vst.add.f32.msk $0xffff, v9  }
.LBB2_4:
0xcb: {  	s26 =	sadd.s32 $0x8, s26;
	[tilespmem:s25+$0xC120] =	vst.add.f32.msk $0xffff, v7  }
0xcc: {  	s24 =	sadd.s32 $0x400, s24;
	s0 =	sshll.u32 s26, $0x4;
	p0 =	slt.u32 s26, $0x3F8;
	[tilespmem:s25+$0xC130] =	vst.add.f32.msk $0xffff, v6  }
0xcd: {  	s2 =	sand.u32 $0x1C00, s24;
	s28 =	sshll.u32 s26, $0x1;
	s0 =	sand.u32 $0x2000, s0;
	[tilespmem:s25+$0xC140] =	vst.add.f32.msk $0xffff, v5  }
0xce: {  	s0 =	sor.u32 s2, s0;
	s2 =	sand.u32 $0x380, s28;
	[tilespmem:s25+$0xC150] =	vst.add.f32.msk $0xffff, v3  }
0xcf: {  	[tilespmem:s25+$0xC160] =	vst.add.f32.msk $0xffff, v4;
	s25 =	sor.u32 s2, s0  }
0xd0: {  	v3 =	vld [tilespmem:s25+$0x170]  }
0xd1: {  	v8 =	vld [tilespmem:s25+$0x100]  }
0xd2: {  	v9 =	vld [tilespmem:s25+$0x110]  }
0xd3: {  	v7 =	vld [tilespmem:s25+$0x120]  }
0xd4: {  	v6 =	vld [tilespmem:s25+$0x130]  }
0xd5: {  	[tilespmem:s25+$0xC170] =	vst.add.f32.msk $0xffff, v3  }
.Ltmp1:
0xd6: {  	v5 =	vld [tilespmem:s25+$0x140];
	(pc) =	sbr.rel @p0 .LBB2_4-.Ltmp1, $4  }
0xd7: {  	v3 =	vld [tilespmem:s25+$0x150]  }
0xd8: {  	v4 =	vld [tilespmem:s25+$0x160]  }
0xd9: {  	[tilespmem:s25+$0xC100] =	vst.add.f32.msk $0xffff, v8  }
0xda: {  	[tilespmem:s25+$0xC110] =	vst.add.f32.msk $0xffff, v9  }
0xdb: {  	[tilespmem:s25+$0xC120] =	vst.add.f32.msk $0xffff, v7  }
0xdc: {  	[tilespmem:s25+$0xC130] =	vst.add.f32.msk $0xffff, v6  }
0xdd: {  	[tilespmem:s25+$0xC140] =	vst.add.f32.msk $0xffff, v5  }
0xde: {  	[tilespmem:s25+$0xC150] =	vst.add.f32.msk $0xffff, v3  }
0xdf: {  	[tilespmem:s25+$0xC160] =	vst.add.f32.msk $0xffff, v4  }
0xe0: {  	s24 =	simm.s32 $0x0;
	s0 =	rddreg [dreg:$0xf]  }
0xe1: {  	[hbm4b:s0+s24] =	stream.linear.scatter [tilespmem:s30], [sflag:$0x7], $0x4000, $0x38;
	[tilespmem:$0x14100] =	vst v63  }
0xe2: {  	_ =	swait.ge [sflag:s15], $0x4000  }
0xe3: {  	s26 =	simm.s32 $0x0;
	[sflag:s15] =	ssyncset.done $0x0  }
0xe4: {  	s25 =	simm.s32 $0x0;
	s2 =	rddreg [dreg:$0x13];
	[sflag:s15] =	ssyncadd.s32 $0xFFFFC000  }
0xe5: {  	[tilespmem:s30], [sflag:$0x4] =	stream.linear.gather [hbm4b:s2+s24], $0x4000, $0x38;
	[tilespmem:$0x14100] =	vst v63  }
0xe6: {  	s0 =	sand.u32 $0x2000, s25;
	s2 =	sand.u32 $0x1C00, s24;
	_ =	swait.ge [sflag:s20], $0x4000  }
0xe7: {  	s28 =	sand.u32 $0x380, s26;
	s0 =	sor.u32 s2, s0;
	[sflag:s20] =	ssyncset.done $0x0  }
0xe8: {  	s25 =	sor.u32 s28, s0;
	[sflag:s20] =	ssyncadd.s32 $0xFFFFC000  }
0xe9: {  	v3 =	vld [tilespmem:s25+$0x170]  }
0xea: {  	v8 =	vld [tilespmem:s25+$0x100]  }
0xeb: {  	v9 =	vld [tilespmem:s25+$0x110]  }
0xec: {  	v7 =	vld [tilespmem:s25+$0x120]  }
0xed: {  	v6 =	vld [tilespmem:s25+$0x130]  }
0xee: {  	v5 =	vld [tilespmem:s25+$0x140]  }
0xef: {  	v4 =	vld [tilespmem:s25+$0x160]  }
0xf0: {  	[tilespmem:s25+$0x10170] =	vst.add.f32.msk $0xffff, v3  }
0xf1: {  	v3 =	vld [tilespmem:s25+$0x150]  }
0xf2: {  	[tilespmem:s25+$0x10100] =	vst.add.f32.msk $0xffff, v8  }
0xf3: {  	s26 =	simm.s32 $0x0;
	[tilespmem:s25+$0x10110] =	vst.add.f32.msk $0xffff, v9  }
.LBB2_6:
0xf4: {  	s26 =	sadd.s32 $0x8, s26;
	[tilespmem:s25+$0x10120] =	vst.add.f32.msk $0xffff, v7  }
0xf5: {  	s24 =	sadd.s32 $0x400, s24;
	s0 =	sshll.u32 s26, $0x4;
	p0 =	slt.u32 s26, $0x3F8;
	[tilespmem:s25+$0x10130] =	vst.add.f32.msk $0xffff, v6  }
0xf6: {  	s2 =	sand.u32 $0x1C00, s24;
	s28 =	sshll.u32 s26, $0x1;
	s0 =	sand.u32 $0x2000, s0;
	[tilespmem:s25+$0x10140] =	vst.add.f32.msk $0xffff, v5  }
0xf7: {  	s0 =	sor.u32 s2, s0;
	s2 =	sand.u32 $0x380, s28;
	[tilespmem:s25+$0x10150] =	vst.add.f32.msk $0xffff, v3  }
0xf8: {  	[tilespmem:s25+$0x10160] =	vst.add.f32.msk $0xffff, v4;
	s25 =	sor.u32 s2, s0  }
0xf9: {  	v3 =	vld [tilespmem:s25+$0x170]  }
0xfa: {  	v8 =	vld [tilespmem:s25+$0x100]  }
0xfb: {  	v9 =	vld [tilespmem:s25+$0x110]  }
0xfc: {  	v7 =	vld [tilespmem:s25+$0x120]  }
0xfd: {  	v6 =	vld [tilespmem:s25+$0x130]  }
0xfe: {  	[tilespmem:s25+$0x10170] =	vst.add.f32.msk $0xffff, v3  }
.Ltmp2:
0xff: {  	v5 =	vld [tilespmem:s25+$0x140];
	(pc) =	sbr.rel @p0 .LBB2_6-.Ltmp2, $4  }
0x100: {  	v3 =	vld [tilespmem:s25+$0x150]  }
0x101: {  	v4 =	vld [tilespmem:s25+$0x160]  }
0x102: {  	[tilespmem:s25+$0x10100] =	vst.add.f32.msk $0xffff, v8  }
0x103: {  	[tilespmem:s25+$0x10110] =	vst.add.f32.msk $0xffff, v9  }
0x104: {  	[tilespmem:s25+$0x10120] =	vst.add.f32.msk $0xffff, v7  }
0x105: {  	[tilespmem:s25+$0x10130] =	vst.add.f32.msk $0xffff, v6  }
0x106: {  	[tilespmem:s25+$0x10140] =	vst.add.f32.msk $0xffff, v5  }
0x107: {  	[tilespmem:s25+$0x10150] =	vst.add.f32.msk $0xffff, v3  }
0x108: {  	[tilespmem:s25+$0x10160] =	vst.add.f32.msk $0xffff, v4  }
0x109: {  	s24 =	simm.s32 $0x0;
	s0 =	rddreg [dreg:$0x10]  }
0x10a: {  	[hbm4b:s0+s24] =	stream.linear.scatter [tilespmem:s10], [sflag:$0x8], $0x4000, $0x38;
	[tilespmem:$0x14100] =	vst v63  }
0x10b: {  	_ =	swait.ge [sflag:s21], $0x4000  }
0x10c: {  	s26 =	simm.s32 $0x0;
	[sflag:s21] =	ssyncset.done $0x0  }
0x10d: {  	s25 =	simm.s32 $0x0;
	s2 =	rddreg [dreg:$0x15];
	[sflag:s21] =	ssyncadd.s32 $0xFFFFC000  }
0x10e: {  	[tilespmem:s10], [sflag:$0x5] =	stream.linear.gather [hbm4b:s2+s24], $0x4000, $0x38;
	[tilespmem:$0x14100] =	vst v63  }
0x10f: {  	s0 =	sand.u32 $0x2000, s25;
	s2 =	sand.u32 $0x1C00, s24;
	_ =	swait.ge [sflag:s12], $0x4000  }
0x110: {  	s28 =	sand.u32 $0x380, s26;
	s0 =	sor.u32 s2, s0;
	[sflag:s12] =	ssyncset.done $0x0  }
0x111: {  	s25 =	sor.u32 s28, s0;
	[sflag:s12] =	ssyncadd.s32 $0xFFFFC000  }
0x112: {  	v3 =	vld [tilespmem:s25+$0x170]  }
0x113: {  	v8 =	vld [tilespmem:s25+$0x100]  }
0x114: {  	v9 =	vld [tilespmem:s25+$0x110]  }
0x115: {  	v7 =	vld [tilespmem:s25+$0x120]  }
0x116: {  	v6 =	vld [tilespmem:s25+$0x130]  }
0x117: {  	v5 =	vld [tilespmem:s25+$0x140]  }
0x118: {  	v4 =	vld [tilespmem:s25+$0x160]  }
0x119: {  	[tilespmem:s25+$0x8170] =	vst.add.f32.msk $0xffff, v3  }
0x11a: {  	v3 =	vld [tilespmem:s25+$0x150]  }
0x11b: {  	[tilespmem:s25+$0x8100] =	vst.add.f32.msk $0xffff, v8  }
0x11c: {  	s26 =	simm.s32 $0x0;
	[tilespmem:s25+$0x8110] =	vst.add.f32.msk $0xffff, v9  }
.LBB2_8:
0x11d: {  	s26 =	sadd.s32 $0x8, s26;
	[tilespmem:s25+$0x8120] =	vst.add.f32.msk $0xffff, v7  }
0x11e: {  	s24 =	sadd.s32 $0x400, s24;
	s0 =	sshll.u32 s26, $0x4;
	p0 =	slt.u32 s26, $0x3F8;
	[tilespmem:s25+$0x8130] =	vst.add.f32.msk $0xffff, v6  }
0x11f: {  	s2 =	sand.u32 $0x1C00, s24;
	s28 =	sshll.u32 s26, $0x1;
	s0 =	sand.u32 $0x2000, s0;
	[tilespmem:s25+$0x8140] =	vst.add.f32.msk $0xffff, v5  }
0x120: {  	s0 =	sor.u32 s2, s0;
	s2 =	sand.u32 $0x380, s28;
	[tilespmem:s25+$0x8150] =	vst.add.f32.msk $0xffff, v3  }
0x121: {  	[tilespmem:s25+$0x8160] =	vst.add.f32.msk $0xffff, v4;
	s25 =	sor.u32 s2, s0  }
0x122: {  	v3 =	vld [tilespmem:s25+$0x170]  }
0x123: {  	v8 =	vld [tilespmem:s25+$0x100]  }
0x124: {  	v9 =	vld [tilespmem:s25+$0x110]  }
0x125: {  	v7 =	vld [tilespmem:s25+$0x120]  }
0x126: {  	v6 =	vld [tilespmem:s25+$0x130]  }
0x127: {  	[tilespmem:s25+$0x8170] =	vst.add.f32.msk $0xffff, v3  }
.Ltmp3:
0x128: {  	v5 =	vld [tilespmem:s25+$0x140];
	(pc) =	sbr.rel @p0 .LBB2_8-.Ltmp3, $4  }
0x129: {  	v3 =	vld [tilespmem:s25+$0x150]  }
0x12a: {  	v4 =	vld [tilespmem:s25+$0x160]  }
0x12b: {  	[tilespmem:s25+$0x8100] =	vst.add.f32.msk $0xffff, v8  }
0x12c: {  	[tilespmem:s25+$0x8110] =	vst.add.f32.msk $0xffff, v9  }
0x12d: {  	[tilespmem:s25+$0x8120] =	vst.add.f32.msk $0xffff, v7  }
0x12e: {  	[tilespmem:s25+$0x8130] =	vst.add.f32.msk $0xffff, v6  }
0x12f: {  	[tilespmem:s25+$0x8140] =	vst.add.f32.msk $0xffff, v5  }
0x130: {  	[tilespmem:s25+$0x8150] =	vst.add.f32.msk $0xffff, v3  }
0x131: {  	[tilespmem:s25+$0x8160] =	vst.add.f32.msk $0xffff, v4  }
0x132: {  	s24 =	simm.s32 $0x0;
	s0 =	rddreg [dreg:$0x12]  }
0x133: {  	[hbm4b:s0+s24] =	stream.linear.scatter [tilespmem:s29], [sflag:$0x6], $0x4000, $0x38;
	[tilespmem:$0x14100] =	vst v63  }
0x134: {  	_ =	swait.ge [sflag:s22], $0x4000  }
0x135: {  	[sflag:s22] =	ssyncset.done $0x0  }
0x136: {  	s28 =	rddreg [dreg:$0x9];
	[sflag:s22] =	ssyncadd.s32 $0xFFFFC000  }
0x137: {  	[tilespmem:s24], [sflag:$0x9] =	stream.linear.gather [hbm4b:s28+s24], $0x10, $0x38;
	[tilespmem:$0x14100] =	vst v63  }
0x138: {  	_ =	swait.ge [sflag:s19], $0x10  }
0x139: {  	[sflag:s19] =	ssyncset.done $0x0  }
0x13a: {  	[sflag:s19] =	ssyncadd.s32 $0xFFFFFFF0  }
0x13b: {  	v3 =	vld [tilespmem:$0x0];
	_ =	sdelay $0x4  }
0x13c: {  	v4 =	vshll.u32 v3, $0x3  }
0x13d: {  	v3 =	vand.u32 $0x7, v3;
	v4 =	vand.u32 $0xFFFFFFC0, v4  }
0x13e: {  	v3 =	vor.u32 v3, v4  }
0x13f: {  	v4 =	vperm.xlane v3, v0;
	_ =	sdelay $0x1  }
0x140: {  	v4 =	vadd.s32 v1, v4;
	_ =	sdelay $0x3  }
0x141: {  	s2 =	simm.s32 $0x100  }
0x142: {  	[tilespmem:s2], [sflag:$0x1] =	stream.indirect_vreg.gather [hbm4b:s11+s24], $0x80, v4, vm0, $0xb8;
	[tilespmem:$0x14100] =	vst v63  }
0x143: {  	s25 =	simm.s32 $0x900;
	v3 =	vperm.xlane v3, v2  }
0x144: {  	[tilespmem:s25], [sflag:$0x1] =	stream.indirect_vreg.gather [hbm4b:s16+s24], $0x80, v4, vm0, $0xb8;
	[tilespmem:$0x14100] =	vst v63  }
0x145: {  	s26 =	simm.s32 $0x1100;
	v3 =	vadd.s32 v1, v3  }
0x146: {  	[tilespmem:s26], [sflag:$0x1] =	stream.indirect_vreg.gather [hbm4b:s17+s24], $0x80, v4, vm0, $0xb8;
	[tilespmem:$0x14100] =	vst v63  }
0x147: {  	s28 =	simm.s32 $0x1900  }
0x148: {  	[tilespmem:s28], [sflag:$0x1] =	stream.indirect_vreg.gather [hbm4b:s18+s24], $0x80, v4, vm0, $0xb8;
	[tilespmem:$0x14100] =	vst v63  }
0x149: {  	s2 =	simm.s32 $0x2100  }
0x14a: {  	[tilespmem:s2], [sflag:$0x1] =	stream.indirect_vreg.gather [hbm4b:s11+s24], $0x80, v3, vm0, $0xb8;
	[tilespmem:$0x14100] =	vst v63  }
0x14b: {  	s25 =	simm.s32 $0x2900  }
0x14c: {  	[tilespmem:s25], [sflag:$0x1] =	stream.indirect_vreg.gather [hbm4b:s16+s24], $0x80, v3, vm0, $0xb8;
	[tilespmem:$0x14100] =	vst v63  }
0x14d: {  	s26 =	simm.s32 $0x3100  }
0x14e: {  	[tilespmem:s26], [sflag:$0x1] =	stream.indirect_vreg.gather [hbm4b:s17+s24], $0x80, v3, vm0, $0xb8;
	[tilespmem:$0x14100] =	vst v63  }
0x14f: {  	s28 =	simm.s32 $0x3900  }
0x150: {  	[tilespmem:s28], [sflag:$0x1] =	stream.indirect_vreg.gather [hbm4b:s18+s24], $0x80, v3, vm0, $0xb8;
	[tilespmem:$0x14100] =	vst v63  }
0x151: {  	_ =	swait.ge [sflag:s13], $0x4000  }
0x152: {  	s25 =	simm.s32 $0x0;
	[sflag:s13] =	ssyncset.done $0x0  }
0x153: {  	s0 =	sand.u32 $0x2000, s25;
	s2 =	rddreg [dreg:$0x17];
	[sflag:s13] =	ssyncadd.s32 $0xFFFFC000  }
0x154: {  	[tilespmem:s29], [sflag:$0x3] =	stream.linear.gather [hbm4b:s2+s24], $0x4000, $0x38;
	[tilespmem:$0x14100] =	vst v63  }
0x155: {  	s26 =	simm.s32 $0x0;
	s2 =	sand.u32 $0x1C00, s24;
	_ =	swait.ge [sflag:s14], $0x4000  }
0x156: {  	s28 =	sand.u32 $0x380, s26;
	s0 =	sor.u32 s2, s0;
	[sflag:s14] =	ssyncset.done $0x0  }
0x157: {  	s25 =	sor.u32 s28, s0;
	[sflag:s14] =	ssyncadd.s32 $0xFFFFC000  }
0x158: {  	v3 =	vld [tilespmem:s25+$0x4170]  }
0x159: {  	v8 =	vld [tilespmem:s25+$0x4100]  }
0x15a: {  	v9 =	vld [tilespmem:s25+$0x4110]  }
0x15b: {  	v7 =	vld [tilespmem:s25+$0x4120]  }
0x15c: {  	v6 =	vld [tilespmem:s25+$0x4130]  }
0x15d: {  	v5 =	vld [tilespmem:s25+$0x4140]  }
0x15e: {  	v4 =	vld [tilespmem:s25+$0x4160]  }
0x15f: {  	[tilespmem:s25+$0xC170] =	vst.add.f32.msk $0xffff, v3  }
0x160: {  	v3 =	vld [tilespmem:s25+$0x4150]  }
0x161: {  	[tilespmem:s25+$0xC100] =	vst.add.f32.msk $0xffff, v8  }
0x162: {  	s26 =	simm.s32 $0x0;
	[tilespmem:s25+$0xC110] =	vst.add.f32.msk $0xffff, v9  }
.LBB2_10:
0x163: {  	s26 =	sadd.s32 $0x8, s26;
	[tilespmem:s25+$0xC120] =	vst.add.f32.msk $0xffff, v7  }
0x164: {  	s24 =	sadd.s32 $0x400, s24;
	s0 =	sshll.u32 s26, $0x4;
	p0 =	slt.u32 s26, $0x3F8;
	[tilespmem:s25+$0xC130] =	vst.add.f32.msk $0xffff, v6  }
0x165: {  	s2 =	sand.u32 $0x1C00, s24;
	s28 =	sshll.u32 s26, $0x1;
	s0 =	sand.u32 $0x2000, s0;
	[tilespmem:s25+$0xC140] =	vst.add.f32.msk $0xffff, v5  }
0x166: {  	s0 =	sor.u32 s2, s0;
	s2 =	sand.u32 $0x380, s28;
	[tilespmem:s25+$0xC150] =	vst.add.f32.msk $0xffff, v3  }
0x167: {  	[tilespmem:s25+$0xC160] =	vst.add.f32.msk $0xffff, v4;
	s25 =	sor.u32 s2, s0  }
0x168: {  	v3 =	vld [tilespmem:s25+$0x4170]  }
0x169: {  	v8 =	vld [tilespmem:s25+$0x4100]  }
0x16a: {  	v9 =	vld [tilespmem:s25+$0x4110]  }
0x16b: {  	v7 =	vld [tilespmem:s25+$0x4120]  }
0x16c: {  	v6 =	vld [tilespmem:s25+$0x4130]  }
0x16d: {  	[tilespmem:s25+$0xC170] =	vst.add.f32.msk $0xffff, v3  }
.Ltmp4:
0x16e: {  	v5 =	vld [tilespmem:s25+$0x4140];
	(pc) =	sbr.rel @p0 .LBB2_10-.Ltmp4, $4  }
0x16f: {  	v3 =	vld [tilespmem:s25+$0x4150]  }
0x170: {  	v4 =	vld [tilespmem:s25+$0x4160]  }
0x171: {  	[tilespmem:s25+$0xC100] =	vst.add.f32.msk $0xffff, v8  }
0x172: {  	[tilespmem:s25+$0xC110] =	vst.add.f32.msk $0xffff, v9  }
0x173: {  	[tilespmem:s25+$0xC120] =	vst.add.f32.msk $0xffff, v7  }
0x174: {  	[tilespmem:s25+$0xC130] =	vst.add.f32.msk $0xffff, v6  }
0x175: {  	[tilespmem:s25+$0xC140] =	vst.add.f32.msk $0xffff, v5  }
0x176: {  	[tilespmem:s25+$0xC150] =	vst.add.f32.msk $0xffff, v3  }
0x177: {  	[tilespmem:s25+$0xC160] =	vst.add.f32.msk $0xffff, v4  }
0x178: {  	s24 =	simm.s32 $0x0;
	s0 =	rddreg [dreg:$0x14]  }
0x179: {  	[hbm4b:s0+s24] =	stream.linear.scatter [tilespmem:s30], [sflag:$0x7], $0x4000, $0x38;
	[tilespmem:$0x14100] =	vst v63  }
0x17a: {  	_ =	swait.ge [sflag:s15], $0x4000  }
0x17b: {  	s26 =	simm.s32 $0x0;
	[sflag:s15] =	ssyncset.done $0x0  }
0x17c: {  	s25 =	simm.s32 $0x0;
	s2 =	rddreg [dreg:$0x19];
	[sflag:s15] =	ssyncadd.s32 $0xFFFFC000  }
0x17d: {  	[tilespmem:s30], [sflag:$0x4] =	stream.linear.gather [hbm4b:s2+s24], $0x4000, $0x38;
	[tilespmem:$0x14100] =	vst v63  }
0x17e: {  	s0 =	sand.u32 $0x2000, s25;
	s2 =	sand.u32 $0x1C00, s24;
	_ =	swait.ge [sflag:s20], $0x4000  }
0x17f: {  	s28 =	sand.u32 $0x380, s26;
	s0 =	sor.u32 s2, s0;
	[sflag:s20] =	ssyncset.done $0x0  }
0x180: {  	s25 =	sor.u32 s28, s0;
	[sflag:s20] =	ssyncadd.s32 $0xFFFFC000  }
0x181: {  	v3 =	vld [tilespmem:s25+$0x4170]  }
0x182: {  	v8 =	vld [tilespmem:s25+$0x4100]  }
0x183: {  	v9 =	vld [tilespmem:s25+$0x4110]  }
0x184: {  	v7 =	vld [tilespmem:s25+$0x4120]  }
0x185: {  	v6 =	vld [tilespmem:s25+$0x4130]  }
0x186: {  	v5 =	vld [tilespmem:s25+$0x4140]  }
0x187: {  	v4 =	vld [tilespmem:s25+$0x4160]  }
0x188: {  	[tilespmem:s25+$0x10170] =	vst.add.f32.msk $0xffff, v3  }
0x189: {  	v3 =	vld [tilespmem:s25+$0x4150]  }
0x18a: {  	[tilespmem:s25+$0x10100] =	vst.add.f32.msk $0xffff, v8  }
0x18b: {  	s26 =	simm.s32 $0x0;
	[tilespmem:s25+$0x10110] =	vst.add.f32.msk $0xffff, v9  }
.LBB2_12:
0x18c: {  	s26 =	sadd.s32 $0x8, s26;
	[tilespmem:s25+$0x10120] =	vst.add.f32.msk $0xffff, v7  }
0x18d: {  	s24 =	sadd.s32 $0x400, s24;
	s0 =	sshll.u32 s26, $0x4;
	p0 =	slt.u32 s26, $0x3F8;
	[tilespmem:s25+$0x10130] =	vst.add.f32.msk $0xffff, v6  }
0x18e: {  	s2 =	sand.u32 $0x1C00, s24;
	s28 =	sshll.u32 s26, $0x1;
	s0 =	sand.u32 $0x2000, s0;
	[tilespmem:s25+$0x10140] =	vst.add.f32.msk $0xffff, v5  }
0x18f: {  	s0 =	sor.u32 s2, s0;
	s2 =	sand.u32 $0x380, s28;
	[tilespmem:s25+$0x10150] =	vst.add.f32.msk $0xffff, v3  }
0x190: {  	[tilespmem:s25+$0x10160] =	vst.add.f32.msk $0xffff, v4;
	s25 =	sor.u32 s2, s0  }
0x191: {  	v3 =	vld [tilespmem:s25+$0x4170]  }
0x192: {  	v8 =	vld [tilespmem:s25+$0x4100]  }
0x193: {  	v9 =	vld [tilespmem:s25+$0x4110]  }
0x194: {  	v7 =	vld [tilespmem:s25+$0x4120]  }
0x195: {  	v6 =	vld [tilespmem:s25+$0x4130]  }
0x196: {  	[tilespmem:s25+$0x10170] =	vst.add.f32.msk $0xffff, v3  }
.Ltmp5:
0x197: {  	v5 =	vld [tilespmem:s25+$0x4140];
	(pc) =	sbr.rel @p0 .LBB2_12-.Ltmp5, $4  }
0x198: {  	v3 =	vld [tilespmem:s25+$0x4150]  }
0x199: {  	v4 =	vld [tilespmem:s25+$0x4160]  }
0x19a: {  	[tilespmem:s25+$0x10100] =	vst.add.f32.msk $0xffff, v8  }
0x19b: {  	[tilespmem:s25+$0x10110] =	vst.add.f32.msk $0xffff, v9  }
0x19c: {  	[tilespmem:s25+$0x10120] =	vst.add.f32.msk $0xffff, v7  }
0x19d: {  	[tilespmem:s25+$0x10130] =	vst.add.f32.msk $0xffff, v6  }
0x19e: {  	[tilespmem:s25+$0x10140] =	vst.add.f32.msk $0xffff, v5  }
0x19f: {  	[tilespmem:s25+$0x10150] =	vst.add.f32.msk $0xffff, v3  }
0x1a0: {  	[tilespmem:s25+$0x10160] =	vst.add.f32.msk $0xffff, v4  }
0x1a1: {  	s24 =	simm.s32 $0x0;
	s0 =	rddreg [dreg:$0x16]  }
0x1a2: {  	[hbm4b:s0+s24] =	stream.linear.scatter [tilespmem:s10], [sflag:$0x8], $0x4000, $0x38;
	[tilespmem:$0x14100] =	vst v63  }
0x1a3: {  	_ =	swait.ge [sflag:s21], $0x4000  }
0x1a4: {  	s26 =	simm.s32 $0x0;
	[sflag:s21] =	ssyncset.done $0x0  }
0x1a5: {  	s25 =	simm.s32 $0x0;
	s2 =	rddreg [dreg:$0x1b];
	[sflag:s21] =	ssyncadd.s32 $0xFFFFC000  }
0x1a6: {  	[tilespmem:s10], [sflag:$0x5] =	stream.linear.gather [hbm4b:s2+s24], $0x4000, $0x38;
	[tilespmem:$0x14100] =	vst v63  }
0x1a7: {  	s0 =	sand.u32 $0x2000, s25;
	s2 =	sand.u32 $0x1C00, s24;
	_ =	swait.ge [sflag:s12], $0x4000  }
0x1a8: {  	s28 =	sand.u32 $0x380, s26;
	s0 =	sor.u32 s2, s0;
	[sflag:s12] =	ssyncset.done $0x0  }
0x1a9: {  	s25 =	sor.u32 s28, s0;
	[sflag:s12] =	ssyncadd.s32 $0xFFFFC000  }
0x1aa: {  	v3 =	vld [tilespmem:s25+$0x4170]  }
0x1ab: {  	v8 =	vld [tilespmem:s25+$0x4100]  }
0x1ac: {  	v9 =	vld [tilespmem:s25+$0x4110]  }
0x1ad: {  	v7 =	vld [tilespmem:s25+$0x4120]  }
0x1ae: {  	v6 =	vld [tilespmem:s25+$0x4130]  }
0x1af: {  	v5 =	vld [tilespmem:s25+$0x4140]  }
0x1b0: {  	v4 =	vld [tilespmem:s25+$0x4160]  }
0x1b1: {  	[tilespmem:s25+$0x8170] =	vst.add.f32.msk $0xffff, v3  }
0x1b2: {  	v3 =	vld [tilespmem:s25+$0x4150]  }
0x1b3: {  	[tilespmem:s25+$0x8100] =	vst.add.f32.msk $0xffff, v8  }
0x1b4: {  	s26 =	simm.s32 $0x0;
	[tilespmem:s25+$0x8110] =	vst.add.f32.msk $0xffff, v9  }
.LBB2_14:
0x1b5: {  	s26 =	sadd.s32 $0x8, s26;
	[tilespmem:s25+$0x8120] =	vst.add.f32.msk $0xffff, v7  }
0x1b6: {  	s24 =	sadd.s32 $0x400, s24;
	s0 =	sshll.u32 s26, $0x4;
	p0 =	slt.u32 s26, $0x3F8;
	[tilespmem:s25+$0x8130] =	vst.add.f32.msk $0xffff, v6  }
0x1b7: {  	s2 =	sand.u32 $0x1C00, s24;
	s28 =	sshll.u32 s26, $0x1;
	s0 =	sand.u32 $0x2000, s0;
	[tilespmem:s25+$0x8140] =	vst.add.f32.msk $0xffff, v5  }
0x1b8: {  	s0 =	sor.u32 s2, s0;
	s2 =	sand.u32 $0x380, s28;
	[tilespmem:s25+$0x8150] =	vst.add.f32.msk $0xffff, v3  }
0x1b9: {  	[tilespmem:s25+$0x8160] =	vst.add.f32.msk $0xffff, v4;
	s25 =	sor.u32 s2, s0  }
0x1ba: {  	v3 =	vld [tilespmem:s25+$0x4170]  }
0x1bb: {  	v8 =	vld [tilespmem:s25+$0x4100]  }
0x1bc: {  	v9 =	vld [tilespmem:s25+$0x4110]  }
0x1bd: {  	v7 =	vld [tilespmem:s25+$0x4120]  }
0x1be: {  	v6 =	vld [tilespmem:s25+$0x4130]  }
0x1bf: {  	[tilespmem:s25+$0x8170] =	vst.add.f32.msk $0xffff, v3  }
.Ltmp6:
0x1c0: {  	v5 =	vld [tilespmem:s25+$0x4140];
	(pc) =	sbr.rel @p0 .LBB2_14-.Ltmp6, $4  }
0x1c1: {  	v3 =	vld [tilespmem:s25+$0x4150]  }
0x1c2: {  	v4 =	vld [tilespmem:s25+$0x4160]  }
0x1c3: {  	[tilespmem:s25+$0x8100] =	vst.add.f32.msk $0xffff, v8  }
0x1c4: {  	[tilespmem:s25+$0x8110] =	vst.add.f32.msk $0xffff, v9  }
0x1c5: {  	[tilespmem:s25+$0x8120] =	vst.add.f32.msk $0xffff, v7  }
0x1c6: {  	[tilespmem:s25+$0x8130] =	vst.add.f32.msk $0xffff, v6  }
0x1c7: {  	[tilespmem:s25+$0x8140] =	vst.add.f32.msk $0xffff, v5  }
0x1c8: {  	[tilespmem:s25+$0x8150] =	vst.add.f32.msk $0xffff, v3  }
0x1c9: {  	[tilespmem:s25+$0x8160] =	vst.add.f32.msk $0xffff, v4  }
0x1ca: {  	s24 =	simm.s32 $0x0;
	s0 =	rddreg [dreg:$0x18]  }
0x1cb: {  	[hbm4b:s0+s24] =	stream.linear.scatter [tilespmem:s29], [sflag:$0x6], $0x4000, $0x38;
	[tilespmem:$0x14100] =	vst v63  }
0x1cc: {  	_ =	swait.ge [sflag:s13], $0x4000  }
0x1cd: {  	s26 =	simm.s32 $0x0;
	[sflag:s13] =	ssyncset.done $0x0  }
0x1ce: {  	s25 =	simm.s32 $0x0;
	s2 =	rddreg [dreg:$0x1d];
	[sflag:s13] =	ssyncadd.s32 $0xFFFFC000  }
0x1cf: {  	[tilespmem:s29], [sflag:$0x3] =	stream.linear.gather [hbm4b:s2+s24], $0x4000, $0x38;
	[tilespmem:$0x14100] =	vst v63  }
0x1d0: {  	s0 =	sand.u32 $0x2000, s25;
	s2 =	sand.u32 $0x1C00, s24;
	_ =	swait.ge [sflag:s14], $0x4000  }
0x1d1: {  	s28 =	sand.u32 $0x380, s26;
	s0 =	sor.u32 s2, s0;
	[sflag:s14] =	ssyncset.done $0x0  }
0x1d2: {  	s25 =	sor.u32 s28, s0;
	[sflag:s14] =	ssyncadd.s32 $0xFFFFC000  }
0x1d3: {  	v3 =	vld [tilespmem:s25+$0x4170]  }
0x1d4: {  	v8 =	vld [tilespmem:s25+$0x4100]  }
0x1d5: {  	v9 =	vld [tilespmem:s25+$0x4110]  }
0x1d6: {  	v7 =	vld [tilespmem:s25+$0x4120]  }
0x1d7: {  	v6 =	vld [tilespmem:s25+$0x4130]  }
0x1d8: {  	v5 =	vld [tilespmem:s25+$0x4140]  }
0x1d9: {  	v4 =	vld [tilespmem:s25+$0x4160]  }
0x1da: {  	[tilespmem:s25+$0xC170] =	vst.add.f32.msk $0xffff, v3  }
0x1db: {  	v3 =	vld [tilespmem:s25+$0x4150]  }
0x1dc: {  	[tilespmem:s25+$0xC100] =	vst.add.f32.msk $0xffff, v8  }
0x1dd: {  	s26 =	simm.s32 $0x0;
	[tilespmem:s25+$0xC110] =	vst.add.f32.msk $0xffff, v9  }
.LBB2_16:
0x1de: {  	s26 =	sadd.s32 $0x8, s26;
	[tilespmem:s25+$0xC120] =	vst.add.f32.msk $0xffff, v7  }
0x1df: {  	s24 =	sadd.s32 $0x400, s24;
	s0 =	sshll.u32 s26, $0x4;
	p0 =	slt.u32 s26, $0x3F8;
	[tilespmem:s25+$0xC130] =	vst.add.f32.msk $0xffff, v6  }
0x1e0: {  	s2 =	sand.u32 $0x1C00, s24;
	s28 =	sshll.u32 s26, $0x1;
	s0 =	sand.u32 $0x2000, s0;
	[tilespmem:s25+$0xC140] =	vst.add.f32.msk $0xffff, v5  }
0x1e1: {  	s0 =	sor.u32 s2, s0;
	s2 =	sand.u32 $0x380, s28;
	[tilespmem:s25+$0xC150] =	vst.add.f32.msk $0xffff, v3  }
0x1e2: {  	[tilespmem:s25+$0xC160] =	vst.add.f32.msk $0xffff, v4;
	s25 =	sor.u32 s2, s0  }
0x1e3: {  	v3 =	vld [tilespmem:s25+$0x4170]  }
0x1e4: {  	v8 =	vld [tilespmem:s25+$0x4100]  }
0x1e5: {  	v9 =	vld [tilespmem:s25+$0x4110]  }
0x1e6: {  	v7 =	vld [tilespmem:s25+$0x4120]  }
0x1e7: {  	v6 =	vld [tilespmem:s25+$0x4130]  }
0x1e8: {  	[tilespmem:s25+$0xC170] =	vst.add.f32.msk $0xffff, v3  }
.Ltmp7:
0x1e9: {  	v5 =	vld [tilespmem:s25+$0x4140];
	(pc) =	sbr.rel @p0 .LBB2_16-.Ltmp7, $4  }
0x1ea: {  	v3 =	vld [tilespmem:s25+$0x4150]  }
0x1eb: {  	v4 =	vld [tilespmem:s25+$0x4160]  }
0x1ec: {  	[tilespmem:s25+$0xC100] =	vst.add.f32.msk $0xffff, v8  }
0x1ed: {  	[tilespmem:s25+$0xC110] =	vst.add.f32.msk $0xffff, v9  }
0x1ee: {  	[tilespmem:s25+$0xC120] =	vst.add.f32.msk $0xffff, v7  }
0x1ef: {  	[tilespmem:s25+$0xC130] =	vst.add.f32.msk $0xffff, v6  }
0x1f0: {  	[tilespmem:s25+$0xC140] =	vst.add.f32.msk $0xffff, v5  }
0x1f1: {  	[tilespmem:s25+$0xC150] =	vst.add.f32.msk $0xffff, v3  }
0x1f2: {  	[tilespmem:s25+$0xC160] =	vst.add.f32.msk $0xffff, v4  }
0x1f3: {  	s24 =	simm.s32 $0x0;
	s0 =	rddreg [dreg:$0x1a]  }
0x1f4: {  	[hbm4b:s0+s24] =	stream.linear.scatter [tilespmem:s30], [sflag:$0x7], $0x4000, $0x38;
	[tilespmem:$0x14100] =	vst v63  }
0x1f5: {  	_ =	swait.ge [sflag:s31], $0x4000  }
0x1f6: {  	[sflag:s31] =	ssyncset.done $0x0  }
0x1f7: {  	s2 =	simm.s32 $0x80;
	s25 =	rddreg [dreg:$0xa];
	[sflag:s31] =	ssyncadd.s32 $0xFFFFC000  }
0x1f8: {  	[tilespmem:s2], [sflag:$0x9] =	stream.linear.gather [hbm4b:s25+s24], $0x10, $0x38;
	[tilespmem:$0x14100] =	vst v63  }
0x1f9: {  	_ =	swait.ge [sflag:s19], $0x10  }
0x1fa: {  	[sflag:s19] =	ssyncset.done $0x0  }
0x1fb: {  	[sflag:s19] =	ssyncadd.s32 $0xFFFFFFF0  }
0x1fc: {  	v3 =	vld [tilespmem:$0x80];
	_ =	sdelay $0x4  }
0x1fd: {  	v4 =	vshll.u32 v3, $0x3  }
0x1fe: {  	v3 =	vand.u32 $0x7, v3;
	v4 =	vand.u32 $0xFFFFFFC0, v4  }
0x1ff: {  	v3 =	vor.u32 v3, v4  }
0x200: {  	v4 =	vperm.xlane v3, v0;
	_ =	sdelay $0x1  }
0x201: {  	v4 =	vadd.s32 v1, v4;
	_ =	sdelay $0x3  }
0x202: {  	s26 =	simm.s32 $0x4100  }
0x203: {  	[tilespmem:s26], [sflag:$0x2] =	stream.indirect_vreg.gather [hbm4b:s11+s24], $0x80, v4, vm0, $0xb8;
	[tilespmem:$0x14100] =	vst v63  }
0x204: {  	v3 =	vperm.xlane v3, v2  }
0x205: {  	[tilespmem:s3], [sflag:$0x2] =	stream.indirect_vreg.gather [hbm4b:s16+s24], $0x80, v4, vm0, $0xb8;
	[tilespmem:$0x14100] =	vst v63  }
0x206: {  	v3 =	vadd.s32 v1, v3  }
0x207: {  	[tilespmem:s4], [sflag:$0x2] =	stream.indirect_vreg.gather [hbm4b:s17+s24], $0x80, v4, vm0, $0xb8;
	[tilespmem:$0x14100] =	vst v63  }
0x208: {  	_ = 	snop  }
0x209: {  	[tilespmem:s5], [sflag:$0x2] =	stream.indirect_vreg.gather [hbm4b:s18+s24], $0x80, v4, vm0, $0xb8;
	[tilespmem:$0x14100] =	vst v63  }
0x20a: {  	_ = 	snop  }
0x20b: {  	[tilespmem:s6], [sflag:$0x2] =	stream.indirect_vreg.gather [hbm4b:s11+s24], $0x80, v3, vm0, $0xb8;
	[tilespmem:$0x14100] =	vst v63  }
0x20c: {  	_ = 	snop  }
0x20d: {  	[tilespmem:s7], [sflag:$0x2] =	stream.indirect_vreg.gather [hbm4b:s16+s24], $0x80, v3, vm0, $0xb8;
	[tilespmem:$0x14100] =	vst v63  }
0x20e: {  	_ = 	snop  }
0x20f: {  	[tilespmem:s8], [sflag:$0x2] =	stream.indirect_vreg.gather [hbm4b:s17+s24], $0x80, v3, vm0, $0xb8;
	[tilespmem:$0x14100] =	vst v63  }
0x210: {  	_ = 	snop  }
0x211: {  	[tilespmem:s9], [sflag:$0x2] =	stream.indirect_vreg.gather [hbm4b:s18+s24], $0x80, v3, vm0, $0xb8;
	[tilespmem:$0x14100] =	vst v63  }
0x212: {  	_ =	swait.ge [sflag:s15], $0x4000  }
0x213: {  	s2 =	simm.s32 $0x0;
	[sflag:s15] =	ssyncset.done $0x0  }
0x214: {  	s25 =	sand.u32 $0x1C00, s24;
	s28 =	rddreg [dreg:$0x1f];
	[sflag:s15] =	ssyncadd.s32 $0xFFFFC000  }
0x215: {  	[tilespmem:s30], [sflag:$0x4] =	stream.linear.gather [hbm4b:s28+s24], $0x4000, $0x38;
	[tilespmem:$0x14100] =	vst v63  }
0x216: {  	s0 =	sand.u32 $0x2000, s2;
	s26 =	simm.s32 $0x0;
	_ =	swait.ge [sflag:s20], $0x4000  }
0x217: {  	s0 =	sor.u32 s25, s0;
	s28 =	sand.u32 $0x380, s26;
	[sflag:s20] =	ssyncset.done $0x0  }
0x218: {  	s25 =	sor.u32 s28, s0;
	[sflag:s20] =	ssyncadd.s32 $0xFFFFC000  }
0x219: {  	v3 =	vld [tilespmem:s25+$0x170]  }
0x21a: {  	v8 =	vld [tilespmem:s25+$0x100]  }
0x21b: {  	v9 =	vld [tilespmem:s25+$0x110]  }
0x21c: {  	v7 =	vld [tilespmem:s25+$0x120]  }
0x21d: {  	v6 =	vld [tilespmem:s25+$0x130]  }
0x21e: {  	v5 =	vld [tilespmem:s25+$0x140]  }
0x21f: {  	v4 =	vld [tilespmem:s25+$0x160]  }
0x220: {  	[tilespmem:s25+$0x10170] =	vst.add.f32.msk $0xffff, v3  }
0x221: {  	v3 =	vld [tilespmem:s25+$0x150]  }
0x222: {  	[tilespmem:s25+$0x10100] =	vst.add.f32.msk $0xffff, v8  }
0x223: {  	s26 =	simm.s32 $0x0;
	[tilespmem:s25+$0x10110] =	vst.add.f32.msk $0xffff, v9  }
.LBB2_18:
0x224: {  	s26 =	sadd.s32 $0x8, s26;
	[tilespmem:s25+$0x10120] =	vst.add.f32.msk $0xffff, v7  }
0x225: {  	s24 =	sadd.s32 $0x400, s24;
	s0 =	sshll.u32 s26, $0x4;
	p0 =	slt.u32 s26, $0x3F8;
	[tilespmem:s25+$0x10130] =	vst.add.f32.msk $0xffff, v6  }
0x226: {  	s2 =	sand.u32 $0x1C00, s24;
	s28 =	sshll.u32 s26, $0x1;
	s0 =	sand.u32 $0x2000, s0;
	[tilespmem:s25+$0x10140] =	vst.add.f32.msk $0xffff, v5  }
0x227: {  	s0 =	sor.u32 s2, s0;
	s2 =	sand.u32 $0x380, s28;
	[tilespmem:s25+$0x10150] =	vst.add.f32.msk $0xffff, v3  }
0x228: {  	[tilespmem:s25+$0x10160] =	vst.add.f32.msk $0xffff, v4;
	s25 =	sor.u32 s2, s0  }
0x229: {  	v3 =	vld [tilespmem:s25+$0x170]  }
0x22a: {  	v8 =	vld [tilespmem:s25+$0x100]  }
0x22b: {  	v9 =	vld [tilespmem:s25+$0x110]  }
0x22c: {  	v7 =	vld [tilespmem:s25+$0x120]  }
0x22d: {  	v6 =	vld [tilespmem:s25+$0x130]  }
0x22e: {  	[tilespmem:s25+$0x10170] =	vst.add.f32.msk $0xffff, v3  }
.Ltmp8:
0x22f: {  	v5 =	vld [tilespmem:s25+$0x140];
	(pc) =	sbr.rel @p0 .LBB2_18-.Ltmp8, $4  }
0x230: {  	v3 =	vld [tilespmem:s25+$0x150]  }
0x231: {  	v4 =	vld [tilespmem:s25+$0x160]  }
0x232: {  	[tilespmem:s25+$0x10100] =	vst.add.f32.msk $0xffff, v8  }
0x233: {  	[tilespmem:s25+$0x10110] =	vst.add.f32.msk $0xffff, v9  }
0x234: {  	[tilespmem:s25+$0x10120] =	vst.add.f32.msk $0xffff, v7  }
0x235: {  	[tilespmem:s25+$0x10130] =	vst.add.f32.msk $0xffff, v6  }
0x236: {  	[tilespmem:s25+$0x10140] =	vst.add.f32.msk $0xffff, v5  }
0x237: {  	[tilespmem:s25+$0x10150] =	vst.add.f32.msk $0xffff, v3  }
0x238: {  	[tilespmem:s25+$0x10160] =	vst.add.f32.msk $0xffff, v4  }
0x239: {  	s24 =	simm.s32 $0x0;
	s0 =	rddreg [dreg:$0x1c]  }
0x23a: {  	[hbm4b:s0+s24] =	stream.linear.scatter [tilespmem:s10], [sflag:$0x8], $0x4000, $0x38;
	[tilespmem:$0x14100] =	vst v63  }
0x23b: {  	_ =	swait.ge [sflag:s21], $0x4000  }
0x23c: {  	s2 =	sld [smem:$0x7D1]  }
0x23d: {  	[sflag:s21] =	ssyncset.done $0x0  }
0x23e: {  	s26 =	simm.s32 $0x0;
	s25 =	simm.s32 $0x0;
	[sflag:s21] =	ssyncadd.s32 $0xFFFFC000  }
0x23f: {  	[tilespmem:s10], [sflag:$0x5] =	stream.linear.gather [hbm4b:s2+s24], $0x4000, $0x38;
	[tilespmem:$0x14100] =	vst v63  }
0x240: {  	s0 =	sand.u32 $0x2000, s25;
	s2 =	sand.u32 $0x1C00, s24;
	_ =	swait.ge [sflag:s12], $0x4000  }
0x241: {  	s28 =	sand.u32 $0x380, s26;
	s0 =	sor.u32 s2, s0;
	[sflag:s12] =	ssyncset.done $0x0  }
0x242: {  	s25 =	sor.u32 s28, s0;
	[sflag:s12] =	ssyncadd.s32 $0xFFFFC000  }
0x243: {  	v3 =	vld [tilespmem:s25+$0x170]  }
0x244: {  	v8 =	vld [tilespmem:s25+$0x100]  }
0x245: {  	v9 =	vld [tilespmem:s25+$0x110]  }
0x246: {  	v7 =	vld [tilespmem:s25+$0x120]  }
0x247: {  	v6 =	vld [tilespmem:s25+$0x130]  }
0x248: {  	v5 =	vld [tilespmem:s25+$0x140]  }
0x249: {  	v4 =	vld [tilespmem:s25+$0x160]  }
0x24a: {  	[tilespmem:s25+$0x8170] =	vst.add.f32.msk $0xffff, v3  }
0x24b: {  	v3 =	vld [tilespmem:s25+$0x150]  }
0x24c: {  	[tilespmem:s25+$0x8100] =	vst.add.f32.msk $0xffff, v8  }
0x24d: {  	s26 =	simm.s32 $0x0;
	[tilespmem:s25+$0x8110] =	vst.add.f32.msk $0xffff, v9  }
.LBB2_20:
0x24e: {  	s26 =	sadd.s32 $0x8, s26;
	[tilespmem:s25+$0x8120] =	vst.add.f32.msk $0xffff, v7  }
0x24f: {  	s24 =	sadd.s32 $0x400, s24;
	s0 =	sshll.u32 s26, $0x4;
	p0 =	slt.u32 s26, $0x3F8;
	[tilespmem:s25+$0x8130] =	vst.add.f32.msk $0xffff, v6  }
0x250: {  	s2 =	sand.u32 $0x1C00, s24;
	s28 =	sshll.u32 s26, $0x1;
	s0 =	sand.u32 $0x2000, s0;
	[tilespmem:s25+$0x8140] =	vst.add.f32.msk $0xffff, v5  }
0x251: {  	s0 =	sor.u32 s2, s0;
	s2 =	sand.u32 $0x380, s28;
	[tilespmem:s25+$0x8150] =	vst.add.f32.msk $0xffff, v3  }
0x252: {  	[tilespmem:s25+$0x8160] =	vst.add.f32.msk $0xffff, v4;
	s25 =	sor.u32 s2, s0  }
0x253: {  	v3 =	vld [tilespmem:s25+$0x170]  }
0x254: {  	v8 =	vld [tilespmem:s25+$0x100]  }
0x255: {  	v9 =	vld [tilespmem:s25+$0x110]  }
0x256: {  	v7 =	vld [tilespmem:s25+$0x120]  }
0x257: {  	v6 =	vld [tilespmem:s25+$0x130]  }
0x258: {  	[tilespmem:s25+$0x8170] =	vst.add.f32.msk $0xffff, v3  }
.Ltmp9:
0x259: {  	v5 =	vld [tilespmem:s25+$0x140];
	(pc) =	sbr.rel @p0 .LBB2_20-.Ltmp9, $4  }
0x25a: {  	v3 =	vld [tilespmem:s25+$0x150]  }
0x25b: {  	v4 =	vld [tilespmem:s25+$0x160]  }
0x25c: {  	[tilespmem:s25+$0x8100] =	vst.add.f32.msk $0xffff, v8  }
0x25d: {  	[tilespmem:s25+$0x8110] =	vst.add.f32.msk $0xffff, v9  }
0x25e: {  	[tilespmem:s25+$0x8120] =	vst.add.f32.msk $0xffff, v7  }
0x25f: {  	[tilespmem:s25+$0x8130] =	vst.add.f32.msk $0xffff, v6  }
0x260: {  	[tilespmem:s25+$0x8140] =	vst.add.f32.msk $0xffff, v5  }
0x261: {  	[tilespmem:s25+$0x8150] =	vst.add.f32.msk $0xffff, v3  }
0x262: {  	[tilespmem:s25+$0x8160] =	vst.add.f32.msk $0xffff, v4  }
0x263: {  	s24 =	simm.s32 $0x0;
	s0 =	rddreg [dreg:$0x1e]  }
0x264: {  	[hbm4b:s0+s24] =	stream.linear.scatter [tilespmem:s29], [sflag:$0x6], $0x4000, $0x38;
	[tilespmem:$0x14100] =	vst v63  }
0x265: {  	_ =	swait.ge [sflag:s13], $0x4000  }
0x266: {  	s2 =	sld [smem:$0x7D3]  }
0x267: {  	[sflag:s13] =	ssyncset.done $0x0  }
0x268: {  	s26 =	simm.s32 $0x0;
	s25 =	simm.s32 $0x0;
	[sflag:s13] =	ssyncadd.s32 $0xFFFFC000  }
0x269: {  	[tilespmem:s29], [sflag:$0x3] =	stream.linear.gather [hbm4b:s2+s24], $0x4000, $0x38;
	[tilespmem:$0x14100] =	vst v63  }
0x26a: {  	s0 =	sand.u32 $0x2000, s25;
	s2 =	sand.u32 $0x1C00, s24;
	_ =	swait.ge [sflag:s14], $0x4000  }
0x26b: {  	s28 =	sand.u32 $0x380, s26;
	s0 =	sor.u32 s2, s0;
	[sflag:s14] =	ssyncset.done $0x0  }
0x26c: {  	s25 =	sor.u32 s28, s0;
	[sflag:s14] =	ssyncadd.s32 $0xFFFFC000  }
0x26d: {  	v3 =	vld [tilespmem:s25+$0x170]  }
0x26e: {  	v8 =	vld [tilespmem:s25+$0x100]  }
0x26f: {  	v9 =	vld [tilespmem:s25+$0x110]  }
0x270: {  	v7 =	vld [tilespmem:s25+$0x120]  }
0x271: {  	v6 =	vld [tilespmem:s25+$0x130]  }
0x272: {  	v5 =	vld [tilespmem:s25+$0x140]  }
0x273: {  	v4 =	vld [tilespmem:s25+$0x160]  }
0x274: {  	[tilespmem:s25+$0xC170] =	vst.add.f32.msk $0xffff, v3  }
0x275: {  	v3 =	vld [tilespmem:s25+$0x150]  }
0x276: {  	[tilespmem:s25+$0xC100] =	vst.add.f32.msk $0xffff, v8  }
0x277: {  	s26 =	simm.s32 $0x0;
	[tilespmem:s25+$0xC110] =	vst.add.f32.msk $0xffff, v9  }
.LBB2_22:
0x278: {  	s26 =	sadd.s32 $0x8, s26;
	[tilespmem:s25+$0xC120] =	vst.add.f32.msk $0xffff, v7  }
0x279: {  	s24 =	sadd.s32 $0x400, s24;
	s0 =	sshll.u32 s26, $0x4;
	p0 =	slt.u32 s26, $0x3F8;
	[tilespmem:s25+$0xC130] =	vst.add.f32.msk $0xffff, v6  }
0x27a: {  	s2 =	sand.u32 $0x1C00, s24;
	s28 =	sshll.u32 s26, $0x1;
	s0 =	sand.u32 $0x2000, s0;
	[tilespmem:s25+$0xC140] =	vst.add.f32.msk $0xffff, v5  }
0x27b: {  	s0 =	sor.u32 s2, s0;
	s2 =	sand.u32 $0x380, s28;
	[tilespmem:s25+$0xC150] =	vst.add.f32.msk $0xffff, v3  }
0x27c: {  	[tilespmem:s25+$0xC160] =	vst.add.f32.msk $0xffff, v4;
	s25 =	sor.u32 s2, s0  }
0x27d: {  	v3 =	vld [tilespmem:s25+$0x170]  }
0x27e: {  	v8 =	vld [tilespmem:s25+$0x100]  }
0x27f: {  	v9 =	vld [tilespmem:s25+$0x110]  }
0x280: {  	v7 =	vld [tilespmem:s25+$0x120]  }
0x281: {  	v6 =	vld [tilespmem:s25+$0x130]  }
0x282: {  	[tilespmem:s25+$0xC170] =	vst.add.f32.msk $0xffff, v3  }
.Ltmp10:
0x283: {  	v5 =	vld [tilespmem:s25+$0x140];
	(pc) =	sbr.rel @p0 .LBB2_22-.Ltmp10, $4  }
0x284: {  	v3 =	vld [tilespmem:s25+$0x150]  }
0x285: {  	v4 =	vld [tilespmem:s25+$0x160]  }
0x286: {  	[tilespmem:s25+$0xC100] =	vst.add.f32.msk $0xffff, v8  }
0x287: {  	[tilespmem:s25+$0xC110] =	vst.add.f32.msk $0xffff, v9  }
0x288: {  	[tilespmem:s25+$0xC120] =	vst.add.f32.msk $0xffff, v7  }
0x289: {  	[tilespmem:s25+$0xC130] =	vst.add.f32.msk $0xffff, v6  }
0x28a: {  	[tilespmem:s25+$0xC140] =	vst.add.f32.msk $0xffff, v5  }
0x28b: {  	[tilespmem:s25+$0xC150] =	vst.add.f32.msk $0xffff, v3  }
0x28c: {  	[tilespmem:s25+$0xC160] =	vst.add.f32.msk $0xffff, v4  }
0x28d: {  	s0 =	sld [smem:$0x7D0];
	_ =	sdelay $0x1  }
0x28e: {  	s24 =	simm.s32 $0x0  }
0x28f: {  	[hbm4b:s0+s24] =	stream.linear.scatter [tilespmem:s30], [sflag:$0x7], $0x4000, $0x38;
	[tilespmem:$0x14100] =	vst v63  }
0x290: {  	_ =	swait.ge [sflag:s15], $0x4000  }
0x291: {  	s2 =	sld [smem:$0x7D5]  }
0x292: {  	[sflag:s15] =	ssyncset.done $0x0  }
0x293: {  	s26 =	simm.s32 $0x0;
	s25 =	simm.s32 $0x0;
	[sflag:s15] =	ssyncadd.s32 $0xFFFFC000  }
0x294: {  	[tilespmem:s30], [sflag:$0x4] =	stream.linear.gather [hbm4b:s2+s24], $0x4000, $0x38;
	[tilespmem:$0x14100] =	vst v63  }
0x295: {  	s0 =	sand.u32 $0x2000, s25;
	s2 =	sand.u32 $0x1C00, s24;
	_ =	swait.ge [sflag:s20], $0x4000  }
0x296: {  	s28 =	sand.u32 $0x380, s26;
	s0 =	sor.u32 s2, s0;
	[sflag:s20] =	ssyncset.done $0x0  }
0x297: {  	s25 =	sor.u32 s28, s0;
	[sflag:s20] =	ssyncadd.s32 $0xFFFFC000  }
0x298: {  	v3 =	vld [tilespmem:s25+$0x170]  }
0x299: {  	v8 =	vld [tilespmem:s25+$0x100]  }
0x29a: {  	v9 =	vld [tilespmem:s25+$0x110]  }
0x29b: {  	v7 =	vld [tilespmem:s25+$0x120]  }
0x29c: {  	v6 =	vld [tilespmem:s25+$0x130]  }
0x29d: {  	v5 =	vld [tilespmem:s25+$0x140]  }
0x29e: {  	v4 =	vld [tilespmem:s25+$0x160]  }
0x29f: {  	[tilespmem:s25+$0x10170] =	vst.add.f32.msk $0xffff, v3  }
0x2a0: {  	v3 =	vld [tilespmem:s25+$0x150]  }
0x2a1: {  	[tilespmem:s25+$0x10100] =	vst.add.f32.msk $0xffff, v8  }
0x2a2: {  	s26 =	simm.s32 $0x0;
	[tilespmem:s25+$0x10110] =	vst.add.f32.msk $0xffff, v9  }
.LBB2_24:
0x2a3: {  	s26 =	sadd.s32 $0x8, s26;
	[tilespmem:s25+$0x10120] =	vst.add.f32.msk $0xffff, v7  }
0x2a4: {  	s24 =	sadd.s32 $0x400, s24;
	s0 =	sshll.u32 s26, $0x4;
	p0 =	slt.u32 s26, $0x3F8;
	[tilespmem:s25+$0x10130] =	vst.add.f32.msk $0xffff, v6  }
0x2a5: {  	s2 =	sand.u32 $0x1C00, s24;
	s28 =	sshll.u32 s26, $0x1;
	s0 =	sand.u32 $0x2000, s0;
	[tilespmem:s25+$0x10140] =	vst.add.f32.msk $0xffff, v5  }
0x2a6: {  	s0 =	sor.u32 s2, s0;
	s2 =	sand.u32 $0x380, s28;
	[tilespmem:s25+$0x10150] =	vst.add.f32.msk $0xffff, v3  }
0x2a7: {  	[tilespmem:s25+$0x10160] =	vst.add.f32.msk $0xffff, v4;
	s25 =	sor.u32 s2, s0  }
0x2a8: {  	v3 =	vld [tilespmem:s25+$0x170]  }
0x2a9: {  	v8 =	vld [tilespmem:s25+$0x100]  }
0x2aa: {  	v9 =	vld [tilespmem:s25+$0x110]  }
0x2ab: {  	v7 =	vld [tilespmem:s25+$0x120]  }
0x2ac: {  	v6 =	vld [tilespmem:s25+$0x130]  }
0x2ad: {  	[tilespmem:s25+$0x10170] =	vst.add.f32.msk $0xffff, v3  }
.Ltmp11:
0x2ae: {  	v5 =	vld [tilespmem:s25+$0x140];
	(pc) =	sbr.rel @p0 .LBB2_24-.Ltmp11, $4  }
0x2af: {  	v3 =	vld [tilespmem:s25+$0x150]  }
0x2b0: {  	v4 =	vld [tilespmem:s25+$0x160]  }
0x2b1: {  	[tilespmem:s25+$0x10100] =	vst.add.f32.msk $0xffff, v8  }
0x2b2: {  	[tilespmem:s25+$0x10110] =	vst.add.f32.msk $0xffff, v9  }
0x2b3: {  	[tilespmem:s25+$0x10120] =	vst.add.f32.msk $0xffff, v7  }
0x2b4: {  	[tilespmem:s25+$0x10130] =	vst.add.f32.msk $0xffff, v6  }
0x2b5: {  	[tilespmem:s25+$0x10140] =	vst.add.f32.msk $0xffff, v5  }
0x2b6: {  	[tilespmem:s25+$0x10150] =	vst.add.f32.msk $0xffff, v3  }
0x2b7: {  	[tilespmem:s25+$0x10160] =	vst.add.f32.msk $0xffff, v4  }
0x2b8: {  	s0 =	sld [smem:$0x7D2];
	_ =	sdelay $0x1  }
0x2b9: {  	s24 =	simm.s32 $0x0  }
0x2ba: {  	[hbm4b:s0+s24] =	stream.linear.scatter [tilespmem:s10], [sflag:$0x8], $0x4000, $0x38;
	[tilespmem:$0x14100] =	vst v63  }
0x2bb: {  	_ =	swait.ge [sflag:s22], $0x4000  }
0x2bc: {  	[sflag:s22] =	ssyncset.done $0x0  }
0x2bd: {  	s28 =	rddreg [dreg:$0xb];
	[sflag:s22] =	ssyncadd.s32 $0xFFFFC000  }
0x2be: {  	[tilespmem:s24], [sflag:$0x9] =	stream.linear.gather [hbm4b:s28+s24], $0x10, $0x38;
	[tilespmem:$0x14100] =	vst v63  }
0x2bf: {  	_ =	swait.ge [sflag:s19], $0x10  }
0x2c0: {  	[sflag:s19] =	ssyncset.done $0x0  }
0x2c1: {  	[sflag:s19] =	ssyncadd.s32 $0xFFFFFFF0  }
0x2c2: {  	v3 =	vld [tilespmem:$0x0];
	_ =	sdelay $0x4  }
0x2c3: {  	v4 =	vshll.u32 v3, $0x3  }
0x2c4: {  	v3 =	vand.u32 $0x7, v3;
	v4 =	vand.u32 $0xFFFFFFC0, v4  }
0x2c5: {  	v3 =	vor.u32 v3, v4  }
0x2c6: {  	v4 =	vperm.xlane v3, v0;
	_ =	sdelay $0x1  }
0x2c7: {  	v4 =	vadd.s32 v1, v4;
	_ =	sdelay $0x3  }
0x2c8: {  	s2 =	simm.s32 $0x100  }
0x2c9: {  	[tilespmem:s2], [sflag:$0x1] =	stream.indirect_vreg.gather [hbm4b:s11+s24], $0x80, v4, vm0, $0xb8;
	[tilespmem:$0x14100] =	vst v63  }
0x2ca: {  	s25 =	simm.s32 $0x900;
	v3 =	vperm.xlane v3, v2  }
0x2cb: {  	[tilespmem:s25], [sflag:$0x1] =	stream.indirect_vreg.gather [hbm4b:s16+s24], $0x80, v4, vm0, $0xb8;
	[tilespmem:$0x14100] =	vst v63  }
0x2cc: {  	s26 =	simm.s32 $0x1100;
	v3 =	vadd.s32 v1, v3  }
0x2cd: {  	[tilespmem:s26], [sflag:$0x1] =	stream.indirect_vreg.gather [hbm4b:s17+s24], $0x80, v4, vm0, $0xb8;
	[tilespmem:$0x14100] =	vst v63  }
0x2ce: {  	s28 =	simm.s32 $0x1900  }
0x2cf: {  	[tilespmem:s28], [sflag:$0x1] =	stream.indirect_vreg.gather [hbm4b:s18+s24], $0x80, v4, vm0, $0xb8;
	[tilespmem:$0x14100] =	vst v63  }
0x2d0: {  	s2 =	simm.s32 $0x2100  }
0x2d1: {  	[tilespmem:s2], [sflag:$0x1] =	stream.indirect_vreg.gather [hbm4b:s11+s24], $0x80, v3, vm0, $0xb8;
	[tilespmem:$0x14100] =	vst v63  }
0x2d2: {  	s25 =	simm.s32 $0x2900  }
0x2d3: {  	[tilespmem:s25], [sflag:$0x1] =	stream.indirect_vreg.gather [hbm4b:s16+s24], $0x80, v3, vm0, $0xb8;
	[tilespmem:$0x14100] =	vst v63  }
0x2d4: {  	s26 =	simm.s32 $0x3100  }
0x2d5: {  	[tilespmem:s26], [sflag:$0x1] =	stream.indirect_vreg.gather [hbm4b:s17+s24], $0x80, v3, vm0, $0xb8;
	[tilespmem:$0x14100] =	vst v63  }
0x2d6: {  	s28 =	simm.s32 $0x3900  }
0x2d7: {  	[tilespmem:s28], [sflag:$0x1] =	stream.indirect_vreg.gather [hbm4b:s18+s24], $0x80, v3, vm0, $0xb8;
	[tilespmem:$0x14100] =	vst v63  }
0x2d8: {  	_ =	swait.ge [sflag:s21], $0x4000  }
0x2d9: {  	s2 =	sld [smem:$0x7D7]  }
0x2da: {  	s25 =	simm.s32 $0x0;
	[sflag:s21] =	ssyncset.done $0x0  }
0x2db: {  	s0 =	sand.u32 $0x2000, s25;
	[sflag:s21] =	ssyncadd.s32 $0xFFFFC000  }
0x2dc: {  	[tilespmem:s10], [sflag:$0x5] =	stream.linear.gather [hbm4b:s2+s24], $0x4000, $0x38;
	[tilespmem:$0x14100] =	vst v63  }
0x2dd: {  	s26 =	simm.s32 $0x0;
	s2 =	sand.u32 $0x1C00, s24;
	_ =	swait.ge [sflag:s12], $0x4000  }
0x2de: {  	s28 =	sand.u32 $0x380, s26;
	s0 =	sor.u32 s2, s0;
	[sflag:s12] =	ssyncset.done $0x0  }
0x2df: {  	s25 =	sor.u32 s28, s0;
	[sflag:s12] =	ssyncadd.s32 $0xFFFFC000  }
0x2e0: {  	v3 =	vld [tilespmem:s25+$0x4170]  }
0x2e1: {  	v8 =	vld [tilespmem:s25+$0x4100]  }
0x2e2: {  	v9 =	vld [tilespmem:s25+$0x4110]  }
0x2e3: {  	v7 =	vld [tilespmem:s25+$0x4120]  }
0x2e4: {  	v6 =	vld [tilespmem:s25+$0x4130]  }
0x2e5: {  	v5 =	vld [tilespmem:s25+$0x4140]  }
0x2e6: {  	v4 =	vld [tilespmem:s25+$0x4160]  }
0x2e7: {  	[tilespmem:s25+$0x8170] =	vst.add.f32.msk $0xffff, v3  }
0x2e8: {  	v3 =	vld [tilespmem:s25+$0x4150]  }
0x2e9: {  	[tilespmem:s25+$0x8100] =	vst.add.f32.msk $0xffff, v8  }
0x2ea: {  	s26 =	simm.s32 $0x0;
	[tilespmem:s25+$0x8110] =	vst.add.f32.msk $0xffff, v9  }
.LBB2_26:
0x2eb: {  	s26 =	sadd.s32 $0x8, s26;
	[tilespmem:s25+$0x8120] =	vst.add.f32.msk $0xffff, v7  }
0x2ec: {  	s24 =	sadd.s32 $0x400, s24;
	s0 =	sshll.u32 s26, $0x4;
	p0 =	slt.u32 s26, $0x3F8;
	[tilespmem:s25+$0x8130] =	vst.add.f32.msk $0xffff, v6  }
0x2ed: {  	s2 =	sand.u32 $0x1C00, s24;
	s28 =	sshll.u32 s26, $0x1;
	s0 =	sand.u32 $0x2000, s0;
	[tilespmem:s25+$0x8140] =	vst.add.f32.msk $0xffff, v5  }
0x2ee: {  	s0 =	sor.u32 s2, s0;
	s2 =	sand.u32 $0x380, s28;
	[tilespmem:s25+$0x8150] =	vst.add.f32.msk $0xffff, v3  }
0x2ef: {  	[tilespmem:s25+$0x8160] =	vst.add.f32.msk $0xffff, v4;
	s25 =	sor.u32 s2, s0  }
0x2f0: {  	v3 =	vld [tilespmem:s25+$0x4170]  }
0x2f1: {  	v8 =	vld [tilespmem:s25+$0x4100]  }
0x2f2: {  	v9 =	vld [tilespmem:s25+$0x4110]  }
0x2f3: {  	v7 =	vld [tilespmem:s25+$0x4120]  }
0x2f4: {  	v6 =	vld [tilespmem:s25+$0x4130]  }
0x2f5: {  	[tilespmem:s25+$0x8170] =	vst.add.f32.msk $0xffff, v3  }
.Ltmp12:
0x2f6: {  	v5 =	vld [tilespmem:s25+$0x4140];
	(pc) =	sbr.rel @p0 .LBB2_26-.Ltmp12, $4  }
0x2f7: {  	v3 =	vld [tilespmem:s25+$0x4150]  }
0x2f8: {  	v4 =	vld [tilespmem:s25+$0x4160]  }
0x2f9: {  	[tilespmem:s25+$0x8100] =	vst.add.f32.msk $0xffff, v8  }
0x2fa: {  	[tilespmem:s25+$0x8110] =	vst.add.f32.msk $0xffff, v9  }
0x2fb: {  	[tilespmem:s25+$0x8120] =	vst.add.f32.msk $0xffff, v7  }
0x2fc: {  	[tilespmem:s25+$0x8130] =	vst.add.f32.msk $0xffff, v6  }
0x2fd: {  	[tilespmem:s25+$0x8140] =	vst.add.f32.msk $0xffff, v5  }
0x2fe: {  	[tilespmem:s25+$0x8150] =	vst.add.f32.msk $0xffff, v3  }
0x2ff: {  	[tilespmem:s25+$0x8160] =	vst.add.f32.msk $0xffff, v4  }
0x300: {  	s0 =	sld [smem:$0x7D4];
	_ =	sdelay $0x1  }
0x301: {  	s24 =	simm.s32 $0x0  }
0x302: {  	[hbm4b:s0+s24] =	stream.linear.scatter [tilespmem:s29], [sflag:$0x6], $0x4000, $0x38;
	[tilespmem:$0x14100] =	vst v63  }
0x303: {  	_ =	swait.ge [sflag:s13], $0x4000  }
0x304: {  	s2 =	sld [smem:$0x7D9]  }
0x305: {  	[sflag:s13] =	ssyncset.done $0x0  }
0x306: {  	s26 =	simm.s32 $0x0;
	s25 =	simm.s32 $0x0;
	[sflag:s13] =	ssyncadd.s32 $0xFFFFC000  }
0x307: {  	[tilespmem:s29], [sflag:$0x3] =	stream.linear.gather [hbm4b:s2+s24], $0x4000, $0x38;
	[tilespmem:$0x14100] =	vst v63  }
0x308: {  	s0 =	sand.u32 $0x2000, s25;
	s2 =	sand.u32 $0x1C00, s24;
	_ =	swait.ge [sflag:s14], $0x4000  }
0x309: {  	s28 =	sand.u32 $0x380, s26;
	s0 =	sor.u32 s2, s0;
	[sflag:s14] =	ssyncset.done $0x0  }
0x30a: {  	s25 =	sor.u32 s28, s0;
	[sflag:s14] =	ssyncadd.s32 $0xFFFFC000  }
0x30b: {  	v3 =	vld [tilespmem:s25+$0x4170]  }
0x30c: {  	v8 =	vld [tilespmem:s25+$0x4100]  }
0x30d: {  	v9 =	vld [tilespmem:s25+$0x4110]  }
0x30e: {  	v7 =	vld [tilespmem:s25+$0x4120]  }
0x30f: {  	v6 =	vld [tilespmem:s25+$0x4130]  }
0x310: {  	v5 =	vld [tilespmem:s25+$0x4140]  }
0x311: {  	v4 =	vld [tilespmem:s25+$0x4160]  }
0x312: {  	[tilespmem:s25+$0xC170] =	vst.add.f32.msk $0xffff, v3  }
0x313: {  	v3 =	vld [tilespmem:s25+$0x4150]  }
0x314: {  	[tilespmem:s25+$0xC100] =	vst.add.f32.msk $0xffff, v8  }
0x315: {  	s26 =	simm.s32 $0x0;
	[tilespmem:s25+$0xC110] =	vst.add.f32.msk $0xffff, v9  }
.LBB2_28:
0x316: {  	s26 =	sadd.s32 $0x8, s26;
	[tilespmem:s25+$0xC120] =	vst.add.f32.msk $0xffff, v7  }
0x317: {  	s24 =	sadd.s32 $0x400, s24;
	s0 =	sshll.u32 s26, $0x4;
	p0 =	slt.u32 s26, $0x3F8;
	[tilespmem:s25+$0xC130] =	vst.add.f32.msk $0xffff, v6  }
0x318: {  	s2 =	sand.u32 $0x1C00, s24;
	s28 =	sshll.u32 s26, $0x1;
	s0 =	sand.u32 $0x2000, s0;
	[tilespmem:s25+$0xC140] =	vst.add.f32.msk $0xffff, v5  }
0x319: {  	s0 =	sor.u32 s2, s0;
	s2 =	sand.u32 $0x380, s28;
	[tilespmem:s25+$0xC150] =	vst.add.f32.msk $0xffff, v3  }
0x31a: {  	[tilespmem:s25+$0xC160] =	vst.add.f32.msk $0xffff, v4;
	s25 =	sor.u32 s2, s0  }
0x31b: {  	v3 =	vld [tilespmem:s25+$0x4170]  }
0x31c: {  	v8 =	vld [tilespmem:s25+$0x4100]  }
0x31d: {  	v9 =	vld [tilespmem:s25+$0x4110]  }
0x31e: {  	v7 =	vld [tilespmem:s25+$0x4120]  }
0x31f: {  	v6 =	vld [tilespmem:s25+$0x4130]  }
0x320: {  	[tilespmem:s25+$0xC170] =	vst.add.f32.msk $0xffff, v3  }
.Ltmp13:
0x321: {  	v5 =	vld [tilespmem:s25+$0x4140];
	(pc) =	sbr.rel @p0 .LBB2_28-.Ltmp13, $4  }
0x322: {  	v3 =	vld [tilespmem:s25+$0x4150]  }
0x323: {  	v4 =	vld [tilespmem:s25+$0x4160]  }
0x324: {  	[tilespmem:s25+$0xC100] =	vst.add.f32.msk $0xffff, v8  }
0x325: {  	[tilespmem:s25+$0xC110] =	vst.add.f32.msk $0xffff, v9  }
0x326: {  	[tilespmem:s25+$0xC120] =	vst.add.f32.msk $0xffff, v7  }
0x327: {  	[tilespmem:s25+$0xC130] =	vst.add.f32.msk $0xffff, v6  }
0x328: {  	[tilespmem:s25+$0xC140] =	vst.add.f32.msk $0xffff, v5  }
0x329: {  	[tilespmem:s25+$0xC150] =	vst.add.f32.msk $0xffff, v3  }
0x32a: {  	[tilespmem:s25+$0xC160] =	vst.add.f32.msk $0xffff, v4  }
0x32b: {  	s0 =	sld [smem:$0x7D6];
	_ =	sdelay $0x1  }
0x32c: {  	s24 =	simm.s32 $0x0  }
0x32d: {  	[hbm4b:s0+s24] =	stream.linear.scatter [tilespmem:s30], [sflag:$0x7], $0x4000, $0x38;
	[tilespmem:$0x14100] =	vst v63  }
0x32e: {  	_ =	swait.ge [sflag:s15], $0x4000  }
0x32f: {  	s2 =	sld [smem:$0x7DB]  }
0x330: {  	[sflag:s15] =	ssyncset.done $0x0  }
0x331: {  	s26 =	simm.s32 $0x0;
	s25 =	simm.s32 $0x0;
	[sflag:s15] =	ssyncadd.s32 $0xFFFFC000  }
0x332: {  	[tilespmem:s30], [sflag:$0x4] =	stream.linear.gather [hbm4b:s2+s24], $0x4000, $0x38;
	[tilespmem:$0x14100] =	vst v63  }
0x333: {  	s0 =	sand.u32 $0x2000, s25;
	s2 =	sand.u32 $0x1C00, s24;
	_ =	swait.ge [sflag:s20], $0x4000  }
0x334: {  	s28 =	sand.u32 $0x380, s26;
	s0 =	sor.u32 s2, s0;
	[sflag:s20] =	ssyncset.done $0x0  }
0x335: {  	s25 =	sor.u32 s28, s0;
	[sflag:s20] =	ssyncadd.s32 $0xFFFFC000  }
0x336: {  	v3 =	vld [tilespmem:s25+$0x4170]  }
0x337: {  	v8 =	vld [tilespmem:s25+$0x4100]  }
0x338: {  	v9 =	vld [tilespmem:s25+$0x4110]  }
0x339: {  	v7 =	vld [tilespmem:s25+$0x4120]  }
0x33a: {  	v6 =	vld [tilespmem:s25+$0x4130]  }
0x33b: {  	v5 =	vld [tilespmem:s25+$0x4140]  }
0x33c: {  	v4 =	vld [tilespmem:s25+$0x4160]  }
0x33d: {  	[tilespmem:s25+$0x10170] =	vst.add.f32.msk $0xffff, v3  }
0x33e: {  	v3 =	vld [tilespmem:s25+$0x4150]  }
0x33f: {  	[tilespmem:s25+$0x10100] =	vst.add.f32.msk $0xffff, v8  }
0x340: {  	s26 =	simm.s32 $0x0;
	[tilespmem:s25+$0x10110] =	vst.add.f32.msk $0xffff, v9  }
.LBB2_30:
0x341: {  	s26 =	sadd.s32 $0x8, s26;
	[tilespmem:s25+$0x10120] =	vst.add.f32.msk $0xffff, v7  }
0x342: {  	s24 =	sadd.s32 $0x400, s24;
	s0 =	sshll.u32 s26, $0x4;
	p0 =	slt.u32 s26, $0x3F8;
	[tilespmem:s25+$0x10130] =	vst.add.f32.msk $0xffff, v6  }
0x343: {  	s2 =	sand.u32 $0x1C00, s24;
	s28 =	sshll.u32 s26, $0x1;
	s0 =	sand.u32 $0x2000, s0;
	[tilespmem:s25+$0x10140] =	vst.add.f32.msk $0xffff, v5  }
0x344: {  	s0 =	sor.u32 s2, s0;
	s2 =	sand.u32 $0x380, s28;
	[tilespmem:s25+$0x10150] =	vst.add.f32.msk $0xffff, v3  }
0x345: {  	[tilespmem:s25+$0x10160] =	vst.add.f32.msk $0xffff, v4;
	s25 =	sor.u32 s2, s0  }
0x346: {  	v3 =	vld [tilespmem:s25+$0x4170]  }
0x347: {  	v8 =	vld [tilespmem:s25+$0x4100]  }
0x348: {  	v9 =	vld [tilespmem:s25+$0x4110]  }
0x349: {  	v7 =	vld [tilespmem:s25+$0x4120]  }
0x34a: {  	v6 =	vld [tilespmem:s25+$0x4130]  }
0x34b: {  	[tilespmem:s25+$0x10170] =	vst.add.f32.msk $0xffff, v3  }
.Ltmp14:
0x34c: {  	v5 =	vld [tilespmem:s25+$0x4140];
	(pc) =	sbr.rel @p0 .LBB2_30-.Ltmp14, $4  }
0x34d: {  	v3 =	vld [tilespmem:s25+$0x4150]  }
0x34e: {  	v4 =	vld [tilespmem:s25+$0x4160]  }
0x34f: {  	[tilespmem:s25+$0x10100] =	vst.add.f32.msk $0xffff, v8  }
0x350: {  	[tilespmem:s25+$0x10110] =	vst.add.f32.msk $0xffff, v9  }
0x351: {  	[tilespmem:s25+$0x10120] =	vst.add.f32.msk $0xffff, v7  }
0x352: {  	[tilespmem:s25+$0x10130] =	vst.add.f32.msk $0xffff, v6  }
0x353: {  	[tilespmem:s25+$0x10140] =	vst.add.f32.msk $0xffff, v5  }
0x354: {  	[tilespmem:s25+$0x10150] =	vst.add.f32.msk $0xffff, v3  }
0x355: {  	[tilespmem:s25+$0x10160] =	vst.add.f32.msk $0xffff, v4  }
0x356: {  	s0 =	sld [smem:$0x7D8];
	_ =	sdelay $0x1  }
0x357: {  	s24 =	simm.s32 $0x0  }
0x358: {  	[hbm4b:s0+s24] =	stream.linear.scatter [tilespmem:s10], [sflag:$0x8], $0x4000, $0x38;
	[tilespmem:$0x14100] =	vst v63  }
0x359: {  	_ =	swait.ge [sflag:s21], $0x4000  }
0x35a: {  	s2 =	sld [smem:$0x7DD]  }
0x35b: {  	[sflag:s21] =	ssyncset.done $0x0  }
0x35c: {  	s26 =	simm.s32 $0x0;
	s25 =	simm.s32 $0x0;
	[sflag:s21] =	ssyncadd.s32 $0xFFFFC000  }
0x35d: {  	[tilespmem:s10], [sflag:$0x5] =	stream.linear.gather [hbm4b:s2+s24], $0x4000, $0x38;
	[tilespmem:$0x14100] =	vst v63  }
0x35e: {  	s0 =	sand.u32 $0x2000, s25;
	s2 =	sand.u32 $0x1C00, s24;
	_ =	swait.ge [sflag:s12], $0x4000  }
0x35f: {  	s28 =	sand.u32 $0x380, s26;
	s0 =	sor.u32 s2, s0;
	[sflag:s12] =	ssyncset.done $0x0  }
0x360: {  	s25 =	sor.u32 s28, s0;
	[sflag:s12] =	ssyncadd.s32 $0xFFFFC000  }
0x361: {  	v3 =	vld [tilespmem:s25+$0x4170]  }
0x362: {  	v8 =	vld [tilespmem:s25+$0x4100]  }
0x363: {  	v9 =	vld [tilespmem:s25+$0x4110]  }
0x364: {  	v7 =	vld [tilespmem:s25+$0x4120]  }
0x365: {  	v6 =	vld [tilespmem:s25+$0x4130]  }
0x366: {  	v5 =	vld [tilespmem:s25+$0x4140]  }
0x367: {  	v4 =	vld [tilespmem:s25+$0x4160]  }
0x368: {  	[tilespmem:s25+$0x8170] =	vst.add.f32.msk $0xffff, v3  }
0x369: {  	v3 =	vld [tilespmem:s25+$0x4150]  }
0x36a: {  	[tilespmem:s25+$0x8100] =	vst.add.f32.msk $0xffff, v8  }
0x36b: {  	s26 =	simm.s32 $0x0;
	[tilespmem:s25+$0x8110] =	vst.add.f32.msk $0xffff, v9  }
.LBB2_32:
0x36c: {  	s26 =	sadd.s32 $0x8, s26;
	[tilespmem:s25+$0x8120] =	vst.add.f32.msk $0xffff, v7  }
0x36d: {  	s24 =	sadd.s32 $0x400, s24;
	s0 =	sshll.u32 s26, $0x4;
	p0 =	slt.u32 s26, $0x3F8;
	[tilespmem:s25+$0x8130] =	vst.add.f32.msk $0xffff, v6  }
0x36e: {  	s2 =	sand.u32 $0x1C00, s24;
	s28 =	sshll.u32 s26, $0x1;
	s0 =	sand.u32 $0x2000, s0;
	[tilespmem:s25+$0x8140] =	vst.add.f32.msk $0xffff, v5  }
0x36f: {  	s0 =	sor.u32 s2, s0;
	s2 =	sand.u32 $0x380, s28;
	[tilespmem:s25+$0x8150] =	vst.add.f32.msk $0xffff, v3  }
0x370: {  	[tilespmem:s25+$0x8160] =	vst.add.f32.msk $0xffff, v4;
	s25 =	sor.u32 s2, s0  }
0x371: {  	v3 =	vld [tilespmem:s25+$0x4170]  }
0x372: {  	v8 =	vld [tilespmem:s25+$0x4100]  }
0x373: {  	v9 =	vld [tilespmem:s25+$0x4110]  }
0x374: {  	v7 =	vld [tilespmem:s25+$0x4120]  }
0x375: {  	v6 =	vld [tilespmem:s25+$0x4130]  }
0x376: {  	[tilespmem:s25+$0x8170] =	vst.add.f32.msk $0xffff, v3  }
.Ltmp15:
0x377: {  	v5 =	vld [tilespmem:s25+$0x4140];
	(pc) =	sbr.rel @p0 .LBB2_32-.Ltmp15, $4  }
0x378: {  	v3 =	vld [tilespmem:s25+$0x4150]  }
0x379: {  	v4 =	vld [tilespmem:s25+$0x4160]  }
0x37a: {  	[tilespmem:s25+$0x8100] =	vst.add.f32.msk $0xffff, v8  }
0x37b: {  	[tilespmem:s25+$0x8110] =	vst.add.f32.msk $0xffff, v9  }
0x37c: {  	[tilespmem:s25+$0x8120] =	vst.add.f32.msk $0xffff, v7  }
0x37d: {  	[tilespmem:s25+$0x8130] =	vst.add.f32.msk $0xffff, v6  }
0x37e: {  	[tilespmem:s25+$0x8140] =	vst.add.f32.msk $0xffff, v5  }
0x37f: {  	[tilespmem:s25+$0x8150] =	vst.add.f32.msk $0xffff, v3  }
0x380: {  	[tilespmem:s25+$0x8160] =	vst.add.f32.msk $0xffff, v4  }
0x381: {  	s0 =	sld [smem:$0x7DA];
	_ =	sdelay $0x1  }
0x382: {  	s24 =	simm.s32 $0x0  }
0x383: {  	[hbm4b:s0+s24] =	stream.linear.scatter [tilespmem:s29], [sflag:$0x6], $0x4000, $0x38;
	[tilespmem:$0x14100] =	vst v63  }
0x384: {  	_ =	swait.ge [sflag:s31], $0x4000  }
0x385: {  	[sflag:s31] =	ssyncset.done $0x0  }
0x386: {  	s2 =	simm.s32 $0x80;
	s25 =	rddreg [dreg:$0xc];
	[sflag:s31] =	ssyncadd.s32 $0xFFFFC000  }
0x387: {  	[tilespmem:s2], [sflag:$0x9] =	stream.linear.gather [hbm4b:s25+s24], $0x10, $0x38;
	[tilespmem:$0x14100] =	vst v63  }
0x388: {  	_ =	swait.ge [sflag:s19], $0x10  }
0x389: {  	[sflag:s19] =	ssyncset.done $0x0  }
0x38a: {  	[sflag:s19] =	ssyncadd.s32 $0xFFFFFFF0  }
0x38b: {  	v3 =	vld [tilespmem:$0x80];
	_ =	sdelay $0x4  }
0x38c: {  	v4 =	vshll.u32 v3, $0x3  }
0x38d: {  	v3 =	vand.u32 $0x7, v3;
	v4 =	vand.u32 $0xFFFFFFC0, v4  }
0x38e: {  	v3 =	vor.u32 v3, v4  }
0x38f: {  	v4 =	vperm.xlane v3, v0;
	_ =	sdelay $0x1  }
0x390: {  	v4 =	vadd.s32 v1, v4;
	_ =	sdelay $0x3  }
0x391: {  	s26 =	simm.s32 $0x4100  }
0x392: {  	[tilespmem:s26], [sflag:$0x2] =	stream.indirect_vreg.gather [hbm4b:s11+s24], $0x80, v4, vm0, $0xb8;
	[tilespmem:$0x14100] =	vst v63  }
0x393: {  	v3 =	vperm.xlane v3, v2  }
0x394: {  	[tilespmem:s3], [sflag:$0x2] =	stream.indirect_vreg.gather [hbm4b:s16+s24], $0x80, v4, vm0, $0xb8;
	[tilespmem:$0x14100] =	vst v63  }
0x395: {  	v3 =	vadd.s32 v1, v3  }
0x396: {  	[tilespmem:s4], [sflag:$0x2] =	stream.indirect_vreg.gather [hbm4b:s17+s24], $0x80, v4, vm0, $0xb8;
	[tilespmem:$0x14100] =	vst v63  }
0x397: {  	_ = 	snop  }
0x398: {  	[tilespmem:s5], [sflag:$0x2] =	stream.indirect_vreg.gather [hbm4b:s18+s24], $0x80, v4, vm0, $0xb8;
	[tilespmem:$0x14100] =	vst v63  }
0x399: {  	_ = 	snop  }
0x39a: {  	[tilespmem:s6], [sflag:$0x2] =	stream.indirect_vreg.gather [hbm4b:s11+s24], $0x80, v3, vm0, $0xb8;
	[tilespmem:$0x14100] =	vst v63  }
0x39b: {  	_ = 	snop  }
0x39c: {  	[tilespmem:s7], [sflag:$0x2] =	stream.indirect_vreg.gather [hbm4b:s16+s24], $0x80, v3, vm0, $0xb8;
	[tilespmem:$0x14100] =	vst v63  }
0x39d: {  	_ = 	snop  }
0x39e: {  	[tilespmem:s8], [sflag:$0x2] =	stream.indirect_vreg.gather [hbm4b:s17+s24], $0x80, v3, vm0, $0xb8;
	[tilespmem:$0x14100] =	vst v63  }
0x39f: {  	_ = 	snop  }
0x3a0: {  	[tilespmem:s9], [sflag:$0x2] =	stream.indirect_vreg.gather [hbm4b:s18+s24], $0x80, v3, vm0, $0xb8;
	[tilespmem:$0x14100] =	vst v63  }
0x3a1: {  	_ =	swait.ge [sflag:s13], $0x4000  }
0x3a2: {  	s28 =	sld [smem:$0x7DF]  }
0x3a3: {  	[sflag:s13] =	ssyncset.done $0x0  }
0x3a4: {  	s2 =	simm.s32 $0x0;
	s25 =	sand.u32 $0x1C00, s24;
	[sflag:s13] =	ssyncadd.s32 $0xFFFFC000  }
0x3a5: {  	[tilespmem:s29], [sflag:$0x3] =	stream.linear.gather [hbm4b:s28+s24], $0x4000, $0x38;
	[tilespmem:$0x14100] =	vst v63  }
0x3a6: {  	s0 =	sand.u32 $0x2000, s2;
	s26 =	simm.s32 $0x0;
	_ =	swait.ge [sflag:s14], $0x4000  }
0x3a7: {  	s0 =	sor.u32 s25, s0;
	s28 =	sand.u32 $0x380, s26;
	[sflag:s14] =	ssyncset.done $0x0  }
0x3a8: {  	s25 =	sor.u32 s28, s0;
	[sflag:s14] =	ssyncadd.s32 $0xFFFFC000  }
0x3a9: {  	v3 =	vld [tilespmem:s25+$0x170]  }
0x3aa: {  	v8 =	vld [tilespmem:s25+$0x100]  }
0x3ab: {  	v9 =	vld [tilespmem:s25+$0x110]  }
0x3ac: {  	v7 =	vld [tilespmem:s25+$0x120]  }
0x3ad: {  	v6 =	vld [tilespmem:s25+$0x130]  }
0x3ae: {  	v5 =	vld [tilespmem:s25+$0x140]  }
0x3af: {  	v4 =	vld [tilespmem:s25+$0x160]  }
0x3b0: {  	[tilespmem:s25+$0xC170] =	vst.add.f32.msk $0xffff, v3  }
0x3b1: {  	v3 =	vld [tilespmem:s25+$0x150]  }
0x3b2: {  	[tilespmem:s25+$0xC100] =	vst.add.f32.msk $0xffff, v8  }
0x3b3: {  	s26 =	simm.s32 $0x0;
	[tilespmem:s25+$0xC110] =	vst.add.f32.msk $0xffff, v9  }
.LBB2_34:
0x3b4: {  	s26 =	sadd.s32 $0x8, s26;
	[tilespmem:s25+$0xC120] =	vst.add.f32.msk $0xffff, v7  }
0x3b5: {  	s24 =	sadd.s32 $0x400, s24;
	s0 =	sshll.u32 s26, $0x4;
	p0 =	slt.u32 s26, $0x3F8;
	[tilespmem:s25+$0xC130] =	vst.add.f32.msk $0xffff, v6  }
0x3b6: {  	s2 =	sand.u32 $0x1C00, s24;
	s28 =	sshll.u32 s26, $0x1;
	s0 =	sand.u32 $0x2000, s0;
	[tilespmem:s25+$0xC140] =	vst.add.f32.msk $0xffff, v5  }
0x3b7: {  	s0 =	sor.u32 s2, s0;
	s2 =	sand.u32 $0x380, s28;
	[tilespmem:s25+$0xC150] =	vst.add.f32.msk $0xffff, v3  }
0x3b8: {  	[tilespmem:s25+$0xC160] =	vst.add.f32.msk $0xffff, v4;
	s25 =	sor.u32 s2, s0  }
0x3b9: {  	v3 =	vld [tilespmem:s25+$0x170]  }
0x3ba: {  	v8 =	vld [tilespmem:s25+$0x100]  }
0x3bb: {  	v9 =	vld [tilespmem:s25+$0x110]  }
0x3bc: {  	v7 =	vld [tilespmem:s25+$0x120]  }
0x3bd: {  	v6 =	vld [tilespmem:s25+$0x130]  }
0x3be: {  	[tilespmem:s25+$0xC170] =	vst.add.f32.msk $0xffff, v3  }
.Ltmp16:
0x3bf: {  	v5 =	vld [tilespmem:s25+$0x140];
	(pc) =	sbr.rel @p0 .LBB2_34-.Ltmp16, $4  }
0x3c0: {  	v3 =	vld [tilespmem:s25+$0x150]  }
0x3c1: {  	v4 =	vld [tilespmem:s25+$0x160]  }
0x3c2: {  	[tilespmem:s25+$0xC100] =	vst.add.f32.msk $0xffff, v8  }
0x3c3: {  	[tilespmem:s25+$0xC110] =	vst.add.f32.msk $0xffff, v9  }
0x3c4: {  	[tilespmem:s25+$0xC120] =	vst.add.f32.msk $0xffff, v7  }
0x3c5: {  	[tilespmem:s25+$0xC130] =	vst.add.f32.msk $0xffff, v6  }
0x3c6: {  	[tilespmem:s25+$0xC140] =	vst.add.f32.msk $0xffff, v5  }
0x3c7: {  	[tilespmem:s25+$0xC150] =	vst.add.f32.msk $0xffff, v3  }
0x3c8: {  	[tilespmem:s25+$0xC160] =	vst.add.f32.msk $0xffff, v4  }
0x3c9: {  	s0 =	sld [smem:$0x7DC];
	_ =	sdelay $0x1  }
0x3ca: {  	s24 =	simm.s32 $0x0  }
0x3cb: {  	[hbm4b:s0+s24] =	stream.linear.scatter [tilespmem:s30], [sflag:$0x7], $0x4000, $0x38;
	[tilespmem:$0x14100] =	vst v63  }
0x3cc: {  	_ =	swait.ge [sflag:s15], $0x4000  }
0x3cd: {  	s2 =	sld [smem:$0x7E1]  }
0x3ce: {  	[sflag:s15] =	ssyncset.done $0x0  }
0x3cf: {  	s26 =	simm.s32 $0x0;
	s25 =	simm.s32 $0x0;
	[sflag:s15] =	ssyncadd.s32 $0xFFFFC000  }
0x3d0: {  	[tilespmem:s30], [sflag:$0x4] =	stream.linear.gather [hbm4b:s2+s24], $0x4000, $0x38;
	[tilespmem:$0x14100] =	vst v63  }
0x3d1: {  	s0 =	sand.u32 $0x2000, s25;
	s2 =	sand.u32 $0x1C00, s24;
	_ =	swait.ge [sflag:s20], $0x4000  }
0x3d2: {  	s28 =	sand.u32 $0x380, s26;
	s0 =	sor.u32 s2, s0;
	[sflag:s20] =	ssyncset.done $0x0  }
0x3d3: {  	s25 =	sor.u32 s28, s0;
	[sflag:s20] =	ssyncadd.s32 $0xFFFFC000  }
0x3d4: {  	v3 =	vld [tilespmem:s25+$0x170]  }
0x3d5: {  	v8 =	vld [tilespmem:s25+$0x100]  }
0x3d6: {  	v9 =	vld [tilespmem:s25+$0x110]  }
0x3d7: {  	v7 =	vld [tilespmem:s25+$0x120]  }
0x3d8: {  	v6 =	vld [tilespmem:s25+$0x130]  }
0x3d9: {  	v5 =	vld [tilespmem:s25+$0x140]  }
0x3da: {  	v4 =	vld [tilespmem:s25+$0x160]  }
0x3db: {  	[tilespmem:s25+$0x10170] =	vst.add.f32.msk $0xffff, v3  }
0x3dc: {  	v3 =	vld [tilespmem:s25+$0x150]  }
0x3dd: {  	[tilespmem:s25+$0x10100] =	vst.add.f32.msk $0xffff, v8  }
0x3de: {  	s26 =	simm.s32 $0x0;
	[tilespmem:s25+$0x10110] =	vst.add.f32.msk $0xffff, v9  }
.LBB2_36:
0x3df: {  	s26 =	sadd.s32 $0x8, s26;
	[tilespmem:s25+$0x10120] =	vst.add.f32.msk $0xffff, v7  }
0x3e0: {  	s24 =	sadd.s32 $0x400, s24;
	s0 =	sshll.u32 s26, $0x4;
	p0 =	slt.u32 s26, $0x3F8;
	[tilespmem:s25+$0x10130] =	vst.add.f32.msk $0xffff, v6  }
0x3e1: {  	s2 =	sand.u32 $0x1C00, s24;
	s28 =	sshll.u32 s26, $0x1;
	s0 =	sand.u32 $0x2000, s0;
	[tilespmem:s25+$0x10140] =	vst.add.f32.msk $0xffff, v5  }
0x3e2: {  	s0 =	sor.u32 s2, s0;
	s2 =	sand.u32 $0x380, s28;
	[tilespmem:s25+$0x10150] =	vst.add.f32.msk $0xffff, v3  }
0x3e3: {  	[tilespmem:s25+$0x10160] =	vst.add.f32.msk $0xffff, v4;
	s25 =	sor.u32 s2, s0  }
0x3e4: {  	v3 =	vld [tilespmem:s25+$0x170]  }
0x3e5: {  	v8 =	vld [tilespmem:s25+$0x100]  }
0x3e6: {  	v9 =	vld [tilespmem:s25+$0x110]  }
0x3e7: {  	v7 =	vld [tilespmem:s25+$0x120]  }
0x3e8: {  	v6 =	vld [tilespmem:s25+$0x130]  }
0x3e9: {  	[tilespmem:s25+$0x10170] =	vst.add.f32.msk $0xffff, v3  }
.Ltmp17:
0x3ea: {  	v5 =	vld [tilespmem:s25+$0x140];
	(pc) =	sbr.rel @p0 .LBB2_36-.Ltmp17, $4  }
0x3eb: {  	v3 =	vld [tilespmem:s25+$0x150]  }
0x3ec: {  	v4 =	vld [tilespmem:s25+$0x160]  }
0x3ed: {  	[tilespmem:s25+$0x10100] =	vst.add.f32.msk $0xffff, v8  }
0x3ee: {  	[tilespmem:s25+$0x10110] =	vst.add.f32.msk $0xffff, v9  }
0x3ef: {  	[tilespmem:s25+$0x10120] =	vst.add.f32.msk $0xffff, v7  }
0x3f0: {  	[tilespmem:s25+$0x10130] =	vst.add.f32.msk $0xffff, v6  }
0x3f1: {  	[tilespmem:s25+$0x10140] =	vst.add.f32.msk $0xffff, v5  }
0x3f2: {  	[tilespmem:s25+$0x10150] =	vst.add.f32.msk $0xffff, v3  }
0x3f3: {  	[tilespmem:s25+$0x10160] =	vst.add.f32.msk $0xffff, v4  }
0x3f4: {  	s0 =	sld [smem:$0x7DE];
	_ =	sdelay $0x1  }
0x3f5: {  	s24 =	simm.s32 $0x0  }
0x3f6: {  	[hbm4b:s0+s24] =	stream.linear.scatter [tilespmem:s10], [sflag:$0x8], $0x4000, $0x38;
	[tilespmem:$0x14100] =	vst v63  }
0x3f7: {  	_ =	swait.ge [sflag:s21], $0x4000  }
0x3f8: {  	s2 =	sld [smem:$0x7E3]  }
0x3f9: {  	[sflag:s21] =	ssyncset.done $0x0  }
0x3fa: {  	s26 =	simm.s32 $0x0;
	s25 =	simm.s32 $0x0;
	[sflag:s21] =	ssyncadd.s32 $0xFFFFC000  }
0x3fb: {  	[tilespmem:s10], [sflag:$0x5] =	stream.linear.gather [hbm4b:s2+s24], $0x4000, $0x38;
	[tilespmem:$0x14100] =	vst v63  }
0x3fc: {  	s0 =	sand.u32 $0x2000, s25;
	s2 =	sand.u32 $0x1C00, s24;
	_ =	swait.ge [sflag:s12], $0x4000  }
0x3fd: {  	s28 =	sand.u32 $0x380, s26;
	s0 =	sor.u32 s2, s0;
	[sflag:s12] =	ssyncset.done $0x0  }
0x3fe: {  	s25 =	sor.u32 s28, s0;
	[sflag:s12] =	ssyncadd.s32 $0xFFFFC000  }
0x3ff: {  	v3 =	vld [tilespmem:s25+$0x170]  }
0x400: {  	v8 =	vld [tilespmem:s25+$0x100]  }
0x401: {  	v9 =	vld [tilespmem:s25+$0x110]  }
0x402: {  	v7 =	vld [tilespmem:s25+$0x120]  }
0x403: {  	v6 =	vld [tilespmem:s25+$0x130]  }
0x404: {  	v5 =	vld [tilespmem:s25+$0x140]  }
0x405: {  	v4 =	vld [tilespmem:s25+$0x160]  }
0x406: {  	[tilespmem:s25+$0x8170] =	vst.add.f32.msk $0xffff, v3  }
0x407: {  	v3 =	vld [tilespmem:s25+$0x150]  }
0x408: {  	[tilespmem:s25+$0x8100] =	vst.add.f32.msk $0xffff, v8  }
0x409: {  	s26 =	simm.s32 $0x0;
	[tilespmem:s25+$0x8110] =	vst.add.f32.msk $0xffff, v9  }
.LBB2_38:
0x40a: {  	s26 =	sadd.s32 $0x8, s26;
	[tilespmem:s25+$0x8120] =	vst.add.f32.msk $0xffff, v7  }
0x40b: {  	s24 =	sadd.s32 $0x400, s24;
	s0 =	sshll.u32 s26, $0x4;
	p0 =	slt.u32 s26, $0x3F8;
	[tilespmem:s25+$0x8130] =	vst.add.f32.msk $0xffff, v6  }
0x40c: {  	s2 =	sand.u32 $0x1C00, s24;
	s28 =	sshll.u32 s26, $0x1;
	s0 =	sand.u32 $0x2000, s0;
	[tilespmem:s25+$0x8140] =	vst.add.f32.msk $0xffff, v5  }
0x40d: {  	s0 =	sor.u32 s2, s0;
	s2 =	sand.u32 $0x380, s28;
	[tilespmem:s25+$0x8150] =	vst.add.f32.msk $0xffff, v3  }
0x40e: {  	[tilespmem:s25+$0x8160] =	vst.add.f32.msk $0xffff, v4;
	s25 =	sor.u32 s2, s0  }
0x40f: {  	v3 =	vld [tilespmem:s25+$0x170]  }
0x410: {  	v8 =	vld [tilespmem:s25+$0x100]  }
0x411: {  	v9 =	vld [tilespmem:s25+$0x110]  }
0x412: {  	v7 =	vld [tilespmem:s25+$0x120]  }
0x413: {  	v6 =	vld [tilespmem:s25+$0x130]  }
0x414: {  	[tilespmem:s25+$0x8170] =	vst.add.f32.msk $0xffff, v3  }
.Ltmp18:
0x415: {  	v5 =	vld [tilespmem:s25+$0x140];
	(pc) =	sbr.rel @p0 .LBB2_38-.Ltmp18, $4  }
0x416: {  	v3 =	vld [tilespmem:s25+$0x150]  }
0x417: {  	v4 =	vld [tilespmem:s25+$0x160]  }
0x418: {  	[tilespmem:s25+$0x8100] =	vst.add.f32.msk $0xffff, v8  }
0x419: {  	[tilespmem:s25+$0x8110] =	vst.add.f32.msk $0xffff, v9  }
0x41a: {  	[tilespmem:s25+$0x8120] =	vst.add.f32.msk $0xffff, v7  }
0x41b: {  	[tilespmem:s25+$0x8130] =	vst.add.f32.msk $0xffff, v6  }
0x41c: {  	[tilespmem:s25+$0x8140] =	vst.add.f32.msk $0xffff, v5  }
0x41d: {  	[tilespmem:s25+$0x8150] =	vst.add.f32.msk $0xffff, v3  }
0x41e: {  	[tilespmem:s25+$0x8160] =	vst.add.f32.msk $0xffff, v4  }
0x41f: {  	s0 =	sld [smem:$0x7E0];
	_ =	sdelay $0x1  }
0x420: {  	s24 =	simm.s32 $0x0  }
0x421: {  	[hbm4b:s0+s24] =	stream.linear.scatter [tilespmem:s29], [sflag:$0x6], $0x4000, $0x38;
	[tilespmem:$0x14100] =	vst v63  }
0x422: {  	_ =	swait.ge [sflag:s13], $0x4000  }
0x423: {  	s2 =	sld [smem:$0x7E5]  }
0x424: {  	[sflag:s13] =	ssyncset.done $0x0  }
0x425: {  	s26 =	simm.s32 $0x0;
	s25 =	simm.s32 $0x0;
	[sflag:s13] =	ssyncadd.s32 $0xFFFFC000  }
0x426: {  	[tilespmem:s29], [sflag:$0x3] =	stream.linear.gather [hbm4b:s2+s24], $0x4000, $0x38;
	[tilespmem:$0x14100] =	vst v63  }
0x427: {  	s0 =	sand.u32 $0x2000, s25;
	s2 =	sand.u32 $0x1C00, s24;
	_ =	swait.ge [sflag:s14], $0x4000  }
0x428: {  	s28 =	sand.u32 $0x380, s26;
	s0 =	sor.u32 s2, s0;
	[sflag:s14] =	ssyncset.done $0x0  }
0x429: {  	s25 =	sor.u32 s28, s0;
	[sflag:s14] =	ssyncadd.s32 $0xFFFFC000  }
0x42a: {  	v3 =	vld [tilespmem:s25+$0x170]  }
0x42b: {  	v8 =	vld [tilespmem:s25+$0x100]  }
0x42c: {  	v9 =	vld [tilespmem:s25+$0x110]  }
0x42d: {  	v7 =	vld [tilespmem:s25+$0x120]  }
0x42e: {  	v6 =	vld [tilespmem:s25+$0x130]  }
0x42f: {  	v5 =	vld [tilespmem:s25+$0x140]  }
0x430: {  	v4 =	vld [tilespmem:s25+$0x160]  }
0x431: {  	[tilespmem:s25+$0xC170] =	vst.add.f32.msk $0xffff, v3  }
0x432: {  	v3 =	vld [tilespmem:s25+$0x150]  }
0x433: {  	[tilespmem:s25+$0xC100] =	vst.add.f32.msk $0xffff, v8  }
0x434: {  	s26 =	simm.s32 $0x0;
	[tilespmem:s25+$0xC110] =	vst.add.f32.msk $0xffff, v9  }
.LBB2_40:
0x435: {  	s26 =	sadd.s32 $0x8, s26;
	[tilespmem:s25+$0xC120] =	vst.add.f32.msk $0xffff, v7  }
0x436: {  	s24 =	sadd.s32 $0x400, s24;
	s0 =	sshll.u32 s26, $0x4;
	p0 =	slt.u32 s26, $0x3F8;
	[tilespmem:s25+$0xC130] =	vst.add.f32.msk $0xffff, v6  }
0x437: {  	s2 =	sand.u32 $0x1C00, s24;
	s28 =	sshll.u32 s26, $0x1;
	s0 =	sand.u32 $0x2000, s0;
	[tilespmem:s25+$0xC140] =	vst.add.f32.msk $0xffff, v5  }
0x438: {  	s0 =	sor.u32 s2, s0;
	s2 =	sand.u32 $0x380, s28;
	[tilespmem:s25+$0xC150] =	vst.add.f32.msk $0xffff, v3  }
0x439: {  	[tilespmem:s25+$0xC160] =	vst.add.f32.msk $0xffff, v4;
	s25 =	sor.u32 s2, s0  }
0x43a: {  	v3 =	vld [tilespmem:s25+$0x170]  }
0x43b: {  	v8 =	vld [tilespmem:s25+$0x100]  }
0x43c: {  	v9 =	vld [tilespmem:s25+$0x110]  }
0x43d: {  	v7 =	vld [tilespmem:s25+$0x120]  }
0x43e: {  	v6 =	vld [tilespmem:s25+$0x130]  }
0x43f: {  	[tilespmem:s25+$0xC170] =	vst.add.f32.msk $0xffff, v3  }
.Ltmp19:
0x440: {  	v5 =	vld [tilespmem:s25+$0x140];
	(pc) =	sbr.rel @p0 .LBB2_40-.Ltmp19, $4  }
0x441: {  	v3 =	vld [tilespmem:s25+$0x150]  }
0x442: {  	v4 =	vld [tilespmem:s25+$0x160]  }
0x443: {  	[tilespmem:s25+$0xC100] =	vst.add.f32.msk $0xffff, v8  }
0x444: {  	[tilespmem:s25+$0xC110] =	vst.add.f32.msk $0xffff, v9  }
0x445: {  	[tilespmem:s25+$0xC120] =	vst.add.f32.msk $0xffff, v7  }
0x446: {  	[tilespmem:s25+$0xC130] =	vst.add.f32.msk $0xffff, v6  }
0x447: {  	[tilespmem:s25+$0xC140] =	vst.add.f32.msk $0xffff, v5  }
0x448: {  	[tilespmem:s25+$0xC150] =	vst.add.f32.msk $0xffff, v3  }
0x449: {  	[tilespmem:s25+$0xC160] =	vst.add.f32.msk $0xffff, v4  }
0x44a: {  	s0 =	sld [smem:$0x7E2];
	_ =	sdelay $0x1  }
0x44b: {  	s24 =	simm.s32 $0x0  }
0x44c: {  	[hbm4b:s0+s24] =	stream.linear.scatter [tilespmem:s30], [sflag:$0x7], $0x4000, $0x38;
	[tilespmem:$0x14100] =	vst v63  }
0x44d: {  	_ =	swait.ge [sflag:s22], $0x4000  }
0x44e: {  	[sflag:s22] =	ssyncset.done $0x0  }
0x44f: {  	s28 =	rddreg [dreg:$0xd];
	[sflag:s22] =	ssyncadd.s32 $0xFFFFC000  }
0x450: {  	[tilespmem:s24], [sflag:$0x9] =	stream.linear.gather [hbm4b:s28+s24], $0x10, $0x38;
	[tilespmem:$0x14100] =	vst v63  }
0x451: {  	_ =	swait.ge [sflag:s19], $0x10  }
0x452: {  	[sflag:s19] =	ssyncset.done $0x0  }
0x453: {  	[sflag:s19] =	ssyncadd.s32 $0xFFFFFFF0  }
0x454: {  	v3 =	vld [tilespmem:$0x0];
	_ =	sdelay $0x4  }
0x455: {  	v4 =	vshll.u32 v3, $0x3  }
0x456: {  	v3 =	vand.u32 $0x7, v3;
	v4 =	vand.u32 $0xFFFFFFC0, v4  }
0x457: {  	v3 =	vor.u32 v3, v4  }
0x458: {  	v4 =	vperm.xlane v3, v0;
	_ =	sdelay $0x1  }
0x459: {  	v4 =	vadd.s32 v1, v4;
	_ =	sdelay $0x3  }
0x45a: {  	s2 =	simm.s32 $0x100  }
0x45b: {  	[tilespmem:s2], [sflag:$0x1] =	stream.indirect_vreg.gather [hbm4b:s11+s24], $0x80, v4, vm0, $0xb8;
	[tilespmem:$0x14100] =	vst v63  }
0x45c: {  	s25 =	simm.s32 $0x900;
	v3 =	vperm.xlane v3, v2  }
0x45d: {  	[tilespmem:s25], [sflag:$0x1] =	stream.indirect_vreg.gather [hbm4b:s16+s24], $0x80, v4, vm0, $0xb8;
	[tilespmem:$0x14100] =	vst v63  }
0x45e: {  	s26 =	simm.s32 $0x1100;
	v3 =	vadd.s32 v1, v3  }
0x45f: {  	[tilespmem:s26], [sflag:$0x1] =	stream.indirect_vreg.gather [hbm4b:s17+s24], $0x80, v4, vm0, $0xb8;
	[tilespmem:$0x14100] =	vst v63  }
0x460: {  	s28 =	simm.s32 $0x1900  }
0x461: {  	[tilespmem:s28], [sflag:$0x1] =	stream.indirect_vreg.gather [hbm4b:s18+s24], $0x80, v4, vm0, $0xb8;
	[tilespmem:$0x14100] =	vst v63  }
0x462: {  	s2 =	simm.s32 $0x2100  }
0x463: {  	[tilespmem:s2], [sflag:$0x1] =	stream.indirect_vreg.gather [hbm4b:s11+s24], $0x80, v3, vm0, $0xb8;
	[tilespmem:$0x14100] =	vst v63  }
0x464: {  	s25 =	simm.s32 $0x2900  }
0x465: {  	[tilespmem:s25], [sflag:$0x1] =	stream.indirect_vreg.gather [hbm4b:s16+s24], $0x80, v3, vm0, $0xb8;
	[tilespmem:$0x14100] =	vst v63  }
0x466: {  	s26 =	simm.s32 $0x3100  }
0x467: {  	[tilespmem:s26], [sflag:$0x1] =	stream.indirect_vreg.gather [hbm4b:s17+s24], $0x80, v3, vm0, $0xb8;
	[tilespmem:$0x14100] =	vst v63  }
0x468: {  	s28 =	simm.s32 $0x3900  }
0x469: {  	[tilespmem:s28], [sflag:$0x1] =	stream.indirect_vreg.gather [hbm4b:s18+s24], $0x80, v3, vm0, $0xb8;
	[tilespmem:$0x14100] =	vst v63  }
0x46a: {  	_ =	swait.ge [sflag:s15], $0x4000  }
0x46b: {  	s2 =	sld [smem:$0x7E7]  }
0x46c: {  	s25 =	simm.s32 $0x0;
	[sflag:s15] =	ssyncset.done $0x0  }
0x46d: {  	s0 =	sand.u32 $0x2000, s25;
	[sflag:s15] =	ssyncadd.s32 $0xFFFFC000  }
0x46e: {  	[tilespmem:s30], [sflag:$0x4] =	stream.linear.gather [hbm4b:s2+s24], $0x4000, $0x38;
	[tilespmem:$0x14100] =	vst v63  }
0x46f: {  	s26 =	simm.s32 $0x0;
	s2 =	sand.u32 $0x1C00, s24;
	_ =	swait.ge [sflag:s20], $0x4000  }
0x470: {  	s28 =	sand.u32 $0x380, s26;
	s0 =	sor.u32 s2, s0;
	[sflag:s20] =	ssyncset.done $0x0  }
0x471: {  	s25 =	sor.u32 s28, s0;
	[sflag:s20] =	ssyncadd.s32 $0xFFFFC000  }
0x472: {  	v3 =	vld [tilespmem:s25+$0x4170]  }
0x473: {  	v8 =	vld [tilespmem:s25+$0x4100]  }
0x474: {  	v9 =	vld [tilespmem:s25+$0x4110]  }
0x475: {  	v7 =	vld [tilespmem:s25+$0x4120]  }
0x476: {  	v6 =	vld [tilespmem:s25+$0x4130]  }
0x477: {  	v5 =	vld [tilespmem:s25+$0x4140]  }
0x478: {  	v4 =	vld [tilespmem:s25+$0x4160]  }
0x479: {  	[tilespmem:s25+$0x10170] =	vst.add.f32.msk $0xffff, v3  }
0x47a: {  	v3 =	vld [tilespmem:s25+$0x4150]  }
0x47b: {  	[tilespmem:s25+$0x10100] =	vst.add.f32.msk $0xffff, v8  }
0x47c: {  	s26 =	simm.s32 $0x0;
	[tilespmem:s25+$0x10110] =	vst.add.f32.msk $0xffff, v9  }
.LBB2_42:
0x47d: {  	s26 =	sadd.s32 $0x8, s26;
	[tilespmem:s25+$0x10120] =	vst.add.f32.msk $0xffff, v7  }
0x47e: {  	s24 =	sadd.s32 $0x400, s24;
	s0 =	sshll.u32 s26, $0x4;
	p0 =	slt.u32 s26, $0x3F8;
	[tilespmem:s25+$0x10130] =	vst.add.f32.msk $0xffff, v6  }
0x47f: {  	s2 =	sand.u32 $0x1C00, s24;
	s28 =	sshll.u32 s26, $0x1;
	s0 =	sand.u32 $0x2000, s0;
	[tilespmem:s25+$0x10140] =	vst.add.f32.msk $0xffff, v5  }
0x480: {  	s0 =	sor.u32 s2, s0;
	s2 =	sand.u32 $0x380, s28;
	[tilespmem:s25+$0x10150] =	vst.add.f32.msk $0xffff, v3  }
0x481: {  	[tilespmem:s25+$0x10160] =	vst.add.f32.msk $0xffff, v4;
	s25 =	sor.u32 s2, s0  }
0x482: {  	v3 =	vld [tilespmem:s25+$0x4170]  }
0x483: {  	v8 =	vld [tilespmem:s25+$0x4100]  }
0x484: {  	v9 =	vld [tilespmem:s25+$0x4110]  }
0x485: {  	v7 =	vld [tilespmem:s25+$0x4120]  }
0x486: {  	v6 =	vld [tilespmem:s25+$0x4130]  }
0x487: {  	[tilespmem:s25+$0x10170] =	vst.add.f32.msk $0xffff, v3  }
.Ltmp20:
0x488: {  	v5 =	vld [tilespmem:s25+$0x4140];
	(pc) =	sbr.rel @p0 .LBB2_42-.Ltmp20, $4  }
0x489: {  	v3 =	vld [tilespmem:s25+$0x4150]  }
0x48a: {  	v4 =	vld [tilespmem:s25+$0x4160]  }
0x48b: {  	[tilespmem:s25+$0x10100] =	vst.add.f32.msk $0xffff, v8  }
0x48c: {  	[tilespmem:s25+$0x10110] =	vst.add.f32.msk $0xffff, v9  }
0x48d: {  	[tilespmem:s25+$0x10120] =	vst.add.f32.msk $0xffff, v7  }
0x48e: {  	[tilespmem:s25+$0x10130] =	vst.add.f32.msk $0xffff, v6  }
0x48f: {  	[tilespmem:s25+$0x10140] =	vst.add.f32.msk $0xffff, v5  }
0x490: {  	[tilespmem:s25+$0x10150] =	vst.add.f32.msk $0xffff, v3  }
0x491: {  	[tilespmem:s25+$0x10160] =	vst.add.f32.msk $0xffff, v4  }
0x492: {  	s0 =	sld [smem:$0x7E4];
	_ =	sdelay $0x1  }
0x493: {  	s24 =	simm.s32 $0x0  }
0x494: {  	[hbm4b:s0+s24] =	stream.linear.scatter [tilespmem:s10], [sflag:$0x8], $0x4000, $0x38;
	[tilespmem:$0x14100] =	vst v63  }
0x495: {  	_ =	swait.ge [sflag:s21], $0x4000  }
0x496: {  	s2 =	sld [smem:$0x7E9]  }
0x497: {  	[sflag:s21] =	ssyncset.done $0x0  }
0x498: {  	s26 =	simm.s32 $0x0;
	s25 =	simm.s32 $0x0;
	[sflag:s21] =	ssyncadd.s32 $0xFFFFC000  }
0x499: {  	[tilespmem:s10], [sflag:$0x5] =	stream.linear.gather [hbm4b:s2+s24], $0x4000, $0x38;
	[tilespmem:$0x14100] =	vst v63  }
0x49a: {  	s0 =	sand.u32 $0x2000, s25;
	s2 =	sand.u32 $0x1C00, s24;
	_ =	swait.ge [sflag:s12], $0x4000  }
0x49b: {  	s28 =	sand.u32 $0x380, s26;
	s0 =	sor.u32 s2, s0;
	[sflag:s12] =	ssyncset.done $0x0  }
0x49c: {  	s25 =	sor.u32 s28, s0;
	[sflag:s12] =	ssyncadd.s32 $0xFFFFC000  }
0x49d: {  	v3 =	vld [tilespmem:s25+$0x4170]  }
0x49e: {  	v8 =	vld [tilespmem:s25+$0x4100]  }
0x49f: {  	v9 =	vld [tilespmem:s25+$0x4110]  }
0x4a0: {  	v7 =	vld [tilespmem:s25+$0x4120]  }
0x4a1: {  	v6 =	vld [tilespmem:s25+$0x4130]  }
0x4a2: {  	v5 =	vld [tilespmem:s25+$0x4140]  }
0x4a3: {  	v4 =	vld [tilespmem:s25+$0x4160]  }
0x4a4: {  	[tilespmem:s25+$0x8170] =	vst.add.f32.msk $0xffff, v3  }
0x4a5: {  	v3 =	vld [tilespmem:s25+$0x4150]  }
0x4a6: {  	[tilespmem:s25+$0x8100] =	vst.add.f32.msk $0xffff, v8  }
0x4a7: {  	s26 =	simm.s32 $0x0;
	[tilespmem:s25+$0x8110] =	vst.add.f32.msk $0xffff, v9  }
.LBB2_44:
0x4a8: {  	s26 =	sadd.s32 $0x8, s26;
	[tilespmem:s25+$0x8120] =	vst.add.f32.msk $0xffff, v7  }
0x4a9: {  	s24 =	sadd.s32 $0x400, s24;
	s0 =	sshll.u32 s26, $0x4;
	p0 =	slt.u32 s26, $0x3F8;
	[tilespmem:s25+$0x8130] =	vst.add.f32.msk $0xffff, v6  }
0x4aa: {  	s2 =	sand.u32 $0x1C00, s24;
	s28 =	sshll.u32 s26, $0x1;
	s0 =	sand.u32 $0x2000, s0;
	[tilespmem:s25+$0x8140] =	vst.add.f32.msk $0xffff, v5  }
0x4ab: {  	s0 =	sor.u32 s2, s0;
	s2 =	sand.u32 $0x380, s28;
	[tilespmem:s25+$0x8150] =	vst.add.f32.msk $0xffff, v3  }
0x4ac: {  	[tilespmem:s25+$0x8160] =	vst.add.f32.msk $0xffff, v4;
	s25 =	sor.u32 s2, s0  }
0x4ad: {  	v3 =	vld [tilespmem:s25+$0x4170]  }
0x4ae: {  	v8 =	vld [tilespmem:s25+$0x4100]  }
0x4af: {  	v9 =	vld [tilespmem:s25+$0x4110]  }
0x4b0: {  	v7 =	vld [tilespmem:s25+$0x4120]  }
0x4b1: {  	v6 =	vld [tilespmem:s25+$0x4130]  }
0x4b2: {  	[tilespmem:s25+$0x8170] =	vst.add.f32.msk $0xffff, v3  }
.Ltmp21:
0x4b3: {  	v5 =	vld [tilespmem:s25+$0x4140];
	(pc) =	sbr.rel @p0 .LBB2_44-.Ltmp21, $4  }
0x4b4: {  	v3 =	vld [tilespmem:s25+$0x4150]  }
0x4b5: {  	v4 =	vld [tilespmem:s25+$0x4160]  }
0x4b6: {  	[tilespmem:s25+$0x8100] =	vst.add.f32.msk $0xffff, v8  }
0x4b7: {  	[tilespmem:s25+$0x8110] =	vst.add.f32.msk $0xffff, v9  }
0x4b8: {  	[tilespmem:s25+$0x8120] =	vst.add.f32.msk $0xffff, v7  }
0x4b9: {  	[tilespmem:s25+$0x8130] =	vst.add.f32.msk $0xffff, v6  }
0x4ba: {  	[tilespmem:s25+$0x8140] =	vst.add.f32.msk $0xffff, v5  }
0x4bb: {  	[tilespmem:s25+$0x8150] =	vst.add.f32.msk $0xffff, v3  }
0x4bc: {  	[tilespmem:s25+$0x8160] =	vst.add.f32.msk $0xffff, v4  }
0x4bd: {  	s0 =	sld [smem:$0x7E6];
	_ =	sdelay $0x1  }
0x4be: {  	s24 =	simm.s32 $0x0  }
0x4bf: {  	[hbm4b:s0+s24] =	stream.linear.scatter [tilespmem:s29], [sflag:$0x6], $0x4000, $0x38;
	[tilespmem:$0x14100] =	vst v63  }
0x4c0: {  	_ =	swait.ge [sflag:s13], $0x4000  }
0x4c1: {  	s2 =	sld [smem:$0x7EB]  }
0x4c2: {  	[sflag:s13] =	ssyncset.done $0x0  }
0x4c3: {  	s26 =	simm.s32 $0x0;
	s25 =	simm.s32 $0x0;
	[sflag:s13] =	ssyncadd.s32 $0xFFFFC000  }
0x4c4: {  	[tilespmem:s29], [sflag:$0x3] =	stream.linear.gather [hbm4b:s2+s24], $0x4000, $0x38;
	[tilespmem:$0x14100] =	vst v63  }
0x4c5: {  	s0 =	sand.u32 $0x2000, s25;
	s2 =	sand.u32 $0x1C00, s24;
	_ =	swait.ge [sflag:s14], $0x4000  }
0x4c6: {  	s28 =	sand.u32 $0x380, s26;
	s0 =	sor.u32 s2, s0;
	[sflag:s14] =	ssyncset.done $0x0  }
0x4c7: {  	s25 =	sor.u32 s28, s0;
	[sflag:s14] =	ssyncadd.s32 $0xFFFFC000  }
0x4c8: {  	v3 =	vld [tilespmem:s25+$0x4170]  }
0x4c9: {  	v8 =	vld [tilespmem:s25+$0x4100]  }
0x4ca: {  	v9 =	vld [tilespmem:s25+$0x4110]  }
0x4cb: {  	v7 =	vld [tilespmem:s25+$0x4120]  }
0x4cc: {  	v6 =	vld [tilespmem:s25+$0x4130]  }
0x4cd: {  	v5 =	vld [tilespmem:s25+$0x4140]  }
0x4ce: {  	v4 =	vld [tilespmem:s25+$0x4160]  }
0x4cf: {  	[tilespmem:s25+$0xC170] =	vst.add.f32.msk $0xffff, v3  }
0x4d0: {  	v3 =	vld [tilespmem:s25+$0x4150]  }
0x4d1: {  	[tilespmem:s25+$0xC100] =	vst.add.f32.msk $0xffff, v8  }
0x4d2: {  	s26 =	simm.s32 $0x0;
	[tilespmem:s25+$0xC110] =	vst.add.f32.msk $0xffff, v9  }
.LBB2_46:
0x4d3: {  	s26 =	sadd.s32 $0x8, s26;
	[tilespmem:s25+$0xC120] =	vst.add.f32.msk $0xffff, v7  }
0x4d4: {  	s24 =	sadd.s32 $0x400, s24;
	s0 =	sshll.u32 s26, $0x4;
	p0 =	slt.u32 s26, $0x3F8;
	[tilespmem:s25+$0xC130] =	vst.add.f32.msk $0xffff, v6  }
0x4d5: {  	s2 =	sand.u32 $0x1C00, s24;
	s28 =	sshll.u32 s26, $0x1;
	s0 =	sand.u32 $0x2000, s0;
	[tilespmem:s25+$0xC140] =	vst.add.f32.msk $0xffff, v5  }
0x4d6: {  	s0 =	sor.u32 s2, s0;
	s2 =	sand.u32 $0x380, s28;
	[tilespmem:s25+$0xC150] =	vst.add.f32.msk $0xffff, v3  }
0x4d7: {  	[tilespmem:s25+$0xC160] =	vst.add.f32.msk $0xffff, v4;
	s25 =	sor.u32 s2, s0  }
0x4d8: {  	v3 =	vld [tilespmem:s25+$0x4170]  }
0x4d9: {  	v8 =	vld [tilespmem:s25+$0x4100]  }
0x4da: {  	v9 =	vld [tilespmem:s25+$0x4110]  }
0x4db: {  	v7 =	vld [tilespmem:s25+$0x4120]  }
0x4dc: {  	v6 =	vld [tilespmem:s25+$0x4130]  }
0x4dd: {  	[tilespmem:s25+$0xC170] =	vst.add.f32.msk $0xffff, v3  }
.Ltmp22:
0x4de: {  	v5 =	vld [tilespmem:s25+$0x4140];
	(pc) =	sbr.rel @p0 .LBB2_46-.Ltmp22, $4  }
0x4df: {  	v3 =	vld [tilespmem:s25+$0x4150]  }
0x4e0: {  	v4 =	vld [tilespmem:s25+$0x4160]  }
0x4e1: {  	[tilespmem:s25+$0xC100] =	vst.add.f32.msk $0xffff, v8  }
0x4e2: {  	[tilespmem:s25+$0xC110] =	vst.add.f32.msk $0xffff, v9  }
0x4e3: {  	[tilespmem:s25+$0xC120] =	vst.add.f32.msk $0xffff, v7  }
0x4e4: {  	[tilespmem:s25+$0xC130] =	vst.add.f32.msk $0xffff, v6  }
0x4e5: {  	[tilespmem:s25+$0xC140] =	vst.add.f32.msk $0xffff, v5  }
0x4e6: {  	[tilespmem:s25+$0xC150] =	vst.add.f32.msk $0xffff, v3  }
0x4e7: {  	[tilespmem:s25+$0xC160] =	vst.add.f32.msk $0xffff, v4  }
0x4e8: {  	s0 =	sld [smem:$0x7E8];
	_ =	sdelay $0x1  }
0x4e9: {  	s24 =	simm.s32 $0x0  }
0x4ea: {  	[hbm4b:s0+s24] =	stream.linear.scatter [tilespmem:s30], [sflag:$0x7], $0x4000, $0x38;
	[tilespmem:$0x14100] =	vst v63  }
0x4eb: {  	_ =	swait.ge [sflag:s15], $0x4000  }
0x4ec: {  	s2 =	sld [smem:$0x7ED]  }
0x4ed: {  	[sflag:s15] =	ssyncset.done $0x0  }
0x4ee: {  	s26 =	simm.s32 $0x0;
	s25 =	simm.s32 $0x0;
	[sflag:s15] =	ssyncadd.s32 $0xFFFFC000  }
0x4ef: {  	[tilespmem:s30], [sflag:$0x4] =	stream.linear.gather [hbm4b:s2+s24], $0x4000, $0x38;
	[tilespmem:$0x14100] =	vst v63  }
0x4f0: {  	s0 =	sand.u32 $0x2000, s25;
	s2 =	sand.u32 $0x1C00, s24;
	_ =	swait.ge [sflag:s20], $0x4000  }
0x4f1: {  	s28 =	sand.u32 $0x380, s26;
	s0 =	sor.u32 s2, s0;
	[sflag:s20] =	ssyncset.done $0x0  }
0x4f2: {  	s25 =	sor.u32 s28, s0;
	[sflag:s20] =	ssyncadd.s32 $0xFFFFC000  }
0x4f3: {  	v3 =	vld [tilespmem:s25+$0x4170]  }
0x4f4: {  	v8 =	vld [tilespmem:s25+$0x4100]  }
0x4f5: {  	v9 =	vld [tilespmem:s25+$0x4110]  }
0x4f6: {  	v7 =	vld [tilespmem:s25+$0x4120]  }
0x4f7: {  	v6 =	vld [tilespmem:s25+$0x4130]  }
0x4f8: {  	v5 =	vld [tilespmem:s25+$0x4140]  }
0x4f9: {  	v4 =	vld [tilespmem:s25+$0x4160]  }
0x4fa: {  	[tilespmem:s25+$0x10170] =	vst.add.f32.msk $0xffff, v3  }
0x4fb: {  	v3 =	vld [tilespmem:s25+$0x4150]  }
0x4fc: {  	[tilespmem:s25+$0x10100] =	vst.add.f32.msk $0xffff, v8  }
0x4fd: {  	s26 =	simm.s32 $0x0;
	[tilespmem:s25+$0x10110] =	vst.add.f32.msk $0xffff, v9  }
.LBB2_48:
0x4fe: {  	s26 =	sadd.s32 $0x8, s26;
	[tilespmem:s25+$0x10120] =	vst.add.f32.msk $0xffff, v7  }
0x4ff: {  	s24 =	sadd.s32 $0x400, s24;
	s0 =	sshll.u32 s26, $0x4;
	p0 =	slt.u32 s26, $0x3F8;
	[tilespmem:s25+$0x10130] =	vst.add.f32.msk $0xffff, v6  }
0x500: {  	s2 =	sand.u32 $0x1C00, s24;
	s28 =	sshll.u32 s26, $0x1;
	s0 =	sand.u32 $0x2000, s0;
	[tilespmem:s25+$0x10140] =	vst.add.f32.msk $0xffff, v5  }
0x501: {  	s0 =	sor.u32 s2, s0;
	s2 =	sand.u32 $0x380, s28;
	[tilespmem:s25+$0x10150] =	vst.add.f32.msk $0xffff, v3  }
0x502: {  	[tilespmem:s25+$0x10160] =	vst.add.f32.msk $0xffff, v4;
	s25 =	sor.u32 s2, s0  }
0x503: {  	v3 =	vld [tilespmem:s25+$0x4170]  }
0x504: {  	v8 =	vld [tilespmem:s25+$0x4100]  }
0x505: {  	v9 =	vld [tilespmem:s25+$0x4110]  }
0x506: {  	v7 =	vld [tilespmem:s25+$0x4120]  }
0x507: {  	v6 =	vld [tilespmem:s25+$0x4130]  }
0x508: {  	[tilespmem:s25+$0x10170] =	vst.add.f32.msk $0xffff, v3  }
.Ltmp23:
0x509: {  	v5 =	vld [tilespmem:s25+$0x4140];
	(pc) =	sbr.rel @p0 .LBB2_48-.Ltmp23, $4  }
0x50a: {  	v3 =	vld [tilespmem:s25+$0x4150]  }
0x50b: {  	v4 =	vld [tilespmem:s25+$0x4160]  }
0x50c: {  	[tilespmem:s25+$0x10100] =	vst.add.f32.msk $0xffff, v8  }
0x50d: {  	[tilespmem:s25+$0x10110] =	vst.add.f32.msk $0xffff, v9  }
0x50e: {  	[tilespmem:s25+$0x10120] =	vst.add.f32.msk $0xffff, v7  }
0x50f: {  	[tilespmem:s25+$0x10130] =	vst.add.f32.msk $0xffff, v6  }
0x510: {  	[tilespmem:s25+$0x10140] =	vst.add.f32.msk $0xffff, v5  }
0x511: {  	[tilespmem:s25+$0x10150] =	vst.add.f32.msk $0xffff, v3  }
0x512: {  	[tilespmem:s25+$0x10160] =	vst.add.f32.msk $0xffff, v4  }
0x513: {  	s0 =	sld [smem:$0x7EA];
	_ =	sdelay $0x1  }
0x514: {  	s24 =	simm.s32 $0x0  }
0x515: {  	[hbm4b:s0+s24] =	stream.linear.scatter [tilespmem:s10], [sflag:$0x8], $0x4000, $0x38;
	[tilespmem:$0x14100] =	vst v63  }
0x516: {  	_ =	swait.ge [sflag:s31], $0x4000  }
0x517: {  	[sflag:s31] =	ssyncset.done $0x0  }
0x518: {  	s2 =	simm.s32 $0x80;
	s25 =	rddreg [dreg:$0xe];
	[sflag:s31] =	ssyncadd.s32 $0xFFFFC000  }
0x519: {  	[tilespmem:s2], [sflag:$0x9] =	stream.linear.gather [hbm4b:s25+s24], $0x10, $0x38;
	[tilespmem:$0x14100] =	vst v63  }
0x51a: {  	_ =	swait.ge [sflag:s19], $0x10  }
0x51b: {  	[sflag:s19] =	ssyncset.done $0x0  }
0x51c: {  	[sflag:s19] =	ssyncadd.s32 $0xFFFFFFF0  }
0x51d: {  	v3 =	vld [tilespmem:$0x80];
	_ =	sdelay $0x4  }
0x51e: {  	v4 =	vshll.u32 v3, $0x3  }
0x51f: {  	v3 =	vand.u32 $0x7, v3;
	v4 =	vand.u32 $0xFFFFFFC0, v4  }
0x520: {  	v3 =	vor.u32 v3, v4  }
0x521: {  	v4 =	vperm.xlane v3, v0;
	_ =	sdelay $0x1  }
0x522: {  	v4 =	vadd.s32 v1, v4;
	_ =	sdelay $0x3  }
0x523: {  	s26 =	simm.s32 $0x4100  }
0x524: {  	[tilespmem:s26], [sflag:$0x2] =	stream.indirect_vreg.gather [hbm4b:s11+s24], $0x80, v4, vm0, $0xb8;
	[tilespmem:$0x14100] =	vst v63  }
0x525: {  	v3 =	vperm.xlane v3, v2  }
0x526: {  	[tilespmem:s3], [sflag:$0x2] =	stream.indirect_vreg.gather [hbm4b:s16+s24], $0x80, v4, vm0, $0xb8;
	[tilespmem:$0x14100] =	vst v63  }
0x527: {  	v3 =	vadd.s32 v1, v3  }
0x528: {  	[tilespmem:s4], [sflag:$0x2] =	stream.indirect_vreg.gather [hbm4b:s17+s24], $0x80, v4, vm0, $0xb8;
	[tilespmem:$0x14100] =	vst v63  }
0x529: {  	_ = 	snop  }
0x52a: {  	[tilespmem:s5], [sflag:$0x2] =	stream.indirect_vreg.gather [hbm4b:s18+s24], $0x80, v4, vm0, $0xb8;
	[tilespmem:$0x14100] =	vst v63  }
0x52b: {  	_ = 	snop  }
0x52c: {  	[tilespmem:s6], [sflag:$0x2] =	stream.indirect_vreg.gather [hbm4b:s11+s24], $0x80, v3, vm0, $0xb8;
	[tilespmem:$0x14100] =	vst v63  }
0x52d: {  	_ = 	snop  }
0x52e: {  	[tilespmem:s7], [sflag:$0x2] =	stream.indirect_vreg.gather [hbm4b:s16+s24], $0x80, v3, vm0, $0xb8;
	[tilespmem:$0x14100] =	vst v63  }
0x52f: {  	_ = 	snop  }
0x530: {  	[tilespmem:s8], [sflag:$0x2] =	stream.indirect_vreg.gather [hbm4b:s17+s24], $0x80, v3, vm0, $0xb8;
	[tilespmem:$0x14100] =	vst v63  }
0x531: {  	_ = 	snop  }
0x532: {  	[tilespmem:s9], [sflag:$0x2] =	stream.indirect_vreg.gather [hbm4b:s18+s24], $0x80, v3, vm0, $0xb8;
	[tilespmem:$0x14100] =	vst v63  }
0x533: {  	_ =	swait.ge [sflag:s21], $0x4000  }
0x534: {  	s28 =	sld [smem:$0x7EF]  }
0x535: {  	[sflag:s21] =	ssyncset.done $0x0  }
0x536: {  	s2 =	simm.s32 $0x0;
	s25 =	sand.u32 $0x1C00, s24;
	[sflag:s21] =	ssyncadd.s32 $0xFFFFC000  }
0x537: {  	[tilespmem:s10], [sflag:$0x5] =	stream.linear.gather [hbm4b:s28+s24], $0x4000, $0x38;
	[tilespmem:$0x14100] =	vst v63  }
0x538: {  	s0 =	sand.u32 $0x2000, s2;
	s26 =	simm.s32 $0x0;
	_ =	swait.ge [sflag:s12], $0x4000  }
0x539: {  	s0 =	sor.u32 s25, s0;
	s28 =	sand.u32 $0x380, s26;
	[sflag:s12] =	ssyncset.done $0x0  }
0x53a: {  	s25 =	sor.u32 s28, s0;
	[sflag:s12] =	ssyncadd.s32 $0xFFFFC000  }
0x53b: {  	v3 =	vld [tilespmem:s25+$0x170]  }
0x53c: {  	v8 =	vld [tilespmem:s25+$0x100]  }
0x53d: {  	v9 =	vld [tilespmem:s25+$0x110]  }
0x53e: {  	v7 =	vld [tilespmem:s25+$0x120]  }
0x53f: {  	v6 =	vld [tilespmem:s25+$0x130]  }
0x540: {  	v5 =	vld [tilespmem:s25+$0x140]  }
0x541: {  	v4 =	vld [tilespmem:s25+$0x160]  }
0x542: {  	[tilespmem:s25+$0x8170] =	vst.add.f32.msk $0xffff, v3  }
0x543: {  	v3 =	vld [tilespmem:s25+$0x150]  }
0x544: {  	[tilespmem:s25+$0x8100] =	vst.add.f32.msk $0xffff, v8  }
0x545: {  	s26 =	simm.s32 $0x0;
	[tilespmem:s25+$0x8110] =	vst.add.f32.msk $0xffff, v9  }
.LBB2_50:
0x546: {  	s26 =	sadd.s32 $0x8, s26;
	[tilespmem:s25+$0x8120] =	vst.add.f32.msk $0xffff, v7  }
0x547: {  	s24 =	sadd.s32 $0x400, s24;
	s0 =	sshll.u32 s26, $0x4;
	p0 =	slt.u32 s26, $0x3F8;
	[tilespmem:s25+$0x8130] =	vst.add.f32.msk $0xffff, v6  }
0x548: {  	s2 =	sand.u32 $0x1C00, s24;
	s28 =	sshll.u32 s26, $0x1;
	s0 =	sand.u32 $0x2000, s0;
	[tilespmem:s25+$0x8140] =	vst.add.f32.msk $0xffff, v5  }
0x549: {  	s0 =	sor.u32 s2, s0;
	s2 =	sand.u32 $0x380, s28;
	[tilespmem:s25+$0x8150] =	vst.add.f32.msk $0xffff, v3  }
0x54a: {  	[tilespmem:s25+$0x8160] =	vst.add.f32.msk $0xffff, v4;
	s25 =	sor.u32 s2, s0  }
0x54b: {  	v3 =	vld [tilespmem:s25+$0x170]  }
0x54c: {  	v8 =	vld [tilespmem:s25+$0x100]  }
0x54d: {  	v9 =	vld [tilespmem:s25+$0x110]  }
0x54e: {  	v7 =	vld [tilespmem:s25+$0x120]  }
0x54f: {  	v6 =	vld [tilespmem:s25+$0x130]  }
0x550: {  	[tilespmem:s25+$0x8170] =	vst.add.f32.msk $0xffff, v3  }
.Ltmp24:
0x551: {  	v5 =	vld [tilespmem:s25+$0x140];
	(pc) =	sbr.rel @p0 .LBB2_50-.Ltmp24, $4  }
0x552: {  	v3 =	vld [tilespmem:s25+$0x150]  }
0x553: {  	v4 =	vld [tilespmem:s25+$0x160]  }
0x554: {  	[tilespmem:s25+$0x8100] =	vst.add.f32.msk $0xffff, v8  }
0x555: {  	[tilespmem:s25+$0x8110] =	vst.add.f32.msk $0xffff, v9  }
0x556: {  	[tilespmem:s25+$0x8120] =	vst.add.f32.msk $0xffff, v7  }
0x557: {  	[tilespmem:s25+$0x8130] =	vst.add.f32.msk $0xffff, v6  }
0x558: {  	[tilespmem:s25+$0x8140] =	vst.add.f32.msk $0xffff, v5  }
0x559: {  	[tilespmem:s25+$0x8150] =	vst.add.f32.msk $0xffff, v3  }
0x55a: {  	[tilespmem:s25+$0x8160] =	vst.add.f32.msk $0xffff, v4  }
0x55b: {  	s0 =	sld [smem:$0x7EC];
	_ =	sdelay $0x1  }
0x55c: {  	s24 =	simm.s32 $0x0  }
0x55d: {  	[hbm4b:s0+s24] =	stream.linear.scatter [tilespmem:s29], [sflag:$0x6], $0x4000, $0x38;
	[tilespmem:$0x14100] =	vst v63  }
0x55e: {  	_ =	swait.ge [sflag:s13], $0x4000  }
0x55f: {  	s2 =	sld [smem:$0x7F1]  }
0x560: {  	[sflag:s13] =	ssyncset.done $0x0  }
0x561: {  	s26 =	simm.s32 $0x0;
	s25 =	simm.s32 $0x0;
	[sflag:s13] =	ssyncadd.s32 $0xFFFFC000  }
0x562: {  	[tilespmem:s29], [sflag:$0x3] =	stream.linear.gather [hbm4b:s2+s24], $0x4000, $0x38;
	[tilespmem:$0x14100] =	vst v63  }
0x563: {  	s0 =	sand.u32 $0x2000, s25;
	s2 =	sand.u32 $0x1C00, s24;
	_ =	swait.ge [sflag:s14], $0x4000  }
0x564: {  	s28 =	sand.u32 $0x380, s26;
	s0 =	sor.u32 s2, s0;
	[sflag:s14] =	ssyncset.done $0x0  }
0x565: {  	s25 =	sor.u32 s28, s0;
	[sflag:s14] =	ssyncadd.s32 $0xFFFFC000  }
0x566: {  	v3 =	vld [tilespmem:s25+$0x170]  }
0x567: {  	v8 =	vld [tilespmem:s25+$0x100]  }
0x568: {  	v9 =	vld [tilespmem:s25+$0x110]  }
0x569: {  	v7 =	vld [tilespmem:s25+$0x120]  }
0x56a: {  	v6 =	vld [tilespmem:s25+$0x130]  }
0x56b: {  	v5 =	vld [tilespmem:s25+$0x140]  }
0x56c: {  	v4 =	vld [tilespmem:s25+$0x160]  }
0x56d: {  	[tilespmem:s25+$0xC170] =	vst.add.f32.msk $0xffff, v3  }
0x56e: {  	v3 =	vld [tilespmem:s25+$0x150]  }
0x56f: {  	[tilespmem:s25+$0xC100] =	vst.add.f32.msk $0xffff, v8  }
0x570: {  	s26 =	simm.s32 $0x0;
	[tilespmem:s25+$0xC110] =	vst.add.f32.msk $0xffff, v9  }
.LBB2_52:
0x571: {  	s26 =	sadd.s32 $0x8, s26;
	[tilespmem:s25+$0xC120] =	vst.add.f32.msk $0xffff, v7  }
0x572: {  	s24 =	sadd.s32 $0x400, s24;
	s0 =	sshll.u32 s26, $0x4;
	p0 =	slt.u32 s26, $0x3F8;
	[tilespmem:s25+$0xC130] =	vst.add.f32.msk $0xffff, v6  }
0x573: {  	s2 =	sand.u32 $0x1C00, s24;
	s28 =	sshll.u32 s26, $0x1;
	s0 =	sand.u32 $0x2000, s0;
	[tilespmem:s25+$0xC140] =	vst.add.f32.msk $0xffff, v5  }
0x574: {  	s0 =	sor.u32 s2, s0;
	s2 =	sand.u32 $0x380, s28;
	[tilespmem:s25+$0xC150] =	vst.add.f32.msk $0xffff, v3  }
0x575: {  	[tilespmem:s25+$0xC160] =	vst.add.f32.msk $0xffff, v4;
	s25 =	sor.u32 s2, s0  }
0x576: {  	v3 =	vld [tilespmem:s25+$0x170]  }
0x577: {  	v8 =	vld [tilespmem:s25+$0x100]  }
0x578: {  	v9 =	vld [tilespmem:s25+$0x110]  }
0x579: {  	v7 =	vld [tilespmem:s25+$0x120]  }
0x57a: {  	v6 =	vld [tilespmem:s25+$0x130]  }
0x57b: {  	[tilespmem:s25+$0xC170] =	vst.add.f32.msk $0xffff, v3  }
.Ltmp25:
0x57c: {  	v5 =	vld [tilespmem:s25+$0x140];
	(pc) =	sbr.rel @p0 .LBB2_52-.Ltmp25, $4  }
0x57d: {  	v3 =	vld [tilespmem:s25+$0x150]  }
0x57e: {  	v4 =	vld [tilespmem:s25+$0x160]  }
0x57f: {  	[tilespmem:s25+$0xC100] =	vst.add.f32.msk $0xffff, v8  }
0x580: {  	[tilespmem:s25+$0xC110] =	vst.add.f32.msk $0xffff, v9  }
0x581: {  	[tilespmem:s25+$0xC120] =	vst.add.f32.msk $0xffff, v7  }
0x582: {  	[tilespmem:s25+$0xC130] =	vst.add.f32.msk $0xffff, v6  }
0x583: {  	[tilespmem:s25+$0xC140] =	vst.add.f32.msk $0xffff, v5  }
0x584: {  	[tilespmem:s25+$0xC150] =	vst.add.f32.msk $0xffff, v3  }
0x585: {  	[tilespmem:s25+$0xC160] =	vst.add.f32.msk $0xffff, v4  }
0x586: {  	s0 =	sld [smem:$0x7EE];
	_ =	sdelay $0x1  }
0x587: {  	s24 =	simm.s32 $0x0  }
0x588: {  	[hbm4b:s0+s24] =	stream.linear.scatter [tilespmem:s30], [sflag:$0x7], $0x4000, $0x38;
	[tilespmem:$0x14100] =	vst v63  }
0x589: {  	_ =	swait.ge [sflag:s15], $0x4000  }
0x58a: {  	s2 =	sld [smem:$0x7F3]  }
0x58b: {  	[sflag:s15] =	ssyncset.done $0x0  }
0x58c: {  	s26 =	simm.s32 $0x0;
	s25 =	simm.s32 $0x0;
	[sflag:s15] =	ssyncadd.s32 $0xFFFFC000  }
0x58d: {  	[tilespmem:s30], [sflag:$0x4] =	stream.linear.gather [hbm4b:s2+s24], $0x4000, $0x38;
	[tilespmem:$0x14100] =	vst v63  }
0x58e: {  	s0 =	sand.u32 $0x2000, s25;
	s2 =	sand.u32 $0x1C00, s24;
	_ =	swait.ge [sflag:s20], $0x4000  }
0x58f: {  	s28 =	sand.u32 $0x380, s26;
	s0 =	sor.u32 s2, s0;
	[sflag:s20] =	ssyncset.done $0x0  }
0x590: {  	s25 =	sor.u32 s28, s0;
	[sflag:s20] =	ssyncadd.s32 $0xFFFFC000  }
0x591: {  	v3 =	vld [tilespmem:s25+$0x170]  }
0x592: {  	v8 =	vld [tilespmem:s25+$0x100]  }
0x593: {  	v9 =	vld [tilespmem:s25+$0x110]  }
0x594: {  	v7 =	vld [tilespmem:s25+$0x120]  }
0x595: {  	v6 =	vld [tilespmem:s25+$0x130]  }
0x596: {  	v5 =	vld [tilespmem:s25+$0x140]  }
0x597: {  	v4 =	vld [tilespmem:s25+$0x160]  }
0x598: {  	[tilespmem:s25+$0x10170] =	vst.add.f32.msk $0xffff, v3  }
0x599: {  	v3 =	vld [tilespmem:s25+$0x150]  }
0x59a: {  	[tilespmem:s25+$0x10100] =	vst.add.f32.msk $0xffff, v8  }
0x59b: {  	s26 =	simm.s32 $0x0;
	[tilespmem:s25+$0x10110] =	vst.add.f32.msk $0xffff, v9  }
.LBB2_54:
0x59c: {  	s26 =	sadd.s32 $0x8, s26;
	[tilespmem:s25+$0x10120] =	vst.add.f32.msk $0xffff, v7  }
0x59d: {  	s24 =	sadd.s32 $0x400, s24;
	s0 =	sshll.u32 s26, $0x4;
	p0 =	slt.u32 s26, $0x3F8;
	[tilespmem:s25+$0x10130] =	vst.add.f32.msk $0xffff, v6  }
0x59e: {  	s2 =	sand.u32 $0x1C00, s24;
	s28 =	sshll.u32 s26, $0x1;
	s0 =	sand.u32 $0x2000, s0;
	[tilespmem:s25+$0x10140] =	vst.add.f32.msk $0xffff, v5  }
0x59f: {  	s0 =	sor.u32 s2, s0;
	s2 =	sand.u32 $0x380, s28;
	[tilespmem:s25+$0x10150] =	vst.add.f32.msk $0xffff, v3  }
0x5a0: {  	[tilespmem:s25+$0x10160] =	vst.add.f32.msk $0xffff, v4;
	s25 =	sor.u32 s2, s0  }
0x5a1: {  	v3 =	vld [tilespmem:s25+$0x170]  }
0x5a2: {  	v8 =	vld [tilespmem:s25+$0x100]  }
0x5a3: {  	v9 =	vld [tilespmem:s25+$0x110]  }
0x5a4: {  	v7 =	vld [tilespmem:s25+$0x120]  }
0x5a5: {  	v6 =	vld [tilespmem:s25+$0x130]  }
0x5a6: {  	[tilespmem:s25+$0x10170] =	vst.add.f32.msk $0xffff, v3  }
.Ltmp26:
0x5a7: {  	v5 =	vld [tilespmem:s25+$0x140];
	(pc) =	sbr.rel @p0 .LBB2_54-.Ltmp26, $4  }
0x5a8: {  	v3 =	vld [tilespmem:s25+$0x150]  }
0x5a9: {  	v4 =	vld [tilespmem:s25+$0x160]  }
0x5aa: {  	[tilespmem:s25+$0x10100] =	vst.add.f32.msk $0xffff, v8  }
0x5ab: {  	[tilespmem:s25+$0x10110] =	vst.add.f32.msk $0xffff, v9  }
0x5ac: {  	[tilespmem:s25+$0x10120] =	vst.add.f32.msk $0xffff, v7  }
0x5ad: {  	[tilespmem:s25+$0x10130] =	vst.add.f32.msk $0xffff, v6  }
0x5ae: {  	[tilespmem:s25+$0x10140] =	vst.add.f32.msk $0xffff, v5  }
0x5af: {  	[tilespmem:s25+$0x10150] =	vst.add.f32.msk $0xffff, v3  }
0x5b0: {  	[tilespmem:s25+$0x10160] =	vst.add.f32.msk $0xffff, v4  }
0x5b1: {  	s0 =	sld [smem:$0x7F0];
	_ =	sdelay $0x1  }
0x5b2: {  	s24 =	simm.s32 $0x0  }
0x5b3: {  	[hbm4b:s0+s24] =	stream.linear.scatter [tilespmem:s10], [sflag:$0x8], $0x4000, $0x38;
	[tilespmem:$0x14100] =	vst v63  }
0x5b4: {  	_ =	swait.ge [sflag:s21], $0x4000  }
0x5b5: {  	s2 =	sld [smem:$0x7F7]  }
0x5b6: {  	[sflag:s21] =	ssyncset.done $0x0  }
0x5b7: {  	s26 =	simm.s32 $0x0;
	s25 =	simm.s32 $0x0;
	[sflag:s21] =	ssyncadd.s32 $0xFFFFC000  }
0x5b8: {  	[tilespmem:s10], [sflag:$0x5] =	stream.linear.gather [hbm4b:s2+s24], $0x4000, $0x38;
	[tilespmem:$0x14100] =	vst v63  }
0x5b9: {  	s0 =	sand.u32 $0x2000, s25;
	s2 =	sand.u32 $0x1C00, s24;
	_ =	swait.ge [sflag:s12], $0x4000  }
0x5ba: {  	s28 =	sand.u32 $0x380, s26;
	s0 =	sor.u32 s2, s0;
	[sflag:s12] =	ssyncset.done $0x0  }
0x5bb: {  	s25 =	sor.u32 s28, s0;
	[sflag:s12] =	ssyncadd.s32 $0xFFFFC000  }
0x5bc: {  	v3 =	vld [tilespmem:s25+$0x170]  }
0x5bd: {  	v8 =	vld [tilespmem:s25+$0x100]  }
0x5be: {  	v9 =	vld [tilespmem:s25+$0x110]  }
0x5bf: {  	v7 =	vld [tilespmem:s25+$0x120]  }
0x5c0: {  	v6 =	vld [tilespmem:s25+$0x130]  }
0x5c1: {  	v5 =	vld [tilespmem:s25+$0x140]  }
0x5c2: {  	v4 =	vld [tilespmem:s25+$0x160]  }
0x5c3: {  	[tilespmem:s25+$0x8170] =	vst.add.f32.msk $0xffff, v3  }
0x5c4: {  	v3 =	vld [tilespmem:s25+$0x150]  }
0x5c5: {  	[tilespmem:s25+$0x8100] =	vst.add.f32.msk $0xffff, v8  }
0x5c6: {  	s26 =	simm.s32 $0x0;
	[tilespmem:s25+$0x8110] =	vst.add.f32.msk $0xffff, v9  }
.LBB2_56:
0x5c7: {  	s26 =	sadd.s32 $0x8, s26;
	[tilespmem:s25+$0x8120] =	vst.add.f32.msk $0xffff, v7  }
0x5c8: {  	s24 =	sadd.s32 $0x400, s24;
	s0 =	sshll.u32 s26, $0x4;
	p0 =	slt.u32 s26, $0x3F8;
	[tilespmem:s25+$0x8130] =	vst.add.f32.msk $0xffff, v6  }
0x5c9: {  	s2 =	sand.u32 $0x1C00, s24;
	s28 =	sshll.u32 s26, $0x1;
	s0 =	sand.u32 $0x2000, s0;
	[tilespmem:s25+$0x8140] =	vst.add.f32.msk $0xffff, v5  }
0x5ca: {  	s0 =	sor.u32 s2, s0;
	s2 =	sand.u32 $0x380, s28;
	[tilespmem:s25+$0x8150] =	vst.add.f32.msk $0xffff, v3  }
0x5cb: {  	[tilespmem:s25+$0x8160] =	vst.add.f32.msk $0xffff, v4;
	s25 =	sor.u32 s2, s0  }
0x5cc: {  	v3 =	vld [tilespmem:s25+$0x170]  }
0x5cd: {  	v8 =	vld [tilespmem:s25+$0x100]  }
0x5ce: {  	v9 =	vld [tilespmem:s25+$0x110]  }
0x5cf: {  	v7 =	vld [tilespmem:s25+$0x120]  }
0x5d0: {  	v6 =	vld [tilespmem:s25+$0x130]  }
0x5d1: {  	[tilespmem:s25+$0x8170] =	vst.add.f32.msk $0xffff, v3  }
.Ltmp27:
0x5d2: {  	v5 =	vld [tilespmem:s25+$0x140];
	(pc) =	sbr.rel @p0 .LBB2_56-.Ltmp27, $4  }
0x5d3: {  	v3 =	vld [tilespmem:s25+$0x150]  }
0x5d4: {  	v4 =	vld [tilespmem:s25+$0x160]  }
0x5d5: {  	[tilespmem:s25+$0x8100] =	vst.add.f32.msk $0xffff, v8  }
0x5d6: {  	[tilespmem:s25+$0x8110] =	vst.add.f32.msk $0xffff, v9  }
0x5d7: {  	[tilespmem:s25+$0x8120] =	vst.add.f32.msk $0xffff, v7  }
0x5d8: {  	[tilespmem:s25+$0x8130] =	vst.add.f32.msk $0xffff, v6  }
0x5d9: {  	[tilespmem:s25+$0x8140] =	vst.add.f32.msk $0xffff, v5  }
0x5da: {  	[tilespmem:s25+$0x8150] =	vst.add.f32.msk $0xffff, v3  }
0x5db: {  	[tilespmem:s25+$0x8160] =	vst.add.f32.msk $0xffff, v4  }
0x5dc: {  	s0 =	sld [smem:$0x7F2];
	_ =	sdelay $0x1  }
0x5dd: {  	s24 =	simm.s32 $0x0  }
0x5de: {  	[hbm4b:s0+s24] =	stream.linear.scatter [tilespmem:s29], [sflag:$0x6], $0x4000, $0x38;
	[tilespmem:$0x14100] =	vst v63  }
0x5df: {  	_ =	swait.ge [sflag:s22], $0x4000  }
0x5e0: {  	[sflag:s22] =	ssyncset.done $0x0  }
0x5e1: {  	[sflag:s22] =	ssyncadd.s32 $0xFFFFC000  }
0x5e2: {  	_ =	swait.ge [sflag:s13], $0x4000  }
0x5e3: {  	s2 =	sld [smem:$0x7F8]  }
0x5e4: {  	[sflag:s13] =	ssyncset.done $0x0  }
0x5e5: {  	s26 =	simm.s32 $0x0;
	s25 =	simm.s32 $0x0;
	[sflag:s13] =	ssyncadd.s32 $0xFFFFC000  }
0x5e6: {  	[tilespmem:s29], [sflag:$0x3] =	stream.linear.gather [hbm4b:s2+s24], $0x4000, $0x38;
	[tilespmem:$0x14100] =	vst v63  }
0x5e7: {  	s0 =	sand.u32 $0x2000, s25;
	s2 =	sand.u32 $0x1C00, s24;
	_ =	swait.ge [sflag:s14], $0x4000  }
0x5e8: {  	s28 =	sand.u32 $0x380, s26;
	s0 =	sor.u32 s2, s0;
	[sflag:s14] =	ssyncset.done $0x0  }
0x5e9: {  	s25 =	sor.u32 s28, s0;
	[sflag:s14] =	ssyncadd.s32 $0xFFFFC000  }
0x5ea: {  	v3 =	vld [tilespmem:s25+$0x4170]  }
0x5eb: {  	v8 =	vld [tilespmem:s25+$0x4100]  }
0x5ec: {  	v9 =	vld [tilespmem:s25+$0x4110]  }
0x5ed: {  	v7 =	vld [tilespmem:s25+$0x4120]  }
0x5ee: {  	v6 =	vld [tilespmem:s25+$0x4130]  }
0x5ef: {  	v5 =	vld [tilespmem:s25+$0x4140]  }
0x5f0: {  	v4 =	vld [tilespmem:s25+$0x4160]  }
0x5f1: {  	[tilespmem:s25+$0xC170] =	vst.add.f32.msk $0xffff, v3  }
0x5f2: {  	v3 =	vld [tilespmem:s25+$0x4150]  }
0x5f3: {  	[tilespmem:s25+$0xC100] =	vst.add.f32.msk $0xffff, v8  }
0x5f4: {  	s26 =	simm.s32 $0x0;
	[tilespmem:s25+$0xC110] =	vst.add.f32.msk $0xffff, v9  }
.LBB2_58:
0x5f5: {  	s26 =	sadd.s32 $0x8, s26;
	[tilespmem:s25+$0xC120] =	vst.add.f32.msk $0xffff, v7  }
0x5f6: {  	s24 =	sadd.s32 $0x400, s24;
	s0 =	sshll.u32 s26, $0x4;
	p0 =	slt.u32 s26, $0x3F8;
	[tilespmem:s25+$0xC130] =	vst.add.f32.msk $0xffff, v6  }
0x5f7: {  	s2 =	sand.u32 $0x1C00, s24;
	s28 =	sshll.u32 s26, $0x1;
	s0 =	sand.u32 $0x2000, s0;
	[tilespmem:s25+$0xC140] =	vst.add.f32.msk $0xffff, v5  }
0x5f8: {  	s0 =	sor.u32 s2, s0;
	s2 =	sand.u32 $0x380, s28;
	[tilespmem:s25+$0xC150] =	vst.add.f32.msk $0xffff, v3  }
0x5f9: {  	[tilespmem:s25+$0xC160] =	vst.add.f32.msk $0xffff, v4;
	s25 =	sor.u32 s2, s0  }
0x5fa: {  	v3 =	vld [tilespmem:s25+$0x4170]  }
0x5fb: {  	v8 =	vld [tilespmem:s25+$0x4100]  }
0x5fc: {  	v9 =	vld [tilespmem:s25+$0x4110]  }
0x5fd: {  	v7 =	vld [tilespmem:s25+$0x4120]  }
0x5fe: {  	v6 =	vld [tilespmem:s25+$0x4130]  }
0x5ff: {  	[tilespmem:s25+$0xC170] =	vst.add.f32.msk $0xffff, v3  }
.Ltmp28:
0x600: {  	v5 =	vld [tilespmem:s25+$0x4140];
	(pc) =	sbr.rel @p0 .LBB2_58-.Ltmp28, $4  }
0x601: {  	v3 =	vld [tilespmem:s25+$0x4150]  }
0x602: {  	v4 =	vld [tilespmem:s25+$0x4160]  }
0x603: {  	[tilespmem:s25+$0xC100] =	vst.add.f32.msk $0xffff, v8  }
0x604: {  	[tilespmem:s25+$0xC110] =	vst.add.f32.msk $0xffff, v9  }
0x605: {  	[tilespmem:s25+$0xC120] =	vst.add.f32.msk $0xffff, v7  }
0x606: {  	[tilespmem:s25+$0xC130] =	vst.add.f32.msk $0xffff, v6  }
0x607: {  	[tilespmem:s25+$0xC140] =	vst.add.f32.msk $0xffff, v5  }
0x608: {  	[tilespmem:s25+$0xC150] =	vst.add.f32.msk $0xffff, v3  }
0x609: {  	[tilespmem:s25+$0xC160] =	vst.add.f32.msk $0xffff, v4  }
0x60a: {  	s0 =	sld [smem:$0x7F4];
	_ =	sdelay $0x1  }
0x60b: {  	s24 =	simm.s32 $0x0  }
0x60c: {  	[hbm4b:s0+s24] =	stream.linear.scatter [tilespmem:s30], [sflag:$0x7], $0x4000, $0x38;
	[tilespmem:$0x14100] =	vst v63  }
0x60d: {  	_ =	swait.ge [sflag:s15], $0x4000  }
0x60e: {  	s2 =	sld [smem:$0x7F9]  }
0x60f: {  	[sflag:s15] =	ssyncset.done $0x0  }
0x610: {  	s26 =	simm.s32 $0x0;
	s25 =	simm.s32 $0x0;
	[sflag:s15] =	ssyncadd.s32 $0xFFFFC000  }
0x611: {  	[tilespmem:s30], [sflag:$0x4] =	stream.linear.gather [hbm4b:s2+s24], $0x4000, $0x38;
	[tilespmem:$0x14100] =	vst v63  }
0x612: {  	s0 =	sand.u32 $0x2000, s25;
	s2 =	sand.u32 $0x1C00, s24;
	_ =	swait.ge [sflag:s20], $0x4000  }
0x613: {  	s28 =	sand.u32 $0x380, s26;
	s0 =	sor.u32 s2, s0;
	[sflag:s20] =	ssyncset.done $0x0  }
0x614: {  	s25 =	sor.u32 s28, s0;
	[sflag:s20] =	ssyncadd.s32 $0xFFFFC000  }
0x615: {  	v3 =	vld [tilespmem:s25+$0x4170]  }
0x616: {  	v8 =	vld [tilespmem:s25+$0x4100]  }
0x617: {  	v9 =	vld [tilespmem:s25+$0x4110]  }
0x618: {  	v7 =	vld [tilespmem:s25+$0x4120]  }
0x619: {  	v6 =	vld [tilespmem:s25+$0x4130]  }
0x61a: {  	v5 =	vld [tilespmem:s25+$0x4140]  }
0x61b: {  	v4 =	vld [tilespmem:s25+$0x4160]  }
0x61c: {  	[tilespmem:s25+$0x10170] =	vst.add.f32.msk $0xffff, v3  }
0x61d: {  	v3 =	vld [tilespmem:s25+$0x4150]  }
0x61e: {  	[tilespmem:s25+$0x10100] =	vst.add.f32.msk $0xffff, v8  }
0x61f: {  	s26 =	simm.s32 $0x0;
	[tilespmem:s25+$0x10110] =	vst.add.f32.msk $0xffff, v9  }
.LBB2_60:
0x620: {  	s26 =	sadd.s32 $0x8, s26;
	[tilespmem:s25+$0x10120] =	vst.add.f32.msk $0xffff, v7  }
0x621: {  	s24 =	sadd.s32 $0x400, s24;
	s0 =	sshll.u32 s26, $0x4;
	p0 =	slt.u32 s26, $0x3F8;
	[tilespmem:s25+$0x10130] =	vst.add.f32.msk $0xffff, v6  }
0x622: {  	s2 =	sand.u32 $0x1C00, s24;
	s28 =	sshll.u32 s26, $0x1;
	s0 =	sand.u32 $0x2000, s0;
	[tilespmem:s25+$0x10140] =	vst.add.f32.msk $0xffff, v5  }
0x623: {  	s0 =	sor.u32 s2, s0;
	s2 =	sand.u32 $0x380, s28;
	[tilespmem:s25+$0x10150] =	vst.add.f32.msk $0xffff, v3  }
0x624: {  	[tilespmem:s25+$0x10160] =	vst.add.f32.msk $0xffff, v4;
	s25 =	sor.u32 s2, s0  }
0x625: {  	v3 =	vld [tilespmem:s25+$0x4170]  }
0x626: {  	v8 =	vld [tilespmem:s25+$0x4100]  }
0x627: {  	v9 =	vld [tilespmem:s25+$0x4110]  }
0x628: {  	v7 =	vld [tilespmem:s25+$0x4120]  }
0x629: {  	v6 =	vld [tilespmem:s25+$0x4130]  }
0x62a: {  	[tilespmem:s25+$0x10170] =	vst.add.f32.msk $0xffff, v3  }
.Ltmp29:
0x62b: {  	v5 =	vld [tilespmem:s25+$0x4140];
	(pc) =	sbr.rel @p0 .LBB2_60-.Ltmp29, $4  }
0x62c: {  	v3 =	vld [tilespmem:s25+$0x4150]  }
0x62d: {  	v4 =	vld [tilespmem:s25+$0x4160]  }
0x62e: {  	[tilespmem:s25+$0x10100] =	vst.add.f32.msk $0xffff, v8  }
0x62f: {  	[tilespmem:s25+$0x10110] =	vst.add.f32.msk $0xffff, v9  }
0x630: {  	[tilespmem:s25+$0x10120] =	vst.add.f32.msk $0xffff, v7  }
0x631: {  	[tilespmem:s25+$0x10130] =	vst.add.f32.msk $0xffff, v6  }
0x632: {  	[tilespmem:s25+$0x10140] =	vst.add.f32.msk $0xffff, v5  }
0x633: {  	[tilespmem:s25+$0x10150] =	vst.add.f32.msk $0xffff, v3  }
0x634: {  	[tilespmem:s25+$0x10160] =	vst.add.f32.msk $0xffff, v4  }
0x635: {  	s0 =	sld [smem:$0x7FA];
	_ =	sdelay $0x1  }
0x636: {  	s24 =	simm.s32 $0x0;
	s26 =	simm.s32 $0x0;
	s25 =	simm.s32 $0x0  }
0x637: {  	[hbm4b:s0+s24] =	stream.linear.scatter [tilespmem:s10], [sflag:$0x8], $0x4000, $0x38;
	[tilespmem:$0x14100] =	vst v63  }
0x638: {  	s2 =	sand.u32 $0x1C00, s24;
	s0 =	sand.u32 $0x2000, s25;
	_ =	swait.ge [sflag:s12], $0x4000  }
0x639: {  	s28 =	sand.u32 $0x380, s26;
	s0 =	sor.u32 s2, s0;
	[sflag:s12] =	ssyncset.done $0x0  }
0x63a: {  	s25 =	sor.u32 s28, s0;
	[sflag:s12] =	ssyncadd.s32 $0xFFFFC000  }
0x63b: {  	v3 =	vld [tilespmem:s25+$0x4170]  }
0x63c: {  	v8 =	vld [tilespmem:s25+$0x4100]  }
0x63d: {  	v9 =	vld [tilespmem:s25+$0x4110]  }
0x63e: {  	v7 =	vld [tilespmem:s25+$0x4120]  }
0x63f: {  	v6 =	vld [tilespmem:s25+$0x4130]  }
0x640: {  	v5 =	vld [tilespmem:s25+$0x4140]  }
0x641: {  	v4 =	vld [tilespmem:s25+$0x4160]  }
0x642: {  	[tilespmem:s25+$0x8170] =	vst.add.f32.msk $0xffff, v3  }
0x643: {  	v3 =	vld [tilespmem:s25+$0x4150]  }
0x644: {  	[tilespmem:s25+$0x8100] =	vst.add.f32.msk $0xffff, v8  }
0x645: {  	s26 =	simm.s32 $0x0;
	[tilespmem:s25+$0x8110] =	vst.add.f32.msk $0xffff, v9  }
.LBB2_62:
0x646: {  	s26 =	sadd.s32 $0x8, s26;
	[tilespmem:s25+$0x8120] =	vst.add.f32.msk $0xffff, v7  }
0x647: {  	s24 =	sadd.s32 $0x400, s24;
	s0 =	sshll.u32 s26, $0x4;
	p0 =	slt.u32 s26, $0x3F8;
	[tilespmem:s25+$0x8130] =	vst.add.f32.msk $0xffff, v6  }
0x648: {  	s2 =	sand.u32 $0x1C00, s24;
	s28 =	sshll.u32 s26, $0x1;
	s0 =	sand.u32 $0x2000, s0;
	[tilespmem:s25+$0x8140] =	vst.add.f32.msk $0xffff, v5  }
0x649: {  	s0 =	sor.u32 s2, s0;
	s2 =	sand.u32 $0x380, s28;
	[tilespmem:s25+$0x8150] =	vst.add.f32.msk $0xffff, v3  }
0x64a: {  	[tilespmem:s25+$0x8160] =	vst.add.f32.msk $0xffff, v4;
	s25 =	sor.u32 s2, s0  }
0x64b: {  	v3 =	vld [tilespmem:s25+$0x4170]  }
0x64c: {  	v8 =	vld [tilespmem:s25+$0x4100]  }
0x64d: {  	v9 =	vld [tilespmem:s25+$0x4110]  }
0x64e: {  	v7 =	vld [tilespmem:s25+$0x4120]  }
0x64f: {  	v6 =	vld [tilespmem:s25+$0x4130]  }
0x650: {  	[tilespmem:s25+$0x8170] =	vst.add.f32.msk $0xffff, v3  }
.Ltmp30:
0x651: {  	v5 =	vld [tilespmem:s25+$0x4140];
	(pc) =	sbr.rel @p0 .LBB2_62-.Ltmp30, $4  }
0x652: {  	v3 =	vld [tilespmem:s25+$0x4150]  }
0x653: {  	v4 =	vld [tilespmem:s25+$0x4160]  }
0x654: {  	[tilespmem:s25+$0x8100] =	vst.add.f32.msk $0xffff, v8  }
0x655: {  	[tilespmem:s25+$0x8110] =	vst.add.f32.msk $0xffff, v9  }
0x656: {  	[tilespmem:s25+$0x8120] =	vst.add.f32.msk $0xffff, v7  }
0x657: {  	[tilespmem:s25+$0x8130] =	vst.add.f32.msk $0xffff, v6  }
0x658: {  	[tilespmem:s25+$0x8140] =	vst.add.f32.msk $0xffff, v5  }
0x659: {  	[tilespmem:s25+$0x8150] =	vst.add.f32.msk $0xffff, v3  }
0x65a: {  	[tilespmem:s25+$0x8160] =	vst.add.f32.msk $0xffff, v4  }
0x65b: {  	s0 =	sld [smem:$0x7FB];
	_ =	sdelay $0x1  }
0x65c: {  	s24 =	simm.s32 $0x0;
	s26 =	simm.s32 $0x0;
	s25 =	simm.s32 $0x0  }
0x65d: {  	[hbm4b:s0+s24] =	stream.linear.scatter [tilespmem:s29], [sflag:$0x6], $0x4000, $0x38;
	[tilespmem:$0x14100] =	vst v63  }
0x65e: {  	s2 =	sand.u32 $0x1C00, s24;
	s0 =	sand.u32 $0x2000, s25;
	_ =	swait.ge [sflag:s14], $0x4000  }
0x65f: {  	s28 =	sand.u32 $0x380, s26;
	s0 =	sor.u32 s2, s0;
	[sflag:s14] =	ssyncset.done $0x0  }
0x660: {  	s25 =	sor.u32 s28, s0;
	[sflag:s14] =	ssyncadd.s32 $0xFFFFC000  }
0x661: {  	v3 =	vld [tilespmem:s25+$0x4170]  }
0x662: {  	v8 =	vld [tilespmem:s25+$0x4100]  }
0x663: {  	v9 =	vld [tilespmem:s25+$0x4110]  }
0x664: {  	v7 =	vld [tilespmem:s25+$0x4120]  }
0x665: {  	v6 =	vld [tilespmem:s25+$0x4130]  }
0x666: {  	v5 =	vld [tilespmem:s25+$0x4140]  }
0x667: {  	v4 =	vld [tilespmem:s25+$0x4160]  }
0x668: {  	[tilespmem:s25+$0xC170] =	vst.add.f32.msk $0xffff, v3  }
0x669: {  	v3 =	vld [tilespmem:s25+$0x4150]  }
0x66a: {  	[tilespmem:s25+$0xC100] =	vst.add.f32.msk $0xffff, v8  }
0x66b: {  	s26 =	simm.s32 $0x0;
	[tilespmem:s25+$0xC110] =	vst.add.f32.msk $0xffff, v9  }
.LBB2_64:
0x66c: {  	s26 =	sadd.s32 $0x8, s26;
	[tilespmem:s25+$0xC120] =	vst.add.f32.msk $0xffff, v7  }
0x66d: {  	s24 =	sadd.s32 $0x400, s24;
	s0 =	sshll.u32 s26, $0x4;
	p0 =	slt.u32 s26, $0x3F8;
	[tilespmem:s25+$0xC130] =	vst.add.f32.msk $0xffff, v6  }
0x66e: {  	s2 =	sand.u32 $0x1C00, s24;
	s28 =	sshll.u32 s26, $0x1;
	s0 =	sand.u32 $0x2000, s0;
	[tilespmem:s25+$0xC140] =	vst.add.f32.msk $0xffff, v5  }
0x66f: {  	s0 =	sor.u32 s2, s0;
	s2 =	sand.u32 $0x380, s28;
	[tilespmem:s25+$0xC150] =	vst.add.f32.msk $0xffff, v3  }
0x670: {  	[tilespmem:s25+$0xC160] =	vst.add.f32.msk $0xffff, v4;
	s25 =	sor.u32 s2, s0  }
0x671: {  	v3 =	vld [tilespmem:s25+$0x4170]  }
0x672: {  	v8 =	vld [tilespmem:s25+$0x4100]  }
0x673: {  	v9 =	vld [tilespmem:s25+$0x4110]  }
0x674: {  	v7 =	vld [tilespmem:s25+$0x4120]  }
0x675: {  	v6 =	vld [tilespmem:s25+$0x4130]  }
0x676: {  	[tilespmem:s25+$0xC170] =	vst.add.f32.msk $0xffff, v3  }
.Ltmp31:
0x677: {  	v5 =	vld [tilespmem:s25+$0x4140];
	(pc) =	sbr.rel @p0 .LBB2_64-.Ltmp31, $4  }
0x678: {  	v3 =	vld [tilespmem:s25+$0x4150]  }
0x679: {  	v4 =	vld [tilespmem:s25+$0x4160]  }
0x67a: {  	[tilespmem:s25+$0xC100] =	vst.add.f32.msk $0xffff, v8  }
0x67b: {  	[tilespmem:s25+$0xC110] =	vst.add.f32.msk $0xffff, v9  }
0x67c: {  	[tilespmem:s25+$0xC120] =	vst.add.f32.msk $0xffff, v7  }
0x67d: {  	[tilespmem:s25+$0xC130] =	vst.add.f32.msk $0xffff, v6  }
0x67e: {  	[tilespmem:s25+$0xC140] =	vst.add.f32.msk $0xffff, v5  }
0x67f: {  	[tilespmem:s25+$0xC150] =	vst.add.f32.msk $0xffff, v3  }
0x680: {  	[tilespmem:s25+$0xC160] =	vst.add.f32.msk $0xffff, v4  }
0x681: {  	s0 =	sld [smem:$0x7FC];
	_ =	sdelay $0x2  }
0x682: {  	[hbm4b:s0+s1] =	stream.linear.scatter [tilespmem:s30], [sflag:$0x7], $0x4000, $0x38;
	[tilespmem:$0x14100] =	vst v63  }
0x683: {  	_ =	swait.ge [sflag:s13], $0x4000  }
0x684: {  	[sflag:s13] =	ssyncset.done $0x0  }
0x685: {  	[sflag:s13] =	ssyncadd.s32 $0xFFFFC000  }
0x686: {  	_ =	swait.ge [sflag:s15], $0x4000  }
0x687: {  	[sflag:s15] =	ssyncset.done $0x0  }
0x688: {  	[sflag:s15] =	ssyncadd.s32 $0xFFFFC000  }
0x689: {  	_ =	swait.ge [sflag:s21], $0x4000  }
0x68a: {  	s28 =	sld [smem:$0x7FD];
	_ =	sdelay $0x1  }
0x68b: {  	s23 =	sadd.s32 $0x1, s23  }
0x68c: {  	p0 =	sne.s32 s23, s28  }
.Ltmp32:
0x68d: {  	_ = 	snop;
	(pc) =	sbr.rel @p0 .LBB2_1-.Ltmp32, $3  }
0x68e: {  	_ =	sdelay $0x1  }
0x68f: {  	[sflag:s21] =	ssyncset.done $0x0  }
0x690: {  	[sflag:s21] =	ssyncadd.s32 $0xFFFFC000  }
0x691: {  	_ =	sfence.sel $0x180000  }
0x692: {  	[bflag:$0x0] =	sbarrier.arrive $0xFFFF  }
0x693: {  	_ =	strace $0x90000047  }
0x694: {  	s0 =	stileid.u32;
	[bflag:$0x2] =	sbarrier.arrive $0xFFFF  }
0x695: {  	p0 =	sne.s32 s0, $0x0;
	s0 =	rddreg [dreg:$0x4]  }
0x696: {  	s0 =	sadd.s32 @!p0 $0x100000, s0  }
0x697: {  	[sflag:s0] =	ssyncadd.tile.s32 @!p0 $0x1;
	_ =	shalt  }
.Lfunc_end2:
_tile_overlayer_lowered:
.L_overlay_start_2:
0x698: {  	(tag) =	ssettag $0x2  }
0x699: {  	s0 =	rddreg [dreg:$0x0];
	s2 =	stileid.u32  }
0x69a: {  	s1 =	rddreg [dreg:$0x1];
	p0 =	sne.s32 s2, $0x0  }
0x69b: {  	s3 =	rddreg [dreg:$0x2];
	[bflag:$0x3] =	sbarrier.arrive $0xFFFF;
	s2 =	simm.s32 @!p0 $0x1C09  }
0x69c: {  	[timem:s3], [sflag:s2] =	dma.local @!p0 [hbm:s0], s1  }
0x69d: {  	s0 =	simm.s32 @!p0 $0x9  }
0x69e: {  	_ =	swait.ge @!p0 [sflag:s0], s1  }
0x69f: {  	s1 =	ssub.s32 @!p0 $0x0, s1;
	[sflag:s0] =	ssyncset.done @!p0 $0x0  }
0x6a0: {  	[sflag:s0] =	ssyncadd.s32 @!p0 s1  }
0x6a1: {  	[bflag:$0x3] =	sbarrier.arrive $0xFFFF  }
0x6a2: {  	_ =	shalt  }

</sc_bundles>
